<compile_context>
chip_gen: v7x
topology: tpu7x:2x2x1
jax: 0.10.2.dev20260603
libtpu: 0.0.44.dev20260713+nightly
codegen_flags: <defaults>
</compile_context>

<pallas_src>
import jax
import jax.numpy as jnp
from jax import lax
from jax.experimental import pallas as pl
from jax.experimental.pallas import tpu as pltpu
from jax.experimental.pallas import tpu_sc as plsc

B = 16384
EMB = 32
NC, NS, L = 2, 16, 16
NW = NC * NS
BPW = B // NW
GROUPS = BPW // L
NRING = 4
LAG = 3


def _sc_body(uid_hbm, iid_hbm, gen_hbm, wb_hbm, uembT, iembT, gembT, out_hbm,
             uidx, iidx, gidx, gtab, ubuf, ibuf, wb_v, out_v, *ring):
    uslabs = ring[0:NRING]
    islabs = ring[NRING:2 * NRING]
    usems = ring[2 * NRING:3 * NRING]
    isems = ring[3 * NRING:4 * NRING]

    wid = lax.axis_index("s") * NC + lax.axis_index("c")
    base = wid * BPW

    pltpu.sync_copy(wb_hbm, wb_v)
    pltpu.sync_copy(gembT, gtab)
    pltpu.sync_copy(uid_hbm.at[pl.ds(base, BPW)], uidx)
    pltpu.sync_copy(iid_hbm.at[pl.ds(base, BPW)], iidx)
    pltpu.sync_copy(gen_hbm.at[pl.ds(base, BPW)], gidx)

    wchunks = [wb_v[pl.ds(16 * k, L)] for k in range(6)]
    zeros16 = jnp.zeros((L,), jnp.int32)
    bias = wb_v[pl.ds(96, L)].at[zeros16].get(mode="promise_in_bounds")
    lane = lax.iota(jnp.int32, L)

    def fire(vec, k, slab, sem, table):
        col0 = pl.multiple_of(vec[k] & ~(L * 8 - 1), 128)
        pltpu.async_copy(table.at[:, pl.ds(col0, 128)], slab, sem)

    def drain(slab, sem, table):
        pltpu.make_async_copy(table.at[:, pl.ds(0, 128)], slab, sem).wait()

    def group(g, carry):
        k0 = g * L
        uvec = uidx[pl.ds(k0, L)]
        ivec = iidx[pl.ds(k0, L)]
        gvec = gidx[pl.ds(k0, L)]

        for k in range(LAG):
            fire(uvec, k, uslabs[k % NRING], usems[k % NRING], uembT)
            fire(ivec, k, islabs[k % NRING], isems[k % NRING], iembT)

        for k in range(L):
            if k + LAG < L:
                s = (k + LAG) % NRING
                fire(uvec, k + LAG, uslabs[s], usems[s], uembT)
                fire(ivec, k + LAG, islabs[s], isems[s], iembT)
            s = k % NRING
            drain(uslabs[s], usems[s], uembT)
            drain(islabs[s], isems[s], iembT)
            uoff = jnp.full((L,), uvec[k] & (128 - 1), jnp.int32)
            ioff = jnp.full((L,), ivec[k] & (128 - 1), jnp.int32)
            ubuf[k, pl.ds(0, L)] = plsc.load_gather(uslabs[s], [lane, uoff])
            ubuf[k, pl.ds(L, L)] = plsc.load_gather(uslabs[s], [lane + L, uoff])
            ibuf[k, pl.ds(0, L)] = plsc.load_gather(islabs[s], [lane, ioff])
            ibuf[k, pl.ds(L, L)] = plsc.load_gather(islabs[s], [lane + L, ioff])

        acc = bias
        for t, buf in enumerate((ubuf, ibuf)):
            for d in range(EMB):
                vals = plsc.load_gather(buf, [lane, jnp.full((L,), d, jnp.int32)])
                wsp = wchunks[2 * t + d // L].at[
                    jnp.full((L,), d % L, jnp.int32)
                ].get(mode="promise_in_bounds")
                acc = acc + vals * wsp
        for d in range(EMB):
            vals = plsc.load_gather(gtab, [jnp.full((L,), d, jnp.int32), gvec])
            wsp = wchunks[4 + d // L].at[
                jnp.full((L,), d % L, jnp.int32)
            ].get(mode="promise_in_bounds")
            acc = acc + vals * wsp

        y = 1.0 / (1.0 + jnp.exp(-acc))
        out_v[pl.ds(k0, L)] = y
        return carry

    lax.fori_loop(0, GROUPS, group, 0)
    pltpu.sync_copy(out_v, out_hbm.at[pl.ds(base, BPW)])


@jax.jit
def _run(uid1d, iid1d, gen1d, wb, uembT, iembT, gembT):
    mesh = plsc.VectorSubcoreMesh(core_axis_name="c", subcore_axis_name="s",
                                  num_cores=NC, num_subcores=NS)
    scratch = [
        pltpu.VMEM((BPW,), jnp.int32),
        pltpu.VMEM((BPW,), jnp.int32),
        pltpu.VMEM((BPW,), jnp.int32),
        pltpu.VMEM((EMB, 1000), jnp.float32),
        pltpu.VMEM((L, EMB), jnp.float32),
        pltpu.VMEM((L, EMB), jnp.float32),
        pltpu.VMEM((128,), jnp.float32),
        pltpu.VMEM((BPW,), jnp.float32),
    ]
    scratch += [pltpu.VMEM((EMB, 128), jnp.float32) for _ in range(2 * NRING)]
    scratch += [pltpu.SemaphoreType.DMA for _ in range(2 * NRING)]
    f = pl.kernel(
        _sc_body,
        out_type=jax.ShapeDtypeStruct((B,), jnp.float32),
        mesh=mesh,
        compiler_params=pltpu.CompilerParams(needs_layout_passes=False),
        scratch_types=scratch,
    )
    return f(uid1d, iid1d, gen1d, wb, uembT, iembT, gembT)


def kernel(uid, iid, user_genres, user_genres_offset, uid_emb_w, iid_emb_w,
           genres_emb_w, lr_w, lr_b):
    wb = jnp.concatenate([lr_w.reshape(-1), lr_b.reshape(-1),
                          jnp.zeros((128 - 3 * EMB - 1,), jnp.float32)])
    y = _run(uid.astype(jnp.int32), iid.astype(jnp.int32),
             user_genres.astype(jnp.int32), wb,
             uid_emb_w.T, iid_emb_w.T, genres_emb_w.T)
    return y.reshape(B, 1)

# --- scband reference (transcript-rebuilt; emitter-appended) ---
"""Pipeline reference for scband-slot-lrrank-80728205296152 (READ-ONLY COPY).

The authoritative reference and input builder live on the scoring server;
editing this copy changes nothing except your own understanding.
"""

import jax, jax.numpy as jnp
import numpy as np

USER_COUNT = 1000000
ITEM_COUNT = 1000000
GENRES_COUNT = 1000
EMB = 32
BATCH = 16384


def _embedding_bag_mean(table, indices, offsets):
    # torch.nn.EmbeddingBag(mode='mean') with 1D input + offsets
    n = indices.shape[0]
    B = offsets.shape[0]
    seg = jnp.searchsorted(offsets, jnp.arange(n), side='right') - 1
    emb = jnp.take(table, indices, axis=0)
    sums = jax.ops.segment_sum(emb, seg, num_segments=B)
    counts = jax.ops.segment_sum(jnp.ones((n,), dtype=table.dtype), seg, num_segments=B)
    return sums / jnp.clip(counts, 1.0)[:, None]


def setup_inputs(seed: int = 0) -> dict:
    key = jax.random.key(seed)
    k1, k2, k3, k4, k5, k6, k7, k8 = jax.random.split(key, 8)
    uid = jax.random.randint(k1, (BATCH,), 0, USER_COUNT, dtype=jnp.int64) if jax.config.jax_enable_x64 else jax.random.randint(k1, (BATCH,), 0, USER_COUNT, dtype=jnp.int32)
    iid = jax.random.randint(k2, (BATCH,), 0, ITEM_COUNT, dtype=uid.dtype)
    user_genres = jax.random.randint(k3, (BATCH,), 0, GENRES_COUNT, dtype=uid.dtype)
    user_genres_offset = jnp.arange(BATCH, dtype=uid.dtype)
    uid_emb_w = jax.random.normal(k4, (USER_COUNT, EMB), dtype=jnp.float32)
    iid_emb_w = jax.random.normal(k5, (ITEM_COUNT, EMB), dtype=jnp.float32)
    genres_emb_w = jax.random.normal(k6, (GENRES_COUNT, EMB), dtype=jnp.float32)
    lim = 1.0 / np.sqrt(EMB * 3)
    lr_w = jax.random.uniform(k7, (1, EMB * 3), dtype=jnp.float32, minval=-lim, maxval=lim)
    lr_b = jax.random.uniform(k8, (1,), dtype=jnp.float32, minval=-lim, maxval=lim)
    return {"uid": uid, "iid": iid, "user_genres": user_genres, "user_genres_offset": user_genres_offset,
            "uid_emb_w": uid_emb_w, "iid_emb_w": iid_emb_w, "genres_emb_w": genres_emb_w,
            "lr_w": lr_w, "lr_b": lr_b}


def reference(uid, iid, user_genres, user_genres_offset, uid_emb_w, iid_emb_w, genres_emb_w, lr_w, lr_b):
    user_emb = jnp.take(uid_emb_w, uid, axis=0)
    item_emb = jnp.take(iid_emb_w, iid, axis=0)
    user_genres_emb = _embedding_bag_mean(genres_emb_w, user_genres, user_genres_offset)
    x_ = jnp.concatenate((user_emb, item_emb, user_genres_emb), axis=1)
    y = jax.nn.sigmoid(x_ @ lr_w.T + lr_b)
    return y

if __name__ == "__main__":
    import jax
    _d = setup_inputs()
    print(jax.jit(kernel)(*tuple(_d.values())))

</pallas_src>

<mosaic_0001>
#map = affine_map<(d0, d1) -> (0)>
#map1 = affine_map<(d0, d1) -> (0, 0)>
module attributes {stable_mosaic.version = 14 : i64} {
  func.func @_sc_body(%arg0: i32, %arg1: i32, %arg2: memref<16384xi32, #tpu.memory_space<hbm>>, %arg3: memref<16384xi32, #tpu.memory_space<hbm>>, %arg4: memref<16384xi32, #tpu.memory_space<hbm>>, %arg5: memref<128xf32, #tpu.memory_space<hbm>>, %arg6: memref<32x1000000xf32, #tpu.memory_space<hbm>>, %arg7: memref<32x1000000xf32, #tpu.memory_space<hbm>>, %arg8: memref<32x1000xf32, #tpu.memory_space<hbm>>, %arg9: memref<16384xf32, #tpu.memory_space<hbm>>, %arg10: memref<512xi32, #tpu.memory_space<vmem>>, %arg11: memref<512xi32, #tpu.memory_space<vmem>>, %arg12: memref<512xi32, #tpu.memory_space<vmem>>, %arg13: memref<32x1000xf32, #tpu.memory_space<vmem>>, %arg14: memref<16x32xf32, #tpu.memory_space<vmem>>, %arg15: memref<16x32xf32, #tpu.memory_space<vmem>>, %arg16: memref<128xf32, #tpu.memory_space<vmem>>, %arg17: memref<512xf32, #tpu.memory_space<vmem>>, %arg18: memref<32x128xf32, #tpu.memory_space<vmem>>, %arg19: memref<32x128xf32, #tpu.memory_space<vmem>>, %arg20: memref<32x128xf32, #tpu.memory_space<vmem>>, %arg21: memref<32x128xf32, #tpu.memory_space<vmem>>, %arg22: memref<32x128xf32, #tpu.memory_space<vmem>>, %arg23: memref<32x128xf32, #tpu.memory_space<vmem>>, %arg24: memref<32x128xf32, #tpu.memory_space<vmem>>, %arg25: memref<32x128xf32, #tpu.memory_space<vmem>>, %arg26: memref<!tpu.dma_semaphore, #tpu.memory_space<semaphore_mem>>, %arg27: memref<!tpu.dma_semaphore, #tpu.memory_space<semaphore_mem>>, %arg28: memref<!tpu.dma_semaphore, #tpu.memory_space<semaphore_mem>>, %arg29: memref<!tpu.dma_semaphore, #tpu.memory_space<semaphore_mem>>, %arg30: memref<!tpu.dma_semaphore, #tpu.memory_space<semaphore_mem>>, %arg31: memref<!tpu.dma_semaphore, #tpu.memory_space<semaphore_mem>>, %arg32: memref<!tpu.dma_semaphore, #tpu.memory_space<semaphore_mem>>, %arg33: memref<!tpu.dma_semaphore, #tpu.memory_space<semaphore_mem>>) attributes {dimension_semantics = [#tpu.dimension_semantics<core_parallel>, #tpu.dimension_semantics<subcore_parallel>], iteration_bounds = array<i64: 2, 16>, scalar_prefetch = 0 : i64, scratch_operands = 24 : i64, tpu.core_type = #tpu.core_type<sc_vector_subcore>, window_params = [{transform_indices = #map}, {transform_indices = #map}, {transform_indices = #map}, {transform_indices = #map}, {transform_indices = #map1}, {transform_indices = #map1}, {transform_indices = #map1}, {transform_indices = #map}]} {
    %mul3A = arith.constant 2 : i32
    %mul3A_0 = arith.muli %arg1, %mul3A : i32
    %add3A = arith.addi %mul3A_0, %arg0 : i32
    %mul3A_1 = arith.constant 512 : i32
    %mul3A_2 = arith.muli %add3A, %mul3A_1 : i32
    "tpu.region"() ({
      %run_scoped3A = tpu.sem_alloc : memref<!tpu.dma_semaphore, #tpu.memory_space<semaphore_mem>>
      tpu.enqueue_dma source(%arg5 : memref<128xf32, #tpu.memory_space<hbm>>) target(%arg16 : memref<128xf32, #tpu.memory_space<vmem>>) target_semaphore(%run_scoped3A : memref<!tpu.dma_semaphore, #tpu.memory_space<semaphore_mem>>)
      tpu.wait_dma2 semaphore(%run_scoped3A : memref<!tpu.dma_semaphore, #tpu.memory_space<semaphore_mem>>) src(%arg5 : memref<128xf32, #tpu.memory_space<hbm>>) dst(%arg16 : memref<128xf32, #tpu.memory_space<vmem>>)
      tpu.yield
    }) : () -> ()
    "tpu.region"() ({
      %run_scoped3A = tpu.sem_alloc : memref<!tpu.dma_semaphore, #tpu.memory_space<semaphore_mem>>
      tpu.enqueue_dma source(%arg8 : memref<32x1000xf32, #tpu.memory_space<hbm>>) target(%arg13 : memref<32x1000xf32, #tpu.memory_space<vmem>>) target_semaphore(%run_scoped3A : memref<!tpu.dma_semaphore, #tpu.memory_space<semaphore_mem>>)
      tpu.wait_dma2 semaphore(%run_scoped3A : memref<!tpu.dma_semaphore, #tpu.memory_space<semaphore_mem>>) src(%arg8 : memref<32x1000xf32, #tpu.memory_space<hbm>>) dst(%arg13 : memref<32x1000xf32, #tpu.memory_space<vmem>>)
      tpu.yield
    }) : () -> ()
    "tpu.region"() ({
      %run_scoped3A = tpu.sem_alloc : memref<!tpu.dma_semaphore, #tpu.memory_space<semaphore_mem>>
      %dma_start3A = tpu.memref_slice %arg2[%mul3A_2] : memref<16384xi32, #tpu.memory_space<hbm>> -> memref<512xi32, #tpu.memory_space<hbm>>
      %dma_start3A_29 = tpu.memref_slice %arg2[%mul3A_2] : memref<16384xi32, #tpu.memory_space<hbm>> -> memref<512xi32, #tpu.memory_space<hbm>>
      tpu.enqueue_dma source(%dma_start3A_29 : memref<512xi32, #tpu.memory_space<hbm>>) target(%arg10 : memref<512xi32, #tpu.memory_space<vmem>>) target_semaphore(%run_scoped3A : memref<!tpu.dma_semaphore, #tpu.memory_space<semaphore_mem>>)
      %dma_wait3A = tpu.memref_slice %arg2[%mul3A_2] : memref<16384xi32, #tpu.memory_space<hbm>> -> memref<512xi32, #tpu.memory_space<hbm>>
      %dma_wait3A_30 = tpu.memref_slice %arg2[%mul3A_2] : memref<16384xi32, #tpu.memory_space<hbm>> -> memref<512xi32, #tpu.memory_space<hbm>>
      tpu.wait_dma2 semaphore(%run_scoped3A : memref<!tpu.dma_semaphore, #tpu.memory_space<semaphore_mem>>) src(%dma_wait3A_30 : memref<512xi32, #tpu.memory_space<hbm>>) dst(%arg10 : memref<512xi32, #tpu.memory_space<vmem>>)
      tpu.yield
    }) : () -> ()
    "tpu.region"() ({
      %run_scoped3A = tpu.sem_alloc : memref<!tpu.dma_semaphore, #tpu.memory_space<semaphore_mem>>
      %dma_start3A = tpu.memref_slice %arg3[%mul3A_2] : memref<16384xi32, #tpu.memory_space<hbm>> -> memref<512xi32, #tpu.memory_space<hbm>>
      %dma_start3A_29 = tpu.memref_slice %arg3[%mul3A_2] : memref<16384xi32, #tpu.memory_space<hbm>> -> memref<512xi32, #tpu.memory_space<hbm>>
      tpu.enqueue_dma source(%dma_start3A_29 : memref<512xi32, #tpu.memory_space<hbm>>) target(%arg11 : memref<512xi32, #tpu.memory_space<vmem>>) target_semaphore(%run_scoped3A : memref<!tpu.dma_semaphore, #tpu.memory_space<semaphore_mem>>)
      %dma_wait3A = tpu.memref_slice %arg3[%mul3A_2] : memref<16384xi32, #tpu.memory_space<hbm>> -> memref<512xi32, #tpu.memory_space<hbm>>
      %dma_wait3A_30 = tpu.memref_slice %arg3[%mul3A_2] : memref<16384xi32, #tpu.memory_space<hbm>> -> memref<512xi32, #tpu.memory_space<hbm>>
      tpu.wait_dma2 semaphore(%run_scoped3A : memref<!tpu.dma_semaphore, #tpu.memory_space<semaphore_mem>>) src(%dma_wait3A_30 : memref<512xi32, #tpu.memory_space<hbm>>) dst(%arg11 : memref<512xi32, #tpu.memory_space<vmem>>)
      tpu.yield
    }) : () -> ()
    "tpu.region"() ({
      %run_scoped3A = tpu.sem_alloc : memref<!tpu.dma_semaphore, #tpu.memory_space<semaphore_mem>>
      %dma_start3A = tpu.memref_slice %arg4[%mul3A_2] : memref<16384xi32, #tpu.memory_space<hbm>> -> memref<512xi32, #tpu.memory_space<hbm>>
      %dma_start3A_29 = tpu.memref_slice %arg4[%mul3A_2] : memref<16384xi32, #tpu.memory_space<hbm>> -> memref<512xi32, #tpu.memory_space<hbm>>
      tpu.enqueue_dma source(%dma_start3A_29 : memref<512xi32, #tpu.memory_space<hbm>>) target(%arg12 : memref<512xi32, #tpu.memory_space<vmem>>) target_semaphore(%run_scoped3A : memref<!tpu.dma_semaphore, #tpu.memory_space<semaphore_mem>>)
      %dma_wait3A = tpu.memref_slice %arg4[%mul3A_2] : memref<16384xi32, #tpu.memory_space<hbm>> -> memref<512xi32, #tpu.memory_space<hbm>>
      %dma_wait3A_30 = tpu.memref_slice %arg4[%mul3A_2] : memref<16384xi32, #tpu.memory_space<hbm>> -> memref<512xi32, #tpu.memory_space<hbm>>
      tpu.wait_dma2 semaphore(%run_scoped3A : memref<!tpu.dma_semaphore, #tpu.memory_space<semaphore_mem>>) src(%dma_wait3A_30 : memref<512xi32, #tpu.memory_space<hbm>>) dst(%arg12 : memref<512xi32, #tpu.memory_space<vmem>>)
      tpu.yield
    }) : () -> ()
    %get3A = arith.constant 0 : index
    %get3A_3 = tpu.vector_load %arg16[%get3A] {strides = array<i32>} : memref<128xf32, #tpu.memory_space<vmem>>, vector<16xf32>,
    %get3A_4 = arith.constant 16 : index
    %get3A_5 = tpu.vector_load %arg16[%get3A_4] {strides = array<i32>} : memref<128xf32, #tpu.memory_space<vmem>>, vector<16xf32>,
    %get3A_6 = arith.constant 32 : index
    %get3A_7 = tpu.vector_load %arg16[%get3A_6] {strides = array<i32>} : memref<128xf32, #tpu.memory_space<vmem>>, vector<16xf32>,
    %get3A_8 = arith.constant 48 : index
    %get3A_9 = tpu.vector_load %arg16[%get3A_8] {strides = array<i32>} : memref<128xf32, #tpu.memory_space<vmem>>, vector<16xf32>,
    %get3A_10 = arith.constant 64 : index
    %get3A_11 = tpu.vector_load %arg16[%get3A_10] {strides = array<i32>} : memref<128xf32, #tpu.memory_space<vmem>>, vector<16xf32>,
    %get3A_12 = arith.constant 80 : index
    %get3A_13 = tpu.vector_load %arg16[%get3A_12] {strides = array<i32>} : memref<128xf32, #tpu.memory_space<vmem>>, vector<16xf32>,
    %broadcast_in_dim3A = arith.constant 0 : i32
    %broadcast_in_dim3A_14 = vector.broadcast %broadcast_in_dim3A : i32 to vector<16xi32>
    %get3A_15 = arith.constant 96 : index
    %get3A_16 = tpu.vector_load %arg16[%get3A_15] {strides = array<i32>} : memref<128xf32, #tpu.memory_space<vmem>>, vector<16xf32>,
    %lt3A = arith.constant 0 : i32
    %lt3A_17 = vector.broadcast %lt3A : i32 to vector<16xi32>
    %lt3A_18 = arith.cmpi slt, %broadcast_in_dim3A_14, %lt3A_17 : vector<16xi32>
    %add3A_19 = arith.constant 16 : i32
    %add3A_20 = vector.broadcast %add3A_19 : i32 to vector<16xi32>
    %add3A_21 = arith.addi %broadcast_in_dim3A_14, %add3A_20 : vector<16xi32>
    %select_n3A = arith.select %lt3A_18, %add3A_21, %broadcast_in_dim3A_14 : vector<16xi1>, vector<16xi32>
    %broadcast_in_dim3A_22 = vector.shape_cast %select_n3A : vector<16xi32> to vector<16x1xi32>
    %gather3A = vector.shape_cast %broadcast_in_dim3A_22 : vector<16x1xi32> to vector<16xi32>
    %gather3A_23 = tpu.dynamic_gather %get3A_16[%gather3A] in [0] : vector<16xf32>, vector<16xi32> -> vector<16xf32>
    %iota3A = tpu.iota {dimensions = array<i32: 0>} : vector<16xi32>
    %scan3A = arith.constant 0 : i32
    %scan3A_24 = arith.constant 0 : i32
    %scan3A_25 = arith.constant 32 : i32
    %scan3A_26 = arith.addi %scan3A_24, %scan3A_25 : i32
    %scan3A_27 = arith.constant 1 : i32
    scf.for %scan3A_29 = %scan3A_24 to %scan3A_26 step %scan3A_27  : i32 {
      %mul3A_30 = arith.constant 16 : i32
      %mul3A_31 = arith.muli %scan3A_29, %mul3A_30 : i32
      %get3A_32 = arith.index_cast %mul3A_31 : i32 to index
      %get3A_33 = tpu.vector_load %arg10[%get3A_32] {strides = array<i32>} : memref<512xi32, #tpu.memory_space<vmem>>, vector<16xi32>,
      %get3A_34 = arith.index_cast %mul3A_31 : i32 to index
      %get3A_35 = tpu.vector_load %arg11[%get3A_34] {strides = array<i32>} : memref<512xi32, #tpu.memory_space<vmem>>, vector<16xi32>,
      %get3A_36 = arith.index_cast %mul3A_31 : i32 to index
      %get3A_37 = tpu.vector_load %arg12[%get3A_36] {strides = array<i32>} : memref<512xi32, #tpu.memory_space<vmem>>, vector<16xi32>,
      %slice3A = vector.extract_strided_slice %get3A_33 {offsets = [0], sizes = [1], strides = [1]} : vector<16xi32> to vector<1xi32>
      %squeeze3A = vector.extract %slice3A[0] : i32 from vector<1xi32>
      %and3A = arith.constant -128 : i32
      %and3A_38 = arith.andi %squeeze3A, %and3A : i32
      %multiple_of3A = tpu.assume_multiple %and3A_38, 128 : i32
      %dma_start3A = arith.constant 0 : i32
      %dma_start3A_39 = tpu.memref_slice %arg6[%dma_start3A, %multiple_of3A] : memref<32x1000000xf32, #tpu.memory_space<hbm>> -> memref<32x128xf32, #tpu.memory_space<hbm>>
      %dma_start3A_40 = arith.constant 0 : i32
      %dma_start3A_41 = tpu.memref_slice %arg6[%dma_start3A_40, %multiple_of3A] : memref<32x1000000xf32, #tpu.memory_space<hbm>> -> memref<32x128xf32, #tpu.memory_space<hbm>>
      tpu.enqueue_dma source(%dma_start3A_41 : memref<32x128xf32, #tpu.memory_space<hbm>>) target(%arg18 : memref<32x128xf32, #tpu.memory_space<vmem>>) target_semaphore(%arg26 : memref<!tpu.dma_semaphore, #tpu.memory_space<semaphore_mem>>)
      %slice3A_42 = vector.extract_strided_slice %get3A_35 {offsets = [0], sizes = [1], strides = [1]} : vector<16xi32> to vector<1xi32>
      %squeeze3A_43 = vector.extract %slice3A_42[0] : i32 from vector<1xi32>
      %and3A_44 = arith.constant -128 : i32
      %and3A_45 = arith.andi %squeeze3A_43, %and3A_44 : i32
      %multiple_of3A_46 = tpu.assume_multiple %and3A_45, 128 : i32
      %dma_start3A_47 = arith.constant 0 : i32
      %dma_start3A_48 = tpu.memref_slice %arg7[%dma_start3A_47, %multiple_of3A_46] : memref<32x1000000xf32, #tpu.memory_space<hbm>> -> memref<32x128xf32, #tpu.memory_space<hbm>>
      %dma_start3A_49 = arith.constant 0 : i32
      %dma_start3A_50 = tpu.memref_slice %arg7[%dma_start3A_49, %multiple_of3A_46] : memref<32x1000000xf32, #tpu.memory_space<hbm>> -> memref<32x128xf32, #tpu.memory_space<hbm>>
      tpu.enqueue_dma source(%dma_start3A_50 : memref<32x128xf32, #tpu.memory_space<hbm>>) target(%arg22 : memref<32x128xf32, #tpu.memory_space<vmem>>) target_semaphore(%arg30 : memref<!tpu.dma_semaphore, #tpu.memory_space<semaphore_mem>>)
      %slice3A_51 = vector.extract_strided_slice %get3A_33 {offsets = [1], sizes = [1], strides = [1]} : vector<16xi32> to vector<1xi32>
      %squeeze3A_52 = vector.extract %slice3A_51[0] : i32 from vector<1xi32>
      %and3A_53 = arith.constant -128 : i32
      %and3A_54 = arith.andi %squeeze3A_52, %and3A_53 : i32
      %multiple_of3A_55 = tpu.assume_multiple %and3A_54, 128 : i32
      %dma_start3A_56 = arith.constant 0 : i32
      %dma_start3A_57 = tpu.memref_slice %arg6[%dma_start3A_56, %multiple_of3A_55] : memref<32x1000000xf32, #tpu.memory_space<hbm>> -> memref<32x128xf32, #tpu.memory_space<hbm>>
      %dma_start3A_58 = arith.constant 0 : i32
      %dma_start3A_59 = tpu.memref_slice %arg6[%dma_start3A_58, %multiple_of3A_55] : memref<32x1000000xf32, #tpu.memory_space<hbm>> -> memref<32x128xf32, #tpu.memory_space<hbm>>
      tpu.enqueue_dma source(%dma_start3A_59 : memref<32x128xf32, #tpu.memory_space<hbm>>) target(%arg19 : memref<32x128xf32, #tpu.memory_space<vmem>>) target_semaphore(%arg27 : memref<!tpu.dma_semaphore, #tpu.memory_space<semaphore_mem>>)
      %slice3A_60 = vector.extract_strided_slice %get3A_35 {offsets = [1], sizes = [1], strides = [1]} : vector<16xi32> to vector<1xi32>
      %squeeze3A_61 = vector.extract %slice3A_60[0] : i32 from vector<1xi32>
      %and3A_62 = arith.constant -128 : i32
      %and3A_63 = arith.andi %squeeze3A_61, %and3A_62 : i32
      %multiple_of3A_64 = tpu.assume_multiple %and3A_63, 128 : i32
      %dma_start3A_65 = arith.constant 0 : i32
      %dma_start3A_66 = tpu.memref_slice %arg7[%dma_start3A_65, %multiple_of3A_64] : memref<32x1000000xf32, #tpu.memory_space<hbm>> -> memref<32x128xf32, #tpu.memory_space<hbm>>
      %dma_start3A_67 = arith.constant 0 : i32
      %dma_start3A_68 = tpu.memref_slice %arg7[%dma_start3A_67, %multiple_of3A_64] : memref<32x1000000xf32, #tpu.memory_space<hbm>> -> memref<32x128xf32, #tpu.memory_space<hbm>>
      tpu.enqueue_dma source(%dma_start3A_68 : memref<32x128xf32, #tpu.memory_space<hbm>>) target(%arg23 : memref<32x128xf32, #tpu.memory_space<vmem>>) target_semaphore(%arg31 : memref<!tpu.dma_semaphore, #tpu.memory_space<semaphore_mem>>)
      %slice3A_69 = vector.extract_strided_slice %get3A_33 {offsets = [2], sizes = [1], strides = [1]} : vector<16xi32> to vector<1xi32>
      %squeeze3A_70 = vector.extract %slice3A_69[0] : i32 from vector<1xi32>
      %and3A_71 = arith.constant -128 : i32
      %and3A_72 = arith.andi %squeeze3A_70, %and3A_71 : i32
      %multiple_of3A_73 = tpu.assume_multiple %and3A_72, 128 : i32
      %dma_start3A_74 = arith.constant 0 : i32
      %dma_start3A_75 = tpu.memref_slice %arg6[%dma_start3A_74, %multiple_of3A_73] : memref<32x1000000xf32, #tpu.memory_space<hbm>> -> memref<32x128xf32, #tpu.memory_space<hbm>>
      %dma_start3A_76 = arith.constant 0 : i32
      %dma_start3A_77 = tpu.memref_slice %arg6[%dma_start3A_76, %multiple_of3A_73] : memref<32x1000000xf32, #tpu.memory_space<hbm>> -> memref<32x128xf32, #tpu.memory_space<hbm>>
      tpu.enqueue_dma source(%dma_start3A_77 : memref<32x128xf32, #tpu.memory_space<hbm>>) target(%arg20 : memref<32x128xf32, #tpu.memory_space<vmem>>) target_semaphore(%arg28 : memref<!tpu.dma_semaphore, #tpu.memory_space<semaphore_mem>>)
      %slice3A_78 = vector.extract_strided_slice %get3A_35 {offsets = [2], sizes = [1], strides = [1]} : vector<16xi32> to vector<1xi32>
      %squeeze3A_79 = vector.extract %slice3A_78[0] : i32 from vector<1xi32>
      %and3A_80 = arith.constant -128 : i32
      %and3A_81 = arith.andi %squeeze3A_79, %and3A_80 : i32
      %multiple_of3A_82 = tpu.assume_multiple %and3A_81, 128 : i32
      %dma_start3A_83 = arith.constant 0 : i32
      %dma_start3A_84 = tpu.memref_slice %arg7[%dma_start3A_83, %multiple_of3A_82] : memref<32x1000000xf32, #tpu.memory_space<hbm>> -> memref<32x128xf32, #tpu.memory_space<hbm>>
      %dma_start3A_85 = arith.constant 0 : i32
      %dma_start3A_86 = tpu.memref_slice %arg7[%dma_start3A_85, %multiple_of3A_82] : memref<32x1000000xf32, #tpu.memory_space<hbm>> -> memref<32x128xf32, #tpu.memory_space<hbm>>
      tpu.enqueue_dma source(%dma_start3A_86 : memref<32x128xf32, #tpu.memory_space<hbm>>) target(%arg24 : memref<32x128xf32, #tpu.memory_space<vmem>>) target_semaphore(%arg32 : memref<!tpu.dma_semaphore, #tpu.memory_space<semaphore_mem>>)
      %slice3A_87 = vector.extract_strided_slice %get3A_33 {offsets = [3], sizes = [1], strides = [1]} : vector<16xi32> to vector<1xi32>
      %squeeze3A_88 = vector.extract %slice3A_87[0] : i32 from vector<1xi32>
      %and3A_89 = arith.constant -128 : i32
      %and3A_90 = arith.andi %squeeze3A_88, %and3A_89 : i32
      %multiple_of3A_91 = tpu.assume_multiple %and3A_90, 128 : i32
      %dma_start3A_92 = arith.constant 0 : i32
      %dma_start3A_93 = tpu.memref_slice %arg6[%dma_start3A_92, %multiple_of3A_91] : memref<32x1000000xf32, #tpu.memory_space<hbm>> -> memref<32x128xf32, #tpu.memory_space<hbm>>
      %dma_start3A_94 = arith.constant 0 : i32
      %dma_start3A_95 = tpu.memref_slice %arg6[%dma_start3A_94, %multiple_of3A_91] : memref<32x1000000xf32, #tpu.memory_space<hbm>> -> memref<32x128xf32, #tpu.memory_space<hbm>>
      tpu.enqueue_dma source(%dma_start3A_95 : memref<32x128xf32, #tpu.memory_space<hbm>>) target(%arg21 : memref<32x128xf32, #tpu.memory_space<vmem>>) target_semaphore(%arg29 : memref<!tpu.dma_semaphore, #tpu.memory_space<semaphore_mem>>)
      %slice3A_96 = vector.extract_strided_slice %get3A_35 {offsets = [3], sizes = [1], strides = [1]} : vector<16xi32> to vector<1xi32>
      %squeeze3A_97 = vector.extract %slice3A_96[0] : i32 from vector<1xi32>
      %and3A_98 = arith.constant -128 : i32
      %and3A_99 = arith.andi %squeeze3A_97, %and3A_98 : i32
      %multiple_of3A_100 = tpu.assume_multiple %and3A_99, 128 : i32
      %dma_start3A_101 = arith.constant 0 : i32
      %dma_start3A_102 = tpu.memref_slice %arg7[%dma_start3A_101, %multiple_of3A_100] : memref<32x1000000xf32, #tpu.memory_space<hbm>> -> memref<32x128xf32, #tpu.memory_space<hbm>>
      %dma_start3A_103 = arith.constant 0 : i32
      %dma_start3A_104 = tpu.memref_slice %arg7[%dma_start3A_103, %multiple_of3A_100] : memref<32x1000000xf32, #tpu.memory_space<hbm>> -> memref<32x128xf32, #tpu.memory_space<hbm>>
      tpu.enqueue_dma source(%dma_start3A_104 : memref<32x128xf32, #tpu.memory_space<hbm>>) target(%arg25 : memref<32x128xf32, #tpu.memory_space<vmem>>) target_semaphore(%arg33 : memref<!tpu.dma_semaphore, #tpu.memory_space<semaphore_mem>>)
      %dma_wait3A = arith.constant 0 : i32
      %dma_wait3A_105 = arith.constant 0 : i32
      %dma_wait3A_106 = tpu.memref_slice %arg6[%dma_wait3A, %dma_wait3A_105] : memref<32x1000000xf32, #tpu.memory_space<hbm>> -> memref<32x128xf32, #tpu.memory_space<hbm>>
      %dma_wait3A_107 = arith.constant 0 : i32
      %dma_wait3A_108 = arith.constant 0 : i32
      %dma_wait3A_109 = tpu.memref_slice %arg6[%dma_wait3A_107, %dma_wait3A_108] : memref<32x1000000xf32, #tpu.memory_space<hbm>> -> memref<32x128xf32, #tpu.memory_space<hbm>>
      tpu.wait_dma2 semaphore(%arg26 : memref<!tpu.dma_semaphore, #tpu.memory_space<semaphore_mem>>) src(%dma_wait3A_109 : memref<32x128xf32, #tpu.memory_space<hbm>>) dst(%arg18 : memref<32x128xf32, #tpu.memory_space<vmem>>)
      %dma_wait3A_110 = arith.constant 0 : i32
      %dma_wait3A_111 = arith.constant 0 : i32
      %dma_wait3A_112 = tpu.memref_slice %arg7[%dma_wait3A_110, %dma_wait3A_111] : memref<32x1000000xf32, #tpu.memory_space<hbm>> -> memref<32x128xf32, #tpu.memory_space<hbm>>
      %dma_wait3A_113 = arith.constant 0 : i32
      %dma_wait3A_114 = arith.constant 0 : i32
      %dma_wait3A_115 = tpu.memref_slice %arg7[%dma_wait3A_113, %dma_wait3A_114] : memref<32x1000000xf32, #tpu.memory_space<hbm>> -> memref<32x128xf32, #tpu.memory_space<hbm>>
      tpu.wait_dma2 semaphore(%arg30 : memref<!tpu.dma_semaphore, #tpu.memory_space<semaphore_mem>>) src(%dma_wait3A_115 : memref<32x128xf32, #tpu.memory_space<hbm>>) dst(%arg22 : memref<32x128xf32, #tpu.memory_space<vmem>>)
      %slice3A_116 = vector.extract_strided_slice %get3A_33 {offsets = [0], sizes = [1], strides = [1]} : vector<16xi32> to vector<1xi32>
      %squeeze3A_117 = vector.extract %slice3A_116[0] : i32 from vector<1xi32>
      %and3A_118 = arith.constant 127 : i32
      %and3A_119 = arith.andi %squeeze3A_117, %and3A_118 : i32
      %broadcast_in_dim3A_120 = vector.broadcast %and3A_119 : i32 to vector<16xi32>
      %slice3A_121 = vector.extract_strided_slice %get3A_35 {offsets = [0], sizes = [1], strides = [1]} : vector<16xi32> to vector<1xi32>
      %squeeze3A_122 = vector.extract %slice3A_121[0] : i32 from vector<1xi32>
      %and3A_123 = arith.constant 127 : i32
      %and3A_124 = arith.andi %squeeze3A_122, %and3A_123 : i32
      %broadcast_in_dim3A_125 = vector.broadcast %and3A_124 : i32 to vector<16xi32>
      %gather3A_126 = tpu.vector_load_idx %arg18[%iota3A, %broadcast_in_dim3A_120] : memref<32x128xf32, #tpu.memory_space<vmem>>[vector<16xi32>, vector<16xi32>], vector<16xf32>,
      %swap3A = arith.constant 0 : i32
      %swap3A_127 = arith.index_cast %swap3A : i32 to index
      %swap3A_128 = arith.constant 0 : index
      %swap3A_129 = tpu.vector_load %arg14[%swap3A_127, %swap3A_128] {strides = array<i32>} : memref<16x32xf32, #tpu.memory_space<vmem>>, vector<16xf32>,
      tpu.vector_store %arg14[%swap3A_127, %swap3A_128], %gather3A_126 {strides = array<i32>} : memref<16x32xf32, #tpu.memory_space<vmem>>, vector<16xf32>,
      %add3A_130 = arith.constant 16 : i32
      %add3A_131 = vector.broadcast %add3A_130 : i32 to vector<16xi32>
      %add3A_132 = arith.addi %iota3A, %add3A_131 : vector<16xi32>
      %gather3A_133 = tpu.vector_load_idx %arg18[%add3A_132, %broadcast_in_dim3A_120] : memref<32x128xf32, #tpu.memory_space<vmem>>[vector<16xi32>, vector<16xi32>], vector<16xf32>,
      %swap3A_134 = arith.constant 0 : i32
      %swap3A_135 = arith.index_cast %swap3A_134 : i32 to index
      %swap3A_136 = arith.constant 16 : index
      %swap3A_137 = tpu.vector_load %arg14[%swap3A_135, %swap3A_136] {strides = array<i32>} : memref<16x32xf32, #tpu.memory_space<vmem>>, vector<16xf32>,
      tpu.vector_store %arg14[%swap3A_135, %swap3A_136], %gather3A_133 {strides = array<i32>} : memref<16x32xf32, #tpu.memory_space<vmem>>, vector<16xf32>,
      %gather3A_138 = tpu.vector_load_idx %arg22[%iota3A, %broadcast_in_dim3A_125] : memref<32x128xf32, #tpu.memory_space<vmem>>[vector<16xi32>, vector<16xi32>], vector<16xf32>,
      %swap3A_139 = arith.constant 0 : i32
      %swap3A_140 = arith.index_cast %swap3A_139 : i32 to index
      %swap3A_141 = arith.constant 0 : index
      %swap3A_142 = tpu.vector_load %arg15[%swap3A_140, %swap3A_141] {strides = array<i32>} : memref<16x32xf32, #tpu.memory_space<vmem>>, vector<16xf32>,
      tpu.vector_store %arg15[%swap3A_140, %swap3A_141], %gather3A_138 {strides = array<i32>} : memref<16x32xf32, #tpu.memory_space<vmem>>, vector<16xf32>,
      %add3A_143 = arith.constant 16 : i32
      %add3A_144 = vector.broadcast %add3A_143 : i32 to vector<16xi32>
      %add3A_145 = arith.addi %iota3A, %add3A_144 : vector<16xi32>
      %gather3A_146 = tpu.vector_load_idx %arg22[%add3A_145, %broadcast_in_dim3A_125] : memref<32x128xf32, #tpu.memory_space<vmem>>[vector<16xi32>, vector<16xi32>], vector<16xf32>,
      %swap3A_147 = arith.constant 0 : i32
      %swap3A_148 = arith.index_cast %swap3A_147 : i32 to index
      %swap3A_149 = arith.constant 16 : index
      %swap3A_150 = tpu.vector_load %arg15[%swap3A_148, %swap3A_149] {strides = array<i32>} : memref<16x32xf32, #tpu.memory_space<vmem>>, vector<16xf32>,
      tpu.vector_store %arg15[%swap3A_148, %swap3A_149], %gather3A_146 {strides = array<i32>} : memref<16x32xf32, #tpu.memory_space<vmem>>, vector<16xf32>,
      %slice3A_151 = vector.extract_strided_slice %get3A_33 {offsets = [4], sizes = [1], strides = [1]} : vector<16xi32> to vector<1xi32>
      %squeeze3A_152 = vector.extract %slice3A_151[0] : i32 from vector<1xi32>
      %and3A_153 = arith.constant -128 : i32
      %and3A_154 = arith.andi %squeeze3A_152, %and3A_153 : i32
      %multiple_of3A_155 = tpu.assume_multiple %and3A_154, 128 : i32
      %dma_start3A_156 = arith.constant 0 : i32
      %dma_start3A_157 = tpu.memref_slice %arg6[%dma_start3A_156, %multiple_of3A_155] : memref<32x1000000xf32, #tpu.memory_space<hbm>> -> memref<32x128xf32, #tpu.memory_space<hbm>>
      %dma_start3A_158 = arith.constant 0 : i32
      %dma_start3A_159 = tpu.memref_slice %arg6[%dma_start3A_158, %multiple_of3A_155] : memref<32x1000000xf32, #tpu.memory_space<hbm>> -> memref<32x128xf32, #tpu.memory_space<hbm>>
      tpu.enqueue_dma source(%dma_start3A_159 : memref<32x128xf32, #tpu.memory_space<hbm>>) target(%arg18 : memref<32x128xf32, #tpu.memory_space<vmem>>) target_semaphore(%arg26 : memref<!tpu.dma_semaphore, #tpu.memory_space<semaphore_mem>>)
      %slice3A_160 = vector.extract_strided_slice %get3A_35 {offsets = [4], sizes = [1], strides = [1]} : vector<16xi32> to vector<1xi32>
      %squeeze3A_161 = vector.extract %slice3A_160[0] : i32 from vector<1xi32>
      %and3A_162 = arith.constant -128 : i32
      %and3A_163 = arith.andi %squeeze3A_161, %and3A_162 : i32
      %multiple_of3A_164 = tpu.assume_multiple %and3A_163, 128 : i32
      %dma_start3A_165 = arith.constant 0 : i32
      %dma_start3A_166 = tpu.memref_slice %arg7[%dma_start3A_165, %multiple_of3A_164] : memref<32x1000000xf32, #tpu.memory_space<hbm>> -> memref<32x128xf32, #tpu.memory_space<hbm>>
      %dma_start3A_167 = arith.constant 0 : i32
      %dma_start3A_168 = tpu.memref_slice %arg7[%dma_start3A_167, %multiple_of3A_164] : memref<32x1000000xf32, #tpu.memory_space<hbm>> -> memref<32x128xf32, #tpu.memory_space<hbm>>
      tpu.enqueue_dma source(%dma_start3A_168 : memref<32x128xf32, #tpu.memory_space<hbm>>) target(%arg22 : memref<32x128xf32, #tpu.memory_space<vmem>>) target_semaphore(%arg30 : memref<!tpu.dma_semaphore, #tpu.memory_space<semaphore_mem>>)
      %dma_wait3A_169 = arith.constant 0 : i32
      %dma_wait3A_170 = arith.constant 0 : i32
      %dma_wait3A_171 = tpu.memref_slice %arg6[%dma_wait3A_169, %dma_wait3A_170] : memref<32x1000000xf32, #tpu.memory_space<hbm>> -> memref<32x128xf32, #tpu.memory_space<hbm>>
      %dma_wait3A_172 = arith.constant 0 : i32
      %dma_wait3A_173 = arith.constant 0 : i32
      %dma_wait3A_174 = tpu.memref_slice %arg6[%dma_wait3A_172, %dma_wait3A_173] : memref<32x1000000xf32, #tpu.memory_space<hbm>> -> memref<32x128xf32, #tpu.memory_space<hbm>>
      tpu.wait_dma2 semaphore(%arg27 : memref<!tpu.dma_semaphore, #tpu.memory_space<semaphore_mem>>) src(%dma_wait3A_174 : memref<32x128xf32, #tpu.memory_space<hbm>>) dst(%arg19 : memref<32x128xf32, #tpu.memory_space<vmem>>)
      %dma_wait3A_175 = arith.constant 0 : i32
      %dma_wait3A_176 = arith.constant 0 : i32
      %dma_wait3A_177 = tpu.memref_slice %arg7[%dma_wait3A_175, %dma_wait3A_176] : memref<32x1000000xf32, #tpu.memory_space<hbm>> -> memref<32x128xf32, #tpu.memory_space<hbm>>
      %dma_wait3A_178 = arith.constant 0 : i32
      %dma_wait3A_179 = arith.constant 0 : i32
      %dma_wait3A_180 = tpu.memref_slice %arg7[%dma_wait3A_178, %dma_wait3A_179] : memref<32x1000000xf32, #tpu.memory_space<hbm>> -> memref<32x128xf32, #tpu.memory_space<hbm>>
      tpu.wait_dma2 semaphore(%arg31 : memref<!tpu.dma_semaphore, #tpu.memory_space<semaphore_mem>>) src(%dma_wait3A_180 : memref<32x128xf32, #tpu.memory_space<hbm>>) dst(%arg23 : memref<32x128xf32, #tpu.memory_space<vmem>>)
      %slice3A_181 = vector.extract_strided_slice %get3A_33 {offsets = [1], sizes = [1], strides = [1]} : vector<16xi32> to vector<1xi32>
      %squeeze3A_182 = vector.extract %slice3A_181[0] : i32 from vector<1xi32>
      %and3A_183 = arith.constant 127 : i32
      %and3A_184 = arith.andi %squeeze3A_182, %and3A_183 : i32
      %broadcast_in_dim3A_185 = vector.broadcast %and3A_184 : i32 to vector<16xi32>
      %slice3A_186 = vector.extract_strided_slice %get3A_35 {offsets = [1], sizes = [1], strides = [1]} : vector<16xi32> to vector<1xi32>
      %squeeze3A_187 = vector.extract %slice3A_186[0] : i32 from vector<1xi32>
      %and3A_188 = arith.constant 127 : i32
      %and3A_189 = arith.andi %squeeze3A_187, %and3A_188 : i32
      %broadcast_in_dim3A_190 = vector.broadcast %and3A_189 : i32 to vector<16xi32>
      %gather3A_191 = tpu.vector_load_idx %arg19[%iota3A, %broadcast_in_dim3A_185] : memref<32x128xf32, #tpu.memory_space<vmem>>[vector<16xi32>, vector<16xi32>], vector<16xf32>,
      %swap3A_192 = arith.constant 1 : i32
      %swap3A_193 = arith.index_cast %swap3A_192 : i32 to index
      %swap3A_194 = arith.constant 0 : index
      %swap3A_195 = tpu.vector_load %arg14[%swap3A_193, %swap3A_194] {strides = array<i32>} : memref<16x32xf32, #tpu.memory_space<vmem>>, vector<16xf32>,
      tpu.vector_store %arg14[%swap3A_193, %swap3A_194], %gather3A_191 {strides = array<i32>} : memref<16x32xf32, #tpu.memory_space<vmem>>, vector<16xf32>,
      %add3A_196 = arith.constant 16 : i32
      %add3A_197 = vector.broadcast %add3A_196 : i32 to vector<16xi32>
      %add3A_198 = arith.addi %iota3A, %add3A_197 : vector<16xi32>
      %gather3A_199 = tpu.vector_load_idx %arg19[%add3A_198, %broadcast_in_dim3A_185] : memref<32x128xf32, #tpu.memory_space<vmem>>[vector<16xi32>, vector<16xi32>], vector<16xf32>,
      %swap3A_200 = arith.constant 1 : i32
      %swap3A_201 = arith.index_cast %swap3A_200 : i32 to index
      %swap3A_202 = arith.constant 16 : index
      %swap3A_203 = tpu.vector_load %arg14[%swap3A_201, %swap3A_202] {strides = array<i32>} : memref<16x32xf32, #tpu.memory_space<vmem>>, vector<16xf32>,
      tpu.vector_store %arg14[%swap3A_201, %swap3A_202], %gather3A_199 {strides = array<i32>} : memref<16x32xf32, #tpu.memory_space<vmem>>, vector<16xf32>,
      %gather3A_204 = tpu.vector_load_idx %arg23[%iota3A, %broadcast_in_dim3A_190] : memref<32x128xf32, #tpu.memory_space<vmem>>[vector<16xi32>, vector<16xi32>], vector<16xf32>,
      %swap3A_205 = arith.constant 1 : i32
      %swap3A_206 = arith.index_cast %swap3A_205 : i32 to index
      %swap3A_207 = arith.constant 0 : index
      %swap3A_208 = tpu.vector_load %arg15[%swap3A_206, %swap3A_207] {strides = array<i32>} : memref<16x32xf32, #tpu.memory_space<vmem>>, vector<16xf32>,
      tpu.vector_store %arg15[%swap3A_206, %swap3A_207], %gather3A_204 {strides = array<i32>} : memref<16x32xf32, #tpu.memory_space<vmem>>, vector<16xf32>,
      %add3A_209 = arith.constant 16 : i32
      %add3A_210 = vector.broadcast %add3A_209 : i32 to vector<16xi32>
      %add3A_211 = arith.addi %iota3A, %add3A_210 : vector<16xi32>
      %gather3A_212 = tpu.vector_load_idx %arg23[%add3A_211, %broadcast_in_dim3A_190] : memref<32x128xf32, #tpu.memory_space<vmem>>[vector<16xi32>, vector<16xi32>], vector<16xf32>,
      %swap3A_213 = arith.constant 1 : i32
      %swap3A_214 = arith.index_cast %swap3A_213 : i32 to index
      %swap3A_215 = arith.constant 16 : index
      %swap3A_216 = tpu.vector_load %arg15[%swap3A_214, %swap3A_215] {strides = array<i32>} : memref<16x32xf32, #tpu.memory_space<vmem>>, vector<16xf32>,
      tpu.vector_store %arg15[%swap3A_214, %swap3A_215], %gather3A_212 {strides = array<i32>} : memref<16x32xf32, #tpu.memory_space<vmem>>, vector<16xf32>,
      %slice3A_217 = vector.extract_strided_slice %get3A_33 {offsets = [5], sizes = [1], strides = [1]} : vector<16xi32> to vector<1xi32>
      %squeeze3A_218 = vector.extract %slice3A_217[0] : i32 from vector<1xi32>
      %and3A_219 = arith.constant -128 : i32
      %and3A_220 = arith.andi %squeeze3A_218, %and3A_219 : i32
      %multiple_of3A_221 = tpu.assume_multiple %and3A_220, 128 : i32
      %dma_start3A_222 = arith.constant 0 : i32
      %dma_start3A_223 = tpu.memref_slice %arg6[%dma_start3A_222, %multiple_of3A_221] : memref<32x1000000xf32, #tpu.memory_space<hbm>> -> memref<32x128xf32, #tpu.memory_space<hbm>>
      %dma_start3A_224 = arith.constant 0 : i32
      %dma_start3A_225 = tpu.memref_slice %arg6[%dma_start3A_224, %multiple_of3A_221] : memref<32x1000000xf32, #tpu.memory_space<hbm>> -> memref<32x128xf32, #tpu.memory_space<hbm>>
      tpu.enqueue_dma source(%dma_start3A_225 : memref<32x128xf32, #tpu.memory_space<hbm>>) target(%arg19 : memref<32x128xf32, #tpu.memory_space<vmem>>) target_semaphore(%arg27 : memref<!tpu.dma_semaphore, #tpu.memory_space<semaphore_mem>>)
      %slice3A_226 = vector.extract_strided_slice %get3A_35 {offsets = [5], sizes = [1], strides = [1]} : vector<16xi32> to vector<1xi32>
      %squeeze3A_227 = vector.extract %slice3A_226[0] : i32 from vector<1xi32>
      %and3A_228 = arith.constant -128 : i32
      %and3A_229 = arith.andi %squeeze3A_227, %and3A_228 : i32
      %multiple_of3A_230 = tpu.assume_multiple %and3A_229, 128 : i32
      %dma_start3A_231 = arith.constant 0 : i32
      %dma_start3A_232 = tpu.memref_slice %arg7[%dma_start3A_231, %multiple_of3A_230] : memref<32x1000000xf32, #tpu.memory_space<hbm>> -> memref<32x128xf32, #tpu.memory_space<hbm>>
      %dma_start3A_233 = arith.constant 0 : i32
      %dma_start3A_234 = tpu.memref_slice %arg7[%dma_start3A_233, %multiple_of3A_230] : memref<32x1000000xf32, #tpu.memory_space<hbm>> -> memref<32x128xf32, #tpu.memory_space<hbm>>
      tpu.enqueue_dma source(%dma_start3A_234 : memref<32x128xf32, #tpu.memory_space<hbm>>) target(%arg23 : memref<32x128xf32, #tpu.memory_space<vmem>>) target_semaphore(%arg31 : memref<!tpu.dma_semaphore, #tpu.memory_space<semaphore_mem>>)
      %dma_wait3A_235 = arith.constant 0 : i32
      %dma_wait3A_236 = arith.constant 0 : i32
      %dma_wait3A_237 = tpu.memref_slice %arg6[%dma_wait3A_235, %dma_wait3A_236] : memref<32x1000000xf32, #tpu.memory_space<hbm>> -> memref<32x128xf32, #tpu.memory_space<hbm>>
      %dma_wait3A_238 = arith.constant 0 : i32
      %dma_wait3A_239 = arith.constant 0 : i32
      %dma_wait3A_240 = tpu.memref_slice %arg6[%dma_wait3A_238, %dma_wait3A_239] : memref<32x1000000xf32, #tpu.memory_space<hbm>> -> memref<32x128xf32, #tpu.memory_space<hbm>>
      tpu.wait_dma2 semaphore(%arg28 : memref<!tpu.dma_semaphore, #tpu.memory_space<semaphore_mem>>) src(%dma_wait3A_240 : memref<32x128xf32, #tpu.memory_space<hbm>>) dst(%arg20 : memref<32x128xf32, #tpu.memory_space<vmem>>)
      %dma_wait3A_241 = arith.constant 0 : i32
      %dma_wait3A_242 = arith.constant 0 : i32
      %dma_wait3A_243 = tpu.memref_slice %arg7[%dma_wait3A_241, %dma_wait3A_242] : memref<32x1000000xf32, #tpu.memory_space<hbm>> -> memref<32x128xf32, #tpu.memory_space<hbm>>
      %dma_wait3A_244 = arith.constant 0 : i32
      %dma_wait3A_245 = arith.constant 0 : i32
      %dma_wait3A_246 = tpu.memref_slice %arg7[%dma_wait3A_244, %dma_wait3A_245] : memref<32x1000000xf32, #tpu.memory_space<hbm>> -> memref<32x128xf32, #tpu.memory_space<hbm>>
      tpu.wait_dma2 semaphore(%arg32 : memref<!tpu.dma_semaphore, #tpu.memory_space<semaphore_mem>>) src(%dma_wait3A_246 : memref<32x128xf32, #tpu.memory_space<hbm>>) dst(%arg24 : memref<32x128xf32, #tpu.memory_space<vmem>>)
      %slice3A_247 = vector.extract_strided_slice %get3A_33 {offsets = [2], sizes = [1], strides = [1]} : vector<16xi32> to vector<1xi32>
      %squeeze3A_248 = vector.extract %slice3A_247[0] : i32 from vector<1xi32>
      %and3A_249 = arith.constant 127 : i32
      %and3A_250 = arith.andi %squeeze3A_248, %and3A_249 : i32
      %broadcast_in_dim3A_251 = vector.broadcast %and3A_250 : i32 to vector<16xi32>
      %slice3A_252 = vector.extract_strided_slice %get3A_35 {offsets = [2], sizes = [1], strides = [1]} : vector<16xi32> to vector<1xi32>
      %squeeze3A_253 = vector.extract %slice3A_252[0] : i32 from vector<1xi32>
      %and3A_254 = arith.constant 127 : i32
      %and3A_255 = arith.andi %squeeze3A_253, %and3A_254 : i32
      %broadcast_in_dim3A_256 = vector.broadcast %and3A_255 : i32 to vector<16xi32>
      %gather3A_257 = tpu.vector_load_idx %arg20[%iota3A, %broadcast_in_dim3A_251] : memref<32x128xf32, #tpu.memory_space<vmem>>[vector<16xi32>, vector<16xi32>], vector<16xf32>,
      %swap3A_258 = arith.constant 2 : i32
      %swap3A_259 = arith.index_cast %swap3A_258 : i32 to index
      %swap3A_260 = arith.constant 0 : index
      %swap3A_261 = tpu.vector_load %arg14[%swap3A_259, %swap3A_260] {strides = array<i32>} : memref<16x32xf32, #tpu.memory_space<vmem>>, vector<16xf32>,
      tpu.vector_store %arg14[%swap3A_259, %swap3A_260], %gather3A_257 {strides = array<i32>} : memref<16x32xf32, #tpu.memory_space<vmem>>, vector<16xf32>,
      %add3A_262 = arith.constant 16 : i32
      %add3A_263 = vector.broadcast %add3A_262 : i32 to vector<16xi32>
      %add3A_264 = arith.addi %iota3A, %add3A_263 : vector<16xi32>
      %gather3A_265 = tpu.vector_load_idx %arg20[%add3A_264, %broadcast_in_dim3A_251] : memref<32x128xf32, #tpu.memory_space<vmem>>[vector<16xi32>, vector<16xi32>], vector<16xf32>,
      %swap3A_266 = arith.constant 2 : i32
      %swap3A_267 = arith.index_cast %swap3A_266 : i32 to index
      %swap3A_268 = arith.constant 16 : index
      %swap3A_269 = tpu.vector_load %arg14[%swap3A_267, %swap3A_268] {strides = array<i32>} : memref<16x32xf32, #tpu.memory_space<vmem>>, vector<16xf32>,
      tpu.vector_store %arg14[%swap3A_267, %swap3A_268], %gather3A_265 {strides = array<i32>} : memref<16x32xf32, #tpu.memory_space<vmem>>, vector<16xf32>,
      %gather3A_270 = tpu.vector_load_idx %arg24[%iota3A, %broadcast_in_dim3A_256] : memref<32x128xf32, #tpu.memory_space<vmem>>[vector<16xi32>, vector<16xi32>], vector<16xf32>,
      %swap3A_271 = arith.constant 2 : i32
      %swap3A_272 = arith.index_cast %swap3A_271 : i32 to index
      %swap3A_273 = arith.constant 0 : index
      %swap3A_274 = tpu.vector_load %arg15[%swap3A_272, %swap3A_273] {strides = array<i32>} : memref<16x32xf32, #tpu.memory_space<vmem>>, vector<16xf32>,
      tpu.vector_store %arg15[%swap3A_272, %swap3A_273], %gather3A_270 {strides = array<i32>} : memref<16x32xf32, #tpu.memory_space<vmem>>, vector<16xf32>,
      %add3A_275 = arith.constant 16 : i32
      %add3A_276 = vector.broadcast %add3A_275 : i32 to vector<16xi32>
      %add3A_277 = arith.addi %iota3A, %add3A_276 : vector<16xi32>
      %gather3A_278 = tpu.vector_load_idx %arg24[%add3A_277, %broadcast_in_dim3A_256] : memref<32x128xf32, #tpu.memory_space<vmem>>[vector<16xi32>, vector<16xi32>], vector<16xf32>,
      %swap3A_279 = arith.constant 2 : i32
      %swap3A_280 = arith.index_cast %swap3A_279 : i32 to index
      %swap3A_281 = arith.constant 16 : index
      %swap3A_282 = tpu.vector_load %arg15[%swap3A_280, %swap3A_281] {strides = array<i32>} : memref<16x32xf32, #tpu.memory_space<vmem>>, vector<16xf32>,
      tpu.vector_store %arg15[%swap3A_280, %swap3A_281], %gather3A_278 {strides = array<i32>} : memref<16x32xf32, #tpu.memory_space<vmem>>, vector<16xf32>,
      %slice3A_283 = vector.extract_strided_slice %get3A_33 {offsets = [6], sizes = [1], strides = [1]} : vector<16xi32> to vector<1xi32>
      %squeeze3A_284 = vector.extract %slice3A_283[0] : i32 from vector<1xi32>
      %and3A_285 = arith.constant -128 : i32
      %and3A_286 = arith.andi %squeeze3A_284, %and3A_285 : i32
      %multiple_of3A_287 = tpu.assume_multiple %and3A_286, 128 : i32
      %dma_start3A_288 = arith.constant 0 : i32
      %dma_start3A_289 = tpu.memref_slice %arg6[%dma_start3A_288, %multiple_of3A_287] : memref<32x1000000xf32, #tpu.memory_space<hbm>> -> memref<32x128xf32, #tpu.memory_space<hbm>>
      %dma_start3A_290 = arith.constant 0 : i32
      %dma_start3A_291 = tpu.memref_slice %arg6[%dma_start3A_290, %multiple_of3A_287] : memref<32x1000000xf32, #tpu.memory_space<hbm>> -> memref<32x128xf32, #tpu.memory_space<hbm>>
      tpu.enqueue_dma source(%dma_start3A_291 : memref<32x128xf32, #tpu.memory_space<hbm>>) target(%arg20 : memref<32x128xf32, #tpu.memory_space<vmem>>) target_semaphore(%arg28 : memref<!tpu.dma_semaphore, #tpu.memory_space<semaphore_mem>>)
      %slice3A_292 = vector.extract_strided_slice %get3A_35 {offsets = [6], sizes = [1], strides = [1]} : vector<16xi32> to vector<1xi32>
      %squeeze3A_293 = vector.extract %slice3A_292[0] : i32 from vector<1xi32>
      %and3A_294 = arith.constant -128 : i32
      %and3A_295 = arith.andi %squeeze3A_293, %and3A_294 : i32
      %multiple_of3A_296 = tpu.assume_multiple %and3A_295, 128 : i32
      %dma_start3A_297 = arith.constant 0 : i32
      %dma_start3A_298 = tpu.memref_slice %arg7[%dma_start3A_297, %multiple_of3A_296] : memref<32x1000000xf32, #tpu.memory_space<hbm>> -> memref<32x128xf32, #tpu.memory_space<hbm>>
      %dma_start3A_299 = arith.constant 0 : i32
      %dma_start3A_300 = tpu.memref_slice %arg7[%dma_start3A_299, %multiple_of3A_296] : memref<32x1000000xf32, #tpu.memory_space<hbm>> -> memref<32x128xf32, #tpu.memory_space<hbm>>
      tpu.enqueue_dma source(%dma_start3A_300 : memref<32x128xf32, #tpu.memory_space<hbm>>) target(%arg24 : memref<32x128xf32, #tpu.memory_space<vmem>>) target_semaphore(%arg32 : memref<!tpu.dma_semaphore, #tpu.memory_space<semaphore_mem>>)
      %dma_wait3A_301 = arith.constant 0 : i32
      %dma_wait3A_302 = arith.constant 0 : i32
      %dma_wait3A_303 = tpu.memref_slice %arg6[%dma_wait3A_301, %dma_wait3A_302] : memref<32x1000000xf32, #tpu.memory_space<hbm>> -> memref<32x128xf32, #tpu.memory_space<hbm>>
      %dma_wait3A_304 = arith.constant 0 : i32
      %dma_wait3A_305 = arith.constant 0 : i32
      %dma_wait3A_306 = tpu.memref_slice %arg6[%dma_wait3A_304, %dma_wait3A_305] : memref<32x1000000xf32, #tpu.memory_space<hbm>> -> memref<32x128xf32, #tpu.memory_space<hbm>>
      tpu.wait_dma2 semaphore(%arg29 : memref<!tpu.dma_semaphore, #tpu.memory_space<semaphore_mem>>) src(%dma_wait3A_306 : memref<32x128xf32, #tpu.memory_space<hbm>>) dst(%arg21 : memref<32x128xf32, #tpu.memory_space<vmem>>)
      %dma_wait3A_307 = arith.constant 0 : i32
      %dma_wait3A_308 = arith.constant 0 : i32
      %dma_wait3A_309 = tpu.memref_slice %arg7[%dma_wait3A_307, %dma_wait3A_308] : memref<32x1000000xf32, #tpu.memory_space<hbm>> -> memref<32x128xf32, #tpu.memory_space<hbm>>
      %dma_wait3A_310 = arith.constant 0 : i32
      %dma_wait3A_311 = arith.constant 0 : i32
      %dma_wait3A_312 = tpu.memref_slice %arg7[%dma_wait3A_310, %dma_wait3A_311] : memref<32x1000000xf32, #tpu.memory_space<hbm>> -> memref<32x128xf32, #tpu.memory_space<hbm>>
      tpu.wait_dma2 semaphore(%arg33 : memref<!tpu.dma_semaphore, #tpu.memory_space<semaphore_mem>>) src(%dma_wait3A_312 : memref<32x128xf32, #tpu.memory_space<hbm>>) dst(%arg25 : memref<32x128xf32, #tpu.memory_space<vmem>>)
      %slice3A_313 = vector.extract_strided_slice %get3A_33 {offsets = [3], sizes = [1], strides = [1]} : vector<16xi32> to vector<1xi32>
      %squeeze3A_314 = vector.extract %slice3A_313[0] : i32 from vector<1xi32>
      %and3A_315 = arith.constant 127 : i32
      %and3A_316 = arith.andi %squeeze3A_314, %and3A_315 : i32
      %broadcast_in_dim3A_317 = vector.broadcast %and3A_316 : i32 to vector<16xi32>
      %slice3A_318 = vector.extract_strided_slice %get3A_35 {offsets = [3], sizes = [1], strides = [1]} : vector<16xi32> to vector<1xi32>
      %squeeze3A_319 = vector.extract %slice3A_318[0] : i32 from vector<1xi32>
      %and3A_320 = arith.constant 127 : i32
      %and3A_321 = arith.andi %squeeze3A_319, %and3A_320 : i32
      %broadcast_in_dim3A_322 = vector.broadcast %and3A_321 : i32 to vector<16xi32>
      %gather3A_323 = tpu.vector_load_idx %arg21[%iota3A, %broadcast_in_dim3A_317] : memref<32x128xf32, #tpu.memory_space<vmem>>[vector<16xi32>, vector<16xi32>], vector<16xf32>,
      %swap3A_324 = arith.constant 3 : i32
      %swap3A_325 = arith.index_cast %swap3A_324 : i32 to index
      %swap3A_326 = arith.constant 0 : index
      %swap3A_327 = tpu.vector_load %arg14[%swap3A_325, %swap3A_326] {strides = array<i32>} : memref<16x32xf32, #tpu.memory_space<vmem>>, vector<16xf32>,
      tpu.vector_store %arg14[%swap3A_325, %swap3A_326], %gather3A_323 {strides = array<i32>} : memref<16x32xf32, #tpu.memory_space<vmem>>, vector<16xf32>,
      %add3A_328 = arith.constant 16 : i32
      %add3A_329 = vector.broadcast %add3A_328 : i32 to vector<16xi32>
      %add3A_330 = arith.addi %iota3A, %add3A_329 : vector<16xi32>
      %gather3A_331 = tpu.vector_load_idx %arg21[%add3A_330, %broadcast_in_dim3A_317] : memref<32x128xf32, #tpu.memory_space<vmem>>[vector<16xi32>, vector<16xi32>], vector<16xf32>,
      %swap3A_332 = arith.constant 3 : i32
      %swap3A_333 = arith.index_cast %swap3A_332 : i32 to index
      %swap3A_334 = arith.constant 16 : index
      %swap3A_335 = tpu.vector_load %arg14[%swap3A_333, %swap3A_334] {strides = array<i32>} : memref<16x32xf32, #tpu.memory_space<vmem>>, vector<16xf32>,
      tpu.vector_store %arg14[%swap3A_333, %swap3A_334], %gather3A_331 {strides = array<i32>} : memref<16x32xf32, #tpu.memory_space<vmem>>, vector<16xf32>,
      %gather3A_336 = tpu.vector_load_idx %arg25[%iota3A, %broadcast_in_dim3A_322] : memref<32x128xf32, #tpu.memory_space<vmem>>[vector<16xi32>, vector<16xi32>], vector<16xf32>,
      %swap3A_337 = arith.constant 3 : i32
      %swap3A_338 = arith.index_cast %swap3A_337 : i32 to index
      %swap3A_339 = arith.constant 0 : index
      %swap3A_340 = tpu.vector_load %arg15[%swap3A_338, %swap3A_339] {strides = array<i32>} : memref<16x32xf32, #tpu.memory_space<vmem>>, vector<16xf32>,
      tpu.vector_store %arg15[%swap3A_338, %swap3A_339], %gather3A_336 {strides = array<i32>} : memref<16x32xf32, #tpu.memory_space<vmem>>, vector<16xf32>,
      %add3A_341 = arith.constant 16 : i32
      %add3A_342 = vector.broadcast %add3A_341 : i32 to vector<16xi32>
      %add3A_343 = arith.addi %iota3A, %add3A_342 : vector<16xi32>
      %gather3A_344 = tpu.vector_load_idx %arg25[%add3A_343, %broadcast_in_dim3A_322] : memref<32x128xf32, #tpu.memory_space<vmem>>[vector<16xi32>, vector<16xi32>], vector<16xf32>,
      %swap3A_345 = arith.constant 3 : i32
      %swap3A_346 = arith.index_cast %swap3A_345 : i32 to index
      %swap3A_347 = arith.constant 16 : index
      %swap3A_348 = tpu.vector_load %arg15[%swap3A_346, %swap3A_347] {strides = array<i32>} : memref<16x32xf32, #tpu.memory_space<vmem>>, vector<16xf32>,
      tpu.vector_store %arg15[%swap3A_346, %swap3A_347], %gather3A_344 {strides = array<i32>} : memref<16x32xf32, #tpu.memory_space<vmem>>, vector<16xf32>,
      %slice3A_349 = vector.extract_strided_slice %get3A_33 {offsets = [7], sizes = [1], strides = [1]} : vector<16xi32> to vector<1xi32>
      %squeeze3A_350 = vector.extract %slice3A_349[0] : i32 from vector<1xi32>
      %and3A_351 = arith.constant -128 : i32
      %and3A_352 = arith.andi %squeeze3A_350, %and3A_351 : i32
      %multiple_of3A_353 = tpu.assume_multiple %and3A_352, 128 : i32
      %dma_start3A_354 = arith.constant 0 : i32
      %dma_start3A_355 = tpu.memref_slice %arg6[%dma_start3A_354, %multiple_of3A_353] : memref<32x1000000xf32, #tpu.memory_space<hbm>> -> memref<32x128xf32, #tpu.memory_space<hbm>>
      %dma_start3A_356 = arith.constant 0 : i32
      %dma_start3A_357 = tpu.memref_slice %arg6[%dma_start3A_356, %multiple_of3A_353] : memref<32x1000000xf32, #tpu.memory_space<hbm>> -> memref<32x128xf32, #tpu.memory_space<hbm>>
      tpu.enqueue_dma source(%dma_start3A_357 : memref<32x128xf32, #tpu.memory_space<hbm>>) target(%arg21 : memref<32x128xf32, #tpu.memory_space<vmem>>) target_semaphore(%arg29 : memref<!tpu.dma_semaphore, #tpu.memory_space<semaphore_mem>>)
      %slice3A_358 = vector.extract_strided_slice %get3A_35 {offsets = [7], sizes = [1], strides = [1]} : vector<16xi32> to vector<1xi32>
      %squeeze3A_359 = vector.extract %slice3A_358[0] : i32 from vector<1xi32>
      %and3A_360 = arith.constant -128 : i32
      %and3A_361 = arith.andi %squeeze3A_359, %and3A_360 : i32
      %multiple_of3A_362 = tpu.assume_multiple %and3A_361, 128 : i32
      %dma_start3A_363 = arith.constant 0 : i32
      %dma_start3A_364 = tpu.memref_slice %arg7[%dma_start3A_363, %multiple_of3A_362] : memref<32x1000000xf32, #tpu.memory_space<hbm>> -> memref<32x128xf32, #tpu.memory_space<hbm>>
      %dma_start3A_365 = arith.constant 0 : i32
      %dma_start3A_366 = tpu.memref_slice %arg7[%dma_start3A_365, %multiple_of3A_362] : memref<32x1000000xf32, #tpu.memory_space<hbm>> -> memref<32x128xf32, #tpu.memory_space<hbm>>
      tpu.enqueue_dma source(%dma_start3A_366 : memref<32x128xf32, #tpu.memory_space<hbm>>) target(%arg25 : memref<32x128xf32, #tpu.memory_space<vmem>>) target_semaphore(%arg33 : memref<!tpu.dma_semaphore, #tpu.memory_space<semaphore_mem>>)
      %dma_wait3A_367 = arith.constant 0 : i32
      %dma_wait3A_368 = arith.constant 0 : i32
      %dma_wait3A_369 = tpu.memref_slice %arg6[%dma_wait3A_367, %dma_wait3A_368] : memref<32x1000000xf32, #tpu.memory_space<hbm>> -> memref<32x128xf32, #tpu.memory_space<hbm>>
      %dma_wait3A_370 = arith.constant 0 : i32
      %dma_wait3A_371 = arith.constant 0 : i32
      %dma_wait3A_372 = tpu.memref_slice %arg6[%dma_wait3A_370, %dma_wait3A_371] : memref<32x1000000xf32, #tpu.memory_space<hbm>> -> memref<32x128xf32, #tpu.memory_space<hbm>>
      tpu.wait_dma2 semaphore(%arg26 : memref<!tpu.dma_semaphore, #tpu.memory_space<semaphore_mem>>) src(%dma_wait3A_372 : memref<32x128xf32, #tpu.memory_space<hbm>>) dst(%arg18 : memref<32x128xf32, #tpu.memory_space<vmem>>)
      %dma_wait3A_373 = arith.constant 0 : i32
      %dma_wait3A_374 = arith.constant 0 : i32
      %dma_wait3A_375 = tpu.memref_slice %arg7[%dma_wait3A_373, %dma_wait3A_374] : memref<32x1000000xf32, #tpu.memory_space<hbm>> -> memref<32x128xf32, #tpu.memory_space<hbm>>
      %dma_wait3A_376 = arith.constant 0 : i32
      %dma_wait3A_377 = arith.constant 0 : i32
      %dma_wait3A_378 = tpu.memref_slice %arg7[%dma_wait3A_376, %dma_wait3A_377] : memref<32x1000000xf32, #tpu.memory_space<hbm>> -> memref<32x128xf32, #tpu.memory_space<hbm>>
      tpu.wait_dma2 semaphore(%arg30 : memref<!tpu.dma_semaphore, #tpu.memory_space<semaphore_mem>>) src(%dma_wait3A_378 : memref<32x128xf32, #tpu.memory_space<hbm>>) dst(%arg22 : memref<32x128xf32, #tpu.memory_space<vmem>>)
      %slice3A_379 = vector.extract_strided_slice %get3A_33 {offsets = [4], sizes = [1], strides = [1]} : vector<16xi32> to vector<1xi32>
      %squeeze3A_380 = vector.extract %slice3A_379[0] : i32 from vector<1xi32>
      %and3A_381 = arith.constant 127 : i32
      %and3A_382 = arith.andi %squeeze3A_380, %and3A_381 : i32
      %broadcast_in_dim3A_383 = vector.broadcast %and3A_382 : i32 to vector<16xi32>
      %slice3A_384 = vector.extract_strided_slice %get3A_35 {offsets = [4], sizes = [1], strides = [1]} : vector<16xi32> to vector<1xi32>
      %squeeze3A_385 = vector.extract %slice3A_384[0] : i32 from vector<1xi32>
      %and3A_386 = arith.constant 127 : i32
      %and3A_387 = arith.andi %squeeze3A_385, %and3A_386 : i32
      %broadcast_in_dim3A_388 = vector.broadcast %and3A_387 : i32 to vector<16xi32>
      %gather3A_389 = tpu.vector_load_idx %arg18[%iota3A, %broadcast_in_dim3A_383] : memref<32x128xf32, #tpu.memory_space<vmem>>[vector<16xi32>, vector<16xi32>], vector<16xf32>,
      %swap3A_390 = arith.constant 4 : i32
      %swap3A_391 = arith.index_cast %swap3A_390 : i32 to index
      %swap3A_392 = arith.constant 0 : index
      %swap3A_393 = tpu.vector_load %arg14[%swap3A_391, %swap3A_392] {strides = array<i32>} : memref<16x32xf32, #tpu.memory_space<vmem>>, vector<16xf32>,
      tpu.vector_store %arg14[%swap3A_391, %swap3A_392], %gather3A_389 {strides = array<i32>} : memref<16x32xf32, #tpu.memory_space<vmem>>, vector<16xf32>,
      %add3A_394 = arith.constant 16 : i32
      %add3A_395 = vector.broadcast %add3A_394 : i32 to vector<16xi32>
      %add3A_396 = arith.addi %iota3A, %add3A_395 : vector<16xi32>
      %gather3A_397 = tpu.vector_load_idx %arg18[%add3A_396, %broadcast_in_dim3A_383] : memref<32x128xf32, #tpu.memory_space<vmem>>[vector<16xi32>, vector<16xi32>], vector<16xf32>,
      %swap3A_398 = arith.constant 4 : i32
      %swap3A_399 = arith.index_cast %swap3A_398 : i32 to index
      %swap3A_400 = arith.constant 16 : index
      %swap3A_401 = tpu.vector_load %arg14[%swap3A_399, %swap3A_400] {strides = array<i32>} : memref<16x32xf32, #tpu.memory_space<vmem>>, vector<16xf32>,
      tpu.vector_store %arg14[%swap3A_399, %swap3A_400], %gather3A_397 {strides = array<i32>} : memref<16x32xf32, #tpu.memory_space<vmem>>, vector<16xf32>,
      %gather3A_402 = tpu.vector_load_idx %arg22[%iota3A, %broadcast_in_dim3A_388] : memref<32x128xf32, #tpu.memory_space<vmem>>[vector<16xi32>, vector<16xi32>], vector<16xf32>,
      %swap3A_403 = arith.constant 4 : i32
      %swap3A_404 = arith.index_cast %swap3A_403 : i32 to index
      %swap3A_405 = arith.constant 0 : index
      %swap3A_406 = tpu.vector_load %arg15[%swap3A_404, %swap3A_405] {strides = array<i32>} : memref<16x32xf32, #tpu.memory_space<vmem>>, vector<16xf32>,
      tpu.vector_store %arg15[%swap3A_404, %swap3A_405], %gather3A_402 {strides = array<i32>} : memref<16x32xf32, #tpu.memory_space<vmem>>, vector<16xf32>,
      %add3A_407 = arith.constant 16 : i32
      %add3A_408 = vector.broadcast %add3A_407 : i32 to vector<16xi32>
      %add3A_409 = arith.addi %iota3A, %add3A_408 : vector<16xi32>
      %gather3A_410 = tpu.vector_load_idx %arg22[%add3A_409, %broadcast_in_dim3A_388] : memref<32x128xf32, #tpu.memory_space<vmem>>[vector<16xi32>, vector<16xi32>], vector<16xf32>,
      %swap3A_411 = arith.constant 4 : i32
      %swap3A_412 = arith.index_cast %swap3A_411 : i32 to index
      %swap3A_413 = arith.constant 16 : index
      %swap3A_414 = tpu.vector_load %arg15[%swap3A_412, %swap3A_413] {strides = array<i32>} : memref<16x32xf32, #tpu.memory_space<vmem>>, vector<16xf32>,
      tpu.vector_store %arg15[%swap3A_412, %swap3A_413], %gather3A_410 {strides = array<i32>} : memref<16x32xf32, #tpu.memory_space<vmem>>, vector<16xf32>,
      %slice3A_415 = vector.extract_strided_slice %get3A_33 {offsets = [8], sizes = [1], strides = [1]} : vector<16xi32> to vector<1xi32>
      %squeeze3A_416 = vector.extract %slice3A_415[0] : i32 from vector<1xi32>
      %and3A_417 = arith.constant -128 : i32
      %and3A_418 = arith.andi %squeeze3A_416, %and3A_417 : i32
      %multiple_of3A_419 = tpu.assume_multiple %and3A_418, 128 : i32
      %dma_start3A_420 = arith.constant 0 : i32
      %dma_start3A_421 = tpu.memref_slice %arg6[%dma_start3A_420, %multiple_of3A_419] : memref<32x1000000xf32, #tpu.memory_space<hbm>> -> memref<32x128xf32, #tpu.memory_space<hbm>>
      %dma_start3A_422 = arith.constant 0 : i32
      %dma_start3A_423 = tpu.memref_slice %arg6[%dma_start3A_422, %multiple_of3A_419] : memref<32x1000000xf32, #tpu.memory_space<hbm>> -> memref<32x128xf32, #tpu.memory_space<hbm>>
      tpu.enqueue_dma source(%dma_start3A_423 : memref<32x128xf32, #tpu.memory_space<hbm>>) target(%arg18 : memref<32x128xf32, #tpu.memory_space<vmem>>) target_semaphore(%arg26 : memref<!tpu.dma_semaphore, #tpu.memory_space<semaphore_mem>>)
      %slice3A_424 = vector.extract_strided_slice %get3A_35 {offsets = [8], sizes = [1], strides = [1]} : vector<16xi32> to vector<1xi32>
      %squeeze3A_425 = vector.extract %slice3A_424[0] : i32 from vector<1xi32>
      %and3A_426 = arith.constant -128 : i32
      %and3A_427 = arith.andi %squeeze3A_425, %and3A_426 : i32
      %multiple_of3A_428 = tpu.assume_multiple %and3A_427, 128 : i32
      %dma_start3A_429 = arith.constant 0 : i32
      %dma_start3A_430 = tpu.memref_slice %arg7[%dma_start3A_429, %multiple_of3A_428] : memref<32x1000000xf32, #tpu.memory_space<hbm>> -> memref<32x128xf32, #tpu.memory_space<hbm>>
      %dma_start3A_431 = arith.constant 0 : i32
      %dma_start3A_432 = tpu.memref_slice %arg7[%dma_start3A_431, %multiple_of3A_428] : memref<32x1000000xf32, #tpu.memory_space<hbm>> -> memref<32x128xf32, #tpu.memory_space<hbm>>
      tpu.enqueue_dma source(%dma_start3A_432 : memref<32x128xf32, #tpu.memory_space<hbm>>) target(%arg22 : memref<32x128xf32, #tpu.memory_space<vmem>>) target_semaphore(%arg30 : memref<!tpu.dma_semaphore, #tpu.memory_space<semaphore_mem>>)
      %dma_wait3A_433 = arith.constant 0 : i32
      %dma_wait3A_434 = arith.constant 0 : i32
      %dma_wait3A_435 = tpu.memref_slice %arg6[%dma_wait3A_433, %dma_wait3A_434] : memref<32x1000000xf32, #tpu.memory_space<hbm>> -> memref<32x128xf32, #tpu.memory_space<hbm>>
      %dma_wait3A_436 = arith.constant 0 : i32
      %dma_wait3A_437 = arith.constant 0 : i32
      %dma_wait3A_438 = tpu.memref_slice %arg6[%dma_wait3A_436, %dma_wait3A_437] : memref<32x1000000xf32, #tpu.memory_space<hbm>> -> memref<32x128xf32, #tpu.memory_space<hbm>>
      tpu.wait_dma2 semaphore(%arg27 : memref<!tpu.dma_semaphore, #tpu.memory_space<semaphore_mem>>) src(%dma_wait3A_438 : memref<32x128xf32, #tpu.memory_space<hbm>>) dst(%arg19 : memref<32x128xf32, #tpu.memory_space<vmem>>)
      %dma_wait3A_439 = arith.constant 0 : i32
      %dma_wait3A_440 = arith.constant 0 : i32
      %dma_wait3A_441 = tpu.memref_slice %arg7[%dma_wait3A_439, %dma_wait3A_440] : memref<32x1000000xf32, #tpu.memory_space<hbm>> -> memref<32x128xf32, #tpu.memory_space<hbm>>
      %dma_wait3A_442 = arith.constant 0 : i32
      %dma_wait3A_443 = arith.constant 0 : i32
      %dma_wait3A_444 = tpu.memref_slice %arg7[%dma_wait3A_442, %dma_wait3A_443] : memref<32x1000000xf32, #tpu.memory_space<hbm>> -> memref<32x128xf32, #tpu.memory_space<hbm>>
      tpu.wait_dma2 semaphore(%arg31 : memref<!tpu.dma_semaphore, #tpu.memory_space<semaphore_mem>>) src(%dma_wait3A_444 : memref<32x128xf32, #tpu.memory_space<hbm>>) dst(%arg23 : memref<32x128xf32, #tpu.memory_space<vmem>>)
      %slice3A_445 = vector.extract_strided_slice %get3A_33 {offsets = [5], sizes = [1], strides = [1]} : vector<16xi32> to vector<1xi32>
      %squeeze3A_446 = vector.extract %slice3A_445[0] : i32 from vector<1xi32>
      %and3A_447 = arith.constant 127 : i32
      %and3A_448 = arith.andi %squeeze3A_446, %and3A_447 : i32
      %broadcast_in_dim3A_449 = vector.broadcast %and3A_448 : i32 to vector<16xi32>
      %slice3A_450 = vector.extract_strided_slice %get3A_35 {offsets = [5], sizes = [1], strides = [1]} : vector<16xi32> to vector<1xi32>
      %squeeze3A_451 = vector.extract %slice3A_450[0] : i32 from vector<1xi32>
      %and3A_452 = arith.constant 127 : i32
      %and3A_453 = arith.andi %squeeze3A_451, %and3A_452 : i32
      %broadcast_in_dim3A_454 = vector.broadcast %and3A_453 : i32 to vector<16xi32>
      %gather3A_455 = tpu.vector_load_idx %arg19[%iota3A, %broadcast_in_dim3A_449] : memref<32x128xf32, #tpu.memory_space<vmem>>[vector<16xi32>, vector<16xi32>], vector<16xf32>,
      %swap3A_456 = arith.constant 5 : i32
      %swap3A_457 = arith.index_cast %swap3A_456 : i32 to index
      %swap3A_458 = arith.constant 0 : index
      %swap3A_459 = tpu.vector_load %arg14[%swap3A_457, %swap3A_458] {strides = array<i32>} : memref<16x32xf32, #tpu.memory_space<vmem>>, vector<16xf32>,
      tpu.vector_store %arg14[%swap3A_457, %swap3A_458], %gather3A_455 {strides = array<i32>} : memref<16x32xf32, #tpu.memory_space<vmem>>, vector<16xf32>,
      %add3A_460 = arith.constant 16 : i32
      %add3A_461 = vector.broadcast %add3A_460 : i32 to vector<16xi32>
      %add3A_462 = arith.addi %iota3A, %add3A_461 : vector<16xi32>
      %gather3A_463 = tpu.vector_load_idx %arg19[%add3A_462, %broadcast_in_dim3A_449] : memref<32x128xf32, #tpu.memory_space<vmem>>[vector<16xi32>, vector<16xi32>], vector<16xf32>,
      %swap3A_464 = arith.constant 5 : i32
      %swap3A_465 = arith.index_cast %swap3A_464 : i32 to index
      %swap3A_466 = arith.constant 16 : index
      %swap3A_467 = tpu.vector_load %arg14[%swap3A_465, %swap3A_466] {strides = array<i32>} : memref<16x32xf32, #tpu.memory_space<vmem>>, vector<16xf32>,
      tpu.vector_store %arg14[%swap3A_465, %swap3A_466], %gather3A_463 {strides = array<i32>} : memref<16x32xf32, #tpu.memory_space<vmem>>, vector<16xf32>,
      %gather3A_468 = tpu.vector_load_idx %arg23[%iota3A, %broadcast_in_dim3A_454] : memref<32x128xf32, #tpu.memory_space<vmem>>[vector<16xi32>, vector<16xi32>], vector<16xf32>,
      %swap3A_469 = arith.constant 5 : i32
      %swap3A_470 = arith.index_cast %swap3A_469 : i32 to index
      %swap3A_471 = arith.constant 0 : index
      %swap3A_472 = tpu.vector_load %arg15[%swap3A_470, %swap3A_471] {strides = array<i32>} : memref<16x32xf32, #tpu.memory_space<vmem>>, vector<16xf32>,
      tpu.vector_store %arg15[%swap3A_470, %swap3A_471], %gather3A_468 {strides = array<i32>} : memref<16x32xf32, #tpu.memory_space<vmem>>, vector<16xf32>,
      %add3A_473 = arith.constant 16 : i32
      %add3A_474 = vector.broadcast %add3A_473 : i32 to vector<16xi32>
      %add3A_475 = arith.addi %iota3A, %add3A_474 : vector<16xi32>
      %gather3A_476 = tpu.vector_load_idx %arg23[%add3A_475, %broadcast_in_dim3A_454] : memref<32x128xf32, #tpu.memory_space<vmem>>[vector<16xi32>, vector<16xi32>], vector<16xf32>,
      %swap3A_477 = arith.constant 5 : i32
      %swap3A_478 = arith.index_cast %swap3A_477 : i32 to index
      %swap3A_479 = arith.constant 16 : index
      %swap3A_480 = tpu.vector_load %arg15[%swap3A_478, %swap3A_479] {strides = array<i32>} : memref<16x32xf32, #tpu.memory_space<vmem>>, vector<16xf32>,
      tpu.vector_store %arg15[%swap3A_478, %swap3A_479], %gather3A_476 {strides = array<i32>} : memref<16x32xf32, #tpu.memory_space<vmem>>, vector<16xf32>,
      %slice3A_481 = vector.extract_strided_slice %get3A_33 {offsets = [9], sizes = [1], strides = [1]} : vector<16xi32> to vector<1xi32>
      %squeeze3A_482 = vector.extract %slice3A_481[0] : i32 from vector<1xi32>
      %and3A_483 = arith.constant -128 : i32
      %and3A_484 = arith.andi %squeeze3A_482, %and3A_483 : i32
      %multiple_of3A_485 = tpu.assume_multiple %and3A_484, 128 : i32
      %dma_start3A_486 = arith.constant 0 : i32
      %dma_start3A_487 = tpu.memref_slice %arg6[%dma_start3A_486, %multiple_of3A_485] : memref<32x1000000xf32, #tpu.memory_space<hbm>> -> memref<32x128xf32, #tpu.memory_space<hbm>>
      %dma_start3A_488 = arith.constant 0 : i32
      %dma_start3A_489 = tpu.memref_slice %arg6[%dma_start3A_488, %multiple_of3A_485] : memref<32x1000000xf32, #tpu.memory_space<hbm>> -> memref<32x128xf32, #tpu.memory_space<hbm>>
      tpu.enqueue_dma source(%dma_start3A_489 : memref<32x128xf32, #tpu.memory_space<hbm>>) target(%arg19 : memref<32x128xf32, #tpu.memory_space<vmem>>) target_semaphore(%arg27 : memref<!tpu.dma_semaphore, #tpu.memory_space<semaphore_mem>>)
      %slice3A_490 = vector.extract_strided_slice %get3A_35 {offsets = [9], sizes = [1], strides = [1]} : vector<16xi32> to vector<1xi32>
      %squeeze3A_491 = vector.extract %slice3A_490[0] : i32 from vector<1xi32>
      %and3A_492 = arith.constant -128 : i32
      %and3A_493 = arith.andi %squeeze3A_491, %and3A_492 : i32
      %multiple_of3A_494 = tpu.assume_multiple %and3A_493, 128 : i32
      %dma_start3A_495 = arith.constant 0 : i32
      %dma_start3A_496 = tpu.memref_slice %arg7[%dma_start3A_495, %multiple_of3A_494] : memref<32x1000000xf32, #tpu.memory_space<hbm>> -> memref<32x128xf32, #tpu.memory_space<hbm>>
      %dma_start3A_497 = arith.constant 0 : i32
      %dma_start3A_498 = tpu.memref_slice %arg7[%dma_start3A_497, %multiple_of3A_494] : memref<32x1000000xf32, #tpu.memory_space<hbm>> -> memref<32x128xf32, #tpu.memory_space<hbm>>
      tpu.enqueue_dma source(%dma_start3A_498 : memref<32x128xf32, #tpu.memory_space<hbm>>) target(%arg23 : memref<32x128xf32, #tpu.memory_space<vmem>>) target_semaphore(%arg31 : memref<!tpu.dma_semaphore, #tpu.memory_space<semaphore_mem>>)
      %dma_wait3A_499 = arith.constant 0 : i32
      %dma_wait3A_500 = arith.constant 0 : i32
      %dma_wait3A_501 = tpu.memref_slice %arg6[%dma_wait3A_499, %dma_wait3A_500] : memref<32x1000000xf32, #tpu.memory_space<hbm>> -> memref<32x128xf32, #tpu.memory_space<hbm>>
      %dma_wait3A_502 = arith.constant 0 : i32
      %dma_wait3A_503 = arith.constant 0 : i32
      %dma_wait3A_504 = tpu.memref_slice %arg6[%dma_wait3A_502, %dma_wait3A_503] : memref<32x1000000xf32, #tpu.memory_space<hbm>> -> memref<32x128xf32, #tpu.memory_space<hbm>>
      tpu.wait_dma2 semaphore(%arg28 : memref<!tpu.dma_semaphore, #tpu.memory_space<semaphore_mem>>) src(%dma_wait3A_504 : memref<32x128xf32, #tpu.memory_space<hbm>>) dst(%arg20 : memref<32x128xf32, #tpu.memory_space<vmem>>)
      %dma_wait3A_505 = arith.constant 0 : i32
      %dma_wait3A_506 = arith.constant 0 : i32
      %dma_wait3A_507 = tpu.memref_slice %arg7[%dma_wait3A_505, %dma_wait3A_506] : memref<32x1000000xf32, #tpu.memory_space<hbm>> -> memref<32x128xf32, #tpu.memory_space<hbm>>
      %dma_wait3A_508 = arith.constant 0 : i32
      %dma_wait3A_509 = arith.constant 0 : i32
      %dma_wait3A_510 = tpu.memref_slice %arg7[%dma_wait3A_508, %dma_wait3A_509] : memref<32x1000000xf32, #tpu.memory_space<hbm>> -> memref<32x128xf32, #tpu.memory_space<hbm>>
      tpu.wait_dma2 semaphore(%arg32 : memref<!tpu.dma_semaphore, #tpu.memory_space<semaphore_mem>>) src(%dma_wait3A_510 : memref<32x128xf32, #tpu.memory_space<hbm>>) dst(%arg24 : memref<32x128xf32, #tpu.memory_space<vmem>>)
      %slice3A_511 = vector.extract_strided_slice %get3A_33 {offsets = [6], sizes = [1], strides = [1]} : vector<16xi32> to vector<1xi32>
      %squeeze3A_512 = vector.extract %slice3A_511[0] : i32 from vector<1xi32>
      %and3A_513 = arith.constant 127 : i32
      %and3A_514 = arith.andi %squeeze3A_512, %and3A_513 : i32
      %broadcast_in_dim3A_515 = vector.broadcast %and3A_514 : i32 to vector<16xi32>
      %slice3A_516 = vector.extract_strided_slice %get3A_35 {offsets = [6], sizes = [1], strides = [1]} : vector<16xi32> to vector<1xi32>
      %squeeze3A_517 = vector.extract %slice3A_516[0] : i32 from vector<1xi32>
      %and3A_518 = arith.constant 127 : i32
      %and3A_519 = arith.andi %squeeze3A_517, %and3A_518 : i32
      %broadcast_in_dim3A_520 = vector.broadcast %and3A_519 : i32 to vector<16xi32>
      %gather3A_521 = tpu.vector_load_idx %arg20[%iota3A, %broadcast_in_dim3A_515] : memref<32x128xf32, #tpu.memory_space<vmem>>[vector<16xi32>, vector<16xi32>], vector<16xf32>,
      %swap3A_522 = arith.constant 6 : i32
      %swap3A_523 = arith.index_cast %swap3A_522 : i32 to index
      %swap3A_524 = arith.constant 0 : index
      %swap3A_525 = tpu.vector_load %arg14[%swap3A_523, %swap3A_524] {strides = array<i32>} : memref<16x32xf32, #tpu.memory_space<vmem>>, vector<16xf32>,
      tpu.vector_store %arg14[%swap3A_523, %swap3A_524], %gather3A_521 {strides = array<i32>} : memref<16x32xf32, #tpu.memory_space<vmem>>, vector<16xf32>,
      %add3A_526 = arith.constant 16 : i32
      %add3A_527 = vector.broadcast %add3A_526 : i32 to vector<16xi32>
      %add3A_528 = arith.addi %iota3A, %add3A_527 : vector<16xi32>
      %gather3A_529 = tpu.vector_load_idx %arg20[%add3A_528, %broadcast_in_dim3A_515] : memref<32x128xf32, #tpu.memory_space<vmem>>[vector<16xi32>, vector<16xi32>], vector<16xf32>,
      %swap3A_530 = arith.constant 6 : i32
      %swap3A_531 = arith.index_cast %swap3A_530 : i32 to index
      %swap3A_532 = arith.constant 16 : index
      %swap3A_533 = tpu.vector_load %arg14[%swap3A_531, %swap3A_532] {strides = array<i32>} : memref<16x32xf32, #tpu.memory_space<vmem>>, vector<16xf32>,
      tpu.vector_store %arg14[%swap3A_531, %swap3A_532], %gather3A_529 {strides = array<i32>} : memref<16x32xf32, #tpu.memory_space<vmem>>, vector<16xf32>,
      %gather3A_534 = tpu.vector_load_idx %arg24[%iota3A, %broadcast_in_dim3A_520] : memref<32x128xf32, #tpu.memory_space<vmem>>[vector<16xi32>, vector<16xi32>], vector<16xf32>,
      %swap3A_535 = arith.constant 6 : i32
      %swap3A_536 = arith.index_cast %swap3A_535 : i32 to index
      %swap3A_537 = arith.constant 0 : index
      %swap3A_538 = tpu.vector_load %arg15[%swap3A_536, %swap3A_537] {strides = array<i32>} : memref<16x32xf32, #tpu.memory_space<vmem>>, vector<16xf32>,
      tpu.vector_store %arg15[%swap3A_536, %swap3A_537], %gather3A_534 {strides = array<i32>} : memref<16x32xf32, #tpu.memory_space<vmem>>, vector<16xf32>,
      %add3A_539 = arith.constant 16 : i32
      %add3A_540 = vector.broadcast %add3A_539 : i32 to vector<16xi32>
      %add3A_541 = arith.addi %iota3A, %add3A_540 : vector<16xi32>
      %gather3A_542 = tpu.vector_load_idx %arg24[%add3A_541, %broadcast_in_dim3A_520] : memref<32x128xf32, #tpu.memory_space<vmem>>[vector<16xi32>, vector<16xi32>], vector<16xf32>,
      %swap3A_543 = arith.constant 6 : i32
      %swap3A_544 = arith.index_cast %swap3A_543 : i32 to index
      %swap3A_545 = arith.constant 16 : index
      %swap3A_546 = tpu.vector_load %arg15[%swap3A_544, %swap3A_545] {strides = array<i32>} : memref<16x32xf32, #tpu.memory_space<vmem>>, vector<16xf32>,
      tpu.vector_store %arg15[%swap3A_544, %swap3A_545], %gather3A_542 {strides = array<i32>} : memref<16x32xf32, #tpu.memory_space<vmem>>, vector<16xf32>,
      %slice3A_547 = vector.extract_strided_slice %get3A_33 {offsets = [10], sizes = [1], strides = [1]} : vector<16xi32> to vector<1xi32>
      %squeeze3A_548 = vector.extract %slice3A_547[0] : i32 from vector<1xi32>
      %and3A_549 = arith.constant -128 : i32
      %and3A_550 = arith.andi %squeeze3A_548, %and3A_549 : i32
      %multiple_of3A_551 = tpu.assume_multiple %and3A_550, 128 : i32
      %dma_start3A_552 = arith.constant 0 : i32
      %dma_start3A_553 = tpu.memref_slice %arg6[%dma_start3A_552, %multiple_of3A_551] : memref<32x1000000xf32, #tpu.memory_space<hbm>> -> memref<32x128xf32, #tpu.memory_space<hbm>>
      %dma_start3A_554 = arith.constant 0 : i32
      %dma_start3A_555 = tpu.memref_slice %arg6[%dma_start3A_554, %multiple_of3A_551] : memref<32x1000000xf32, #tpu.memory_space<hbm>> -> memref<32x128xf32, #tpu.memory_space<hbm>>
      tpu.enqueue_dma source(%dma_start3A_555 : memref<32x128xf32, #tpu.memory_space<hbm>>) target(%arg20 : memref<32x128xf32, #tpu.memory_space<vmem>>) target_semaphore(%arg28 : memref<!tpu.dma_semaphore, #tpu.memory_space<semaphore_mem>>)
      %slice3A_556 = vector.extract_strided_slice %get3A_35 {offsets = [10], sizes = [1], strides = [1]} : vector<16xi32> to vector<1xi32>
      %squeeze3A_557 = vector.extract %slice3A_556[0] : i32 from vector<1xi32>
      %and3A_558 = arith.constant -128 : i32
      %and3A_559 = arith.andi %squeeze3A_557, %and3A_558 : i32
      %multiple_of3A_560 = tpu.assume_multiple %and3A_559, 128 : i32
      %dma_start3A_561 = arith.constant 0 : i32
      %dma_start3A_562 = tpu.memref_slice %arg7[%dma_start3A_561, %multiple_of3A_560] : memref<32x1000000xf32, #tpu.memory_space<hbm>> -> memref<32x128xf32, #tpu.memory_space<hbm>>
      %dma_start3A_563 = arith.constant 0 : i32
      %dma_start3A_564 = tpu.memref_slice %arg7[%dma_start3A_563, %multiple_of3A_560] : memref<32x1000000xf32, #tpu.memory_space<hbm>> -> memref<32x128xf32, #tpu.memory_space<hbm>>
      tpu.enqueue_dma source(%dma_start3A_564 : memref<32x128xf32, #tpu.memory_space<hbm>>) target(%arg24 : memref<32x128xf32, #tpu.memory_space<vmem>>) target_semaphore(%arg32 : memref<!tpu.dma_semaphore, #tpu.memory_space<semaphore_mem>>)
      %dma_wait3A_565 = arith.constant 0 : i32
      %dma_wait3A_566 = arith.constant 0 : i32
      %dma_wait3A_567 = tpu.memref_slice %arg6[%dma_wait3A_565, %dma_wait3A_566] : memref<32x1000000xf32, #tpu.memory_space<hbm>> -> memref<32x128xf32, #tpu.memory_space<hbm>>
      %dma_wait3A_568 = arith.constant 0 : i32
      %dma_wait3A_569 = arith.constant 0 : i32
      %dma_wait3A_570 = tpu.memref_slice %arg6[%dma_wait3A_568, %dma_wait3A_569] : memref<32x1000000xf32, #tpu.memory_space<hbm>> -> memref<32x128xf32, #tpu.memory_space<hbm>>
      tpu.wait_dma2 semaphore(%arg29 : memref<!tpu.dma_semaphore, #tpu.memory_space<semaphore_mem>>) src(%dma_wait3A_570 : memref<32x128xf32, #tpu.memory_space<hbm>>) dst(%arg21 : memref<32x128xf32, #tpu.memory_space<vmem>>)
      %dma_wait3A_571 = arith.constant 0 : i32
      %dma_wait3A_572 = arith.constant 0 : i32
      %dma_wait3A_573 = tpu.memref_slice %arg7[%dma_wait3A_571, %dma_wait3A_572] : memref<32x1000000xf32, #tpu.memory_space<hbm>> -> memref<32x128xf32, #tpu.memory_space<hbm>>
      %dma_wait3A_574 = arith.constant 0 : i32
      %dma_wait3A_575 = arith.constant 0 : i32
      %dma_wait3A_576 = tpu.memref_slice %arg7[%dma_wait3A_574, %dma_wait3A_575] : memref<32x1000000xf32, #tpu.memory_space<hbm>> -> memref<32x128xf32, #tpu.memory_space<hbm>>
      tpu.wait_dma2 semaphore(%arg33 : memref<!tpu.dma_semaphore, #tpu.memory_space<semaphore_mem>>) src(%dma_wait3A_576 : memref<32x128xf32, #tpu.memory_space<hbm>>) dst(%arg25 : memref<32x128xf32, #tpu.memory_space<vmem>>)
      %slice3A_577 = vector.extract_strided_slice %get3A_33 {offsets = [7], sizes = [1], strides = [1]} : vector<16xi32> to vector<1xi32>
      %squeeze3A_578 = vector.extract %slice3A_577[0] : i32 from vector<1xi32>
      %and3A_579 = arith.constant 127 : i32
      %and3A_580 = arith.andi %squeeze3A_578, %and3A_579 : i32
      %broadcast_in_dim3A_581 = vector.broadcast %and3A_580 : i32 to vector<16xi32>
      %slice3A_582 = vector.extract_strided_slice %get3A_35 {offsets = [7], sizes = [1], strides = [1]} : vector<16xi32> to vector<1xi32>
      %squeeze3A_583 = vector.extract %slice3A_582[0] : i32 from vector<1xi32>
      %and3A_584 = arith.constant 127 : i32
      %and3A_585 = arith.andi %squeeze3A_583, %and3A_584 : i32
      %broadcast_in_dim3A_586 = vector.broadcast %and3A_585 : i32 to vector<16xi32>
      %gather3A_587 = tpu.vector_load_idx %arg21[%iota3A, %broadcast_in_dim3A_581] : memref<32x128xf32, #tpu.memory_space<vmem>>[vector<16xi32>, vector<16xi32>], vector<16xf32>,
      %swap3A_588 = arith.constant 7 : i32
      %swap3A_589 = arith.index_cast %swap3A_588 : i32 to index
      %swap3A_590 = arith.constant 0 : index
      %swap3A_591 = tpu.vector_load %arg14[%swap3A_589, %swap3A_590] {strides = array<i32>} : memref<16x32xf32, #tpu.memory_space<vmem>>, vector<16xf32>,
      tpu.vector_store %arg14[%swap3A_589, %swap3A_590], %gather3A_587 {strides = array<i32>} : memref<16x32xf32, #tpu.memory_space<vmem>>, vector<16xf32>,
      %add3A_592 = arith.constant 16 : i32
      %add3A_593 = vector.broadcast %add3A_592 : i32 to vector<16xi32>
      %add3A_594 = arith.addi %iota3A, %add3A_593 : vector<16xi32>
      %gather3A_595 = tpu.vector_load_idx %arg21[%add3A_594, %broadcast_in_dim3A_581] : memref<32x128xf32, #tpu.memory_space<vmem>>[vector<16xi32>, vector<16xi32>], vector<16xf32>,
      %swap3A_596 = arith.constant 7 : i32
      %swap3A_597 = arith.index_cast %swap3A_596 : i32 to index
      %swap3A_598 = arith.constant 16 : index
      %swap3A_599 = tpu.vector_load %arg14[%swap3A_597, %swap3A_598] {strides = array<i32>} : memref<16x32xf32, #tpu.memory_space<vmem>>, vector<16xf32>,
      tpu.vector_store %arg14[%swap3A_597, %swap3A_598], %gather3A_595 {strides = array<i32>} : memref<16x32xf32, #tpu.memory_space<vmem>>, vector<16xf32>,
      %gather3A_600 = tpu.vector_load_idx %arg25[%iota3A, %broadcast_in_dim3A_586] : memref<32x128xf32, #tpu.memory_space<vmem>>[vector<16xi32>, vector<16xi32>], vector<16xf32>,
      %swap3A_601 = arith.constant 7 : i32
      %swap3A_602 = arith.index_cast %swap3A_601 : i32 to index
      %swap3A_603 = arith.constant 0 : index
      %swap3A_604 = tpu.vector_load %arg15[%swap3A_602, %swap3A_603] {strides = array<i32>} : memref<16x32xf32, #tpu.memory_space<vmem>>, vector<16xf32>,
      tpu.vector_store %arg15[%swap3A_602, %swap3A_603], %gather3A_600 {strides = array<i32>} : memref<16x32xf32, #tpu.memory_space<vmem>>, vector<16xf32>,
      %add3A_605 = arith.constant 16 : i32
      %add3A_606 = vector.broadcast %add3A_605 : i32 to vector<16xi32>
      %add3A_607 = arith.addi %iota3A, %add3A_606 : vector<16xi32>
      %gather3A_608 = tpu.vector_load_idx %arg25[%add3A_607, %broadcast_in_dim3A_586] : memref<32x128xf32, #tpu.memory_space<vmem>>[vector<16xi32>, vector<16xi32>], vector<16xf32>,
      %swap3A_609 = arith.constant 7 : i32
      %swap3A_610 = arith.index_cast %swap3A_609 : i32 to index
      %swap3A_611 = arith.constant 16 : index
      %swap3A_612 = tpu.vector_load %arg15[%swap3A_610, %swap3A_611] {strides = array<i32>} : memref<16x32xf32, #tpu.memory_space<vmem>>, vector<16xf32>,
      tpu.vector_store %arg15[%swap3A_610, %swap3A_611], %gather3A_608 {strides = array<i32>} : memref<16x32xf32, #tpu.memory_space<vmem>>, vector<16xf32>,
      %slice3A_613 = vector.extract_strided_slice %get3A_33 {offsets = [11], sizes = [1], strides = [1]} : vector<16xi32> to vector<1xi32>
      %squeeze3A_614 = vector.extract %slice3A_613[0] : i32 from vector<1xi32>
      %and3A_615 = arith.constant -128 : i32
      %and3A_616 = arith.andi %squeeze3A_614, %and3A_615 : i32
      %multiple_of3A_617 = tpu.assume_multiple %and3A_616, 128 : i32
      %dma_start3A_618 = arith.constant 0 : i32
      %dma_start3A_619 = tpu.memref_slice %arg6[%dma_start3A_618, %multiple_of3A_617] : memref<32x1000000xf32, #tpu.memory_space<hbm>> -> memref<32x128xf32, #tpu.memory_space<hbm>>
      %dma_start3A_620 = arith.constant 0 : i32
      %dma_start3A_621 = tpu.memref_slice %arg6[%dma_start3A_620, %multiple_of3A_617] : memref<32x1000000xf32, #tpu.memory_space<hbm>> -> memref<32x128xf32, #tpu.memory_space<hbm>>
      tpu.enqueue_dma source(%dma_start3A_621 : memref<32x128xf32, #tpu.memory_space<hbm>>) target(%arg21 : memref<32x128xf32, #tpu.memory_space<vmem>>) target_semaphore(%arg29 : memref<!tpu.dma_semaphore, #tpu.memory_space<semaphore_mem>>)
      %slice3A_622 = vector.extract_strided_slice %get3A_35 {offsets = [11], sizes = [1], strides = [1]} : vector<16xi32> to vector<1xi32>
      %squeeze3A_623 = vector.extract %slice3A_622[0] : i32 from vector<1xi32>
      %and3A_624 = arith.constant -128 : i32
      %and3A_625 = arith.andi %squeeze3A_623, %and3A_624 : i32
      %multiple_of3A_626 = tpu.assume_multiple %and3A_625, 128 : i32
      %dma_start3A_627 = arith.constant 0 : i32
      %dma_start3A_628 = tpu.memref_slice %arg7[%dma_start3A_627, %multiple_of3A_626] : memref<32x1000000xf32, #tpu.memory_space<hbm>> -> memref<32x128xf32, #tpu.memory_space<hbm>>
      %dma_start3A_629 = arith.constant 0 : i32
      %dma_start3A_630 = tpu.memref_slice %arg7[%dma_start3A_629, %multiple_of3A_626] : memref<32x1000000xf32, #tpu.memory_space<hbm>> -> memref<32x128xf32, #tpu.memory_space<hbm>>
      tpu.enqueue_dma source(%dma_start3A_630 : memref<32x128xf32, #tpu.memory_space<hbm>>) target(%arg25 : memref<32x128xf32, #tpu.memory_space<vmem>>) target_semaphore(%arg33 : memref<!tpu.dma_semaphore, #tpu.memory_space<semaphore_mem>>)
      %dma_wait3A_631 = arith.constant 0 : i32
      %dma_wait3A_632 = arith.constant 0 : i32
      %dma_wait3A_633 = tpu.memref_slice %arg6[%dma_wait3A_631, %dma_wait3A_632] : memref<32x1000000xf32, #tpu.memory_space<hbm>> -> memref<32x128xf32, #tpu.memory_space<hbm>>
      %dma_wait3A_634 = arith.constant 0 : i32
      %dma_wait3A_635 = arith.constant 0 : i32
      %dma_wait3A_636 = tpu.memref_slice %arg6[%dma_wait3A_634, %dma_wait3A_635] : memref<32x1000000xf32, #tpu.memory_space<hbm>> -> memref<32x128xf32, #tpu.memory_space<hbm>>
      tpu.wait_dma2 semaphore(%arg26 : memref<!tpu.dma_semaphore, #tpu.memory_space<semaphore_mem>>) src(%dma_wait3A_636 : memref<32x128xf32, #tpu.memory_space<hbm>>) dst(%arg18 : memref<32x128xf32, #tpu.memory_space<vmem>>)
      %dma_wait3A_637 = arith.constant 0 : i32
      %dma_wait3A_638 = arith.constant 0 : i32
      %dma_wait3A_639 = tpu.memref_slice %arg7[%dma_wait3A_637, %dma_wait3A_638] : memref<32x1000000xf32, #tpu.memory_space<hbm>> -> memref<32x128xf32, #tpu.memory_space<hbm>>
      %dma_wait3A_640 = arith.constant 0 : i32
      %dma_wait3A_641 = arith.constant 0 : i32
      %dma_wait3A_642 = tpu.memref_slice %arg7[%dma_wait3A_640, %dma_wait3A_641] : memref<32x1000000xf32, #tpu.memory_space<hbm>> -> memref<32x128xf32, #tpu.memory_space<hbm>>
      tpu.wait_dma2 semaphore(%arg30 : memref<!tpu.dma_semaphore, #tpu.memory_space<semaphore_mem>>) src(%dma_wait3A_642 : memref<32x128xf32, #tpu.memory_space<hbm>>) dst(%arg22 : memref<32x128xf32, #tpu.memory_space<vmem>>)
      %slice3A_643 = vector.extract_strided_slice %get3A_33 {offsets = [8], sizes = [1], strides = [1]} : vector<16xi32> to vector<1xi32>
      %squeeze3A_644 = vector.extract %slice3A_643[0] : i32 from vector<1xi32>
      %and3A_645 = arith.constant 127 : i32
      %and3A_646 = arith.andi %squeeze3A_644, %and3A_645 : i32
      %broadcast_in_dim3A_647 = vector.broadcast %and3A_646 : i32 to vector<16xi32>
      %slice3A_648 = vector.extract_strided_slice %get3A_35 {offsets = [8], sizes = [1], strides = [1]} : vector<16xi32> to vector<1xi32>
      %squeeze3A_649 = vector.extract %slice3A_648[0] : i32 from vector<1xi32>
      %and3A_650 = arith.constant 127 : i32
      %and3A_651 = arith.andi %squeeze3A_649, %and3A_650 : i32
      %broadcast_in_dim3A_652 = vector.broadcast %and3A_651 : i32 to vector<16xi32>
      %gather3A_653 = tpu.vector_load_idx %arg18[%iota3A, %broadcast_in_dim3A_647] : memref<32x128xf32, #tpu.memory_space<vmem>>[vector<16xi32>, vector<16xi32>], vector<16xf32>,
      %swap3A_654 = arith.constant 8 : i32
      %swap3A_655 = arith.index_cast %swap3A_654 : i32 to index
      %swap3A_656 = arith.constant 0 : index
      %swap3A_657 = tpu.vector_load %arg14[%swap3A_655, %swap3A_656] {strides = array<i32>} : memref<16x32xf32, #tpu.memory_space<vmem>>, vector<16xf32>,
      tpu.vector_store %arg14[%swap3A_655, %swap3A_656], %gather3A_653 {strides = array<i32>} : memref<16x32xf32, #tpu.memory_space<vmem>>, vector<16xf32>,
      %add3A_658 = arith.constant 16 : i32
      %add3A_659 = vector.broadcast %add3A_658 : i32 to vector<16xi32>
      %add3A_660 = arith.addi %iota3A, %add3A_659 : vector<16xi32>
      %gather3A_661 = tpu.vector_load_idx %arg18[%add3A_660, %broadcast_in_dim3A_647] : memref<32x128xf32, #tpu.memory_space<vmem>>[vector<16xi32>, vector<16xi32>], vector<16xf32>,
      %swap3A_662 = arith.constant 8 : i32
      %swap3A_663 = arith.index_cast %swap3A_662 : i32 to index
      %swap3A_664 = arith.constant 16 : index
      %swap3A_665 = tpu.vector_load %arg14[%swap3A_663, %swap3A_664] {strides = array<i32>} : memref<16x32xf32, #tpu.memory_space<vmem>>, vector<16xf32>,
      tpu.vector_store %arg14[%swap3A_663, %swap3A_664], %gather3A_661 {strides = array<i32>} : memref<16x32xf32, #tpu.memory_space<vmem>>, vector<16xf32>,
      %gather3A_666 = tpu.vector_load_idx %arg22[%iota3A, %broadcast_in_dim3A_652] : memref<32x128xf32, #tpu.memory_space<vmem>>[vector<16xi32>, vector<16xi32>], vector<16xf32>,
      %swap3A_667 = arith.constant 8 : i32
      %swap3A_668 = arith.index_cast %swap3A_667 : i32 to index
      %swap3A_669 = arith.constant 0 : index
      %swap3A_670 = tpu.vector_load %arg15[%swap3A_668, %swap3A_669] {strides = array<i32>} : memref<16x32xf32, #tpu.memory_space<vmem>>, vector<16xf32>,
      tpu.vector_store %arg15[%swap3A_668, %swap3A_669], %gather3A_666 {strides = array<i32>} : memref<16x32xf32, #tpu.memory_space<vmem>>, vector<16xf32>,
      %add3A_671 = arith.constant 16 : i32
      %add3A_672 = vector.broadcast %add3A_671 : i32 to vector<16xi32>
      %add3A_673 = arith.addi %iota3A, %add3A_672 : vector<16xi32>
      %gather3A_674 = tpu.vector_load_idx %arg22[%add3A_673, %broadcast_in_dim3A_652] : memref<32x128xf32, #tpu.memory_space<vmem>>[vector<16xi32>, vector<16xi32>], vector<16xf32>,
      %swap3A_675 = arith.constant 8 : i32
      %swap3A_676 = arith.index_cast %swap3A_675 : i32 to index
      %swap3A_677 = arith.constant 16 : index
      %swap3A_678 = tpu.vector_load %arg15[%swap3A_676, %swap3A_677] {strides = array<i32>} : memref<16x32xf32, #tpu.memory_space<vmem>>, vector<16xf32>,
      tpu.vector_store %arg15[%swap3A_676, %swap3A_677], %gather3A_674 {strides = array<i32>} : memref<16x32xf32, #tpu.memory_space<vmem>>, vector<16xf32>,
      %slice3A_679 = vector.extract_strided_slice %get3A_33 {offsets = [12], sizes = [1], strides = [1]} : vector<16xi32> to vector<1xi32>
      %squeeze3A_680 = vector.extract %slice3A_679[0] : i32 from vector<1xi32>
      %and3A_681 = arith.constant -128 : i32
      %and3A_682 = arith.andi %squeeze3A_680, %and3A_681 : i32
      %multiple_of3A_683 = tpu.assume_multiple %and3A_682, 128 : i32
      %dma_start3A_684 = arith.constant 0 : i32
      %dma_start3A_685 = tpu.memref_slice %arg6[%dma_start3A_684, %multiple_of3A_683] : memref<32x1000000xf32, #tpu.memory_space<hbm>> -> memref<32x128xf32, #tpu.memory_space<hbm>>
      %dma_start3A_686 = arith.constant 0 : i32
      %dma_start3A_687 = tpu.memref_slice %arg6[%dma_start3A_686, %multiple_of3A_683] : memref<32x1000000xf32, #tpu.memory_space<hbm>> -> memref<32x128xf32, #tpu.memory_space<hbm>>
      tpu.enqueue_dma source(%dma_start3A_687 : memref<32x128xf32, #tpu.memory_space<hbm>>) target(%arg18 : memref<32x128xf32, #tpu.memory_space<vmem>>) target_semaphore(%arg26 : memref<!tpu.dma_semaphore, #tpu.memory_space<semaphore_mem>>)
      %slice3A_688 = vector.extract_strided_slice %get3A_35 {offsets = [12], sizes = [1], strides = [1]} : vector<16xi32> to vector<1xi32>
      %squeeze3A_689 = vector.extract %slice3A_688[0] : i32 from vector<1xi32>
      %and3A_690 = arith.constant -128 : i32
      %and3A_691 = arith.andi %squeeze3A_689, %and3A_690 : i32
      %multiple_of3A_692 = tpu.assume_multiple %and3A_691, 128 : i32
      %dma_start3A_693 = arith.constant 0 : i32
      %dma_start3A_694 = tpu.memref_slice %arg7[%dma_start3A_693, %multiple_of3A_692] : memref<32x1000000xf32, #tpu.memory_space<hbm>> -> memref<32x128xf32, #tpu.memory_space<hbm>>
      %dma_start3A_695 = arith.constant 0 : i32
      %dma_start3A_696 = tpu.memref_slice %arg7[%dma_start3A_695, %multiple_of3A_692] : memref<32x1000000xf32, #tpu.memory_space<hbm>> -> memref<32x128xf32, #tpu.memory_space<hbm>>
      tpu.enqueue_dma source(%dma_start3A_696 : memref<32x128xf32, #tpu.memory_space<hbm>>) target(%arg22 : memref<32x128xf32, #tpu.memory_space<vmem>>) target_semaphore(%arg30 : memref<!tpu.dma_semaphore, #tpu.memory_space<semaphore_mem>>)
      %dma_wait3A_697 = arith.constant 0 : i32
      %dma_wait3A_698 = arith.constant 0 : i32
      %dma_wait3A_699 = tpu.memref_slice %arg6[%dma_wait3A_697, %dma_wait3A_698] : memref<32x1000000xf32, #tpu.memory_space<hbm>> -> memref<32x128xf32, #tpu.memory_space<hbm>>
      %dma_wait3A_700 = arith.constant 0 : i32
      %dma_wait3A_701 = arith.constant 0 : i32
      %dma_wait3A_702 = tpu.memref_slice %arg6[%dma_wait3A_700, %dma_wait3A_701] : memref<32x1000000xf32, #tpu.memory_space<hbm>> -> memref<32x128xf32, #tpu.memory_space<hbm>>
      tpu.wait_dma2 semaphore(%arg27 : memref<!tpu.dma_semaphore, #tpu.memory_space<semaphore_mem>>) src(%dma_wait3A_702 : memref<32x128xf32, #tpu.memory_space<hbm>>) dst(%arg19 : memref<32x128xf32, #tpu.memory_space<vmem>>)
      %dma_wait3A_703 = arith.constant 0 : i32
      %dma_wait3A_704 = arith.constant 0 : i32
      %dma_wait3A_705 = tpu.memref_slice %arg7[%dma_wait3A_703, %dma_wait3A_704] : memref<32x1000000xf32, #tpu.memory_space<hbm>> -> memref<32x128xf32, #tpu.memory_space<hbm>>
      %dma_wait3A_706 = arith.constant 0 : i32
      %dma_wait3A_707 = arith.constant 0 : i32
      %dma_wait3A_708 = tpu.memref_slice %arg7[%dma_wait3A_706, %dma_wait3A_707] : memref<32x1000000xf32, #tpu.memory_space<hbm>> -> memref<32x128xf32, #tpu.memory_space<hbm>>
      tpu.wait_dma2 semaphore(%arg31 : memref<!tpu.dma_semaphore, #tpu.memory_space<semaphore_mem>>) src(%dma_wait3A_708 : memref<32x128xf32, #tpu.memory_space<hbm>>) dst(%arg23 : memref<32x128xf32, #tpu.memory_space<vmem>>)
      %slice3A_709 = vector.extract_strided_slice %get3A_33 {offsets = [9], sizes = [1], strides = [1]} : vector<16xi32> to vector<1xi32>
      %squeeze3A_710 = vector.extract %slice3A_709[0] : i32 from vector<1xi32>
      %and3A_711 = arith.constant 127 : i32
      %and3A_712 = arith.andi %squeeze3A_710, %and3A_711 : i32
      %broadcast_in_dim3A_713 = vector.broadcast %and3A_712 : i32 to vector<16xi32>
      %slice3A_714 = vector.extract_strided_slice %get3A_35 {offsets = [9], sizes = [1], strides = [1]} : vector<16xi32> to vector<1xi32>
      %squeeze3A_715 = vector.extract %slice3A_714[0] : i32 from vector<1xi32>
      %and3A_716 = arith.constant 127 : i32
      %and3A_717 = arith.andi %squeeze3A_715, %and3A_716 : i32
      %broadcast_in_dim3A_718 = vector.broadcast %and3A_717 : i32 to vector<16xi32>
      %gather3A_719 = tpu.vector_load_idx %arg19[%iota3A, %broadcast_in_dim3A_713] : memref<32x128xf32, #tpu.memory_space<vmem>>[vector<16xi32>, vector<16xi32>], vector<16xf32>,
      %swap3A_720 = arith.constant 9 : i32
      %swap3A_721 = arith.index_cast %swap3A_720 : i32 to index
      %swap3A_722 = arith.constant 0 : index
      %swap3A_723 = tpu.vector_load %arg14[%swap3A_721, %swap3A_722] {strides = array<i32>} : memref<16x32xf32, #tpu.memory_space<vmem>>, vector<16xf32>,
      tpu.vector_store %arg14[%swap3A_721, %swap3A_722], %gather3A_719 {strides = array<i32>} : memref<16x32xf32, #tpu.memory_space<vmem>>, vector<16xf32>,
      %add3A_724 = arith.constant 16 : i32
      %add3A_725 = vector.broadcast %add3A_724 : i32 to vector<16xi32>
      %add3A_726 = arith.addi %iota3A, %add3A_725 : vector<16xi32>
      %gather3A_727 = tpu.vector_load_idx %arg19[%add3A_726, %broadcast_in_dim3A_713] : memref<32x128xf32, #tpu.memory_space<vmem>>[vector<16xi32>, vector<16xi32>], vector<16xf32>,
      %swap3A_728 = arith.constant 9 : i32
      %swap3A_729 = arith.index_cast %swap3A_728 : i32 to index
      %swap3A_730 = arith.constant 16 : index
      %swap3A_731 = tpu.vector_load %arg14[%swap3A_729, %swap3A_730] {strides = array<i32>} : memref<16x32xf32, #tpu.memory_space<vmem>>, vector<16xf32>,
      tpu.vector_store %arg14[%swap3A_729, %swap3A_730], %gather3A_727 {strides = array<i32>} : memref<16x32xf32, #tpu.memory_space<vmem>>, vector<16xf32>,
      %gather3A_732 = tpu.vector_load_idx %arg23[%iota3A, %broadcast_in_dim3A_718] : memref<32x128xf32, #tpu.memory_space<vmem>>[vector<16xi32>, vector<16xi32>], vector<16xf32>,
      %swap3A_733 = arith.constant 9 : i32
      %swap3A_734 = arith.index_cast %swap3A_733 : i32 to index
      %swap3A_735 = arith.constant 0 : index
      %swap3A_736 = tpu.vector_load %arg15[%swap3A_734, %swap3A_735] {strides = array<i32>} : memref<16x32xf32, #tpu.memory_space<vmem>>, vector<16xf32>,
      tpu.vector_store %arg15[%swap3A_734, %swap3A_735], %gather3A_732 {strides = array<i32>} : memref<16x32xf32, #tpu.memory_space<vmem>>, vector<16xf32>,
      %add3A_737 = arith.constant 16 : i32
      %add3A_738 = vector.broadcast %add3A_737 : i32 to vector<16xi32>
      %add3A_739 = arith.addi %iota3A, %add3A_738 : vector<16xi32>
      %gather3A_740 = tpu.vector_load_idx %arg23[%add3A_739, %broadcast_in_dim3A_718] : memref<32x128xf32, #tpu.memory_space<vmem>>[vector<16xi32>, vector<16xi32>], vector<16xf32>,
      %swap3A_741 = arith.constant 9 : i32
      %swap3A_742 = arith.index_cast %swap3A_741 : i32 to index
      %swap3A_743 = arith.constant 16 : index
      %swap3A_744 = tpu.vector_load %arg15[%swap3A_742, %swap3A_743] {strides = array<i32>} : memref<16x32xf32, #tpu.memory_space<vmem>>, vector<16xf32>,
      tpu.vector_store %arg15[%swap3A_742, %swap3A_743], %gather3A_740 {strides = array<i32>} : memref<16x32xf32, #tpu.memory_space<vmem>>, vector<16xf32>,
      %slice3A_745 = vector.extract_strided_slice %get3A_33 {offsets = [13], sizes = [1], strides = [1]} : vector<16xi32> to vector<1xi32>
      %squeeze3A_746 = vector.extract %slice3A_745[0] : i32 from vector<1xi32>
      %and3A_747 = arith.constant -128 : i32
      %and3A_748 = arith.andi %squeeze3A_746, %and3A_747 : i32
      %multiple_of3A_749 = tpu.assume_multiple %and3A_748, 128 : i32
      %dma_start3A_750 = arith.constant 0 : i32
      %dma_start3A_751 = tpu.memref_slice %arg6[%dma_start3A_750, %multiple_of3A_749] : memref<32x1000000xf32, #tpu.memory_space<hbm>> -> memref<32x128xf32, #tpu.memory_space<hbm>>
      %dma_start3A_752 = arith.constant 0 : i32
      %dma_start3A_753 = tpu.memref_slice %arg6[%dma_start3A_752, %multiple_of3A_749] : memref<32x1000000xf32, #tpu.memory_space<hbm>> -> memref<32x128xf32, #tpu.memory_space<hbm>>
      tpu.enqueue_dma source(%dma_start3A_753 : memref<32x128xf32, #tpu.memory_space<hbm>>) target(%arg19 : memref<32x128xf32, #tpu.memory_space<vmem>>) target_semaphore(%arg27 : memref<!tpu.dma_semaphore, #tpu.memory_space<semaphore_mem>>)
      %slice3A_754 = vector.extract_strided_slice %get3A_35 {offsets = [13], sizes = [1], strides = [1]} : vector<16xi32> to vector<1xi32>
      %squeeze3A_755 = vector.extract %slice3A_754[0] : i32 from vector<1xi32>
      %and3A_756 = arith.constant -128 : i32
      %and3A_757 = arith.andi %squeeze3A_755, %and3A_756 : i32
      %multiple_of3A_758 = tpu.assume_multiple %and3A_757, 128 : i32
      %dma_start3A_759 = arith.constant 0 : i32
      %dma_start3A_760 = tpu.memref_slice %arg7[%dma_start3A_759, %multiple_of3A_758] : memref<32x1000000xf32, #tpu.memory_space<hbm>> -> memref<32x128xf32, #tpu.memory_space<hbm>>
      %dma_start3A_761 = arith.constant 0 : i32
      %dma_start3A_762 = tpu.memref_slice %arg7[%dma_start3A_761, %multiple_of3A_758] : memref<32x1000000xf32, #tpu.memory_space<hbm>> -> memref<32x128xf32, #tpu.memory_space<hbm>>
      tpu.enqueue_dma source(%dma_start3A_762 : memref<32x128xf32, #tpu.memory_space<hbm>>) target(%arg23 : memref<32x128xf32, #tpu.memory_space<vmem>>) target_semaphore(%arg31 : memref<!tpu.dma_semaphore, #tpu.memory_space<semaphore_mem>>)
      %dma_wait3A_763 = arith.constant 0 : i32
      %dma_wait3A_764 = arith.constant 0 : i32
      %dma_wait3A_765 = tpu.memref_slice %arg6[%dma_wait3A_763, %dma_wait3A_764] : memref<32x1000000xf32, #tpu.memory_space<hbm>> -> memref<32x128xf32, #tpu.memory_space<hbm>>
      %dma_wait3A_766 = arith.constant 0 : i32
      %dma_wait3A_767 = arith.constant 0 : i32
      %dma_wait3A_768 = tpu.memref_slice %arg6[%dma_wait3A_766, %dma_wait3A_767] : memref<32x1000000xf32, #tpu.memory_space<hbm>> -> memref<32x128xf32, #tpu.memory_space<hbm>>
      tpu.wait_dma2 semaphore(%arg28 : memref<!tpu.dma_semaphore, #tpu.memory_space<semaphore_mem>>) src(%dma_wait3A_768 : memref<32x128xf32, #tpu.memory_space<hbm>>) dst(%arg20 : memref<32x128xf32, #tpu.memory_space<vmem>>)
      %dma_wait3A_769 = arith.constant 0 : i32
      %dma_wait3A_770 = arith.constant 0 : i32
      %dma_wait3A_771 = tpu.memref_slice %arg7[%dma_wait3A_769, %dma_wait3A_770] : memref<32x1000000xf32, #tpu.memory_space<hbm>> -> memref<32x128xf32, #tpu.memory_space<hbm>>
      %dma_wait3A_772 = arith.constant 0 : i32
      %dma_wait3A_773 = arith.constant 0 : i32
      %dma_wait3A_774 = tpu.memref_slice %arg7[%dma_wait3A_772, %dma_wait3A_773] : memref<32x1000000xf32, #tpu.memory_space<hbm>> -> memref<32x128xf32, #tpu.memory_space<hbm>>
      tpu.wait_dma2 semaphore(%arg32 : memref<!tpu.dma_semaphore, #tpu.memory_space<semaphore_mem>>) src(%dma_wait3A_774 : memref<32x128xf32, #tpu.memory_space<hbm>>) dst(%arg24 : memref<32x128xf32, #tpu.memory_space<vmem>>)
      %slice3A_775 = vector.extract_strided_slice %get3A_33 {offsets = [10], sizes = [1], strides = [1]} : vector<16xi32> to vector<1xi32>
      %squeeze3A_776 = vector.extract %slice3A_775[0] : i32 from vector<1xi32>
      %and3A_777 = arith.constant 127 : i32
      %and3A_778 = arith.andi %squeeze3A_776, %and3A_777 : i32
      %broadcast_in_dim3A_779 = vector.broadcast %and3A_778 : i32 to vector<16xi32>
      %slice3A_780 = vector.extract_strided_slice %get3A_35 {offsets = [10], sizes = [1], strides = [1]} : vector<16xi32> to vector<1xi32>
      %squeeze3A_781 = vector.extract %slice3A_780[0] : i32 from vector<1xi32>
      %and3A_782 = arith.constant 127 : i32
      %and3A_783 = arith.andi %squeeze3A_781, %and3A_782 : i32
      %broadcast_in_dim3A_784 = vector.broadcast %and3A_783 : i32 to vector<16xi32>
      %gather3A_785 = tpu.vector_load_idx %arg20[%iota3A, %broadcast_in_dim3A_779] : memref<32x128xf32, #tpu.memory_space<vmem>>[vector<16xi32>, vector<16xi32>], vector<16xf32>,
      %swap3A_786 = arith.constant 10 : i32
      %swap3A_787 = arith.index_cast %swap3A_786 : i32 to index
      %swap3A_788 = arith.constant 0 : index
      %swap3A_789 = tpu.vector_load %arg14[%swap3A_787, %swap3A_788] {strides = array<i32>} : memref<16x32xf32, #tpu.memory_space<vmem>>, vector<16xf32>,
      tpu.vector_store %arg14[%swap3A_787, %swap3A_788], %gather3A_785 {strides = array<i32>} : memref<16x32xf32, #tpu.memory_space<vmem>>, vector<16xf32>,
      %add3A_790 = arith.constant 16 : i32
      %add3A_791 = vector.broadcast %add3A_790 : i32 to vector<16xi32>
      %add3A_792 = arith.addi %iota3A, %add3A_791 : vector<16xi32>
      %gather3A_793 = tpu.vector_load_idx %arg20[%add3A_792, %broadcast_in_dim3A_779] : memref<32x128xf32, #tpu.memory_space<vmem>>[vector<16xi32>, vector<16xi32>], vector<16xf32>,
      %swap3A_794 = arith.constant 10 : i32
      %swap3A_795 = arith.index_cast %swap3A_794 : i32 to index
      %swap3A_796 = arith.constant 16 : index
      %swap3A_797 = tpu.vector_load %arg14[%swap3A_795, %swap3A_796] {strides = array<i32>} : memref<16x32xf32, #tpu.memory_space<vmem>>, vector<16xf32>,
      tpu.vector_store %arg14[%swap3A_795, %swap3A_796], %gather3A_793 {strides = array<i32>} : memref<16x32xf32, #tpu.memory_space<vmem>>, vector<16xf32>,
      %gather3A_798 = tpu.vector_load_idx %arg24[%iota3A, %broadcast_in_dim3A_784] : memref<32x128xf32, #tpu.memory_space<vmem>>[vector<16xi32>, vector<16xi32>], vector<16xf32>,
      %swap3A_799 = arith.constant 10 : i32
      %swap3A_800 = arith.index_cast %swap3A_799 : i32 to index
      %swap3A_801 = arith.constant 0 : index
      %swap3A_802 = tpu.vector_load %arg15[%swap3A_800, %swap3A_801] {strides = array<i32>} : memref<16x32xf32, #tpu.memory_space<vmem>>, vector<16xf32>,
      tpu.vector_store %arg15[%swap3A_800, %swap3A_801], %gather3A_798 {strides = array<i32>} : memref<16x32xf32, #tpu.memory_space<vmem>>, vector<16xf32>,
      %add3A_803 = arith.constant 16 : i32
      %add3A_804 = vector.broadcast %add3A_803 : i32 to vector<16xi32>
      %add3A_805 = arith.addi %iota3A, %add3A_804 : vector<16xi32>
      %gather3A_806 = tpu.vector_load_idx %arg24[%add3A_805, %broadcast_in_dim3A_784] : memref<32x128xf32, #tpu.memory_space<vmem>>[vector<16xi32>, vector<16xi32>], vector<16xf32>,
      %swap3A_807 = arith.constant 10 : i32
      %swap3A_808 = arith.index_cast %swap3A_807 : i32 to index
      %swap3A_809 = arith.constant 16 : index
      %swap3A_810 = tpu.vector_load %arg15[%swap3A_808, %swap3A_809] {strides = array<i32>} : memref<16x32xf32, #tpu.memory_space<vmem>>, vector<16xf32>,
      tpu.vector_store %arg15[%swap3A_808, %swap3A_809], %gather3A_806 {strides = array<i32>} : memref<16x32xf32, #tpu.memory_space<vmem>>, vector<16xf32>,
      %slice3A_811 = vector.extract_strided_slice %get3A_33 {offsets = [14], sizes = [1], strides = [1]} : vector<16xi32> to vector<1xi32>
      %squeeze3A_812 = vector.extract %slice3A_811[0] : i32 from vector<1xi32>
      %and3A_813 = arith.constant -128 : i32
      %and3A_814 = arith.andi %squeeze3A_812, %and3A_813 : i32
      %multiple_of3A_815 = tpu.assume_multiple %and3A_814, 128 : i32
      %dma_start3A_816 = arith.constant 0 : i32
      %dma_start3A_817 = tpu.memref_slice %arg6[%dma_start3A_816, %multiple_of3A_815] : memref<32x1000000xf32, #tpu.memory_space<hbm>> -> memref<32x128xf32, #tpu.memory_space<hbm>>
      %dma_start3A_818 = arith.constant 0 : i32
      %dma_start3A_819 = tpu.memref_slice %arg6[%dma_start3A_818, %multiple_of3A_815] : memref<32x1000000xf32, #tpu.memory_space<hbm>> -> memref<32x128xf32, #tpu.memory_space<hbm>>
      tpu.enqueue_dma source(%dma_start3A_819 : memref<32x128xf32, #tpu.memory_space<hbm>>) target(%arg20 : memref<32x128xf32, #tpu.memory_space<vmem>>) target_semaphore(%arg28 : memref<!tpu.dma_semaphore, #tpu.memory_space<semaphore_mem>>)
      %slice3A_820 = vector.extract_strided_slice %get3A_35 {offsets = [14], sizes = [1], strides = [1]} : vector<16xi32> to vector<1xi32>
      %squeeze3A_821 = vector.extract %slice3A_820[0] : i32 from vector<1xi32>
      %and3A_822 = arith.constant -128 : i32
      %and3A_823 = arith.andi %squeeze3A_821, %and3A_822 : i32
      %multiple_of3A_824 = tpu.assume_multiple %and3A_823, 128 : i32
      %dma_start3A_825 = arith.constant 0 : i32
      %dma_start3A_826 = tpu.memref_slice %arg7[%dma_start3A_825, %multiple_of3A_824] : memref<32x1000000xf32, #tpu.memory_space<hbm>> -> memref<32x128xf32, #tpu.memory_space<hbm>>
      %dma_start3A_827 = arith.constant 0 : i32
      %dma_start3A_828 = tpu.memref_slice %arg7[%dma_start3A_827, %multiple_of3A_824] : memref<32x1000000xf32, #tpu.memory_space<hbm>> -> memref<32x128xf32, #tpu.memory_space<hbm>>
      tpu.enqueue_dma source(%dma_start3A_828 : memref<32x128xf32, #tpu.memory_space<hbm>>) target(%arg24 : memref<32x128xf32, #tpu.memory_space<vmem>>) target_semaphore(%arg32 : memref<!tpu.dma_semaphore, #tpu.memory_space<semaphore_mem>>)
      %dma_wait3A_829 = arith.constant 0 : i32
      %dma_wait3A_830 = arith.constant 0 : i32
      %dma_wait3A_831 = tpu.memref_slice %arg6[%dma_wait3A_829, %dma_wait3A_830] : memref<32x1000000xf32, #tpu.memory_space<hbm>> -> memref<32x128xf32, #tpu.memory_space<hbm>>
      %dma_wait3A_832 = arith.constant 0 : i32
      %dma_wait3A_833 = arith.constant 0 : i32
      %dma_wait3A_834 = tpu.memref_slice %arg6[%dma_wait3A_832, %dma_wait3A_833] : memref<32x1000000xf32, #tpu.memory_space<hbm>> -> memref<32x128xf32, #tpu.memory_space<hbm>>
      tpu.wait_dma2 semaphore(%arg29 : memref<!tpu.dma_semaphore, #tpu.memory_space<semaphore_mem>>) src(%dma_wait3A_834 : memref<32x128xf32, #tpu.memory_space<hbm>>) dst(%arg21 : memref<32x128xf32, #tpu.memory_space<vmem>>)
      %dma_wait3A_835 = arith.constant 0 : i32
      %dma_wait3A_836 = arith.constant 0 : i32
      %dma_wait3A_837 = tpu.memref_slice %arg7[%dma_wait3A_835, %dma_wait3A_836] : memref<32x1000000xf32, #tpu.memory_space<hbm>> -> memref<32x128xf32, #tpu.memory_space<hbm>>
      %dma_wait3A_838 = arith.constant 0 : i32
      %dma_wait3A_839 = arith.constant 0 : i32
      %dma_wait3A_840 = tpu.memref_slice %arg7[%dma_wait3A_838, %dma_wait3A_839] : memref<32x1000000xf32, #tpu.memory_space<hbm>> -> memref<32x128xf32, #tpu.memory_space<hbm>>
      tpu.wait_dma2 semaphore(%arg33 : memref<!tpu.dma_semaphore, #tpu.memory_space<semaphore_mem>>) src(%dma_wait3A_840 : memref<32x128xf32, #tpu.memory_space<hbm>>) dst(%arg25 : memref<32x128xf32, #tpu.memory_space<vmem>>)
      %slice3A_841 = vector.extract_strided_slice %get3A_33 {offsets = [11], sizes = [1], strides = [1]} : vector<16xi32> to vector<1xi32>
      %squeeze3A_842 = vector.extract %slice3A_841[0] : i32 from vector<1xi32>
      %and3A_843 = arith.constant 127 : i32
      %and3A_844 = arith.andi %squeeze3A_842, %and3A_843 : i32
      %broadcast_in_dim3A_845 = vector.broadcast %and3A_844 : i32 to vector<16xi32>
      %slice3A_846 = vector.extract_strided_slice %get3A_35 {offsets = [11], sizes = [1], strides = [1]} : vector<16xi32> to vector<1xi32>
      %squeeze3A_847 = vector.extract %slice3A_846[0] : i32 from vector<1xi32>
      %and3A_848 = arith.constant 127 : i32
      %and3A_849 = arith.andi %squeeze3A_847, %and3A_848 : i32
      %broadcast_in_dim3A_850 = vector.broadcast %and3A_849 : i32 to vector<16xi32>
      %gather3A_851 = tpu.vector_load_idx %arg21[%iota3A, %broadcast_in_dim3A_845] : memref<32x128xf32, #tpu.memory_space<vmem>>[vector<16xi32>, vector<16xi32>], vector<16xf32>,
      %swap3A_852 = arith.constant 11 : i32
      %swap3A_853 = arith.index_cast %swap3A_852 : i32 to index
      %swap3A_854 = arith.constant 0 : index
      %swap3A_855 = tpu.vector_load %arg14[%swap3A_853, %swap3A_854] {strides = array<i32>} : memref<16x32xf32, #tpu.memory_space<vmem>>, vector<16xf32>,
      tpu.vector_store %arg14[%swap3A_853, %swap3A_854], %gather3A_851 {strides = array<i32>} : memref<16x32xf32, #tpu.memory_space<vmem>>, vector<16xf32>,
      %add3A_856 = arith.constant 16 : i32
      %add3A_857 = vector.broadcast %add3A_856 : i32 to vector<16xi32>
      %add3A_858 = arith.addi %iota3A, %add3A_857 : vector<16xi32>
      %gather3A_859 = tpu.vector_load_idx %arg21[%add3A_858, %broadcast_in_dim3A_845] : memref<32x128xf32, #tpu.memory_space<vmem>>[vector<16xi32>, vector<16xi32>], vector<16xf32>,
      %swap3A_860 = arith.constant 11 : i32
      %swap3A_861 = arith.index_cast %swap3A_860 : i32 to index
      %swap3A_862 = arith.constant 16 : index
      %swap3A_863 = tpu.vector_load %arg14[%swap3A_861, %swap3A_862] {strides = array<i32>} : memref<16x32xf32, #tpu.memory_space<vmem>>, vector<16xf32>,
      tpu.vector_store %arg14[%swap3A_861, %swap3A_862], %gather3A_859 {strides = array<i32>} : memref<16x32xf32, #tpu.memory_space<vmem>>, vector<16xf32>,
      %gather3A_864 = tpu.vector_load_idx %arg25[%iota3A, %broadcast_in_dim3A_850] : memref<32x128xf32, #tpu.memory_space<vmem>>[vector<16xi32>, vector<16xi32>], vector<16xf32>,
      %swap3A_865 = arith.constant 11 : i32
      %swap3A_866 = arith.index_cast %swap3A_865 : i32 to index
      %swap3A_867 = arith.constant 0 : index
      %swap3A_868 = tpu.vector_load %arg15[%swap3A_866, %swap3A_867] {strides = array<i32>} : memref<16x32xf32, #tpu.memory_space<vmem>>, vector<16xf32>,
      tpu.vector_store %arg15[%swap3A_866, %swap3A_867], %gather3A_864 {strides = array<i32>} : memref<16x32xf32, #tpu.memory_space<vmem>>, vector<16xf32>,
      %add3A_869 = arith.constant 16 : i32
      %add3A_870 = vector.broadcast %add3A_869 : i32 to vector<16xi32>
      %add3A_871 = arith.addi %iota3A, %add3A_870 : vector<16xi32>
      %gather3A_872 = tpu.vector_load_idx %arg25[%add3A_871, %broadcast_in_dim3A_850] : memref<32x128xf32, #tpu.memory_space<vmem>>[vector<16xi32>, vector<16xi32>], vector<16xf32>,
      %swap3A_873 = arith.constant 11 : i32
      %swap3A_874 = arith.index_cast %swap3A_873 : i32 to index
      %swap3A_875 = arith.constant 16 : index
      %swap3A_876 = tpu.vector_load %arg15[%swap3A_874, %swap3A_875] {strides = array<i32>} : memref<16x32xf32, #tpu.memory_space<vmem>>, vector<16xf32>,
      tpu.vector_store %arg15[%swap3A_874, %swap3A_875], %gather3A_872 {strides = array<i32>} : memref<16x32xf32, #tpu.memory_space<vmem>>, vector<16xf32>,
      %slice3A_877 = vector.extract_strided_slice %get3A_33 {offsets = [15], sizes = [1], strides = [1]} : vector<16xi32> to vector<1xi32>
      %squeeze3A_878 = vector.extract %slice3A_877[0] : i32 from vector<1xi32>
      %and3A_879 = arith.constant -128 : i32
      %and3A_880 = arith.andi %squeeze3A_878, %and3A_879 : i32
      %multiple_of3A_881 = tpu.assume_multiple %and3A_880, 128 : i32
      %dma_start3A_882 = arith.constant 0 : i32
      %dma_start3A_883 = tpu.memref_slice %arg6[%dma_start3A_882, %multiple_of3A_881] : memref<32x1000000xf32, #tpu.memory_space<hbm>> -> memref<32x128xf32, #tpu.memory_space<hbm>>
      %dma_start3A_884 = arith.constant 0 : i32
      %dma_start3A_885 = tpu.memref_slice %arg6[%dma_start3A_884, %multiple_of3A_881] : memref<32x1000000xf32, #tpu.memory_space<hbm>> -> memref<32x128xf32, #tpu.memory_space<hbm>>
      tpu.enqueue_dma source(%dma_start3A_885 : memref<32x128xf32, #tpu.memory_space<hbm>>) target(%arg21 : memref<32x128xf32, #tpu.memory_space<vmem>>) target_semaphore(%arg29 : memref<!tpu.dma_semaphore, #tpu.memory_space<semaphore_mem>>)
      %slice3A_886 = vector.extract_strided_slice %get3A_35 {offsets = [15], sizes = [1], strides = [1]} : vector<16xi32> to vector<1xi32>
      %squeeze3A_887 = vector.extract %slice3A_886[0] : i32 from vector<1xi32>
      %and3A_888 = arith.constant -128 : i32
      %and3A_889 = arith.andi %squeeze3A_887, %and3A_888 : i32
      %multiple_of3A_890 = tpu.assume_multiple %and3A_889, 128 : i32
      %dma_start3A_891 = arith.constant 0 : i32
      %dma_start3A_892 = tpu.memref_slice %arg7[%dma_start3A_891, %multiple_of3A_890] : memref<32x1000000xf32, #tpu.memory_space<hbm>> -> memref<32x128xf32, #tpu.memory_space<hbm>>
      %dma_start3A_893 = arith.constant 0 : i32
      %dma_start3A_894 = tpu.memref_slice %arg7[%dma_start3A_893, %multiple_of3A_890] : memref<32x1000000xf32, #tpu.memory_space<hbm>> -> memref<32x128xf32, #tpu.memory_space<hbm>>
      tpu.enqueue_dma source(%dma_start3A_894 : memref<32x128xf32, #tpu.memory_space<hbm>>) target(%arg25 : memref<32x128xf32, #tpu.memory_space<vmem>>) target_semaphore(%arg33 : memref<!tpu.dma_semaphore, #tpu.memory_space<semaphore_mem>>)
      %dma_wait3A_895 = arith.constant 0 : i32
      %dma_wait3A_896 = arith.constant 0 : i32
      %dma_wait3A_897 = tpu.memref_slice %arg6[%dma_wait3A_895, %dma_wait3A_896] : memref<32x1000000xf32, #tpu.memory_space<hbm>> -> memref<32x128xf32, #tpu.memory_space<hbm>>
      %dma_wait3A_898 = arith.constant 0 : i32
      %dma_wait3A_899 = arith.constant 0 : i32
      %dma_wait3A_900 = tpu.memref_slice %arg6[%dma_wait3A_898, %dma_wait3A_899] : memref<32x1000000xf32, #tpu.memory_space<hbm>> -> memref<32x128xf32, #tpu.memory_space<hbm>>
      tpu.wait_dma2 semaphore(%arg26 : memref<!tpu.dma_semaphore, #tpu.memory_space<semaphore_mem>>) src(%dma_wait3A_900 : memref<32x128xf32, #tpu.memory_space<hbm>>) dst(%arg18 : memref<32x128xf32, #tpu.memory_space<vmem>>)
      %dma_wait3A_901 = arith.constant 0 : i32
      %dma_wait3A_902 = arith.constant 0 : i32
      %dma_wait3A_903 = tpu.memref_slice %arg7[%dma_wait3A_901, %dma_wait3A_902] : memref<32x1000000xf32, #tpu.memory_space<hbm>> -> memref<32x128xf32, #tpu.memory_space<hbm>>
      %dma_wait3A_904 = arith.constant 0 : i32
      %dma_wait3A_905 = arith.constant 0 : i32
      %dma_wait3A_906 = tpu.memref_slice %arg7[%dma_wait3A_904, %dma_wait3A_905] : memref<32x1000000xf32, #tpu.memory_space<hbm>> -> memref<32x128xf32, #tpu.memory_space<hbm>>
      tpu.wait_dma2 semaphore(%arg30 : memref<!tpu.dma_semaphore, #tpu.memory_space<semaphore_mem>>) src(%dma_wait3A_906 : memref<32x128xf32, #tpu.memory_space<hbm>>) dst(%arg22 : memref<32x128xf32, #tpu.memory_space<vmem>>)
      %slice3A_907 = vector.extract_strided_slice %get3A_33 {offsets = [12], sizes = [1], strides = [1]} : vector<16xi32> to vector<1xi32>
      %squeeze3A_908 = vector.extract %slice3A_907[0] : i32 from vector<1xi32>
      %and3A_909 = arith.constant 127 : i32
      %and3A_910 = arith.andi %squeeze3A_908, %and3A_909 : i32
      %broadcast_in_dim3A_911 = vector.broadcast %and3A_910 : i32 to vector<16xi32>
      %slice3A_912 = vector.extract_strided_slice %get3A_35 {offsets = [12], sizes = [1], strides = [1]} : vector<16xi32> to vector<1xi32>
      %squeeze3A_913 = vector.extract %slice3A_912[0] : i32 from vector<1xi32>
      %and3A_914 = arith.constant 127 : i32
      %and3A_915 = arith.andi %squeeze3A_913, %and3A_914 : i32
      %broadcast_in_dim3A_916 = vector.broadcast %and3A_915 : i32 to vector<16xi32>
      %gather3A_917 = tpu.vector_load_idx %arg18[%iota3A, %broadcast_in_dim3A_911] : memref<32x128xf32, #tpu.memory_space<vmem>>[vector<16xi32>, vector<16xi32>], vector<16xf32>,
      %swap3A_918 = arith.constant 12 : i32
      %swap3A_919 = arith.index_cast %swap3A_918 : i32 to index
      %swap3A_920 = arith.constant 0 : index
      %swap3A_921 = tpu.vector_load %arg14[%swap3A_919, %swap3A_920] {strides = array<i32>} : memref<16x32xf32, #tpu.memory_space<vmem>>, vector<16xf32>,
      tpu.vector_store %arg14[%swap3A_919, %swap3A_920], %gather3A_917 {strides = array<i32>} : memref<16x32xf32, #tpu.memory_space<vmem>>, vector<16xf32>,
      %add3A_922 = arith.constant 16 : i32
      %add3A_923 = vector.broadcast %add3A_922 : i32 to vector<16xi32>
      %add3A_924 = arith.addi %iota3A, %add3A_923 : vector<16xi32>
      %gather3A_925 = tpu.vector_load_idx %arg18[%add3A_924, %broadcast_in_dim3A_911] : memref<32x128xf32, #tpu.memory_space<vmem>>[vector<16xi32>, vector<16xi32>], vector<16xf32>,
      %swap3A_926 = arith.constant 12 : i32
      %swap3A_927 = arith.index_cast %swap3A_926 : i32 to index
      %swap3A_928 = arith.constant 16 : index
      %swap3A_929 = tpu.vector_load %arg14[%swap3A_927, %swap3A_928] {strides = array<i32>} : memref<16x32xf32, #tpu.memory_space<vmem>>, vector<16xf32>,
      tpu.vector_store %arg14[%swap3A_927, %swap3A_928], %gather3A_925 {strides = array<i32>} : memref<16x32xf32, #tpu.memory_space<vmem>>, vector<16xf32>,
      %gather3A_930 = tpu.vector_load_idx %arg22[%iota3A, %broadcast_in_dim3A_916] : memref<32x128xf32, #tpu.memory_space<vmem>>[vector<16xi32>, vector<16xi32>], vector<16xf32>,
      %swap3A_931 = arith.constant 12 : i32
      %swap3A_932 = arith.index_cast %swap3A_931 : i32 to index
      %swap3A_933 = arith.constant 0 : index
      %swap3A_934 = tpu.vector_load %arg15[%swap3A_932, %swap3A_933] {strides = array<i32>} : memref<16x32xf32, #tpu.memory_space<vmem>>, vector<16xf32>,
      tpu.vector_store %arg15[%swap3A_932, %swap3A_933], %gather3A_930 {strides = array<i32>} : memref<16x32xf32, #tpu.memory_space<vmem>>, vector<16xf32>,
      %add3A_935 = arith.constant 16 : i32
      %add3A_936 = vector.broadcast %add3A_935 : i32 to vector<16xi32>
      %add3A_937 = arith.addi %iota3A, %add3A_936 : vector<16xi32>
      %gather3A_938 = tpu.vector_load_idx %arg22[%add3A_937, %broadcast_in_dim3A_916] : memref<32x128xf32, #tpu.memory_space<vmem>>[vector<16xi32>, vector<16xi32>], vector<16xf32>,
      %swap3A_939 = arith.constant 12 : i32
      %swap3A_940 = arith.index_cast %swap3A_939 : i32 to index
      %swap3A_941 = arith.constant 16 : index
      %swap3A_942 = tpu.vector_load %arg15[%swap3A_940, %swap3A_941] {strides = array<i32>} : memref<16x32xf32, #tpu.memory_space<vmem>>, vector<16xf32>,
      tpu.vector_store %arg15[%swap3A_940, %swap3A_941], %gather3A_938 {strides = array<i32>} : memref<16x32xf32, #tpu.memory_space<vmem>>, vector<16xf32>,
      %dma_wait3A_943 = arith.constant 0 : i32
      %dma_wait3A_944 = arith.constant 0 : i32
      %dma_wait3A_945 = tpu.memref_slice %arg6[%dma_wait3A_943, %dma_wait3A_944] : memref<32x1000000xf32, #tpu.memory_space<hbm>> -> memref<32x128xf32, #tpu.memory_space<hbm>>
      %dma_wait3A_946 = arith.constant 0 : i32
      %dma_wait3A_947 = arith.constant 0 : i32
      %dma_wait3A_948 = tpu.memref_slice %arg6[%dma_wait3A_946, %dma_wait3A_947] : memref<32x1000000xf32, #tpu.memory_space<hbm>> -> memref<32x128xf32, #tpu.memory_space<hbm>>
      tpu.wait_dma2 semaphore(%arg27 : memref<!tpu.dma_semaphore, #tpu.memory_space<semaphore_mem>>) src(%dma_wait3A_948 : memref<32x128xf32, #tpu.memory_space<hbm>>) dst(%arg19 : memref<32x128xf32, #tpu.memory_space<vmem>>)
      %dma_wait3A_949 = arith.constant 0 : i32
      %dma_wait3A_950 = arith.constant 0 : i32
      %dma_wait3A_951 = tpu.memref_slice %arg7[%dma_wait3A_949, %dma_wait3A_950] : memref<32x1000000xf32, #tpu.memory_space<hbm>> -> memref<32x128xf32, #tpu.memory_space<hbm>>
      %dma_wait3A_952 = arith.constant 0 : i32
      %dma_wait3A_953 = arith.constant 0 : i32
      %dma_wait3A_954 = tpu.memref_slice %arg7[%dma_wait3A_952, %dma_wait3A_953] : memref<32x1000000xf32, #tpu.memory_space<hbm>> -> memref<32x128xf32, #tpu.memory_space<hbm>>
      tpu.wait_dma2 semaphore(%arg31 : memref<!tpu.dma_semaphore, #tpu.memory_space<semaphore_mem>>) src(%dma_wait3A_954 : memref<32x128xf32, #tpu.memory_space<hbm>>) dst(%arg23 : memref<32x128xf32, #tpu.memory_space<vmem>>)
      %slice3A_955 = vector.extract_strided_slice %get3A_33 {offsets = [13], sizes = [1], strides = [1]} : vector<16xi32> to vector<1xi32>
      %squeeze3A_956 = vector.extract %slice3A_955[0] : i32 from vector<1xi32>
      %and3A_957 = arith.constant 127 : i32
      %and3A_958 = arith.andi %squeeze3A_956, %and3A_957 : i32
      %broadcast_in_dim3A_959 = vector.broadcast %and3A_958 : i32 to vector<16xi32>
      %slice3A_960 = vector.extract_strided_slice %get3A_35 {offsets = [13], sizes = [1], strides = [1]} : vector<16xi32> to vector<1xi32>
      %squeeze3A_961 = vector.extract %slice3A_960[0] : i32 from vector<1xi32>
      %and3A_962 = arith.constant 127 : i32
      %and3A_963 = arith.andi %squeeze3A_961, %and3A_962 : i32
      %broadcast_in_dim3A_964 = vector.broadcast %and3A_963 : i32 to vector<16xi32>
      %gather3A_965 = tpu.vector_load_idx %arg19[%iota3A, %broadcast_in_dim3A_959] : memref<32x128xf32, #tpu.memory_space<vmem>>[vector<16xi32>, vector<16xi32>], vector<16xf32>,
      %swap3A_966 = arith.constant 13 : i32
      %swap3A_967 = arith.index_cast %swap3A_966 : i32 to index
      %swap3A_968 = arith.constant 0 : index
      %swap3A_969 = tpu.vector_load %arg14[%swap3A_967, %swap3A_968] {strides = array<i32>} : memref<16x32xf32, #tpu.memory_space<vmem>>, vector<16xf32>,
      tpu.vector_store %arg14[%swap3A_967, %swap3A_968], %gather3A_965 {strides = array<i32>} : memref<16x32xf32, #tpu.memory_space<vmem>>, vector<16xf32>,
      %add3A_970 = arith.constant 16 : i32
      %add3A_971 = vector.broadcast %add3A_970 : i32 to vector<16xi32>
      %add3A_972 = arith.addi %iota3A, %add3A_971 : vector<16xi32>
      %gather3A_973 = tpu.vector_load_idx %arg19[%add3A_972, %broadcast_in_dim3A_959] : memref<32x128xf32, #tpu.memory_space<vmem>>[vector<16xi32>, vector<16xi32>], vector<16xf32>,
      %swap3A_974 = arith.constant 13 : i32
      %swap3A_975 = arith.index_cast %swap3A_974 : i32 to index
      %swap3A_976 = arith.constant 16 : index
      %swap3A_977 = tpu.vector_load %arg14[%swap3A_975, %swap3A_976] {strides = array<i32>} : memref<16x32xf32, #tpu.memory_space<vmem>>, vector<16xf32>,
      tpu.vector_store %arg14[%swap3A_975, %swap3A_976], %gather3A_973 {strides = array<i32>} : memref<16x32xf32, #tpu.memory_space<vmem>>, vector<16xf32>,
      %gather3A_978 = tpu.vector_load_idx %arg23[%iota3A, %broadcast_in_dim3A_964] : memref<32x128xf32, #tpu.memory_space<vmem>>[vector<16xi32>, vector<16xi32>], vector<16xf32>,
      %swap3A_979 = arith.constant 13 : i32
      %swap3A_980 = arith.index_cast %swap3A_979 : i32 to index
      %swap3A_981 = arith.constant 0 : index
      %swap3A_982 = tpu.vector_load %arg15[%swap3A_980, %swap3A_981] {strides = array<i32>} : memref<16x32xf32, #tpu.memory_space<vmem>>, vector<16xf32>,
      tpu.vector_store %arg15[%swap3A_980, %swap3A_981], %gather3A_978 {strides = array<i32>} : memref<16x32xf32, #tpu.memory_space<vmem>>, vector<16xf32>,
      %add3A_983 = arith.constant 16 : i32
      %add3A_984 = vector.broadcast %add3A_983 : i32 to vector<16xi32>
      %add3A_985 = arith.addi %iota3A, %add3A_984 : vector<16xi32>
      %gather3A_986 = tpu.vector_load_idx %arg23[%add3A_985, %broadcast_in_dim3A_964] : memref<32x128xf32, #tpu.memory_space<vmem>>[vector<16xi32>, vector<16xi32>], vector<16xf32>,
      %swap3A_987 = arith.constant 13 : i32
      %swap3A_988 = arith.index_cast %swap3A_987 : i32 to index
      %swap3A_989 = arith.constant 16 : index
      %swap3A_990 = tpu.vector_load %arg15[%swap3A_988, %swap3A_989] {strides = array<i32>} : memref<16x32xf32, #tpu.memory_space<vmem>>, vector<16xf32>,
      tpu.vector_store %arg15[%swap3A_988, %swap3A_989], %gather3A_986 {strides = array<i32>} : memref<16x32xf32, #tpu.memory_space<vmem>>, vector<16xf32>,
      %dma_wait3A_991 = arith.constant 0 : i32
      %dma_wait3A_992 = arith.constant 0 : i32
      %dma_wait3A_993 = tpu.memref_slice %arg6[%dma_wait3A_991, %dma_wait3A_992] : memref<32x1000000xf32, #tpu.memory_space<hbm>> -> memref<32x128xf32, #tpu.memory_space<hbm>>
      %dma_wait3A_994 = arith.constant 0 : i32
      %dma_wait3A_995 = arith.constant 0 : i32
      %dma_wait3A_996 = tpu.memref_slice %arg6[%dma_wait3A_994, %dma_wait3A_995] : memref<32x1000000xf32, #tpu.memory_space<hbm>> -> memref<32x128xf32, #tpu.memory_space<hbm>>
      tpu.wait_dma2 semaphore(%arg28 : memref<!tpu.dma_semaphore, #tpu.memory_space<semaphore_mem>>) src(%dma_wait3A_996 : memref<32x128xf32, #tpu.memory_space<hbm>>) dst(%arg20 : memref<32x128xf32, #tpu.memory_space<vmem>>)
      %dma_wait3A_997 = arith.constant 0 : i32
      %dma_wait3A_998 = arith.constant 0 : i32
      %dma_wait3A_999 = tpu.memref_slice %arg7[%dma_wait3A_997, %dma_wait3A_998] : memref<32x1000000xf32, #tpu.memory_space<hbm>> -> memref<32x128xf32, #tpu.memory_space<hbm>>
      %dma_wait3A_1000 = arith.constant 0 : i32
      %dma_wait3A_1001 = arith.constant 0 : i32
      %dma_wait3A_1002 = tpu.memref_slice %arg7[%dma_wait3A_1000, %dma_wait3A_1001] : memref<32x1000000xf32, #tpu.memory_space<hbm>> -> memref<32x128xf32, #tpu.memory_space<hbm>>
      tpu.wait_dma2 semaphore(%arg32 : memref<!tpu.dma_semaphore, #tpu.memory_space<semaphore_mem>>) src(%dma_wait3A_1002 : memref<32x128xf32, #tpu.memory_space<hbm>>) dst(%arg24 : memref<32x128xf32, #tpu.memory_space<vmem>>)
      %slice3A_1003 = vector.extract_strided_slice %get3A_33 {offsets = [14], sizes = [1], strides = [1]} : vector<16xi32> to vector<1xi32>
      %squeeze3A_1004 = vector.extract %slice3A_1003[0] : i32 from vector<1xi32>
      %and3A_1005 = arith.constant 127 : i32
      %and3A_1006 = arith.andi %squeeze3A_1004, %and3A_1005 : i32
      %broadcast_in_dim3A_1007 = vector.broadcast %and3A_1006 : i32 to vector<16xi32>
      %slice3A_1008 = vector.extract_strided_slice %get3A_35 {offsets = [14], sizes = [1], strides = [1]} : vector<16xi32> to vector<1xi32>
      %squeeze3A_1009 = vector.extract %slice3A_1008[0] : i32 from vector<1xi32>
      %and3A_1010 = arith.constant 127 : i32
      %and3A_1011 = arith.andi %squeeze3A_1009, %and3A_1010 : i32
      %broadcast_in_dim3A_1012 = vector.broadcast %and3A_1011 : i32 to vector<16xi32>
      %gather3A_1013 = tpu.vector_load_idx %arg20[%iota3A, %broadcast_in_dim3A_1007] : memref<32x128xf32, #tpu.memory_space<vmem>>[vector<16xi32>, vector<16xi32>], vector<16xf32>,
      %swap3A_1014 = arith.constant 14 : i32
      %swap3A_1015 = arith.index_cast %swap3A_1014 : i32 to index
      %swap3A_1016 = arith.constant 0 : index
      %swap3A_1017 = tpu.vector_load %arg14[%swap3A_1015, %swap3A_1016] {strides = array<i32>} : memref<16x32xf32, #tpu.memory_space<vmem>>, vector<16xf32>,
      tpu.vector_store %arg14[%swap3A_1015, %swap3A_1016], %gather3A_1013 {strides = array<i32>} : memref<16x32xf32, #tpu.memory_space<vmem>>, vector<16xf32>,
      %add3A_1018 = arith.constant 16 : i32
      %add3A_1019 = vector.broadcast %add3A_1018 : i32 to vector<16xi32>
      %add3A_1020 = arith.addi %iota3A, %add3A_1019 : vector<16xi32>
      %gather3A_1021 = tpu.vector_load_idx %arg20[%add3A_1020, %broadcast_in_dim3A_1007] : memref<32x128xf32, #tpu.memory_space<vmem>>[vector<16xi32>, vector<16xi32>], vector<16xf32>,
      %swap3A_1022 = arith.constant 14 : i32
      %swap3A_1023 = arith.index_cast %swap3A_1022 : i32 to index
      %swap3A_1024 = arith.constant 16 : index
      %swap3A_1025 = tpu.vector_load %arg14[%swap3A_1023, %swap3A_1024] {strides = array<i32>} : memref<16x32xf32, #tpu.memory_space<vmem>>, vector<16xf32>,
      tpu.vector_store %arg14[%swap3A_1023, %swap3A_1024], %gather3A_1021 {strides = array<i32>} : memref<16x32xf32, #tpu.memory_space<vmem>>, vector<16xf32>,
      %gather3A_1026 = tpu.vector_load_idx %arg24[%iota3A, %broadcast_in_dim3A_1012] : memref<32x128xf32, #tpu.memory_space<vmem>>[vector<16xi32>, vector<16xi32>], vector<16xf32>,
      %swap3A_1027 = arith.constant 14 : i32
      %swap3A_1028 = arith.index_cast %swap3A_1027 : i32 to index
      %swap3A_1029 = arith.constant 0 : index
      %swap3A_1030 = tpu.vector_load %arg15[%swap3A_1028, %swap3A_1029] {strides = array<i32>} : memref<16x32xf32, #tpu.memory_space<vmem>>, vector<16xf32>,
      tpu.vector_store %arg15[%swap3A_1028, %swap3A_1029], %gather3A_1026 {strides = array<i32>} : memref<16x32xf32, #tpu.memory_space<vmem>>, vector<16xf32>,
      %add3A_1031 = arith.constant 16 : i32
      %add3A_1032 = vector.broadcast %add3A_1031 : i32 to vector<16xi32>
      %add3A_1033 = arith.addi %iota3A, %add3A_1032 : vector<16xi32>
      %gather3A_1034 = tpu.vector_load_idx %arg24[%add3A_1033, %broadcast_in_dim3A_1012] : memref<32x128xf32, #tpu.memory_space<vmem>>[vector<16xi32>, vector<16xi32>], vector<16xf32>,
      %swap3A_1035 = arith.constant 14 : i32
      %swap3A_1036 = arith.index_cast %swap3A_1035 : i32 to index
      %swap3A_1037 = arith.constant 16 : index
      %swap3A_1038 = tpu.vector_load %arg15[%swap3A_1036, %swap3A_1037] {strides = array<i32>} : memref<16x32xf32, #tpu.memory_space<vmem>>, vector<16xf32>,
      tpu.vector_store %arg15[%swap3A_1036, %swap3A_1037], %gather3A_1034 {strides = array<i32>} : memref<16x32xf32, #tpu.memory_space<vmem>>, vector<16xf32>,
      %dma_wait3A_1039 = arith.constant 0 : i32
      %dma_wait3A_1040 = arith.constant 0 : i32
      %dma_wait3A_1041 = tpu.memref_slice %arg6[%dma_wait3A_1039, %dma_wait3A_1040] : memref<32x1000000xf32, #tpu.memory_space<hbm>> -> memref<32x128xf32, #tpu.memory_space<hbm>>
      %dma_wait3A_1042 = arith.constant 0 : i32
      %dma_wait3A_1043 = arith.constant 0 : i32
      %dma_wait3A_1044 = tpu.memref_slice %arg6[%dma_wait3A_1042, %dma_wait3A_1043] : memref<32x1000000xf32, #tpu.memory_space<hbm>> -> memref<32x128xf32, #tpu.memory_space<hbm>>
      tpu.wait_dma2 semaphore(%arg29 : memref<!tpu.dma_semaphore, #tpu.memory_space<semaphore_mem>>) src(%dma_wait3A_1044 : memref<32x128xf32, #tpu.memory_space<hbm>>) dst(%arg21 : memref<32x128xf32, #tpu.memory_space<vmem>>)
      %dma_wait3A_1045 = arith.constant 0 : i32
      %dma_wait3A_1046 = arith.constant 0 : i32
      %dma_wait3A_1047 = tpu.memref_slice %arg7[%dma_wait3A_1045, %dma_wait3A_1046] : memref<32x1000000xf32, #tpu.memory_space<hbm>> -> memref<32x128xf32, #tpu.memory_space<hbm>>
      %dma_wait3A_1048 = arith.constant 0 : i32
      %dma_wait3A_1049 = arith.constant 0 : i32
      %dma_wait3A_1050 = tpu.memref_slice %arg7[%dma_wait3A_1048, %dma_wait3A_1049] : memref<32x1000000xf32, #tpu.memory_space<hbm>> -> memref<32x128xf32, #tpu.memory_space<hbm>>
      tpu.wait_dma2 semaphore(%arg33 : memref<!tpu.dma_semaphore, #tpu.memory_space<semaphore_mem>>) src(%dma_wait3A_1050 : memref<32x128xf32, #tpu.memory_space<hbm>>) dst(%arg25 : memref<32x128xf32, #tpu.memory_space<vmem>>)
      %slice3A_1051 = vector.extract_strided_slice %get3A_33 {offsets = [15], sizes = [1], strides = [1]} : vector<16xi32> to vector<1xi32>
      %squeeze3A_1052 = vector.extract %slice3A_1051[0] : i32 from vector<1xi32>
      %and3A_1053 = arith.constant 127 : i32
      %and3A_1054 = arith.andi %squeeze3A_1052, %and3A_1053 : i32
      %broadcast_in_dim3A_1055 = vector.broadcast %and3A_1054 : i32 to vector<16xi32>
      %slice3A_1056 = vector.extract_strided_slice %get3A_35 {offsets = [15], sizes = [1], strides = [1]} : vector<16xi32> to vector<1xi32>
      %squeeze3A_1057 = vector.extract %slice3A_1056[0] : i32 from vector<1xi32>
      %and3A_1058 = arith.constant 127 : i32
      %and3A_1059 = arith.andi %squeeze3A_1057, %and3A_1058 : i32
      %broadcast_in_dim3A_1060 = vector.broadcast %and3A_1059 : i32 to vector<16xi32>
      %gather3A_1061 = tpu.vector_load_idx %arg21[%iota3A, %broadcast_in_dim3A_1055] : memref<32x128xf32, #tpu.memory_space<vmem>>[vector<16xi32>, vector<16xi32>], vector<16xf32>,
      %swap3A_1062 = arith.constant 15 : i32
      %swap3A_1063 = arith.index_cast %swap3A_1062 : i32 to index
      %swap3A_1064 = arith.constant 0 : index
      %swap3A_1065 = tpu.vector_load %arg14[%swap3A_1063, %swap3A_1064] {strides = array<i32>} : memref<16x32xf32, #tpu.memory_space<vmem>>, vector<16xf32>,
      tpu.vector_store %arg14[%swap3A_1063, %swap3A_1064], %gather3A_1061 {strides = array<i32>} : memref<16x32xf32, #tpu.memory_space<vmem>>, vector<16xf32>,
      %add3A_1066 = arith.constant 16 : i32
      %add3A_1067 = vector.broadcast %add3A_1066 : i32 to vector<16xi32>
      %add3A_1068 = arith.addi %iota3A, %add3A_1067 : vector<16xi32>
      %gather3A_1069 = tpu.vector_load_idx %arg21[%add3A_1068, %broadcast_in_dim3A_1055] : memref<32x128xf32, #tpu.memory_space<vmem>>[vector<16xi32>, vector<16xi32>], vector<16xf32>,
      %swap3A_1070 = arith.constant 15 : i32
      %swap3A_1071 = arith.index_cast %swap3A_1070 : i32 to index
      %swap3A_1072 = arith.constant 16 : index
      %swap3A_1073 = tpu.vector_load %arg14[%swap3A_1071, %swap3A_1072] {strides = array<i32>} : memref<16x32xf32, #tpu.memory_space<vmem>>, vector<16xf32>,
      tpu.vector_store %arg14[%swap3A_1071, %swap3A_1072], %gather3A_1069 {strides = array<i32>} : memref<16x32xf32, #tpu.memory_space<vmem>>, vector<16xf32>,
      %gather3A_1074 = tpu.vector_load_idx %arg25[%iota3A, %broadcast_in_dim3A_1060] : memref<32x128xf32, #tpu.memory_space<vmem>>[vector<16xi32>, vector<16xi32>], vector<16xf32>,
      %swap3A_1075 = arith.constant 15 : i32
      %swap3A_1076 = arith.index_cast %swap3A_1075 : i32 to index
      %swap3A_1077 = arith.constant 0 : index
      %swap3A_1078 = tpu.vector_load %arg15[%swap3A_1076, %swap3A_1077] {strides = array<i32>} : memref<16x32xf32, #tpu.memory_space<vmem>>, vector<16xf32>,
      tpu.vector_store %arg15[%swap3A_1076, %swap3A_1077], %gather3A_1074 {strides = array<i32>} : memref<16x32xf32, #tpu.memory_space<vmem>>, vector<16xf32>,
      %add3A_1079 = arith.constant 16 : i32
      %add3A_1080 = vector.broadcast %add3A_1079 : i32 to vector<16xi32>
      %add3A_1081 = arith.addi %iota3A, %add3A_1080 : vector<16xi32>
      %gather3A_1082 = tpu.vector_load_idx %arg25[%add3A_1081, %broadcast_in_dim3A_1060] : memref<32x128xf32, #tpu.memory_space<vmem>>[vector<16xi32>, vector<16xi32>], vector<16xf32>,
      %swap3A_1083 = arith.constant 15 : i32
      %swap3A_1084 = arith.index_cast %swap3A_1083 : i32 to index
      %swap3A_1085 = arith.constant 16 : index
      %swap3A_1086 = tpu.vector_load %arg15[%swap3A_1084, %swap3A_1085] {strides = array<i32>} : memref<16x32xf32, #tpu.memory_space<vmem>>, vector<16xf32>,
      tpu.vector_store %arg15[%swap3A_1084, %swap3A_1085], %gather3A_1082 {strides = array<i32>} : memref<16x32xf32, #tpu.memory_space<vmem>>, vector<16xf32>,
      %broadcast_in_dim3A_1087 = arith.constant 0 : i32
      %broadcast_in_dim3A_1088 = vector.broadcast %broadcast_in_dim3A_1087 : i32 to vector<16xi32>
      %gather3A_1089 = tpu.vector_load_idx %arg14[%iota3A, %broadcast_in_dim3A_1088] : memref<16x32xf32, #tpu.memory_space<vmem>>[vector<16xi32>, vector<16xi32>], vector<16xf32>,
      %broadcast_in_dim3A_1090 = arith.constant 0 : i32
      %broadcast_in_dim3A_1091 = vector.broadcast %broadcast_in_dim3A_1090 : i32 to vector<16xi32>
      %lt3A_1092 = arith.constant 0 : i32
      %lt3A_1093 = vector.broadcast %lt3A_1092 : i32 to vector<16xi32>
      %lt3A_1094 = arith.cmpi slt, %broadcast_in_dim3A_1091, %lt3A_1093 : vector<16xi32>
      %add3A_1095 = arith.constant 16 : i32
      %add3A_1096 = vector.broadcast %add3A_1095 : i32 to vector<16xi32>
      %add3A_1097 = arith.addi %broadcast_in_dim3A_1091, %add3A_1096 : vector<16xi32>
      %select_n3A_1098 = arith.select %lt3A_1094, %add3A_1097, %broadcast_in_dim3A_1091 : vector<16xi1>, vector<16xi32>
      %broadcast_in_dim3A_1099 = vector.shape_cast %select_n3A_1098 : vector<16xi32> to vector<16x1xi32>
      %gather3A_1100 = vector.shape_cast %broadcast_in_dim3A_1099 : vector<16x1xi32> to vector<16xi32>
      %gather3A_1101 = tpu.dynamic_gather %get3A_3[%gather3A_1100] in [0] : vector<16xf32>, vector<16xi32> -> vector<16xf32>
      %mul3A_1102 = arith.mulf %gather3A_1089, %gather3A_1101 : vector<16xf32>
      %add3A_1103 = arith.addf %gather3A_23, %mul3A_1102 : vector<16xf32>
      %broadcast_in_dim3A_1104 = arith.constant 1 : i32
      %broadcast_in_dim3A_1105 = vector.broadcast %broadcast_in_dim3A_1104 : i32 to vector<16xi32>
      %gather3A_1106 = tpu.vector_load_idx %arg14[%iota3A, %broadcast_in_dim3A_1105] : memref<16x32xf32, #tpu.memory_space<vmem>>[vector<16xi32>, vector<16xi32>], vector<16xf32>,
      %broadcast_in_dim3A_1107 = arith.constant 1 : i32
      %broadcast_in_dim3A_1108 = vector.broadcast %broadcast_in_dim3A_1107 : i32 to vector<16xi32>
      %lt3A_1109 = arith.constant 0 : i32
      %lt3A_1110 = vector.broadcast %lt3A_1109 : i32 to vector<16xi32>
      %lt3A_1111 = arith.cmpi slt, %broadcast_in_dim3A_1108, %lt3A_1110 : vector<16xi32>
      %add3A_1112 = arith.constant 16 : i32
      %add3A_1113 = vector.broadcast %add3A_1112 : i32 to vector<16xi32>
      %add3A_1114 = arith.addi %broadcast_in_dim3A_1108, %add3A_1113 : vector<16xi32>
      %select_n3A_1115 = arith.select %lt3A_1111, %add3A_1114, %broadcast_in_dim3A_1108 : vector<16xi1>, vector<16xi32>
      %broadcast_in_dim3A_1116 = vector.shape_cast %select_n3A_1115 : vector<16xi32> to vector<16x1xi32>
      %gather3A_1117 = vector.shape_cast %broadcast_in_dim3A_1116 : vector<16x1xi32> to vector<16xi32>
      %gather3A_1118 = tpu.dynamic_gather %get3A_3[%gather3A_1117] in [0] : vector<16xf32>, vector<16xi32> -> vector<16xf32>
      %mul3A_1119 = arith.mulf %gather3A_1106, %gather3A_1118 : vector<16xf32>
      %add3A_1120 = arith.addf %add3A_1103, %mul3A_1119 : vector<16xf32>
      %broadcast_in_dim3A_1121 = arith.constant 2 : i32
      %broadcast_in_dim3A_1122 = vector.broadcast %broadcast_in_dim3A_1121 : i32 to vector<16xi32>
      %gather3A_1123 = tpu.vector_load_idx %arg14[%iota3A, %broadcast_in_dim3A_1122] : memref<16x32xf32, #tpu.memory_space<vmem>>[vector<16xi32>, vector<16xi32>], vector<16xf32>,
      %broadcast_in_dim3A_1124 = arith.constant 2 : i32
      %broadcast_in_dim3A_1125 = vector.broadcast %broadcast_in_dim3A_1124 : i32 to vector<16xi32>
      %lt3A_1126 = arith.constant 0 : i32
      %lt3A_1127 = vector.broadcast %lt3A_1126 : i32 to vector<16xi32>
      %lt3A_1128 = arith.cmpi slt, %broadcast_in_dim3A_1125, %lt3A_1127 : vector<16xi32>
      %add3A_1129 = arith.constant 16 : i32
      %add3A_1130 = vector.broadcast %add3A_1129 : i32 to vector<16xi32>
      %add3A_1131 = arith.addi %broadcast_in_dim3A_1125, %add3A_1130 : vector<16xi32>
      %select_n3A_1132 = arith.select %lt3A_1128, %add3A_1131, %broadcast_in_dim3A_1125 : vector<16xi1>, vector<16xi32>
      %broadcast_in_dim3A_1133 = vector.shape_cast %select_n3A_1132 : vector<16xi32> to vector<16x1xi32>
      %gather3A_1134 = vector.shape_cast %broadcast_in_dim3A_1133 : vector<16x1xi32> to vector<16xi32>
      %gather3A_1135 = tpu.dynamic_gather %get3A_3[%gather3A_1134] in [0] : vector<16xf32>, vector<16xi32> -> vector<16xf32>
      %mul3A_1136 = arith.mulf %gather3A_1123, %gather3A_1135 : vector<16xf32>
      %add3A_1137 = arith.addf %add3A_1120, %mul3A_1136 : vector<16xf32>
      %broadcast_in_dim3A_1138 = arith.constant 3 : i32
      %broadcast_in_dim3A_1139 = vector.broadcast %broadcast_in_dim3A_1138 : i32 to vector<16xi32>
      %gather3A_1140 = tpu.vector_load_idx %arg14[%iota3A, %broadcast_in_dim3A_1139] : memref<16x32xf32, #tpu.memory_space<vmem>>[vector<16xi32>, vector<16xi32>], vector<16xf32>,
      %broadcast_in_dim3A_1141 = arith.constant 3 : i32
      %broadcast_in_dim3A_1142 = vector.broadcast %broadcast_in_dim3A_1141 : i32 to vector<16xi32>
      %lt3A_1143 = arith.constant 0 : i32
      %lt3A_1144 = vector.broadcast %lt3A_1143 : i32 to vector<16xi32>
      %lt3A_1145 = arith.cmpi slt, %broadcast_in_dim3A_1142, %lt3A_1144 : vector<16xi32>
      %add3A_1146 = arith.constant 16 : i32
      %add3A_1147 = vector.broadcast %add3A_1146 : i32 to vector<16xi32>
      %add3A_1148 = arith.addi %broadcast_in_dim3A_1142, %add3A_1147 : vector<16xi32>
      %select_n3A_1149 = arith.select %lt3A_1145, %add3A_1148, %broadcast_in_dim3A_1142 : vector<16xi1>, vector<16xi32>
      %broadcast_in_dim3A_1150 = vector.shape_cast %select_n3A_1149 : vector<16xi32> to vector<16x1xi32>
      %gather3A_1151 = vector.shape_cast %broadcast_in_dim3A_1150 : vector<16x1xi32> to vector<16xi32>
      %gather3A_1152 = tpu.dynamic_gather %get3A_3[%gather3A_1151] in [0] : vector<16xf32>, vector<16xi32> -> vector<16xf32>
      %mul3A_1153 = arith.mulf %gather3A_1140, %gather3A_1152 : vector<16xf32>
      %add3A_1154 = arith.addf %add3A_1137, %mul3A_1153 : vector<16xf32>
      %broadcast_in_dim3A_1155 = arith.constant 4 : i32
      %broadcast_in_dim3A_1156 = vector.broadcast %broadcast_in_dim3A_1155 : i32 to vector<16xi32>
      %gather3A_1157 = tpu.vector_load_idx %arg14[%iota3A, %broadcast_in_dim3A_1156] : memref<16x32xf32, #tpu.memory_space<vmem>>[vector<16xi32>, vector<16xi32>], vector<16xf32>,
      %broadcast_in_dim3A_1158 = arith.constant 4 : i32
      %broadcast_in_dim3A_1159 = vector.broadcast %broadcast_in_dim3A_1158 : i32 to vector<16xi32>
      %lt3A_1160 = arith.constant 0 : i32
      %lt3A_1161 = vector.broadcast %lt3A_1160 : i32 to vector<16xi32>
      %lt3A_1162 = arith.cmpi slt, %broadcast_in_dim3A_1159, %lt3A_1161 : vector<16xi32>
      %add3A_1163 = arith.constant 16 : i32
      %add3A_1164 = vector.broadcast %add3A_1163 : i32 to vector<16xi32>
      %add3A_1165 = arith.addi %broadcast_in_dim3A_1159, %add3A_1164 : vector<16xi32>
      %select_n3A_1166 = arith.select %lt3A_1162, %add3A_1165, %broadcast_in_dim3A_1159 : vector<16xi1>, vector<16xi32>
      %broadcast_in_dim3A_1167 = vector.shape_cast %select_n3A_1166 : vector<16xi32> to vector<16x1xi32>
      %gather3A_1168 = vector.shape_cast %broadcast_in_dim3A_1167 : vector<16x1xi32> to vector<16xi32>
      %gather3A_1169 = tpu.dynamic_gather %get3A_3[%gather3A_1168] in [0] : vector<16xf32>, vector<16xi32> -> vector<16xf32>
      %mul3A_1170 = arith.mulf %gather3A_1157, %gather3A_1169 : vector<16xf32>
      %add3A_1171 = arith.addf %add3A_1154, %mul3A_1170 : vector<16xf32>
      %broadcast_in_dim3A_1172 = arith.constant 5 : i32
      %broadcast_in_dim3A_1173 = vector.broadcast %broadcast_in_dim3A_1172 : i32 to vector<16xi32>
      %gather3A_1174 = tpu.vector_load_idx %arg14[%iota3A, %broadcast_in_dim3A_1173] : memref<16x32xf32, #tpu.memory_space<vmem>>[vector<16xi32>, vector<16xi32>], vector<16xf32>,
      %broadcast_in_dim3A_1175 = arith.constant 5 : i32
      %broadcast_in_dim3A_1176 = vector.broadcast %broadcast_in_dim3A_1175 : i32 to vector<16xi32>
      %lt3A_1177 = arith.constant 0 : i32
      %lt3A_1178 = vector.broadcast %lt3A_1177 : i32 to vector<16xi32>
      %lt3A_1179 = arith.cmpi slt, %broadcast_in_dim3A_1176, %lt3A_1178 : vector<16xi32>
      %add3A_1180 = arith.constant 16 : i32
      %add3A_1181 = vector.broadcast %add3A_1180 : i32 to vector<16xi32>
      %add3A_1182 = arith.addi %broadcast_in_dim3A_1176, %add3A_1181 : vector<16xi32>
      %select_n3A_1183 = arith.select %lt3A_1179, %add3A_1182, %broadcast_in_dim3A_1176 : vector<16xi1>, vector<16xi32>
      %broadcast_in_dim3A_1184 = vector.shape_cast %select_n3A_1183 : vector<16xi32> to vector<16x1xi32>
      %gather3A_1185 = vector.shape_cast %broadcast_in_dim3A_1184 : vector<16x1xi32> to vector<16xi32>
      %gather3A_1186 = tpu.dynamic_gather %get3A_3[%gather3A_1185] in [0] : vector<16xf32>, vector<16xi32> -> vector<16xf32>
      %mul3A_1187 = arith.mulf %gather3A_1174, %gather3A_1186 : vector<16xf32>
      %add3A_1188 = arith.addf %add3A_1171, %mul3A_1187 : vector<16xf32>
      %broadcast_in_dim3A_1189 = arith.constant 6 : i32
      %broadcast_in_dim3A_1190 = vector.broadcast %broadcast_in_dim3A_1189 : i32 to vector<16xi32>
      %gather3A_1191 = tpu.vector_load_idx %arg14[%iota3A, %broadcast_in_dim3A_1190] : memref<16x32xf32, #tpu.memory_space<vmem>>[vector<16xi32>, vector<16xi32>], vector<16xf32>,
      %broadcast_in_dim3A_1192 = arith.constant 6 : i32
      %broadcast_in_dim3A_1193 = vector.broadcast %broadcast_in_dim3A_1192 : i32 to vector<16xi32>
      %lt3A_1194 = arith.constant 0 : i32
      %lt3A_1195 = vector.broadcast %lt3A_1194 : i32 to vector<16xi32>
      %lt3A_1196 = arith.cmpi slt, %broadcast_in_dim3A_1193, %lt3A_1195 : vector<16xi32>
      %add3A_1197 = arith.constant 16 : i32
      %add3A_1198 = vector.broadcast %add3A_1197 : i32 to vector<16xi32>
      %add3A_1199 = arith.addi %broadcast_in_dim3A_1193, %add3A_1198 : vector<16xi32>
      %select_n3A_1200 = arith.select %lt3A_1196, %add3A_1199, %broadcast_in_dim3A_1193 : vector<16xi1>, vector<16xi32>
      %broadcast_in_dim3A_1201 = vector.shape_cast %select_n3A_1200 : vector<16xi32> to vector<16x1xi32>
      %gather3A_1202 = vector.shape_cast %broadcast_in_dim3A_1201 : vector<16x1xi32> to vector<16xi32>
      %gather3A_1203 = tpu.dynamic_gather %get3A_3[%gather3A_1202] in [0] : vector<16xf32>, vector<16xi32> -> vector<16xf32>
      %mul3A_1204 = arith.mulf %gather3A_1191, %gather3A_1203 : vector<16xf32>
      %add3A_1205 = arith.addf %add3A_1188, %mul3A_1204 : vector<16xf32>
      %broadcast_in_dim3A_1206 = arith.constant 7 : i32
      %broadcast_in_dim3A_1207 = vector.broadcast %broadcast_in_dim3A_1206 : i32 to vector<16xi32>
      %gather3A_1208 = tpu.vector_load_idx %arg14[%iota3A, %broadcast_in_dim3A_1207] : memref<16x32xf32, #tpu.memory_space<vmem>>[vector<16xi32>, vector<16xi32>], vector<16xf32>,
      %broadcast_in_dim3A_1209 = arith.constant 7 : i32
      %broadcast_in_dim3A_1210 = vector.broadcast %broadcast_in_dim3A_1209 : i32 to vector<16xi32>
      %lt3A_1211 = arith.constant 0 : i32
      %lt3A_1212 = vector.broadcast %lt3A_1211 : i32 to vector<16xi32>
      %lt3A_1213 = arith.cmpi slt, %broadcast_in_dim3A_1210, %lt3A_1212 : vector<16xi32>
      %add3A_1214 = arith.constant 16 : i32
      %add3A_1215 = vector.broadcast %add3A_1214 : i32 to vector<16xi32>
      %add3A_1216 = arith.addi %broadcast_in_dim3A_1210, %add3A_1215 : vector<16xi32>
      %select_n3A_1217 = arith.select %lt3A_1213, %add3A_1216, %broadcast_in_dim3A_1210 : vector<16xi1>, vector<16xi32>
      %broadcast_in_dim3A_1218 = vector.shape_cast %select_n3A_1217 : vector<16xi32> to vector<16x1xi32>
      %gather3A_1219 = vector.shape_cast %broadcast_in_dim3A_1218 : vector<16x1xi32> to vector<16xi32>
      %gather3A_1220 = tpu.dynamic_gather %get3A_3[%gather3A_1219] in [0] : vector<16xf32>, vector<16xi32> -> vector<16xf32>
      %mul3A_1221 = arith.mulf %gather3A_1208, %gather3A_1220 : vector<16xf32>
      %add3A_1222 = arith.addf %add3A_1205, %mul3A_1221 : vector<16xf32>
      %broadcast_in_dim3A_1223 = arith.constant 8 : i32
      %broadcast_in_dim3A_1224 = vector.broadcast %broadcast_in_dim3A_1223 : i32 to vector<16xi32>
      %gather3A_1225 = tpu.vector_load_idx %arg14[%iota3A, %broadcast_in_dim3A_1224] : memref<16x32xf32, #tpu.memory_space<vmem>>[vector<16xi32>, vector<16xi32>], vector<16xf32>,
      %broadcast_in_dim3A_1226 = arith.constant 8 : i32
      %broadcast_in_dim3A_1227 = vector.broadcast %broadcast_in_dim3A_1226 : i32 to vector<16xi32>
      %lt3A_1228 = arith.constant 0 : i32
      %lt3A_1229 = vector.broadcast %lt3A_1228 : i32 to vector<16xi32>
      %lt3A_1230 = arith.cmpi slt, %broadcast_in_dim3A_1227, %lt3A_1229 : vector<16xi32>
      %add3A_1231 = arith.constant 16 : i32
      %add3A_1232 = vector.broadcast %add3A_1231 : i32 to vector<16xi32>
      %add3A_1233 = arith.addi %broadcast_in_dim3A_1227, %add3A_1232 : vector<16xi32>
      %select_n3A_1234 = arith.select %lt3A_1230, %add3A_1233, %broadcast_in_dim3A_1227 : vector<16xi1>, vector<16xi32>
      %broadcast_in_dim3A_1235 = vector.shape_cast %select_n3A_1234 : vector<16xi32> to vector<16x1xi32>
      %gather3A_1236 = vector.shape_cast %broadcast_in_dim3A_1235 : vector<16x1xi32> to vector<16xi32>
      %gather3A_1237 = tpu.dynamic_gather %get3A_3[%gather3A_1236] in [0] : vector<16xf32>, vector<16xi32> -> vector<16xf32>
      %mul3A_1238 = arith.mulf %gather3A_1225, %gather3A_1237 : vector<16xf32>
      %add3A_1239 = arith.addf %add3A_1222, %mul3A_1238 : vector<16xf32>
      %broadcast_in_dim3A_1240 = arith.constant 9 : i32
      %broadcast_in_dim3A_1241 = vector.broadcast %broadcast_in_dim3A_1240 : i32 to vector<16xi32>
      %gather3A_1242 = tpu.vector_load_idx %arg14[%iota3A, %broadcast_in_dim3A_1241] : memref<16x32xf32, #tpu.memory_space<vmem>>[vector<16xi32>, vector<16xi32>], vector<16xf32>,
      %broadcast_in_dim3A_1243 = arith.constant 9 : i32
      %broadcast_in_dim3A_1244 = vector.broadcast %broadcast_in_dim3A_1243 : i32 to vector<16xi32>
      %lt3A_1245 = arith.constant 0 : i32
      %lt3A_1246 = vector.broadcast %lt3A_1245 : i32 to vector<16xi32>
      %lt3A_1247 = arith.cmpi slt, %broadcast_in_dim3A_1244, %lt3A_1246 : vector<16xi32>
      %add3A_1248 = arith.constant 16 : i32
      %add3A_1249 = vector.broadcast %add3A_1248 : i32 to vector<16xi32>
      %add3A_1250 = arith.addi %broadcast_in_dim3A_1244, %add3A_1249 : vector<16xi32>
      %select_n3A_1251 = arith.select %lt3A_1247, %add3A_1250, %broadcast_in_dim3A_1244 : vector<16xi1>, vector<16xi32>
      %broadcast_in_dim3A_1252 = vector.shape_cast %select_n3A_1251 : vector<16xi32> to vector<16x1xi32>
      %gather3A_1253 = vector.shape_cast %broadcast_in_dim3A_1252 : vector<16x1xi32> to vector<16xi32>
      %gather3A_1254 = tpu.dynamic_gather %get3A_3[%gather3A_1253] in [0] : vector<16xf32>, vector<16xi32> -> vector<16xf32>
      %mul3A_1255 = arith.mulf %gather3A_1242, %gather3A_1254 : vector<16xf32>
      %add3A_1256 = arith.addf %add3A_1239, %mul3A_1255 : vector<16xf32>
      %broadcast_in_dim3A_1257 = arith.constant 10 : i32
      %broadcast_in_dim3A_1258 = vector.broadcast %broadcast_in_dim3A_1257 : i32 to vector<16xi32>
      %gather3A_1259 = tpu.vector_load_idx %arg14[%iota3A, %broadcast_in_dim3A_1258] : memref<16x32xf32, #tpu.memory_space<vmem>>[vector<16xi32>, vector<16xi32>], vector<16xf32>,
      %broadcast_in_dim3A_1260 = arith.constant 10 : i32
      %broadcast_in_dim3A_1261 = vector.broadcast %broadcast_in_dim3A_1260 : i32 to vector<16xi32>
      %lt3A_1262 = arith.constant 0 : i32
      %lt3A_1263 = vector.broadcast %lt3A_1262 : i32 to vector<16xi32>
      %lt3A_1264 = arith.cmpi slt, %broadcast_in_dim3A_1261, %lt3A_1263 : vector<16xi32>
      %add3A_1265 = arith.constant 16 : i32
      %add3A_1266 = vector.broadcast %add3A_1265 : i32 to vector<16xi32>
      %add3A_1267 = arith.addi %broadcast_in_dim3A_1261, %add3A_1266 : vector<16xi32>
      %select_n3A_1268 = arith.select %lt3A_1264, %add3A_1267, %broadcast_in_dim3A_1261 : vector<16xi1>, vector<16xi32>
      %broadcast_in_dim3A_1269 = vector.shape_cast %select_n3A_1268 : vector<16xi32> to vector<16x1xi32>
      %gather3A_1270 = vector.shape_cast %broadcast_in_dim3A_1269 : vector<16x1xi32> to vector<16xi32>
      %gather3A_1271 = tpu.dynamic_gather %get3A_3[%gather3A_1270] in [0] : vector<16xf32>, vector<16xi32> -> vector<16xf32>
      %mul3A_1272 = arith.mulf %gather3A_1259, %gather3A_1271 : vector<16xf32>
      %add3A_1273 = arith.addf %add3A_1256, %mul3A_1272 : vector<16xf32>
      %broadcast_in_dim3A_1274 = arith.constant 11 : i32
      %broadcast_in_dim3A_1275 = vector.broadcast %broadcast_in_dim3A_1274 : i32 to vector<16xi32>
      %gather3A_1276 = tpu.vector_load_idx %arg14[%iota3A, %broadcast_in_dim3A_1275] : memref<16x32xf32, #tpu.memory_space<vmem>>[vector<16xi32>, vector<16xi32>], vector<16xf32>,
      %broadcast_in_dim3A_1277 = arith.constant 11 : i32
      %broadcast_in_dim3A_1278 = vector.broadcast %broadcast_in_dim3A_1277 : i32 to vector<16xi32>
      %lt3A_1279 = arith.constant 0 : i32
      %lt3A_1280 = vector.broadcast %lt3A_1279 : i32 to vector<16xi32>
      %lt3A_1281 = arith.cmpi slt, %broadcast_in_dim3A_1278, %lt3A_1280 : vector<16xi32>
      %add3A_1282 = arith.constant 16 : i32
      %add3A_1283 = vector.broadcast %add3A_1282 : i32 to vector<16xi32>
      %add3A_1284 = arith.addi %broadcast_in_dim3A_1278, %add3A_1283 : vector<16xi32>
      %select_n3A_1285 = arith.select %lt3A_1281, %add3A_1284, %broadcast_in_dim3A_1278 : vector<16xi1>, vector<16xi32>
      %broadcast_in_dim3A_1286 = vector.shape_cast %select_n3A_1285 : vector<16xi32> to vector<16x1xi32>
      %gather3A_1287 = vector.shape_cast %broadcast_in_dim3A_1286 : vector<16x1xi32> to vector<16xi32>
      %gather3A_1288 = tpu.dynamic_gather %get3A_3[%gather3A_1287] in [0] : vector<16xf32>, vector<16xi32> -> vector<16xf32>
      %mul3A_1289 = arith.mulf %gather3A_1276, %gather3A_1288 : vector<16xf32>
      %add3A_1290 = arith.addf %add3A_1273, %mul3A_1289 : vector<16xf32>
      %broadcast_in_dim3A_1291 = arith.constant 12 : i32
      %broadcast_in_dim3A_1292 = vector.broadcast %broadcast_in_dim3A_1291 : i32 to vector<16xi32>
      %gather3A_1293 = tpu.vector_load_idx %arg14[%iota3A, %broadcast_in_dim3A_1292] : memref<16x32xf32, #tpu.memory_space<vmem>>[vector<16xi32>, vector<16xi32>], vector<16xf32>,
      %broadcast_in_dim3A_1294 = arith.constant 12 : i32
      %broadcast_in_dim3A_1295 = vector.broadcast %broadcast_in_dim3A_1294 : i32 to vector<16xi32>
      %lt3A_1296 = arith.constant 0 : i32
      %lt3A_1297 = vector.broadcast %lt3A_1296 : i32 to vector<16xi32>
      %lt3A_1298 = arith.cmpi slt, %broadcast_in_dim3A_1295, %lt3A_1297 : vector<16xi32>
      %add3A_1299 = arith.constant 16 : i32
      %add3A_1300 = vector.broadcast %add3A_1299 : i32 to vector<16xi32>
      %add3A_1301 = arith.addi %broadcast_in_dim3A_1295, %add3A_1300 : vector<16xi32>
      %select_n3A_1302 = arith.select %lt3A_1298, %add3A_1301, %broadcast_in_dim3A_1295 : vector<16xi1>, vector<16xi32>
      %broadcast_in_dim3A_1303 = vector.shape_cast %select_n3A_1302 : vector<16xi32> to vector<16x1xi32>
      %gather3A_1304 = vector.shape_cast %broadcast_in_dim3A_1303 : vector<16x1xi32> to vector<16xi32>
      %gather3A_1305 = tpu.dynamic_gather %get3A_3[%gather3A_1304] in [0] : vector<16xf32>, vector<16xi32> -> vector<16xf32>
      %mul3A_1306 = arith.mulf %gather3A_1293, %gather3A_1305 : vector<16xf32>
      %add3A_1307 = arith.addf %add3A_1290, %mul3A_1306 : vector<16xf32>
      %broadcast_in_dim3A_1308 = arith.constant 13 : i32
      %broadcast_in_dim3A_1309 = vector.broadcast %broadcast_in_dim3A_1308 : i32 to vector<16xi32>
      %gather3A_1310 = tpu.vector_load_idx %arg14[%iota3A, %broadcast_in_dim3A_1309] : memref<16x32xf32, #tpu.memory_space<vmem>>[vector<16xi32>, vector<16xi32>], vector<16xf32>,
      %broadcast_in_dim3A_1311 = arith.constant 13 : i32
      %broadcast_in_dim3A_1312 = vector.broadcast %broadcast_in_dim3A_1311 : i32 to vector<16xi32>
      %lt3A_1313 = arith.constant 0 : i32
      %lt3A_1314 = vector.broadcast %lt3A_1313 : i32 to vector<16xi32>
      %lt3A_1315 = arith.cmpi slt, %broadcast_in_dim3A_1312, %lt3A_1314 : vector<16xi32>
      %add3A_1316 = arith.constant 16 : i32
      %add3A_1317 = vector.broadcast %add3A_1316 : i32 to vector<16xi32>
      %add3A_1318 = arith.addi %broadcast_in_dim3A_1312, %add3A_1317 : vector<16xi32>
      %select_n3A_1319 = arith.select %lt3A_1315, %add3A_1318, %broadcast_in_dim3A_1312 : vector<16xi1>, vector<16xi32>
      %broadcast_in_dim3A_1320 = vector.shape_cast %select_n3A_1319 : vector<16xi32> to vector<16x1xi32>
      %gather3A_1321 = vector.shape_cast %broadcast_in_dim3A_1320 : vector<16x1xi32> to vector<16xi32>
      %gather3A_1322 = tpu.dynamic_gather %get3A_3[%gather3A_1321] in [0] : vector<16xf32>, vector<16xi32> -> vector<16xf32>
      %mul3A_1323 = arith.mulf %gather3A_1310, %gather3A_1322 : vector<16xf32>
      %add3A_1324 = arith.addf %add3A_1307, %mul3A_1323 : vector<16xf32>
      %broadcast_in_dim3A_1325 = arith.constant 14 : i32
      %broadcast_in_dim3A_1326 = vector.broadcast %broadcast_in_dim3A_1325 : i32 to vector<16xi32>
      %gather3A_1327 = tpu.vector_load_idx %arg14[%iota3A, %broadcast_in_dim3A_1326] : memref<16x32xf32, #tpu.memory_space<vmem>>[vector<16xi32>, vector<16xi32>], vector<16xf32>,
      %broadcast_in_dim3A_1328 = arith.constant 14 : i32
      %broadcast_in_dim3A_1329 = vector.broadcast %broadcast_in_dim3A_1328 : i32 to vector<16xi32>
      %lt3A_1330 = arith.constant 0 : i32
      %lt3A_1331 = vector.broadcast %lt3A_1330 : i32 to vector<16xi32>
      %lt3A_1332 = arith.cmpi slt, %broadcast_in_dim3A_1329, %lt3A_1331 : vector<16xi32>
      %add3A_1333 = arith.constant 16 : i32
      %add3A_1334 = vector.broadcast %add3A_1333 : i32 to vector<16xi32>
      %add3A_1335 = arith.addi %broadcast_in_dim3A_1329, %add3A_1334 : vector<16xi32>
      %select_n3A_1336 = arith.select %lt3A_1332, %add3A_1335, %broadcast_in_dim3A_1329 : vector<16xi1>, vector<16xi32>
      %broadcast_in_dim3A_1337 = vector.shape_cast %select_n3A_1336 : vector<16xi32> to vector<16x1xi32>
      %gather3A_1338 = vector.shape_cast %broadcast_in_dim3A_1337 : vector<16x1xi32> to vector<16xi32>
      %gather3A_1339 = tpu.dynamic_gather %get3A_3[%gather3A_1338] in [0] : vector<16xf32>, vector<16xi32> -> vector<16xf32>
      %mul3A_1340 = arith.mulf %gather3A_1327, %gather3A_1339 : vector<16xf32>
      %add3A_1341 = arith.addf %add3A_1324, %mul3A_1340 : vector<16xf32>
      %broadcast_in_dim3A_1342 = arith.constant 15 : i32
      %broadcast_in_dim3A_1343 = vector.broadcast %broadcast_in_dim3A_1342 : i32 to vector<16xi32>
      %gather3A_1344 = tpu.vector_load_idx %arg14[%iota3A, %broadcast_in_dim3A_1343] : memref<16x32xf32, #tpu.memory_space<vmem>>[vector<16xi32>, vector<16xi32>], vector<16xf32>,
      %broadcast_in_dim3A_1345 = arith.constant 15 : i32
      %broadcast_in_dim3A_1346 = vector.broadcast %broadcast_in_dim3A_1345 : i32 to vector<16xi32>
      %lt3A_1347 = arith.constant 0 : i32
      %lt3A_1348 = vector.broadcast %lt3A_1347 : i32 to vector<16xi32>
      %lt3A_1349 = arith.cmpi slt, %broadcast_in_dim3A_1346, %lt3A_1348 : vector<16xi32>
      %add3A_1350 = arith.constant 16 : i32
      %add3A_1351 = vector.broadcast %add3A_1350 : i32 to vector<16xi32>
      %add3A_1352 = arith.addi %broadcast_in_dim3A_1346, %add3A_1351 : vector<16xi32>
      %select_n3A_1353 = arith.select %lt3A_1349, %add3A_1352, %broadcast_in_dim3A_1346 : vector<16xi1>, vector<16xi32>
      %broadcast_in_dim3A_1354 = vector.shape_cast %select_n3A_1353 : vector<16xi32> to vector<16x1xi32>
      %gather3A_1355 = vector.shape_cast %broadcast_in_dim3A_1354 : vector<16x1xi32> to vector<16xi32>
      %gather3A_1356 = tpu.dynamic_gather %get3A_3[%gather3A_1355] in [0] : vector<16xf32>, vector<16xi32> -> vector<16xf32>
      %mul3A_1357 = arith.mulf %gather3A_1344, %gather3A_1356 : vector<16xf32>
      %add3A_1358 = arith.addf %add3A_1341, %mul3A_1357 : vector<16xf32>
      %broadcast_in_dim3A_1359 = arith.constant 16 : i32
      %broadcast_in_dim3A_1360 = vector.broadcast %broadcast_in_dim3A_1359 : i32 to vector<16xi32>
      %gather3A_1361 = tpu.vector_load_idx %arg14[%iota3A, %broadcast_in_dim3A_1360] : memref<16x32xf32, #tpu.memory_space<vmem>>[vector<16xi32>, vector<16xi32>], vector<16xf32>,
      %broadcast_in_dim3A_1362 = arith.constant 0 : i32
      %broadcast_in_dim3A_1363 = vector.broadcast %broadcast_in_dim3A_1362 : i32 to vector<16xi32>
      %lt3A_1364 = arith.constant 0 : i32
      %lt3A_1365 = vector.broadcast %lt3A_1364 : i32 to vector<16xi32>
      %lt3A_1366 = arith.cmpi slt, %broadcast_in_dim3A_1363, %lt3A_1365 : vector<16xi32>
      %add3A_1367 = arith.constant 16 : i32
      %add3A_1368 = vector.broadcast %add3A_1367 : i32 to vector<16xi32>
      %add3A_1369 = arith.addi %broadcast_in_dim3A_1363, %add3A_1368 : vector<16xi32>
      %select_n3A_1370 = arith.select %lt3A_1366, %add3A_1369, %broadcast_in_dim3A_1363 : vector<16xi1>, vector<16xi32>
      %broadcast_in_dim3A_1371 = vector.shape_cast %select_n3A_1370 : vector<16xi32> to vector<16x1xi32>
      %gather3A_1372 = vector.shape_cast %broadcast_in_dim3A_1371 : vector<16x1xi32> to vector<16xi32>
      %gather3A_1373 = tpu.dynamic_gather %get3A_5[%gather3A_1372] in [0] : vector<16xf32>, vector<16xi32> -> vector<16xf32>
      %mul3A_1374 = arith.mulf %gather3A_1361, %gather3A_1373 : vector<16xf32>
      %add3A_1375 = arith.addf %add3A_1358, %mul3A_1374 : vector<16xf32>
      %broadcast_in_dim3A_1376 = arith.constant 17 : i32
      %broadcast_in_dim3A_1377 = vector.broadcast %broadcast_in_dim3A_1376 : i32 to vector<16xi32>
      %gather3A_1378 = tpu.vector_load_idx %arg14[%iota3A, %broadcast_in_dim3A_1377] : memref<16x32xf32, #tpu.memory_space<vmem>>[vector<16xi32>, vector<16xi32>], vector<16xf32>,
      %broadcast_in_dim3A_1379 = arith.constant 1 : i32
      %broadcast_in_dim3A_1380 = vector.broadcast %broadcast_in_dim3A_1379 : i32 to vector<16xi32>
      %lt3A_1381 = arith.constant 0 : i32
      %lt3A_1382 = vector.broadcast %lt3A_1381 : i32 to vector<16xi32>
      %lt3A_1383 = arith.cmpi slt, %broadcast_in_dim3A_1380, %lt3A_1382 : vector<16xi32>
      %add3A_1384 = arith.constant 16 : i32
      %add3A_1385 = vector.broadcast %add3A_1384 : i32 to vector<16xi32>
      %add3A_1386 = arith.addi %broadcast_in_dim3A_1380, %add3A_1385 : vector<16xi32>
      %select_n3A_1387 = arith.select %lt3A_1383, %add3A_1386, %broadcast_in_dim3A_1380 : vector<16xi1>, vector<16xi32>
      %broadcast_in_dim3A_1388 = vector.shape_cast %select_n3A_1387 : vector<16xi32> to vector<16x1xi32>
      %gather3A_1389 = vector.shape_cast %broadcast_in_dim3A_1388 : vector<16x1xi32> to vector<16xi32>
      %gather3A_1390 = tpu.dynamic_gather %get3A_5[%gather3A_1389] in [0] : vector<16xf32>, vector<16xi32> -> vector<16xf32>
      %mul3A_1391 = arith.mulf %gather3A_1378, %gather3A_1390 : vector<16xf32>
      %add3A_1392 = arith.addf %add3A_1375, %mul3A_1391 : vector<16xf32>
      %broadcast_in_dim3A_1393 = arith.constant 18 : i32
      %broadcast_in_dim3A_1394 = vector.broadcast %broadcast_in_dim3A_1393 : i32 to vector<16xi32>
      %gather3A_1395 = tpu.vector_load_idx %arg14[%iota3A, %broadcast_in_dim3A_1394] : memref<16x32xf32, #tpu.memory_space<vmem>>[vector<16xi32>, vector<16xi32>], vector<16xf32>,
      %broadcast_in_dim3A_1396 = arith.constant 2 : i32
      %broadcast_in_dim3A_1397 = vector.broadcast %broadcast_in_dim3A_1396 : i32 to vector<16xi32>
      %lt3A_1398 = arith.constant 0 : i32
      %lt3A_1399 = vector.broadcast %lt3A_1398 : i32 to vector<16xi32>
      %lt3A_1400 = arith.cmpi slt, %broadcast_in_dim3A_1397, %lt3A_1399 : vector<16xi32>
      %add3A_1401 = arith.constant 16 : i32
      %add3A_1402 = vector.broadcast %add3A_1401 : i32 to vector<16xi32>
      %add3A_1403 = arith.addi %broadcast_in_dim3A_1397, %add3A_1402 : vector<16xi32>
      %select_n3A_1404 = arith.select %lt3A_1400, %add3A_1403, %broadcast_in_dim3A_1397 : vector<16xi1>, vector<16xi32>
      %broadcast_in_dim3A_1405 = vector.shape_cast %select_n3A_1404 : vector<16xi32> to vector<16x1xi32>
      %gather3A_1406 = vector.shape_cast %broadcast_in_dim3A_1405 : vector<16x1xi32> to vector<16xi32>
      %gather3A_1407 = tpu.dynamic_gather %get3A_5[%gather3A_1406] in [0] : vector<16xf32>, vector<16xi32> -> vector<16xf32>
      %mul3A_1408 = arith.mulf %gather3A_1395, %gather3A_1407 : vector<16xf32>
      %add3A_1409 = arith.addf %add3A_1392, %mul3A_1408 : vector<16xf32>
      %broadcast_in_dim3A_1410 = arith.constant 19 : i32
      %broadcast_in_dim3A_1411 = vector.broadcast %broadcast_in_dim3A_1410 : i32 to vector<16xi32>
      %gather3A_1412 = tpu.vector_load_idx %arg14[%iota3A, %broadcast_in_dim3A_1411] : memref<16x32xf32, #tpu.memory_space<vmem>>[vector<16xi32>, vector<16xi32>], vector<16xf32>,
      %broadcast_in_dim3A_1413 = arith.constant 3 : i32
      %broadcast_in_dim3A_1414 = vector.broadcast %broadcast_in_dim3A_1413 : i32 to vector<16xi32>
      %lt3A_1415 = arith.constant 0 : i32
      %lt3A_1416 = vector.broadcast %lt3A_1415 : i32 to vector<16xi32>
      %lt3A_1417 = arith.cmpi slt, %broadcast_in_dim3A_1414, %lt3A_1416 : vector<16xi32>
      %add3A_1418 = arith.constant 16 : i32
      %add3A_1419 = vector.broadcast %add3A_1418 : i32 to vector<16xi32>
      %add3A_1420 = arith.addi %broadcast_in_dim3A_1414, %add3A_1419 : vector<16xi32>
      %select_n3A_1421 = arith.select %lt3A_1417, %add3A_1420, %broadcast_in_dim3A_1414 : vector<16xi1>, vector<16xi32>
      %broadcast_in_dim3A_1422 = vector.shape_cast %select_n3A_1421 : vector<16xi32> to vector<16x1xi32>
      %gather3A_1423 = vector.shape_cast %broadcast_in_dim3A_1422 : vector<16x1xi32> to vector<16xi32>
      %gather3A_1424 = tpu.dynamic_gather %get3A_5[%gather3A_1423] in [0] : vector<16xf32>, vector<16xi32> -> vector<16xf32>
      %mul3A_1425 = arith.mulf %gather3A_1412, %gather3A_1424 : vector<16xf32>
      %add3A_1426 = arith.addf %add3A_1409, %mul3A_1425 : vector<16xf32>
      %broadcast_in_dim3A_1427 = arith.constant 20 : i32
      %broadcast_in_dim3A_1428 = vector.broadcast %broadcast_in_dim3A_1427 : i32 to vector<16xi32>
      %gather3A_1429 = tpu.vector_load_idx %arg14[%iota3A, %broadcast_in_dim3A_1428] : memref<16x32xf32, #tpu.memory_space<vmem>>[vector<16xi32>, vector<16xi32>], vector<16xf32>,
      %broadcast_in_dim3A_1430 = arith.constant 4 : i32
      %broadcast_in_dim3A_1431 = vector.broadcast %broadcast_in_dim3A_1430 : i32 to vector<16xi32>
      %lt3A_1432 = arith.constant 0 : i32
      %lt3A_1433 = vector.broadcast %lt3A_1432 : i32 to vector<16xi32>
      %lt3A_1434 = arith.cmpi slt, %broadcast_in_dim3A_1431, %lt3A_1433 : vector<16xi32>
      %add3A_1435 = arith.constant 16 : i32
      %add3A_1436 = vector.broadcast %add3A_1435 : i32 to vector<16xi32>
      %add3A_1437 = arith.addi %broadcast_in_dim3A_1431, %add3A_1436 : vector<16xi32>
      %select_n3A_1438 = arith.select %lt3A_1434, %add3A_1437, %broadcast_in_dim3A_1431 : vector<16xi1>, vector<16xi32>
      %broadcast_in_dim3A_1439 = vector.shape_cast %select_n3A_1438 : vector<16xi32> to vector<16x1xi32>
      %gather3A_1440 = vector.shape_cast %broadcast_in_dim3A_1439 : vector<16x1xi32> to vector<16xi32>
      %gather3A_1441 = tpu.dynamic_gather %get3A_5[%gather3A_1440] in [0] : vector<16xf32>, vector<16xi32> -> vector<16xf32>
      %mul3A_1442 = arith.mulf %gather3A_1429, %gather3A_1441 : vector<16xf32>
      %add3A_1443 = arith.addf %add3A_1426, %mul3A_1442 : vector<16xf32>
      %broadcast_in_dim3A_1444 = arith.constant 21 : i32
      %broadcast_in_dim3A_1445 = vector.broadcast %broadcast_in_dim3A_1444 : i32 to vector<16xi32>
      %gather3A_1446 = tpu.vector_load_idx %arg14[%iota3A, %broadcast_in_dim3A_1445] : memref<16x32xf32, #tpu.memory_space<vmem>>[vector<16xi32>, vector<16xi32>], vector<16xf32>,
      %broadcast_in_dim3A_1447 = arith.constant 5 : i32
      %broadcast_in_dim3A_1448 = vector.broadcast %broadcast_in_dim3A_1447 : i32 to vector<16xi32>
      %lt3A_1449 = arith.constant 0 : i32
      %lt3A_1450 = vector.broadcast %lt3A_1449 : i32 to vector<16xi32>
      %lt3A_1451 = arith.cmpi slt, %broadcast_in_dim3A_1448, %lt3A_1450 : vector<16xi32>
      %add3A_1452 = arith.constant 16 : i32
      %add3A_1453 = vector.broadcast %add3A_1452 : i32 to vector<16xi32>
      %add3A_1454 = arith.addi %broadcast_in_dim3A_1448, %add3A_1453 : vector<16xi32>
      %select_n3A_1455 = arith.select %lt3A_1451, %add3A_1454, %broadcast_in_dim3A_1448 : vector<16xi1>, vector<16xi32>
      %broadcast_in_dim3A_1456 = vector.shape_cast %select_n3A_1455 : vector<16xi32> to vector<16x1xi32>
      %gather3A_1457 = vector.shape_cast %broadcast_in_dim3A_1456 : vector<16x1xi32> to vector<16xi32>
      %gather3A_1458 = tpu.dynamic_gather %get3A_5[%gather3A_1457] in [0] : vector<16xf32>, vector<16xi32> -> vector<16xf32>
      %mul3A_1459 = arith.mulf %gather3A_1446, %gather3A_1458 : vector<16xf32>
      %add3A_1460 = arith.addf %add3A_1443, %mul3A_1459 : vector<16xf32>
      %broadcast_in_dim3A_1461 = arith.constant 22 : i32
      %broadcast_in_dim3A_1462 = vector.broadcast %broadcast_in_dim3A_1461 : i32 to vector<16xi32>
      %gather3A_1463 = tpu.vector_load_idx %arg14[%iota3A, %broadcast_in_dim3A_1462] : memref<16x32xf32, #tpu.memory_space<vmem>>[vector<16xi32>, vector<16xi32>], vector<16xf32>,
      %broadcast_in_dim3A_1464 = arith.constant 6 : i32
      %broadcast_in_dim3A_1465 = vector.broadcast %broadcast_in_dim3A_1464 : i32 to vector<16xi32>
      %lt3A_1466 = arith.constant 0 : i32
      %lt3A_1467 = vector.broadcast %lt3A_1466 : i32 to vector<16xi32>
      %lt3A_1468 = arith.cmpi slt, %broadcast_in_dim3A_1465, %lt3A_1467 : vector<16xi32>
      %add3A_1469 = arith.constant 16 : i32
      %add3A_1470 = vector.broadcast %add3A_1469 : i32 to vector<16xi32>
      %add3A_1471 = arith.addi %broadcast_in_dim3A_1465, %add3A_1470 : vector<16xi32>
      %select_n3A_1472 = arith.select %lt3A_1468, %add3A_1471, %broadcast_in_dim3A_1465 : vector<16xi1>, vector<16xi32>
      %broadcast_in_dim3A_1473 = vector.shape_cast %select_n3A_1472 : vector<16xi32> to vector<16x1xi32>
      %gather3A_1474 = vector.shape_cast %broadcast_in_dim3A_1473 : vector<16x1xi32> to vector<16xi32>
      %gather3A_1475 = tpu.dynamic_gather %get3A_5[%gather3A_1474] in [0] : vector<16xf32>, vector<16xi32> -> vector<16xf32>
      %mul3A_1476 = arith.mulf %gather3A_1463, %gather3A_1475 : vector<16xf32>
      %add3A_1477 = arith.addf %add3A_1460, %mul3A_1476 : vector<16xf32>
      %broadcast_in_dim3A_1478 = arith.constant 23 : i32
      %broadcast_in_dim3A_1479 = vector.broadcast %broadcast_in_dim3A_1478 : i32 to vector<16xi32>
      %gather3A_1480 = tpu.vector_load_idx %arg14[%iota3A, %broadcast_in_dim3A_1479] : memref<16x32xf32, #tpu.memory_space<vmem>>[vector<16xi32>, vector<16xi32>], vector<16xf32>,
      %broadcast_in_dim3A_1481 = arith.constant 7 : i32
      %broadcast_in_dim3A_1482 = vector.broadcast %broadcast_in_dim3A_1481 : i32 to vector<16xi32>
      %lt3A_1483 = arith.constant 0 : i32
      %lt3A_1484 = vector.broadcast %lt3A_1483 : i32 to vector<16xi32>
      %lt3A_1485 = arith.cmpi slt, %broadcast_in_dim3A_1482, %lt3A_1484 : vector<16xi32>
      %add3A_1486 = arith.constant 16 : i32
      %add3A_1487 = vector.broadcast %add3A_1486 : i32 to vector<16xi32>
      %add3A_1488 = arith.addi %broadcast_in_dim3A_1482, %add3A_1487 : vector<16xi32>
      %select_n3A_1489 = arith.select %lt3A_1485, %add3A_1488, %broadcast_in_dim3A_1482 : vector<16xi1>, vector<16xi32>
      %broadcast_in_dim3A_1490 = vector.shape_cast %select_n3A_1489 : vector<16xi32> to vector<16x1xi32>
      %gather3A_1491 = vector.shape_cast %broadcast_in_dim3A_1490 : vector<16x1xi32> to vector<16xi32>
      %gather3A_1492 = tpu.dynamic_gather %get3A_5[%gather3A_1491] in [0] : vector<16xf32>, vector<16xi32> -> vector<16xf32>
      %mul3A_1493 = arith.mulf %gather3A_1480, %gather3A_1492 : vector<16xf32>
      %add3A_1494 = arith.addf %add3A_1477, %mul3A_1493 : vector<16xf32>
      %broadcast_in_dim3A_1495 = arith.constant 24 : i32
      %broadcast_in_dim3A_1496 = vector.broadcast %broadcast_in_dim3A_1495 : i32 to vector<16xi32>
      %gather3A_1497 = tpu.vector_load_idx %arg14[%iota3A, %broadcast_in_dim3A_1496] : memref<16x32xf32, #tpu.memory_space<vmem>>[vector<16xi32>, vector<16xi32>], vector<16xf32>,
      %broadcast_in_dim3A_1498 = arith.constant 8 : i32
      %broadcast_in_dim3A_1499 = vector.broadcast %broadcast_in_dim3A_1498 : i32 to vector<16xi32>
      %lt3A_1500 = arith.constant 0 : i32
      %lt3A_1501 = vector.broadcast %lt3A_1500 : i32 to vector<16xi32>
      %lt3A_1502 = arith.cmpi slt, %broadcast_in_dim3A_1499, %lt3A_1501 : vector<16xi32>
      %add3A_1503 = arith.constant 16 : i32
      %add3A_1504 = vector.broadcast %add3A_1503 : i32 to vector<16xi32>
      %add3A_1505 = arith.addi %broadcast_in_dim3A_1499, %add3A_1504 : vector<16xi32>
      %select_n3A_1506 = arith.select %lt3A_1502, %add3A_1505, %broadcast_in_dim3A_1499 : vector<16xi1>, vector<16xi32>
      %broadcast_in_dim3A_1507 = vector.shape_cast %select_n3A_1506 : vector<16xi32> to vector<16x1xi32>
      %gather3A_1508 = vector.shape_cast %broadcast_in_dim3A_1507 : vector<16x1xi32> to vector<16xi32>
      %gather3A_1509 = tpu.dynamic_gather %get3A_5[%gather3A_1508] in [0] : vector<16xf32>, vector<16xi32> -> vector<16xf32>
      %mul3A_1510 = arith.mulf %gather3A_1497, %gather3A_1509 : vector<16xf32>
      %add3A_1511 = arith.addf %add3A_1494, %mul3A_1510 : vector<16xf32>
      %broadcast_in_dim3A_1512 = arith.constant 25 : i32
      %broadcast_in_dim3A_1513 = vector.broadcast %broadcast_in_dim3A_1512 : i32 to vector<16xi32>
      %gather3A_1514 = tpu.vector_load_idx %arg14[%iota3A, %broadcast_in_dim3A_1513] : memref<16x32xf32, #tpu.memory_space<vmem>>[vector<16xi32>, vector<16xi32>], vector<16xf32>,
      %broadcast_in_dim3A_1515 = arith.constant 9 : i32
      %broadcast_in_dim3A_1516 = vector.broadcast %broadcast_in_dim3A_1515 : i32 to vector<16xi32>
      %lt3A_1517 = arith.constant 0 : i32
      %lt3A_1518 = vector.broadcast %lt3A_1517 : i32 to vector<16xi32>
      %lt3A_1519 = arith.cmpi slt, %broadcast_in_dim3A_1516, %lt3A_1518 : vector<16xi32>
      %add3A_1520 = arith.constant 16 : i32
      %add3A_1521 = vector.broadcast %add3A_1520 : i32 to vector<16xi32>
      %add3A_1522 = arith.addi %broadcast_in_dim3A_1516, %add3A_1521 : vector<16xi32>
      %select_n3A_1523 = arith.select %lt3A_1519, %add3A_1522, %broadcast_in_dim3A_1516 : vector<16xi1>, vector<16xi32>
      %broadcast_in_dim3A_1524 = vector.shape_cast %select_n3A_1523 : vector<16xi32> to vector<16x1xi32>
      %gather3A_1525 = vector.shape_cast %broadcast_in_dim3A_1524 : vector<16x1xi32> to vector<16xi32>
      %gather3A_1526 = tpu.dynamic_gather %get3A_5[%gather3A_1525] in [0] : vector<16xf32>, vector<16xi32> -> vector<16xf32>
      %mul3A_1527 = arith.mulf %gather3A_1514, %gather3A_1526 : vector<16xf32>
      %add3A_1528 = arith.addf %add3A_1511, %mul3A_1527 : vector<16xf32>
      %broadcast_in_dim3A_1529 = arith.constant 26 : i32
      %broadcast_in_dim3A_1530 = vector.broadcast %broadcast_in_dim3A_1529 : i32 to vector<16xi32>
      %gather3A_1531 = tpu.vector_load_idx %arg14[%iota3A, %broadcast_in_dim3A_1530] : memref<16x32xf32, #tpu.memory_space<vmem>>[vector<16xi32>, vector<16xi32>], vector<16xf32>,
      %broadcast_in_dim3A_1532 = arith.constant 10 : i32
      %broadcast_in_dim3A_1533 = vector.broadcast %broadcast_in_dim3A_1532 : i32 to vector<16xi32>
      %lt3A_1534 = arith.constant 0 : i32
      %lt3A_1535 = vector.broadcast %lt3A_1534 : i32 to vector<16xi32>
      %lt3A_1536 = arith.cmpi slt, %broadcast_in_dim3A_1533, %lt3A_1535 : vector<16xi32>
      %add3A_1537 = arith.constant 16 : i32
      %add3A_1538 = vector.broadcast %add3A_1537 : i32 to vector<16xi32>
      %add3A_1539 = arith.addi %broadcast_in_dim3A_1533, %add3A_1538 : vector<16xi32>
      %select_n3A_1540 = arith.select %lt3A_1536, %add3A_1539, %broadcast_in_dim3A_1533 : vector<16xi1>, vector<16xi32>
      %broadcast_in_dim3A_1541 = vector.shape_cast %select_n3A_1540 : vector<16xi32> to vector<16x1xi32>
      %gather3A_1542 = vector.shape_cast %broadcast_in_dim3A_1541 : vector<16x1xi32> to vector<16xi32>
      %gather3A_1543 = tpu.dynamic_gather %get3A_5[%gather3A_1542] in [0] : vector<16xf32>, vector<16xi32> -> vector<16xf32>
      %mul3A_1544 = arith.mulf %gather3A_1531, %gather3A_1543 : vector<16xf32>
      %add3A_1545 = arith.addf %add3A_1528, %mul3A_1544 : vector<16xf32>
      %broadcast_in_dim3A_1546 = arith.constant 27 : i32
      %broadcast_in_dim3A_1547 = vector.broadcast %broadcast_in_dim3A_1546 : i32 to vector<16xi32>
      %gather3A_1548 = tpu.vector_load_idx %arg14[%iota3A, %broadcast_in_dim3A_1547] : memref<16x32xf32, #tpu.memory_space<vmem>>[vector<16xi32>, vector<16xi32>], vector<16xf32>,
      %broadcast_in_dim3A_1549 = arith.constant 11 : i32
      %broadcast_in_dim3A_1550 = vector.broadcast %broadcast_in_dim3A_1549 : i32 to vector<16xi32>
      %lt3A_1551 = arith.constant 0 : i32
      %lt3A_1552 = vector.broadcast %lt3A_1551 : i32 to vector<16xi32>
      %lt3A_1553 = arith.cmpi slt, %broadcast_in_dim3A_1550, %lt3A_1552 : vector<16xi32>
      %add3A_1554 = arith.constant 16 : i32
      %add3A_1555 = vector.broadcast %add3A_1554 : i32 to vector<16xi32>
      %add3A_1556 = arith.addi %broadcast_in_dim3A_1550, %add3A_1555 : vector<16xi32>
      %select_n3A_1557 = arith.select %lt3A_1553, %add3A_1556, %broadcast_in_dim3A_1550 : vector<16xi1>, vector<16xi32>
      %broadcast_in_dim3A_1558 = vector.shape_cast %select_n3A_1557 : vector<16xi32> to vector<16x1xi32>
      %gather3A_1559 = vector.shape_cast %broadcast_in_dim3A_1558 : vector<16x1xi32> to vector<16xi32>
      %gather3A_1560 = tpu.dynamic_gather %get3A_5[%gather3A_1559] in [0] : vector<16xf32>, vector<16xi32> -> vector<16xf32>
      %mul3A_1561 = arith.mulf %gather3A_1548, %gather3A_1560 : vector<16xf32>
      %add3A_1562 = arith.addf %add3A_1545, %mul3A_1561 : vector<16xf32>
      %broadcast_in_dim3A_1563 = arith.constant 28 : i32
      %broadcast_in_dim3A_1564 = vector.broadcast %broadcast_in_dim3A_1563 : i32 to vector<16xi32>
      %gather3A_1565 = tpu.vector_load_idx %arg14[%iota3A, %broadcast_in_dim3A_1564] : memref<16x32xf32, #tpu.memory_space<vmem>>[vector<16xi32>, vector<16xi32>], vector<16xf32>,
      %broadcast_in_dim3A_1566 = arith.constant 12 : i32
      %broadcast_in_dim3A_1567 = vector.broadcast %broadcast_in_dim3A_1566 : i32 to vector<16xi32>
      %lt3A_1568 = arith.constant 0 : i32
      %lt3A_1569 = vector.broadcast %lt3A_1568 : i32 to vector<16xi32>
      %lt3A_1570 = arith.cmpi slt, %broadcast_in_dim3A_1567, %lt3A_1569 : vector<16xi32>
      %add3A_1571 = arith.constant 16 : i32
      %add3A_1572 = vector.broadcast %add3A_1571 : i32 to vector<16xi32>
      %add3A_1573 = arith.addi %broadcast_in_dim3A_1567, %add3A_1572 : vector<16xi32>
      %select_n3A_1574 = arith.select %lt3A_1570, %add3A_1573, %broadcast_in_dim3A_1567 : vector<16xi1>, vector<16xi32>
      %broadcast_in_dim3A_1575 = vector.shape_cast %select_n3A_1574 : vector<16xi32> to vector<16x1xi32>
      %gather3A_1576 = vector.shape_cast %broadcast_in_dim3A_1575 : vector<16x1xi32> to vector<16xi32>
      %gather3A_1577 = tpu.dynamic_gather %get3A_5[%gather3A_1576] in [0] : vector<16xf32>, vector<16xi32> -> vector<16xf32>
      %mul3A_1578 = arith.mulf %gather3A_1565, %gather3A_1577 : vector<16xf32>
      %add3A_1579 = arith.addf %add3A_1562, %mul3A_1578 : vector<16xf32>
      %broadcast_in_dim3A_1580 = arith.constant 29 : i32
      %broadcast_in_dim3A_1581 = vector.broadcast %broadcast_in_dim3A_1580 : i32 to vector<16xi32>
      %gather3A_1582 = tpu.vector_load_idx %arg14[%iota3A, %broadcast_in_dim3A_1581] : memref<16x32xf32, #tpu.memory_space<vmem>>[vector<16xi32>, vector<16xi32>], vector<16xf32>,
      %broadcast_in_dim3A_1583 = arith.constant 13 : i32
      %broadcast_in_dim3A_1584 = vector.broadcast %broadcast_in_dim3A_1583 : i32 to vector<16xi32>
      %lt3A_1585 = arith.constant 0 : i32
      %lt3A_1586 = vector.broadcast %lt3A_1585 : i32 to vector<16xi32>
      %lt3A_1587 = arith.cmpi slt, %broadcast_in_dim3A_1584, %lt3A_1586 : vector<16xi32>
      %add3A_1588 = arith.constant 16 : i32
      %add3A_1589 = vector.broadcast %add3A_1588 : i32 to vector<16xi32>
      %add3A_1590 = arith.addi %broadcast_in_dim3A_1584, %add3A_1589 : vector<16xi32>
      %select_n3A_1591 = arith.select %lt3A_1587, %add3A_1590, %broadcast_in_dim3A_1584 : vector<16xi1>, vector<16xi32>
      %broadcast_in_dim3A_1592 = vector.shape_cast %select_n3A_1591 : vector<16xi32> to vector<16x1xi32>
      %gather3A_1593 = vector.shape_cast %broadcast_in_dim3A_1592 : vector<16x1xi32> to vector<16xi32>
      %gather3A_1594 = tpu.dynamic_gather %get3A_5[%gather3A_1593] in [0] : vector<16xf32>, vector<16xi32> -> vector<16xf32>
      %mul3A_1595 = arith.mulf %gather3A_1582, %gather3A_1594 : vector<16xf32>
      %add3A_1596 = arith.addf %add3A_1579, %mul3A_1595 : vector<16xf32>
      %broadcast_in_dim3A_1597 = arith.constant 30 : i32
      %broadcast_in_dim3A_1598 = vector.broadcast %broadcast_in_dim3A_1597 : i32 to vector<16xi32>
      %gather3A_1599 = tpu.vector_load_idx %arg14[%iota3A, %broadcast_in_dim3A_1598] : memref<16x32xf32, #tpu.memory_space<vmem>>[vector<16xi32>, vector<16xi32>], vector<16xf32>,
      %broadcast_in_dim3A_1600 = arith.constant 14 : i32
      %broadcast_in_dim3A_1601 = vector.broadcast %broadcast_in_dim3A_1600 : i32 to vector<16xi32>
      %lt3A_1602 = arith.constant 0 : i32
      %lt3A_1603 = vector.broadcast %lt3A_1602 : i32 to vector<16xi32>
      %lt3A_1604 = arith.cmpi slt, %broadcast_in_dim3A_1601, %lt3A_1603 : vector<16xi32>
      %add3A_1605 = arith.constant 16 : i32
      %add3A_1606 = vector.broadcast %add3A_1605 : i32 to vector<16xi32>
      %add3A_1607 = arith.addi %broadcast_in_dim3A_1601, %add3A_1606 : vector<16xi32>
      %select_n3A_1608 = arith.select %lt3A_1604, %add3A_1607, %broadcast_in_dim3A_1601 : vector<16xi1>, vector<16xi32>
      %broadcast_in_dim3A_1609 = vector.shape_cast %select_n3A_1608 : vector<16xi32> to vector<16x1xi32>
      %gather3A_1610 = vector.shape_cast %broadcast_in_dim3A_1609 : vector<16x1xi32> to vector<16xi32>
      %gather3A_1611 = tpu.dynamic_gather %get3A_5[%gather3A_1610] in [0] : vector<16xf32>, vector<16xi32> -> vector<16xf32>
      %mul3A_1612 = arith.mulf %gather3A_1599, %gather3A_1611 : vector<16xf32>
      %add3A_1613 = arith.addf %add3A_1596, %mul3A_1612 : vector<16xf32>
      %broadcast_in_dim3A_1614 = arith.constant 31 : i32
      %broadcast_in_dim3A_1615 = vector.broadcast %broadcast_in_dim3A_1614 : i32 to vector<16xi32>
      %gather3A_1616 = tpu.vector_load_idx %arg14[%iota3A, %broadcast_in_dim3A_1615] : memref<16x32xf32, #tpu.memory_space<vmem>>[vector<16xi32>, vector<16xi32>], vector<16xf32>,
      %broadcast_in_dim3A_1617 = arith.constant 15 : i32
      %broadcast_in_dim3A_1618 = vector.broadcast %broadcast_in_dim3A_1617 : i32 to vector<16xi32>
      %lt3A_1619 = arith.constant 0 : i32
      %lt3A_1620 = vector.broadcast %lt3A_1619 : i32 to vector<16xi32>
      %lt3A_1621 = arith.cmpi slt, %broadcast_in_dim3A_1618, %lt3A_1620 : vector<16xi32>
      %add3A_1622 = arith.constant 16 : i32
      %add3A_1623 = vector.broadcast %add3A_1622 : i32 to vector<16xi32>
      %add3A_1624 = arith.addi %broadcast_in_dim3A_1618, %add3A_1623 : vector<16xi32>
      %select_n3A_1625 = arith.select %lt3A_1621, %add3A_1624, %broadcast_in_dim3A_1618 : vector<16xi1>, vector<16xi32>
      %broadcast_in_dim3A_1626 = vector.shape_cast %select_n3A_1625 : vector<16xi32> to vector<16x1xi32>
      %gather3A_1627 = vector.shape_cast %broadcast_in_dim3A_1626 : vector<16x1xi32> to vector<16xi32>
      %gather3A_1628 = tpu.dynamic_gather %get3A_5[%gather3A_1627] in [0] : vector<16xf32>, vector<16xi32> -> vector<16xf32>
      %mul3A_1629 = arith.mulf %gather3A_1616, %gather3A_1628 : vector<16xf32>
      %add3A_1630 = arith.addf %add3A_1613, %mul3A_1629 : vector<16xf32>
      %broadcast_in_dim3A_1631 = arith.constant 0 : i32
      %broadcast_in_dim3A_1632 = vector.broadcast %broadcast_in_dim3A_1631 : i32 to vector<16xi32>
      %gather3A_1633 = tpu.vector_load_idx %arg15[%iota3A, %broadcast_in_dim3A_1632] : memref<16x32xf32, #tpu.memory_space<vmem>>[vector<16xi32>, vector<16xi32>], vector<16xf32>,
      %broadcast_in_dim3A_1634 = arith.constant 0 : i32
      %broadcast_in_dim3A_1635 = vector.broadcast %broadcast_in_dim3A_1634 : i32 to vector<16xi32>
      %lt3A_1636 = arith.constant 0 : i32
      %lt3A_1637 = vector.broadcast %lt3A_1636 : i32 to vector<16xi32>
      %lt3A_1638 = arith.cmpi slt, %broadcast_in_dim3A_1635, %lt3A_1637 : vector<16xi32>
      %add3A_1639 = arith.constant 16 : i32
      %add3A_1640 = vector.broadcast %add3A_1639 : i32 to vector<16xi32>
      %add3A_1641 = arith.addi %broadcast_in_dim3A_1635, %add3A_1640 : vector<16xi32>
      %select_n3A_1642 = arith.select %lt3A_1638, %add3A_1641, %broadcast_in_dim3A_1635 : vector<16xi1>, vector<16xi32>
      %broadcast_in_dim3A_1643 = vector.shape_cast %select_n3A_1642 : vector<16xi32> to vector<16x1xi32>
      %gather3A_1644 = vector.shape_cast %broadcast_in_dim3A_1643 : vector<16x1xi32> to vector<16xi32>
      %gather3A_1645 = tpu.dynamic_gather %get3A_7[%gather3A_1644] in [0] : vector<16xf32>, vector<16xi32> -> vector<16xf32>
      %mul3A_1646 = arith.mulf %gather3A_1633, %gather3A_1645 : vector<16xf32>
      %add3A_1647 = arith.addf %add3A_1630, %mul3A_1646 : vector<16xf32>
      %broadcast_in_dim3A_1648 = arith.constant 1 : i32
      %broadcast_in_dim3A_1649 = vector.broadcast %broadcast_in_dim3A_1648 : i32 to vector<16xi32>
      %gather3A_1650 = tpu.vector_load_idx %arg15[%iota3A, %broadcast_in_dim3A_1649] : memref<16x32xf32, #tpu.memory_space<vmem>>[vector<16xi32>, vector<16xi32>], vector<16xf32>,
      %broadcast_in_dim3A_1651 = arith.constant 1 : i32
      %broadcast_in_dim3A_1652 = vector.broadcast %broadcast_in_dim3A_1651 : i32 to vector<16xi32>
      %lt3A_1653 = arith.constant 0 : i32
      %lt3A_1654 = vector.broadcast %lt3A_1653 : i32 to vector<16xi32>
      %lt3A_1655 = arith.cmpi slt, %broadcast_in_dim3A_1652, %lt3A_1654 : vector<16xi32>
      %add3A_1656 = arith.constant 16 : i32
      %add3A_1657 = vector.broadcast %add3A_1656 : i32 to vector<16xi32>
      %add3A_1658 = arith.addi %broadcast_in_dim3A_1652, %add3A_1657 : vector<16xi32>
      %select_n3A_1659 = arith.select %lt3A_1655, %add3A_1658, %broadcast_in_dim3A_1652 : vector<16xi1>, vector<16xi32>
      %broadcast_in_dim3A_1660 = vector.shape_cast %select_n3A_1659 : vector<16xi32> to vector<16x1xi32>
      %gather3A_1661 = vector.shape_cast %broadcast_in_dim3A_1660 : vector<16x1xi32> to vector<16xi32>
      %gather3A_1662 = tpu.dynamic_gather %get3A_7[%gather3A_1661] in [0] : vector<16xf32>, vector<16xi32> -> vector<16xf32>
      %mul3A_1663 = arith.mulf %gather3A_1650, %gather3A_1662 : vector<16xf32>
      %add3A_1664 = arith.addf %add3A_1647, %mul3A_1663 : vector<16xf32>
      %broadcast_in_dim3A_1665 = arith.constant 2 : i32
      %broadcast_in_dim3A_1666 = vector.broadcast %broadcast_in_dim3A_1665 : i32 to vector<16xi32>
      %gather3A_1667 = tpu.vector_load_idx %arg15[%iota3A, %broadcast_in_dim3A_1666] : memref<16x32xf32, #tpu.memory_space<vmem>>[vector<16xi32>, vector<16xi32>], vector<16xf32>,
      %broadcast_in_dim3A_1668 = arith.constant 2 : i32
      %broadcast_in_dim3A_1669 = vector.broadcast %broadcast_in_dim3A_1668 : i32 to vector<16xi32>
      %lt3A_1670 = arith.constant 0 : i32
      %lt3A_1671 = vector.broadcast %lt3A_1670 : i32 to vector<16xi32>
      %lt3A_1672 = arith.cmpi slt, %broadcast_in_dim3A_1669, %lt3A_1671 : vector<16xi32>
      %add3A_1673 = arith.constant 16 : i32
      %add3A_1674 = vector.broadcast %add3A_1673 : i32 to vector<16xi32>
      %add3A_1675 = arith.addi %broadcast_in_dim3A_1669, %add3A_1674 : vector<16xi32>
      %select_n3A_1676 = arith.select %lt3A_1672, %add3A_1675, %broadcast_in_dim3A_1669 : vector<16xi1>, vector<16xi32>
      %broadcast_in_dim3A_1677 = vector.shape_cast %select_n3A_1676 : vector<16xi32> to vector<16x1xi32>
      %gather3A_1678 = vector.shape_cast %broadcast_in_dim3A_1677 : vector<16x1xi32> to vector<16xi32>
      %gather3A_1679 = tpu.dynamic_gather %get3A_7[%gather3A_1678] in [0] : vector<16xf32>, vector<16xi32> -> vector<16xf32>
      %mul3A_1680 = arith.mulf %gather3A_1667, %gather3A_1679 : vector<16xf32>
      %add3A_1681 = arith.addf %add3A_1664, %mul3A_1680 : vector<16xf32>
      %broadcast_in_dim3A_1682 = arith.constant 3 : i32
      %broadcast_in_dim3A_1683 = vector.broadcast %broadcast_in_dim3A_1682 : i32 to vector<16xi32>
      %gather3A_1684 = tpu.vector_load_idx %arg15[%iota3A, %broadcast_in_dim3A_1683] : memref<16x32xf32, #tpu.memory_space<vmem>>[vector<16xi32>, vector<16xi32>], vector<16xf32>,
      %broadcast_in_dim3A_1685 = arith.constant 3 : i32
      %broadcast_in_dim3A_1686 = vector.broadcast %broadcast_in_dim3A_1685 : i32 to vector<16xi32>
      %lt3A_1687 = arith.constant 0 : i32
      %lt3A_1688 = vector.broadcast %lt3A_1687 : i32 to vector<16xi32>
      %lt3A_1689 = arith.cmpi slt, %broadcast_in_dim3A_1686, %lt3A_1688 : vector<16xi32>
      %add3A_1690 = arith.constant 16 : i32
      %add3A_1691 = vector.broadcast %add3A_1690 : i32 to vector<16xi32>
      %add3A_1692 = arith.addi %broadcast_in_dim3A_1686, %add3A_1691 : vector<16xi32>
      %select_n3A_1693 = arith.select %lt3A_1689, %add3A_1692, %broadcast_in_dim3A_1686 : vector<16xi1>, vector<16xi32>
      %broadcast_in_dim3A_1694 = vector.shape_cast %select_n3A_1693 : vector<16xi32> to vector<16x1xi32>
      %gather3A_1695 = vector.shape_cast %broadcast_in_dim3A_1694 : vector<16x1xi32> to vector<16xi32>
      %gather3A_1696 = tpu.dynamic_gather %get3A_7[%gather3A_1695] in [0] : vector<16xf32>, vector<16xi32> -> vector<16xf32>
      %mul3A_1697 = arith.mulf %gather3A_1684, %gather3A_1696 : vector<16xf32>
      %add3A_1698 = arith.addf %add3A_1681, %mul3A_1697 : vector<16xf32>
      %broadcast_in_dim3A_1699 = arith.constant 4 : i32
      %broadcast_in_dim3A_1700 = vector.broadcast %broadcast_in_dim3A_1699 : i32 to vector<16xi32>
      %gather3A_1701 = tpu.vector_load_idx %arg15[%iota3A, %broadcast_in_dim3A_1700] : memref<16x32xf32, #tpu.memory_space<vmem>>[vector<16xi32>, vector<16xi32>], vector<16xf32>,
      %broadcast_in_dim3A_1702 = arith.constant 4 : i32
      %broadcast_in_dim3A_1703 = vector.broadcast %broadcast_in_dim3A_1702 : i32 to vector<16xi32>
      %lt3A_1704 = arith.constant 0 : i32
      %lt3A_1705 = vector.broadcast %lt3A_1704 : i32 to vector<16xi32>
      %lt3A_1706 = arith.cmpi slt, %broadcast_in_dim3A_1703, %lt3A_1705 : vector<16xi32>
      %add3A_1707 = arith.constant 16 : i32
      %add3A_1708 = vector.broadcast %add3A_1707 : i32 to vector<16xi32>
      %add3A_1709 = arith.addi %broadcast_in_dim3A_1703, %add3A_1708 : vector<16xi32>
      %select_n3A_1710 = arith.select %lt3A_1706, %add3A_1709, %broadcast_in_dim3A_1703 : vector<16xi1>, vector<16xi32>
      %broadcast_in_dim3A_1711 = vector.shape_cast %select_n3A_1710 : vector<16xi32> to vector<16x1xi32>
      %gather3A_1712 = vector.shape_cast %broadcast_in_dim3A_1711 : vector<16x1xi32> to vector<16xi32>
      %gather3A_1713 = tpu.dynamic_gather %get3A_7[%gather3A_1712] in [0] : vector<16xf32>, vector<16xi32> -> vector<16xf32>
      %mul3A_1714 = arith.mulf %gather3A_1701, %gather3A_1713 : vector<16xf32>
      %add3A_1715 = arith.addf %add3A_1698, %mul3A_1714 : vector<16xf32>
      %broadcast_in_dim3A_1716 = arith.constant 5 : i32
      %broadcast_in_dim3A_1717 = vector.broadcast %broadcast_in_dim3A_1716 : i32 to vector<16xi32>
      %gather3A_1718 = tpu.vector_load_idx %arg15[%iota3A, %broadcast_in_dim3A_1717] : memref<16x32xf32, #tpu.memory_space<vmem>>[vector<16xi32>, vector<16xi32>], vector<16xf32>,
      %broadcast_in_dim3A_1719 = arith.constant 5 : i32
      %broadcast_in_dim3A_1720 = vector.broadcast %broadcast_in_dim3A_1719 : i32 to vector<16xi32>
      %lt3A_1721 = arith.constant 0 : i32
      %lt3A_1722 = vector.broadcast %lt3A_1721 : i32 to vector<16xi32>
      %lt3A_1723 = arith.cmpi slt, %broadcast_in_dim3A_1720, %lt3A_1722 : vector<16xi32>
      %add3A_1724 = arith.constant 16 : i32
      %add3A_1725 = vector.broadcast %add3A_1724 : i32 to vector<16xi32>
      %add3A_1726 = arith.addi %broadcast_in_dim3A_1720, %add3A_1725 : vector<16xi32>
      %select_n3A_1727 = arith.select %lt3A_1723, %add3A_1726, %broadcast_in_dim3A_1720 : vector<16xi1>, vector<16xi32>
      %broadcast_in_dim3A_1728 = vector.shape_cast %select_n3A_1727 : vector<16xi32> to vector<16x1xi32>
      %gather3A_1729 = vector.shape_cast %broadcast_in_dim3A_1728 : vector<16x1xi32> to vector<16xi32>
      %gather3A_1730 = tpu.dynamic_gather %get3A_7[%gather3A_1729] in [0] : vector<16xf32>, vector<16xi32> -> vector<16xf32>
      %mul3A_1731 = arith.mulf %gather3A_1718, %gather3A_1730 : vector<16xf32>
      %add3A_1732 = arith.addf %add3A_1715, %mul3A_1731 : vector<16xf32>
      %broadcast_in_dim3A_1733 = arith.constant 6 : i32
      %broadcast_in_dim3A_1734 = vector.broadcast %broadcast_in_dim3A_1733 : i32 to vector<16xi32>
      %gather3A_1735 = tpu.vector_load_idx %arg15[%iota3A, %broadcast_in_dim3A_1734] : memref<16x32xf32, #tpu.memory_space<vmem>>[vector<16xi32>, vector<16xi32>], vector<16xf32>,
      %broadcast_in_dim3A_1736 = arith.constant 6 : i32
      %broadcast_in_dim3A_1737 = vector.broadcast %broadcast_in_dim3A_1736 : i32 to vector<16xi32>
      %lt3A_1738 = arith.constant 0 : i32
      %lt3A_1739 = vector.broadcast %lt3A_1738 : i32 to vector<16xi32>
      %lt3A_1740 = arith.cmpi slt, %broadcast_in_dim3A_1737, %lt3A_1739 : vector<16xi32>
      %add3A_1741 = arith.constant 16 : i32
      %add3A_1742 = vector.broadcast %add3A_1741 : i32 to vector<16xi32>
      %add3A_1743 = arith.addi %broadcast_in_dim3A_1737, %add3A_1742 : vector<16xi32>
      %select_n3A_1744 = arith.select %lt3A_1740, %add3A_1743, %broadcast_in_dim3A_1737 : vector<16xi1>, vector<16xi32>
      %broadcast_in_dim3A_1745 = vector.shape_cast %select_n3A_1744 : vector<16xi32> to vector<16x1xi32>
      %gather3A_1746 = vector.shape_cast %broadcast_in_dim3A_1745 : vector<16x1xi32> to vector<16xi32>
      %gather3A_1747 = tpu.dynamic_gather %get3A_7[%gather3A_1746] in [0] : vector<16xf32>, vector<16xi32> -> vector<16xf32>
      %mul3A_1748 = arith.mulf %gather3A_1735, %gather3A_1747 : vector<16xf32>
      %add3A_1749 = arith.addf %add3A_1732, %mul3A_1748 : vector<16xf32>
      %broadcast_in_dim3A_1750 = arith.constant 7 : i32
      %broadcast_in_dim3A_1751 = vector.broadcast %broadcast_in_dim3A_1750 : i32 to vector<16xi32>
      %gather3A_1752 = tpu.vector_load_idx %arg15[%iota3A, %broadcast_in_dim3A_1751] : memref<16x32xf32, #tpu.memory_space<vmem>>[vector<16xi32>, vector<16xi32>], vector<16xf32>,
      %broadcast_in_dim3A_1753 = arith.constant 7 : i32
      %broadcast_in_dim3A_1754 = vector.broadcast %broadcast_in_dim3A_1753 : i32 to vector<16xi32>
      %lt3A_1755 = arith.constant 0 : i32
      %lt3A_1756 = vector.broadcast %lt3A_1755 : i32 to vector<16xi32>
      %lt3A_1757 = arith.cmpi slt, %broadcast_in_dim3A_1754, %lt3A_1756 : vector<16xi32>
      %add3A_1758 = arith.constant 16 : i32
      %add3A_1759 = vector.broadcast %add3A_1758 : i32 to vector<16xi32>
      %add3A_1760 = arith.addi %broadcast_in_dim3A_1754, %add3A_1759 : vector<16xi32>
      %select_n3A_1761 = arith.select %lt3A_1757, %add3A_1760, %broadcast_in_dim3A_1754 : vector<16xi1>, vector<16xi32>
      %broadcast_in_dim3A_1762 = vector.shape_cast %select_n3A_1761 : vector<16xi32> to vector<16x1xi32>
      %gather3A_1763 = vector.shape_cast %broadcast_in_dim3A_1762 : vector<16x1xi32> to vector<16xi32>
      %gather3A_1764 = tpu.dynamic_gather %get3A_7[%gather3A_1763] in [0] : vector<16xf32>, vector<16xi32> -> vector<16xf32>
      %mul3A_1765 = arith.mulf %gather3A_1752, %gather3A_1764 : vector<16xf32>
      %add3A_1766 = arith.addf %add3A_1749, %mul3A_1765 : vector<16xf32>
      %broadcast_in_dim3A_1767 = arith.constant 8 : i32
      %broadcast_in_dim3A_1768 = vector.broadcast %broadcast_in_dim3A_1767 : i32 to vector<16xi32>
      %gather3A_1769 = tpu.vector_load_idx %arg15[%iota3A, %broadcast_in_dim3A_1768] : memref<16x32xf32, #tpu.memory_space<vmem>>[vector<16xi32>, vector<16xi32>], vector<16xf32>,
      %broadcast_in_dim3A_1770 = arith.constant 8 : i32
      %broadcast_in_dim3A_1771 = vector.broadcast %broadcast_in_dim3A_1770 : i32 to vector<16xi32>
      %lt3A_1772 = arith.constant 0 : i32
      %lt3A_1773 = vector.broadcast %lt3A_1772 : i32 to vector<16xi32>
      %lt3A_1774 = arith.cmpi slt, %broadcast_in_dim3A_1771, %lt3A_1773 : vector<16xi32>
      %add3A_1775 = arith.constant 16 : i32
      %add3A_1776 = vector.broadcast %add3A_1775 : i32 to vector<16xi32>
      %add3A_1777 = arith.addi %broadcast_in_dim3A_1771, %add3A_1776 : vector<16xi32>
      %select_n3A_1778 = arith.select %lt3A_1774, %add3A_1777, %broadcast_in_dim3A_1771 : vector<16xi1>, vector<16xi32>
      %broadcast_in_dim3A_1779 = vector.shape_cast %select_n3A_1778 : vector<16xi32> to vector<16x1xi32>
      %gather3A_1780 = vector.shape_cast %broadcast_in_dim3A_1779 : vector<16x1xi32> to vector<16xi32>
      %gather3A_1781 = tpu.dynamic_gather %get3A_7[%gather3A_1780] in [0] : vector<16xf32>, vector<16xi32> -> vector<16xf32>
      %mul3A_1782 = arith.mulf %gather3A_1769, %gather3A_1781 : vector<16xf32>
      %add3A_1783 = arith.addf %add3A_1766, %mul3A_1782 : vector<16xf32>
      %broadcast_in_dim3A_1784 = arith.constant 9 : i32
      %broadcast_in_dim3A_1785 = vector.broadcast %broadcast_in_dim3A_1784 : i32 to vector<16xi32>
      %gather3A_1786 = tpu.vector_load_idx %arg15[%iota3A, %broadcast_in_dim3A_1785] : memref<16x32xf32, #tpu.memory_space<vmem>>[vector<16xi32>, vector<16xi32>], vector<16xf32>,
      %broadcast_in_dim3A_1787 = arith.constant 9 : i32
      %broadcast_in_dim3A_1788 = vector.broadcast %broadcast_in_dim3A_1787 : i32 to vector<16xi32>
      %lt3A_1789 = arith.constant 0 : i32
      %lt3A_1790 = vector.broadcast %lt3A_1789 : i32 to vector<16xi32>
      %lt3A_1791 = arith.cmpi slt, %broadcast_in_dim3A_1788, %lt3A_1790 : vector<16xi32>
      %add3A_1792 = arith.constant 16 : i32
      %add3A_1793 = vector.broadcast %add3A_1792 : i32 to vector<16xi32>
      %add3A_1794 = arith.addi %broadcast_in_dim3A_1788, %add3A_1793 : vector<16xi32>
      %select_n3A_1795 = arith.select %lt3A_1791, %add3A_1794, %broadcast_in_dim3A_1788 : vector<16xi1>, vector<16xi32>
      %broadcast_in_dim3A_1796 = vector.shape_cast %select_n3A_1795 : vector<16xi32> to vector<16x1xi32>
      %gather3A_1797 = vector.shape_cast %broadcast_in_dim3A_1796 : vector<16x1xi32> to vector<16xi32>
      %gather3A_1798 = tpu.dynamic_gather %get3A_7[%gather3A_1797] in [0] : vector<16xf32>, vector<16xi32> -> vector<16xf32>
      %mul3A_1799 = arith.mulf %gather3A_1786, %gather3A_1798 : vector<16xf32>
      %add3A_1800 = arith.addf %add3A_1783, %mul3A_1799 : vector<16xf32>
      %broadcast_in_dim3A_1801 = arith.constant 10 : i32
      %broadcast_in_dim3A_1802 = vector.broadcast %broadcast_in_dim3A_1801 : i32 to vector<16xi32>
      %gather3A_1803 = tpu.vector_load_idx %arg15[%iota3A, %broadcast_in_dim3A_1802] : memref<16x32xf32, #tpu.memory_space<vmem>>[vector<16xi32>, vector<16xi32>], vector<16xf32>,
      %broadcast_in_dim3A_1804 = arith.constant 10 : i32
      %broadcast_in_dim3A_1805 = vector.broadcast %broadcast_in_dim3A_1804 : i32 to vector<16xi32>
      %lt3A_1806 = arith.constant 0 : i32
      %lt3A_1807 = vector.broadcast %lt3A_1806 : i32 to vector<16xi32>
      %lt3A_1808 = arith.cmpi slt, %broadcast_in_dim3A_1805, %lt3A_1807 : vector<16xi32>
      %add3A_1809 = arith.constant 16 : i32
      %add3A_1810 = vector.broadcast %add3A_1809 : i32 to vector<16xi32>
      %add3A_1811 = arith.addi %broadcast_in_dim3A_1805, %add3A_1810 : vector<16xi32>
      %select_n3A_1812 = arith.select %lt3A_1808, %add3A_1811, %broadcast_in_dim3A_1805 : vector<16xi1>, vector<16xi32>
      %broadcast_in_dim3A_1813 = vector.shape_cast %select_n3A_1812 : vector<16xi32> to vector<16x1xi32>
      %gather3A_1814 = vector.shape_cast %broadcast_in_dim3A_1813 : vector<16x1xi32> to vector<16xi32>
      %gather3A_1815 = tpu.dynamic_gather %get3A_7[%gather3A_1814] in [0] : vector<16xf32>, vector<16xi32> -> vector<16xf32>
      %mul3A_1816 = arith.mulf %gather3A_1803, %gather3A_1815 : vector<16xf32>
      %add3A_1817 = arith.addf %add3A_1800, %mul3A_1816 : vector<16xf32>
      %broadcast_in_dim3A_1818 = arith.constant 11 : i32
      %broadcast_in_dim3A_1819 = vector.broadcast %broadcast_in_dim3A_1818 : i32 to vector<16xi32>
      %gather3A_1820 = tpu.vector_load_idx %arg15[%iota3A, %broadcast_in_dim3A_1819] : memref<16x32xf32, #tpu.memory_space<vmem>>[vector<16xi32>, vector<16xi32>], vector<16xf32>,
      %broadcast_in_dim3A_1821 = arith.constant 11 : i32
      %broadcast_in_dim3A_1822 = vector.broadcast %broadcast_in_dim3A_1821 : i32 to vector<16xi32>
      %lt3A_1823 = arith.constant 0 : i32
      %lt3A_1824 = vector.broadcast %lt3A_1823 : i32 to vector<16xi32>
      %lt3A_1825 = arith.cmpi slt, %broadcast_in_dim3A_1822, %lt3A_1824 : vector<16xi32>
      %add3A_1826 = arith.constant 16 : i32
      %add3A_1827 = vector.broadcast %add3A_1826 : i32 to vector<16xi32>
      %add3A_1828 = arith.addi %broadcast_in_dim3A_1822, %add3A_1827 : vector<16xi32>
      %select_n3A_1829 = arith.select %lt3A_1825, %add3A_1828, %broadcast_in_dim3A_1822 : vector<16xi1>, vector<16xi32>
      %broadcast_in_dim3A_1830 = vector.shape_cast %select_n3A_1829 : vector<16xi32> to vector<16x1xi32>
      %gather3A_1831 = vector.shape_cast %broadcast_in_dim3A_1830 : vector<16x1xi32> to vector<16xi32>
      %gather3A_1832 = tpu.dynamic_gather %get3A_7[%gather3A_1831] in [0] : vector<16xf32>, vector<16xi32> -> vector<16xf32>
      %mul3A_1833 = arith.mulf %gather3A_1820, %gather3A_1832 : vector<16xf32>
      %add3A_1834 = arith.addf %add3A_1817, %mul3A_1833 : vector<16xf32>
      %broadcast_in_dim3A_1835 = arith.constant 12 : i32
      %broadcast_in_dim3A_1836 = vector.broadcast %broadcast_in_dim3A_1835 : i32 to vector<16xi32>
      %gather3A_1837 = tpu.vector_load_idx %arg15[%iota3A, %broadcast_in_dim3A_1836] : memref<16x32xf32, #tpu.memory_space<vmem>>[vector<16xi32>, vector<16xi32>], vector<16xf32>,
      %broadcast_in_dim3A_1838 = arith.constant 12 : i32
      %broadcast_in_dim3A_1839 = vector.broadcast %broadcast_in_dim3A_1838 : i32 to vector<16xi32>
      %lt3A_1840 = arith.constant 0 : i32
      %lt3A_1841 = vector.broadcast %lt3A_1840 : i32 to vector<16xi32>
      %lt3A_1842 = arith.cmpi slt, %broadcast_in_dim3A_1839, %lt3A_1841 : vector<16xi32>
      %add3A_1843 = arith.constant 16 : i32
      %add3A_1844 = vector.broadcast %add3A_1843 : i32 to vector<16xi32>
      %add3A_1845 = arith.addi %broadcast_in_dim3A_1839, %add3A_1844 : vector<16xi32>
      %select_n3A_1846 = arith.select %lt3A_1842, %add3A_1845, %broadcast_in_dim3A_1839 : vector<16xi1>, vector<16xi32>
      %broadcast_in_dim3A_1847 = vector.shape_cast %select_n3A_1846 : vector<16xi32> to vector<16x1xi32>
      %gather3A_1848 = vector.shape_cast %broadcast_in_dim3A_1847 : vector<16x1xi32> to vector<16xi32>
      %gather3A_1849 = tpu.dynamic_gather %get3A_7[%gather3A_1848] in [0] : vector<16xf32>, vector<16xi32> -> vector<16xf32>
      %mul3A_1850 = arith.mulf %gather3A_1837, %gather3A_1849 : vector<16xf32>
      %add3A_1851 = arith.addf %add3A_1834, %mul3A_1850 : vector<16xf32>
      %broadcast_in_dim3A_1852 = arith.constant 13 : i32
      %broadcast_in_dim3A_1853 = vector.broadcast %broadcast_in_dim3A_1852 : i32 to vector<16xi32>
      %gather3A_1854 = tpu.vector_load_idx %arg15[%iota3A, %broadcast_in_dim3A_1853] : memref<16x32xf32, #tpu.memory_space<vmem>>[vector<16xi32>, vector<16xi32>], vector<16xf32>,
      %broadcast_in_dim3A_1855 = arith.constant 13 : i32
      %broadcast_in_dim3A_1856 = vector.broadcast %broadcast_in_dim3A_1855 : i32 to vector<16xi32>
      %lt3A_1857 = arith.constant 0 : i32
      %lt3A_1858 = vector.broadcast %lt3A_1857 : i32 to vector<16xi32>
      %lt3A_1859 = arith.cmpi slt, %broadcast_in_dim3A_1856, %lt3A_1858 : vector<16xi32>
      %add3A_1860 = arith.constant 16 : i32
      %add3A_1861 = vector.broadcast %add3A_1860 : i32 to vector<16xi32>
      %add3A_1862 = arith.addi %broadcast_in_dim3A_1856, %add3A_1861 : vector<16xi32>
      %select_n3A_1863 = arith.select %lt3A_1859, %add3A_1862, %broadcast_in_dim3A_1856 : vector<16xi1>, vector<16xi32>
      %broadcast_in_dim3A_1864 = vector.shape_cast %select_n3A_1863 : vector<16xi32> to vector<16x1xi32>
      %gather3A_1865 = vector.shape_cast %broadcast_in_dim3A_1864 : vector<16x1xi32> to vector<16xi32>
      %gather3A_1866 = tpu.dynamic_gather %get3A_7[%gather3A_1865] in [0] : vector<16xf32>, vector<16xi32> -> vector<16xf32>
      %mul3A_1867 = arith.mulf %gather3A_1854, %gather3A_1866 : vector<16xf32>
      %add3A_1868 = arith.addf %add3A_1851, %mul3A_1867 : vector<16xf32>
      %broadcast_in_dim3A_1869 = arith.constant 14 : i32
      %broadcast_in_dim3A_1870 = vector.broadcast %broadcast_in_dim3A_1869 : i32 to vector<16xi32>
      %gather3A_1871 = tpu.vector_load_idx %arg15[%iota3A, %broadcast_in_dim3A_1870] : memref<16x32xf32, #tpu.memory_space<vmem>>[vector<16xi32>, vector<16xi32>], vector<16xf32>,
      %broadcast_in_dim3A_1872 = arith.constant 14 : i32
      %broadcast_in_dim3A_1873 = vector.broadcast %broadcast_in_dim3A_1872 : i32 to vector<16xi32>
      %lt3A_1874 = arith.constant 0 : i32
      %lt3A_1875 = vector.broadcast %lt3A_1874 : i32 to vector<16xi32>
      %lt3A_1876 = arith.cmpi slt, %broadcast_in_dim3A_1873, %lt3A_1875 : vector<16xi32>
      %add3A_1877 = arith.constant 16 : i32
      %add3A_1878 = vector.broadcast %add3A_1877 : i32 to vector<16xi32>
      %add3A_1879 = arith.addi %broadcast_in_dim3A_1873, %add3A_1878 : vector<16xi32>
      %select_n3A_1880 = arith.select %lt3A_1876, %add3A_1879, %broadcast_in_dim3A_1873 : vector<16xi1>, vector<16xi32>
      %broadcast_in_dim3A_1881 = vector.shape_cast %select_n3A_1880 : vector<16xi32> to vector<16x1xi32>
      %gather3A_1882 = vector.shape_cast %broadcast_in_dim3A_1881 : vector<16x1xi32> to vector<16xi32>
      %gather3A_1883 = tpu.dynamic_gather %get3A_7[%gather3A_1882] in [0] : vector<16xf32>, vector<16xi32> -> vector<16xf32>
      %mul3A_1884 = arith.mulf %gather3A_1871, %gather3A_1883 : vector<16xf32>
      %add3A_1885 = arith.addf %add3A_1868, %mul3A_1884 : vector<16xf32>
      %broadcast_in_dim3A_1886 = arith.constant 15 : i32
      %broadcast_in_dim3A_1887 = vector.broadcast %broadcast_in_dim3A_1886 : i32 to vector<16xi32>
      %gather3A_1888 = tpu.vector_load_idx %arg15[%iota3A, %broadcast_in_dim3A_1887] : memref<16x32xf32, #tpu.memory_space<vmem>>[vector<16xi32>, vector<16xi32>], vector<16xf32>,
      %broadcast_in_dim3A_1889 = arith.constant 15 : i32
      %broadcast_in_dim3A_1890 = vector.broadcast %broadcast_in_dim3A_1889 : i32 to vector<16xi32>
      %lt3A_1891 = arith.constant 0 : i32
      %lt3A_1892 = vector.broadcast %lt3A_1891 : i32 to vector<16xi32>
      %lt3A_1893 = arith.cmpi slt, %broadcast_in_dim3A_1890, %lt3A_1892 : vector<16xi32>
      %add3A_1894 = arith.constant 16 : i32
      %add3A_1895 = vector.broadcast %add3A_1894 : i32 to vector<16xi32>
      %add3A_1896 = arith.addi %broadcast_in_dim3A_1890, %add3A_1895 : vector<16xi32>
      %select_n3A_1897 = arith.select %lt3A_1893, %add3A_1896, %broadcast_in_dim3A_1890 : vector<16xi1>, vector<16xi32>
      %broadcast_in_dim3A_1898 = vector.shape_cast %select_n3A_1897 : vector<16xi32> to vector<16x1xi32>
      %gather3A_1899 = vector.shape_cast %broadcast_in_dim3A_1898 : vector<16x1xi32> to vector<16xi32>
      %gather3A_1900 = tpu.dynamic_gather %get3A_7[%gather3A_1899] in [0] : vector<16xf32>, vector<16xi32> -> vector<16xf32>
      %mul3A_1901 = arith.mulf %gather3A_1888, %gather3A_1900 : vector<16xf32>
      %add3A_1902 = arith.addf %add3A_1885, %mul3A_1901 : vector<16xf32>
      %broadcast_in_dim3A_1903 = arith.constant 16 : i32
      %broadcast_in_dim3A_1904 = vector.broadcast %broadcast_in_dim3A_1903 : i32 to vector<16xi32>
      %gather3A_1905 = tpu.vector_load_idx %arg15[%iota3A, %broadcast_in_dim3A_1904] : memref<16x32xf32, #tpu.memory_space<vmem>>[vector<16xi32>, vector<16xi32>], vector<16xf32>,
      %broadcast_in_dim3A_1906 = arith.constant 0 : i32
      %broadcast_in_dim3A_1907 = vector.broadcast %broadcast_in_dim3A_1906 : i32 to vector<16xi32>
      %lt3A_1908 = arith.constant 0 : i32
      %lt3A_1909 = vector.broadcast %lt3A_1908 : i32 to vector<16xi32>
      %lt3A_1910 = arith.cmpi slt, %broadcast_in_dim3A_1907, %lt3A_1909 : vector<16xi32>
      %add3A_1911 = arith.constant 16 : i32
      %add3A_1912 = vector.broadcast %add3A_1911 : i32 to vector<16xi32>
      %add3A_1913 = arith.addi %broadcast_in_dim3A_1907, %add3A_1912 : vector<16xi32>
      %select_n3A_1914 = arith.select %lt3A_1910, %add3A_1913, %broadcast_in_dim3A_1907 : vector<16xi1>, vector<16xi32>
      %broadcast_in_dim3A_1915 = vector.shape_cast %select_n3A_1914 : vector<16xi32> to vector<16x1xi32>
      %gather3A_1916 = vector.shape_cast %broadcast_in_dim3A_1915 : vector<16x1xi32> to vector<16xi32>
      %gather3A_1917 = tpu.dynamic_gather %get3A_9[%gather3A_1916] in [0] : vector<16xf32>, vector<16xi32> -> vector<16xf32>
      %mul3A_1918 = arith.mulf %gather3A_1905, %gather3A_1917 : vector<16xf32>
      %add3A_1919 = arith.addf %add3A_1902, %mul3A_1918 : vector<16xf32>
      %broadcast_in_dim3A_1920 = arith.constant 17 : i32
      %broadcast_in_dim3A_1921 = vector.broadcast %broadcast_in_dim3A_1920 : i32 to vector<16xi32>
      %gather3A_1922 = tpu.vector_load_idx %arg15[%iota3A, %broadcast_in_dim3A_1921] : memref<16x32xf32, #tpu.memory_space<vmem>>[vector<16xi32>, vector<16xi32>], vector<16xf32>,
      %broadcast_in_dim3A_1923 = arith.constant 1 : i32
      %broadcast_in_dim3A_1924 = vector.broadcast %broadcast_in_dim3A_1923 : i32 to vector<16xi32>
      %lt3A_1925 = arith.constant 0 : i32
      %lt3A_1926 = vector.broadcast %lt3A_1925 : i32 to vector<16xi32>
      %lt3A_1927 = arith.cmpi slt, %broadcast_in_dim3A_1924, %lt3A_1926 : vector<16xi32>
      %add3A_1928 = arith.constant 16 : i32
      %add3A_1929 = vector.broadcast %add3A_1928 : i32 to vector<16xi32>
      %add3A_1930 = arith.addi %broadcast_in_dim3A_1924, %add3A_1929 : vector<16xi32>
      %select_n3A_1931 = arith.select %lt3A_1927, %add3A_1930, %broadcast_in_dim3A_1924 : vector<16xi1>, vector<16xi32>
      %broadcast_in_dim3A_1932 = vector.shape_cast %select_n3A_1931 : vector<16xi32> to vector<16x1xi32>
      %gather3A_1933 = vector.shape_cast %broadcast_in_dim3A_1932 : vector<16x1xi32> to vector<16xi32>
      %gather3A_1934 = tpu.dynamic_gather %get3A_9[%gather3A_1933] in [0] : vector<16xf32>, vector<16xi32> -> vector<16xf32>
      %mul3A_1935 = arith.mulf %gather3A_1922, %gather3A_1934 : vector<16xf32>
      %add3A_1936 = arith.addf %add3A_1919, %mul3A_1935 : vector<16xf32>
      %broadcast_in_dim3A_1937 = arith.constant 18 : i32
      %broadcast_in_dim3A_1938 = vector.broadcast %broadcast_in_dim3A_1937 : i32 to vector<16xi32>
      %gather3A_1939 = tpu.vector_load_idx %arg15[%iota3A, %broadcast_in_dim3A_1938] : memref<16x32xf32, #tpu.memory_space<vmem>>[vector<16xi32>, vector<16xi32>], vector<16xf32>,
      %broadcast_in_dim3A_1940 = arith.constant 2 : i32
      %broadcast_in_dim3A_1941 = vector.broadcast %broadcast_in_dim3A_1940 : i32 to vector<16xi32>
      %lt3A_1942 = arith.constant 0 : i32
      %lt3A_1943 = vector.broadcast %lt3A_1942 : i32 to vector<16xi32>
      %lt3A_1944 = arith.cmpi slt, %broadcast_in_dim3A_1941, %lt3A_1943 : vector<16xi32>
      %add3A_1945 = arith.constant 16 : i32
      %add3A_1946 = vector.broadcast %add3A_1945 : i32 to vector<16xi32>
      %add3A_1947 = arith.addi %broadcast_in_dim3A_1941, %add3A_1946 : vector<16xi32>
      %select_n3A_1948 = arith.select %lt3A_1944, %add3A_1947, %broadcast_in_dim3A_1941 : vector<16xi1>, vector<16xi32>
      %broadcast_in_dim3A_1949 = vector.shape_cast %select_n3A_1948 : vector<16xi32> to vector<16x1xi32>
      %gather3A_1950 = vector.shape_cast %broadcast_in_dim3A_1949 : vector<16x1xi32> to vector<16xi32>
      %gather3A_1951 = tpu.dynamic_gather %get3A_9[%gather3A_1950] in [0] : vector<16xf32>, vector<16xi32> -> vector<16xf32>
      %mul3A_1952 = arith.mulf %gather3A_1939, %gather3A_1951 : vector<16xf32>
      %add3A_1953 = arith.addf %add3A_1936, %mul3A_1952 : vector<16xf32>
      %broadcast_in_dim3A_1954 = arith.constant 19 : i32
      %broadcast_in_dim3A_1955 = vector.broadcast %broadcast_in_dim3A_1954 : i32 to vector<16xi32>
      %gather3A_1956 = tpu.vector_load_idx %arg15[%iota3A, %broadcast_in_dim3A_1955] : memref<16x32xf32, #tpu.memory_space<vmem>>[vector<16xi32>, vector<16xi32>], vector<16xf32>,
      %broadcast_in_dim3A_1957 = arith.constant 3 : i32
      %broadcast_in_dim3A_1958 = vector.broadcast %broadcast_in_dim3A_1957 : i32 to vector<16xi32>
      %lt3A_1959 = arith.constant 0 : i32
      %lt3A_1960 = vector.broadcast %lt3A_1959 : i32 to vector<16xi32>
      %lt3A_1961 = arith.cmpi slt, %broadcast_in_dim3A_1958, %lt3A_1960 : vector<16xi32>
      %add3A_1962 = arith.constant 16 : i32
      %add3A_1963 = vector.broadcast %add3A_1962 : i32 to vector<16xi32>
      %add3A_1964 = arith.addi %broadcast_in_dim3A_1958, %add3A_1963 : vector<16xi32>
      %select_n3A_1965 = arith.select %lt3A_1961, %add3A_1964, %broadcast_in_dim3A_1958 : vector<16xi1>, vector<16xi32>
      %broadcast_in_dim3A_1966 = vector.shape_cast %select_n3A_1965 : vector<16xi32> to vector<16x1xi32>
      %gather3A_1967 = vector.shape_cast %broadcast_in_dim3A_1966 : vector<16x1xi32> to vector<16xi32>
      %gather3A_1968 = tpu.dynamic_gather %get3A_9[%gather3A_1967] in [0] : vector<16xf32>, vector<16xi32> -> vector<16xf32>
      %mul3A_1969 = arith.mulf %gather3A_1956, %gather3A_1968 : vector<16xf32>
      %add3A_1970 = arith.addf %add3A_1953, %mul3A_1969 : vector<16xf32>
      %broadcast_in_dim3A_1971 = arith.constant 20 : i32
      %broadcast_in_dim3A_1972 = vector.broadcast %broadcast_in_dim3A_1971 : i32 to vector<16xi32>
      %gather3A_1973 = tpu.vector_load_idx %arg15[%iota3A, %broadcast_in_dim3A_1972] : memref<16x32xf32, #tpu.memory_space<vmem>>[vector<16xi32>, vector<16xi32>], vector<16xf32>,
      %broadcast_in_dim3A_1974 = arith.constant 4 : i32
      %broadcast_in_dim3A_1975 = vector.broadcast %broadcast_in_dim3A_1974 : i32 to vector<16xi32>
      %lt3A_1976 = arith.constant 0 : i32
      %lt3A_1977 = vector.broadcast %lt3A_1976 : i32 to vector<16xi32>
      %lt3A_1978 = arith.cmpi slt, %broadcast_in_dim3A_1975, %lt3A_1977 : vector<16xi32>
      %add3A_1979 = arith.constant 16 : i32
      %add3A_1980 = vector.broadcast %add3A_1979 : i32 to vector<16xi32>
      %add3A_1981 = arith.addi %broadcast_in_dim3A_1975, %add3A_1980 : vector<16xi32>
      %select_n3A_1982 = arith.select %lt3A_1978, %add3A_1981, %broadcast_in_dim3A_1975 : vector<16xi1>, vector<16xi32>
      %broadcast_in_dim3A_1983 = vector.shape_cast %select_n3A_1982 : vector<16xi32> to vector<16x1xi32>
      %gather3A_1984 = vector.shape_cast %broadcast_in_dim3A_1983 : vector<16x1xi32> to vector<16xi32>
      %gather3A_1985 = tpu.dynamic_gather %get3A_9[%gather3A_1984] in [0] : vector<16xf32>, vector<16xi32> -> vector<16xf32>
      %mul3A_1986 = arith.mulf %gather3A_1973, %gather3A_1985 : vector<16xf32>
      %add3A_1987 = arith.addf %add3A_1970, %mul3A_1986 : vector<16xf32>
      %broadcast_in_dim3A_1988 = arith.constant 21 : i32
      %broadcast_in_dim3A_1989 = vector.broadcast %broadcast_in_dim3A_1988 : i32 to vector<16xi32>
      %gather3A_1990 = tpu.vector_load_idx %arg15[%iota3A, %broadcast_in_dim3A_1989] : memref<16x32xf32, #tpu.memory_space<vmem>>[vector<16xi32>, vector<16xi32>], vector<16xf32>,
      %broadcast_in_dim3A_1991 = arith.constant 5 : i32
      %broadcast_in_dim3A_1992 = vector.broadcast %broadcast_in_dim3A_1991 : i32 to vector<16xi32>
      %lt3A_1993 = arith.constant 0 : i32
      %lt3A_1994 = vector.broadcast %lt3A_1993 : i32 to vector<16xi32>
      %lt3A_1995 = arith.cmpi slt, %broadcast_in_dim3A_1992, %lt3A_1994 : vector<16xi32>
      %add3A_1996 = arith.constant 16 : i32
      %add3A_1997 = vector.broadcast %add3A_1996 : i32 to vector<16xi32>
      %add3A_1998 = arith.addi %broadcast_in_dim3A_1992, %add3A_1997 : vector<16xi32>
      %select_n3A_1999 = arith.select %lt3A_1995, %add3A_1998, %broadcast_in_dim3A_1992 : vector<16xi1>, vector<16xi32>
      %broadcast_in_dim3A_2000 = vector.shape_cast %select_n3A_1999 : vector<16xi32> to vector<16x1xi32>
      %gather3A_2001 = vector.shape_cast %broadcast_in_dim3A_2000 : vector<16x1xi32> to vector<16xi32>
      %gather3A_2002 = tpu.dynamic_gather %get3A_9[%gather3A_2001] in [0] : vector<16xf32>, vector<16xi32> -> vector<16xf32>
      %mul3A_2003 = arith.mulf %gather3A_1990, %gather3A_2002 : vector<16xf32>
      %add3A_2004 = arith.addf %add3A_1987, %mul3A_2003 : vector<16xf32>
      %broadcast_in_dim3A_2005 = arith.constant 22 : i32
      %broadcast_in_dim3A_2006 = vector.broadcast %broadcast_in_dim3A_2005 : i32 to vector<16xi32>
      %gather3A_2007 = tpu.vector_load_idx %arg15[%iota3A, %broadcast_in_dim3A_2006] : memref<16x32xf32, #tpu.memory_space<vmem>>[vector<16xi32>, vector<16xi32>], vector<16xf32>,
      %broadcast_in_dim3A_2008 = arith.constant 6 : i32
      %broadcast_in_dim3A_2009 = vector.broadcast %broadcast_in_dim3A_2008 : i32 to vector<16xi32>
      %lt3A_2010 = arith.constant 0 : i32
      %lt3A_2011 = vector.broadcast %lt3A_2010 : i32 to vector<16xi32>
      %lt3A_2012 = arith.cmpi slt, %broadcast_in_dim3A_2009, %lt3A_2011 : vector<16xi32>
      %add3A_2013 = arith.constant 16 : i32
      %add3A_2014 = vector.broadcast %add3A_2013 : i32 to vector<16xi32>
      %add3A_2015 = arith.addi %broadcast_in_dim3A_2009, %add3A_2014 : vector<16xi32>
      %select_n3A_2016 = arith.select %lt3A_2012, %add3A_2015, %broadcast_in_dim3A_2009 : vector<16xi1>, vector<16xi32>
      %broadcast_in_dim3A_2017 = vector.shape_cast %select_n3A_2016 : vector<16xi32> to vector<16x1xi32>
      %gather3A_2018 = vector.shape_cast %broadcast_in_dim3A_2017 : vector<16x1xi32> to vector<16xi32>
      %gather3A_2019 = tpu.dynamic_gather %get3A_9[%gather3A_2018] in [0] : vector<16xf32>, vector<16xi32> -> vector<16xf32>
      %mul3A_2020 = arith.mulf %gather3A_2007, %gather3A_2019 : vector<16xf32>
      %add3A_2021 = arith.addf %add3A_2004, %mul3A_2020 : vector<16xf32>
      %broadcast_in_dim3A_2022 = arith.constant 23 : i32
      %broadcast_in_dim3A_2023 = vector.broadcast %broadcast_in_dim3A_2022 : i32 to vector<16xi32>
      %gather3A_2024 = tpu.vector_load_idx %arg15[%iota3A, %broadcast_in_dim3A_2023] : memref<16x32xf32, #tpu.memory_space<vmem>>[vector<16xi32>, vector<16xi32>], vector<16xf32>,
      %broadcast_in_dim3A_2025 = arith.constant 7 : i32
      %broadcast_in_dim3A_2026 = vector.broadcast %broadcast_in_dim3A_2025 : i32 to vector<16xi32>
      %lt3A_2027 = arith.constant 0 : i32
      %lt3A_2028 = vector.broadcast %lt3A_2027 : i32 to vector<16xi32>
      %lt3A_2029 = arith.cmpi slt, %broadcast_in_dim3A_2026, %lt3A_2028 : vector<16xi32>
      %add3A_2030 = arith.constant 16 : i32
      %add3A_2031 = vector.broadcast %add3A_2030 : i32 to vector<16xi32>
      %add3A_2032 = arith.addi %broadcast_in_dim3A_2026, %add3A_2031 : vector<16xi32>
      %select_n3A_2033 = arith.select %lt3A_2029, %add3A_2032, %broadcast_in_dim3A_2026 : vector<16xi1>, vector<16xi32>
      %broadcast_in_dim3A_2034 = vector.shape_cast %select_n3A_2033 : vector<16xi32> to vector<16x1xi32>
      %gather3A_2035 = vector.shape_cast %broadcast_in_dim3A_2034 : vector<16x1xi32> to vector<16xi32>
      %gather3A_2036 = tpu.dynamic_gather %get3A_9[%gather3A_2035] in [0] : vector<16xf32>, vector<16xi32> -> vector<16xf32>
      %mul3A_2037 = arith.mulf %gather3A_2024, %gather3A_2036 : vector<16xf32>
      %add3A_2038 = arith.addf %add3A_2021, %mul3A_2037 : vector<16xf32>
      %broadcast_in_dim3A_2039 = arith.constant 24 : i32
      %broadcast_in_dim3A_2040 = vector.broadcast %broadcast_in_dim3A_2039 : i32 to vector<16xi32>
      %gather3A_2041 = tpu.vector_load_idx %arg15[%iota3A, %broadcast_in_dim3A_2040] : memref<16x32xf32, #tpu.memory_space<vmem>>[vector<16xi32>, vector<16xi32>], vector<16xf32>,
      %broadcast_in_dim3A_2042 = arith.constant 8 : i32
      %broadcast_in_dim3A_2043 = vector.broadcast %broadcast_in_dim3A_2042 : i32 to vector<16xi32>
      %lt3A_2044 = arith.constant 0 : i32
      %lt3A_2045 = vector.broadcast %lt3A_2044 : i32 to vector<16xi32>
      %lt3A_2046 = arith.cmpi slt, %broadcast_in_dim3A_2043, %lt3A_2045 : vector<16xi32>
      %add3A_2047 = arith.constant 16 : i32
      %add3A_2048 = vector.broadcast %add3A_2047 : i32 to vector<16xi32>
      %add3A_2049 = arith.addi %broadcast_in_dim3A_2043, %add3A_2048 : vector<16xi32>
      %select_n3A_2050 = arith.select %lt3A_2046, %add3A_2049, %broadcast_in_dim3A_2043 : vector<16xi1>, vector<16xi32>
      %broadcast_in_dim3A_2051 = vector.shape_cast %select_n3A_2050 : vector<16xi32> to vector<16x1xi32>
      %gather3A_2052 = vector.shape_cast %broadcast_in_dim3A_2051 : vector<16x1xi32> to vector<16xi32>
      %gather3A_2053 = tpu.dynamic_gather %get3A_9[%gather3A_2052] in [0] : vector<16xf32>, vector<16xi32> -> vector<16xf32>
      %mul3A_2054 = arith.mulf %gather3A_2041, %gather3A_2053 : vector<16xf32>
      %add3A_2055 = arith.addf %add3A_2038, %mul3A_2054 : vector<16xf32>
      %broadcast_in_dim3A_2056 = arith.constant 25 : i32
      %broadcast_in_dim3A_2057 = vector.broadcast %broadcast_in_dim3A_2056 : i32 to vector<16xi32>
      %gather3A_2058 = tpu.vector_load_idx %arg15[%iota3A, %broadcast_in_dim3A_2057] : memref<16x32xf32, #tpu.memory_space<vmem>>[vector<16xi32>, vector<16xi32>], vector<16xf32>,
      %broadcast_in_dim3A_2059 = arith.constant 9 : i32
      %broadcast_in_dim3A_2060 = vector.broadcast %broadcast_in_dim3A_2059 : i32 to vector<16xi32>
      %lt3A_2061 = arith.constant 0 : i32
      %lt3A_2062 = vector.broadcast %lt3A_2061 : i32 to vector<16xi32>
      %lt3A_2063 = arith.cmpi slt, %broadcast_in_dim3A_2060, %lt3A_2062 : vector<16xi32>
      %add3A_2064 = arith.constant 16 : i32
      %add3A_2065 = vector.broadcast %add3A_2064 : i32 to vector<16xi32>
      %add3A_2066 = arith.addi %broadcast_in_dim3A_2060, %add3A_2065 : vector<16xi32>
      %select_n3A_2067 = arith.select %lt3A_2063, %add3A_2066, %broadcast_in_dim3A_2060 : vector<16xi1>, vector<16xi32>
      %broadcast_in_dim3A_2068 = vector.shape_cast %select_n3A_2067 : vector<16xi32> to vector<16x1xi32>
      %gather3A_2069 = vector.shape_cast %broadcast_in_dim3A_2068 : vector<16x1xi32> to vector<16xi32>
      %gather3A_2070 = tpu.dynamic_gather %get3A_9[%gather3A_2069] in [0] : vector<16xf32>, vector<16xi32> -> vector<16xf32>
      %mul3A_2071 = arith.mulf %gather3A_2058, %gather3A_2070 : vector<16xf32>
      %add3A_2072 = arith.addf %add3A_2055, %mul3A_2071 : vector<16xf32>
      %broadcast_in_dim3A_2073 = arith.constant 26 : i32
      %broadcast_in_dim3A_2074 = vector.broadcast %broadcast_in_dim3A_2073 : i32 to vector<16xi32>
      %gather3A_2075 = tpu.vector_load_idx %arg15[%iota3A, %broadcast_in_dim3A_2074] : memref<16x32xf32, #tpu.memory_space<vmem>>[vector<16xi32>, vector<16xi32>], vector<16xf32>,
      %broadcast_in_dim3A_2076 = arith.constant 10 : i32
      %broadcast_in_dim3A_2077 = vector.broadcast %broadcast_in_dim3A_2076 : i32 to vector<16xi32>
      %lt3A_2078 = arith.constant 0 : i32
      %lt3A_2079 = vector.broadcast %lt3A_2078 : i32 to vector<16xi32>
      %lt3A_2080 = arith.cmpi slt, %broadcast_in_dim3A_2077, %lt3A_2079 : vector<16xi32>
      %add3A_2081 = arith.constant 16 : i32
      %add3A_2082 = vector.broadcast %add3A_2081 : i32 to vector<16xi32>
      %add3A_2083 = arith.addi %broadcast_in_dim3A_2077, %add3A_2082 : vector<16xi32>
      %select_n3A_2084 = arith.select %lt3A_2080, %add3A_2083, %broadcast_in_dim3A_2077 : vector<16xi1>, vector<16xi32>
      %broadcast_in_dim3A_2085 = vector.shape_cast %select_n3A_2084 : vector<16xi32> to vector<16x1xi32>
      %gather3A_2086 = vector.shape_cast %broadcast_in_dim3A_2085 : vector<16x1xi32> to vector<16xi32>
      %gather3A_2087 = tpu.dynamic_gather %get3A_9[%gather3A_2086] in [0] : vector<16xf32>, vector<16xi32> -> vector<16xf32>
      %mul3A_2088 = arith.mulf %gather3A_2075, %gather3A_2087 : vector<16xf32>
      %add3A_2089 = arith.addf %add3A_2072, %mul3A_2088 : vector<16xf32>
      %broadcast_in_dim3A_2090 = arith.constant 27 : i32
      %broadcast_in_dim3A_2091 = vector.broadcast %broadcast_in_dim3A_2090 : i32 to vector<16xi32>
      %gather3A_2092 = tpu.vector_load_idx %arg15[%iota3A, %broadcast_in_dim3A_2091] : memref<16x32xf32, #tpu.memory_space<vmem>>[vector<16xi32>, vector<16xi32>], vector<16xf32>,
      %broadcast_in_dim3A_2093 = arith.constant 11 : i32
      %broadcast_in_dim3A_2094 = vector.broadcast %broadcast_in_dim3A_2093 : i32 to vector<16xi32>
      %lt3A_2095 = arith.constant 0 : i32
      %lt3A_2096 = vector.broadcast %lt3A_2095 : i32 to vector<16xi32>
      %lt3A_2097 = arith.cmpi slt, %broadcast_in_dim3A_2094, %lt3A_2096 : vector<16xi32>
      %add3A_2098 = arith.constant 16 : i32
      %add3A_2099 = vector.broadcast %add3A_2098 : i32 to vector<16xi32>
      %add3A_2100 = arith.addi %broadcast_in_dim3A_2094, %add3A_2099 : vector<16xi32>
      %select_n3A_2101 = arith.select %lt3A_2097, %add3A_2100, %broadcast_in_dim3A_2094 : vector<16xi1>, vector<16xi32>
      %broadcast_in_dim3A_2102 = vector.shape_cast %select_n3A_2101 : vector<16xi32> to vector<16x1xi32>
      %gather3A_2103 = vector.shape_cast %broadcast_in_dim3A_2102 : vector<16x1xi32> to vector<16xi32>
      %gather3A_2104 = tpu.dynamic_gather %get3A_9[%gather3A_2103] in [0] : vector<16xf32>, vector<16xi32> -> vector<16xf32>
      %mul3A_2105 = arith.mulf %gather3A_2092, %gather3A_2104 : vector<16xf32>
      %add3A_2106 = arith.addf %add3A_2089, %mul3A_2105 : vector<16xf32>
      %broadcast_in_dim3A_2107 = arith.constant 28 : i32
      %broadcast_in_dim3A_2108 = vector.broadcast %broadcast_in_dim3A_2107 : i32 to vector<16xi32>
      %gather3A_2109 = tpu.vector_load_idx %arg15[%iota3A, %broadcast_in_dim3A_2108] : memref<16x32xf32, #tpu.memory_space<vmem>>[vector<16xi32>, vector<16xi32>], vector<16xf32>,
      %broadcast_in_dim3A_2110 = arith.constant 12 : i32
      %broadcast_in_dim3A_2111 = vector.broadcast %broadcast_in_dim3A_2110 : i32 to vector<16xi32>
      %lt3A_2112 = arith.constant 0 : i32
      %lt3A_2113 = vector.broadcast %lt3A_2112 : i32 to vector<16xi32>
      %lt3A_2114 = arith.cmpi slt, %broadcast_in_dim3A_2111, %lt3A_2113 : vector<16xi32>
      %add3A_2115 = arith.constant 16 : i32
      %add3A_2116 = vector.broadcast %add3A_2115 : i32 to vector<16xi32>
      %add3A_2117 = arith.addi %broadcast_in_dim3A_2111, %add3A_2116 : vector<16xi32>
      %select_n3A_2118 = arith.select %lt3A_2114, %add3A_2117, %broadcast_in_dim3A_2111 : vector<16xi1>, vector<16xi32>
      %broadcast_in_dim3A_2119 = vector.shape_cast %select_n3A_2118 : vector<16xi32> to vector<16x1xi32>
      %gather3A_2120 = vector.shape_cast %broadcast_in_dim3A_2119 : vector<16x1xi32> to vector<16xi32>
      %gather3A_2121 = tpu.dynamic_gather %get3A_9[%gather3A_2120] in [0] : vector<16xf32>, vector<16xi32> -> vector<16xf32>
      %mul3A_2122 = arith.mulf %gather3A_2109, %gather3A_2121 : vector<16xf32>
      %add3A_2123 = arith.addf %add3A_2106, %mul3A_2122 : vector<16xf32>
      %broadcast_in_dim3A_2124 = arith.constant 29 : i32
      %broadcast_in_dim3A_2125 = vector.broadcast %broadcast_in_dim3A_2124 : i32 to vector<16xi32>
      %gather3A_2126 = tpu.vector_load_idx %arg15[%iota3A, %broadcast_in_dim3A_2125] : memref<16x32xf32, #tpu.memory_space<vmem>>[vector<16xi32>, vector<16xi32>], vector<16xf32>,
      %broadcast_in_dim3A_2127 = arith.constant 13 : i32
      %broadcast_in_dim3A_2128 = vector.broadcast %broadcast_in_dim3A_2127 : i32 to vector<16xi32>
      %lt3A_2129 = arith.constant 0 : i32
      %lt3A_2130 = vector.broadcast %lt3A_2129 : i32 to vector<16xi32>
      %lt3A_2131 = arith.cmpi slt, %broadcast_in_dim3A_2128, %lt3A_2130 : vector<16xi32>
      %add3A_2132 = arith.constant 16 : i32
      %add3A_2133 = vector.broadcast %add3A_2132 : i32 to vector<16xi32>
      %add3A_2134 = arith.addi %broadcast_in_dim3A_2128, %add3A_2133 : vector<16xi32>
      %select_n3A_2135 = arith.select %lt3A_2131, %add3A_2134, %broadcast_in_dim3A_2128 : vector<16xi1>, vector<16xi32>
      %broadcast_in_dim3A_2136 = vector.shape_cast %select_n3A_2135 : vector<16xi32> to vector<16x1xi32>
      %gather3A_2137 = vector.shape_cast %broadcast_in_dim3A_2136 : vector<16x1xi32> to vector<16xi32>
      %gather3A_2138 = tpu.dynamic_gather %get3A_9[%gather3A_2137] in [0] : vector<16xf32>, vector<16xi32> -> vector<16xf32>
      %mul3A_2139 = arith.mulf %gather3A_2126, %gather3A_2138 : vector<16xf32>
      %add3A_2140 = arith.addf %add3A_2123, %mul3A_2139 : vector<16xf32>
      %broadcast_in_dim3A_2141 = arith.constant 30 : i32
      %broadcast_in_dim3A_2142 = vector.broadcast %broadcast_in_dim3A_2141 : i32 to vector<16xi32>
      %gather3A_2143 = tpu.vector_load_idx %arg15[%iota3A, %broadcast_in_dim3A_2142] : memref<16x32xf32, #tpu.memory_space<vmem>>[vector<16xi32>, vector<16xi32>], vector<16xf32>,
      %broadcast_in_dim3A_2144 = arith.constant 14 : i32
      %broadcast_in_dim3A_2145 = vector.broadcast %broadcast_in_dim3A_2144 : i32 to vector<16xi32>
      %lt3A_2146 = arith.constant 0 : i32
      %lt3A_2147 = vector.broadcast %lt3A_2146 : i32 to vector<16xi32>
      %lt3A_2148 = arith.cmpi slt, %broadcast_in_dim3A_2145, %lt3A_2147 : vector<16xi32>
      %add3A_2149 = arith.constant 16 : i32
      %add3A_2150 = vector.broadcast %add3A_2149 : i32 to vector<16xi32>
      %add3A_2151 = arith.addi %broadcast_in_dim3A_2145, %add3A_2150 : vector<16xi32>
      %select_n3A_2152 = arith.select %lt3A_2148, %add3A_2151, %broadcast_in_dim3A_2145 : vector<16xi1>, vector<16xi32>
      %broadcast_in_dim3A_2153 = vector.shape_cast %select_n3A_2152 : vector<16xi32> to vector<16x1xi32>
      %gather3A_2154 = vector.shape_cast %broadcast_in_dim3A_2153 : vector<16x1xi32> to vector<16xi32>
      %gather3A_2155 = tpu.dynamic_gather %get3A_9[%gather3A_2154] in [0] : vector<16xf32>, vector<16xi32> -> vector<16xf32>
      %mul3A_2156 = arith.mulf %gather3A_2143, %gather3A_2155 : vector<16xf32>
      %add3A_2157 = arith.addf %add3A_2140, %mul3A_2156 : vector<16xf32>
      %broadcast_in_dim3A_2158 = arith.constant 31 : i32
      %broadcast_in_dim3A_2159 = vector.broadcast %broadcast_in_dim3A_2158 : i32 to vector<16xi32>
      %gather3A_2160 = tpu.vector_load_idx %arg15[%iota3A, %broadcast_in_dim3A_2159] : memref<16x32xf32, #tpu.memory_space<vmem>>[vector<16xi32>, vector<16xi32>], vector<16xf32>,
      %broadcast_in_dim3A_2161 = arith.constant 15 : i32
      %broadcast_in_dim3A_2162 = vector.broadcast %broadcast_in_dim3A_2161 : i32 to vector<16xi32>
      %lt3A_2163 = arith.constant 0 : i32
      %lt3A_2164 = vector.broadcast %lt3A_2163 : i32 to vector<16xi32>
      %lt3A_2165 = arith.cmpi slt, %broadcast_in_dim3A_2162, %lt3A_2164 : vector<16xi32>
      %add3A_2166 = arith.constant 16 : i32
      %add3A_2167 = vector.broadcast %add3A_2166 : i32 to vector<16xi32>
      %add3A_2168 = arith.addi %broadcast_in_dim3A_2162, %add3A_2167 : vector<16xi32>
      %select_n3A_2169 = arith.select %lt3A_2165, %add3A_2168, %broadcast_in_dim3A_2162 : vector<16xi1>, vector<16xi32>
      %broadcast_in_dim3A_2170 = vector.shape_cast %select_n3A_2169 : vector<16xi32> to vector<16x1xi32>
      %gather3A_2171 = vector.shape_cast %broadcast_in_dim3A_2170 : vector<16x1xi32> to vector<16xi32>
      %gather3A_2172 = tpu.dynamic_gather %get3A_9[%gather3A_2171] in [0] : vector<16xf32>, vector<16xi32> -> vector<16xf32>
      %mul3A_2173 = arith.mulf %gather3A_2160, %gather3A_2172 : vector<16xf32>
      %add3A_2174 = arith.addf %add3A_2157, %mul3A_2173 : vector<16xf32>
      %broadcast_in_dim3A_2175 = arith.constant 0 : i32
      %broadcast_in_dim3A_2176 = vector.broadcast %broadcast_in_dim3A_2175 : i32 to vector<16xi32>
      %gather3A_2177 = tpu.vector_load_idx %arg13[%broadcast_in_dim3A_2176, %get3A_37] : memref<32x1000xf32, #tpu.memory_space<vmem>>[vector<16xi32>, vector<16xi32>], vector<16xf32>,
      %broadcast_in_dim3A_2178 = arith.constant 0 : i32
      %broadcast_in_dim3A_2179 = vector.broadcast %broadcast_in_dim3A_2178 : i32 to vector<16xi32>
      %lt3A_2180 = arith.constant 0 : i32
      %lt3A_2181 = vector.broadcast %lt3A_2180 : i32 to vector<16xi32>
      %lt3A_2182 = arith.cmpi slt, %broadcast_in_dim3A_2179, %lt3A_2181 : vector<16xi32>
      %add3A_2183 = arith.constant 16 : i32
      %add3A_2184 = vector.broadcast %add3A_2183 : i32 to vector<16xi32>
      %add3A_2185 = arith.addi %broadcast_in_dim3A_2179, %add3A_2184 : vector<16xi32>
      %select_n3A_2186 = arith.select %lt3A_2182, %add3A_2185, %broadcast_in_dim3A_2179 : vector<16xi1>, vector<16xi32>
      %broadcast_in_dim3A_2187 = vector.shape_cast %select_n3A_2186 : vector<16xi32> to vector<16x1xi32>
      %gather3A_2188 = vector.shape_cast %broadcast_in_dim3A_2187 : vector<16x1xi32> to vector<16xi32>
      %gather3A_2189 = tpu.dynamic_gather %get3A_11[%gather3A_2188] in [0] : vector<16xf32>, vector<16xi32> -> vector<16xf32>
      %mul3A_2190 = arith.mulf %gather3A_2177, %gather3A_2189 : vector<16xf32>
      %add3A_2191 = arith.addf %add3A_2174, %mul3A_2190 : vector<16xf32>
      %broadcast_in_dim3A_2192 = arith.constant 1 : i32
      %broadcast_in_dim3A_2193 = vector.broadcast %broadcast_in_dim3A_2192 : i32 to vector<16xi32>
      %gather3A_2194 = tpu.vector_load_idx %arg13[%broadcast_in_dim3A_2193, %get3A_37] : memref<32x1000xf32, #tpu.memory_space<vmem>>[vector<16xi32>, vector<16xi32>], vector<16xf32>,
      %broadcast_in_dim3A_2195 = arith.constant 1 : i32
      %broadcast_in_dim3A_2196 = vector.broadcast %broadcast_in_dim3A_2195 : i32 to vector<16xi32>
      %lt3A_2197 = arith.constant 0 : i32
      %lt3A_2198 = vector.broadcast %lt3A_2197 : i32 to vector<16xi32>
      %lt3A_2199 = arith.cmpi slt, %broadcast_in_dim3A_2196, %lt3A_2198 : vector<16xi32>
      %add3A_2200 = arith.constant 16 : i32
      %add3A_2201 = vector.broadcast %add3A_2200 : i32 to vector<16xi32>
      %add3A_2202 = arith.addi %broadcast_in_dim3A_2196, %add3A_2201 : vector<16xi32>
      %select_n3A_2203 = arith.select %lt3A_2199, %add3A_2202, %broadcast_in_dim3A_2196 : vector<16xi1>, vector<16xi32>
      %broadcast_in_dim3A_2204 = vector.shape_cast %select_n3A_2203 : vector<16xi32> to vector<16x1xi32>
      %gather3A_2205 = vector.shape_cast %broadcast_in_dim3A_2204 : vector<16x1xi32> to vector<16xi32>
      %gather3A_2206 = tpu.dynamic_gather %get3A_11[%gather3A_2205] in [0] : vector<16xf32>, vector<16xi32> -> vector<16xf32>
      %mul3A_2207 = arith.mulf %gather3A_2194, %gather3A_2206 : vector<16xf32>
      %add3A_2208 = arith.addf %add3A_2191, %mul3A_2207 : vector<16xf32>
      %broadcast_in_dim3A_2209 = arith.constant 2 : i32
      %broadcast_in_dim3A_2210 = vector.broadcast %broadcast_in_dim3A_2209 : i32 to vector<16xi32>
      %gather3A_2211 = tpu.vector_load_idx %arg13[%broadcast_in_dim3A_2210, %get3A_37] : memref<32x1000xf32, #tpu.memory_space<vmem>>[vector<16xi32>, vector<16xi32>], vector<16xf32>,
      %broadcast_in_dim3A_2212 = arith.constant 2 : i32
      %broadcast_in_dim3A_2213 = vector.broadcast %broadcast_in_dim3A_2212 : i32 to vector<16xi32>
      %lt3A_2214 = arith.constant 0 : i32
      %lt3A_2215 = vector.broadcast %lt3A_2214 : i32 to vector<16xi32>
      %lt3A_2216 = arith.cmpi slt, %broadcast_in_dim3A_2213, %lt3A_2215 : vector<16xi32>
      %add3A_2217 = arith.constant 16 : i32
      %add3A_2218 = vector.broadcast %add3A_2217 : i32 to vector<16xi32>
      %add3A_2219 = arith.addi %broadcast_in_dim3A_2213, %add3A_2218 : vector<16xi32>
      %select_n3A_2220 = arith.select %lt3A_2216, %add3A_2219, %broadcast_in_dim3A_2213 : vector<16xi1>, vector<16xi32>
      %broadcast_in_dim3A_2221 = vector.shape_cast %select_n3A_2220 : vector<16xi32> to vector<16x1xi32>
      %gather3A_2222 = vector.shape_cast %broadcast_in_dim3A_2221 : vector<16x1xi32> to vector<16xi32>
      %gather3A_2223 = tpu.dynamic_gather %get3A_11[%gather3A_2222] in [0] : vector<16xf32>, vector<16xi32> -> vector<16xf32>
      %mul3A_2224 = arith.mulf %gather3A_2211, %gather3A_2223 : vector<16xf32>
      %add3A_2225 = arith.addf %add3A_2208, %mul3A_2224 : vector<16xf32>
      %broadcast_in_dim3A_2226 = arith.constant 3 : i32
      %broadcast_in_dim3A_2227 = vector.broadcast %broadcast_in_dim3A_2226 : i32 to vector<16xi32>
      %gather3A_2228 = tpu.vector_load_idx %arg13[%broadcast_in_dim3A_2227, %get3A_37] : memref<32x1000xf32, #tpu.memory_space<vmem>>[vector<16xi32>, vector<16xi32>], vector<16xf32>,
      %broadcast_in_dim3A_2229 = arith.constant 3 : i32
      %broadcast_in_dim3A_2230 = vector.broadcast %broadcast_in_dim3A_2229 : i32 to vector<16xi32>
      %lt3A_2231 = arith.constant 0 : i32
      %lt3A_2232 = vector.broadcast %lt3A_2231 : i32 to vector<16xi32>
      %lt3A_2233 = arith.cmpi slt, %broadcast_in_dim3A_2230, %lt3A_2232 : vector<16xi32>
      %add3A_2234 = arith.constant 16 : i32
      %add3A_2235 = vector.broadcast %add3A_2234 : i32 to vector<16xi32>
      %add3A_2236 = arith.addi %broadcast_in_dim3A_2230, %add3A_2235 : vector<16xi32>
      %select_n3A_2237 = arith.select %lt3A_2233, %add3A_2236, %broadcast_in_dim3A_2230 : vector<16xi1>, vector<16xi32>
      %broadcast_in_dim3A_2238 = vector.shape_cast %select_n3A_2237 : vector<16xi32> to vector<16x1xi32>
      %gather3A_2239 = vector.shape_cast %broadcast_in_dim3A_2238 : vector<16x1xi32> to vector<16xi32>
      %gather3A_2240 = tpu.dynamic_gather %get3A_11[%gather3A_2239] in [0] : vector<16xf32>, vector<16xi32> -> vector<16xf32>
      %mul3A_2241 = arith.mulf %gather3A_2228, %gather3A_2240 : vector<16xf32>
      %add3A_2242 = arith.addf %add3A_2225, %mul3A_2241 : vector<16xf32>
      %broadcast_in_dim3A_2243 = arith.constant 4 : i32
      %broadcast_in_dim3A_2244 = vector.broadcast %broadcast_in_dim3A_2243 : i32 to vector<16xi32>
      %gather3A_2245 = tpu.vector_load_idx %arg13[%broadcast_in_dim3A_2244, %get3A_37] : memref<32x1000xf32, #tpu.memory_space<vmem>>[vector<16xi32>, vector<16xi32>], vector<16xf32>,
      %broadcast_in_dim3A_2246 = arith.constant 4 : i32
      %broadcast_in_dim3A_2247 = vector.broadcast %broadcast_in_dim3A_2246 : i32 to vector<16xi32>
      %lt3A_2248 = arith.constant 0 : i32
      %lt3A_2249 = vector.broadcast %lt3A_2248 : i32 to vector<16xi32>
      %lt3A_2250 = arith.cmpi slt, %broadcast_in_dim3A_2247, %lt3A_2249 : vector<16xi32>
      %add3A_2251 = arith.constant 16 : i32
      %add3A_2252 = vector.broadcast %add3A_2251 : i32 to vector<16xi32>
      %add3A_2253 = arith.addi %broadcast_in_dim3A_2247, %add3A_2252 : vector<16xi32>
      %select_n3A_2254 = arith.select %lt3A_2250, %add3A_2253, %broadcast_in_dim3A_2247 : vector<16xi1>, vector<16xi32>
      %broadcast_in_dim3A_2255 = vector.shape_cast %select_n3A_2254 : vector<16xi32> to vector<16x1xi32>
      %gather3A_2256 = vector.shape_cast %broadcast_in_dim3A_2255 : vector<16x1xi32> to vector<16xi32>
      %gather3A_2257 = tpu.dynamic_gather %get3A_11[%gather3A_2256] in [0] : vector<16xf32>, vector<16xi32> -> vector<16xf32>
      %mul3A_2258 = arith.mulf %gather3A_2245, %gather3A_2257 : vector<16xf32>
      %add3A_2259 = arith.addf %add3A_2242, %mul3A_2258 : vector<16xf32>
      %broadcast_in_dim3A_2260 = arith.constant 5 : i32
      %broadcast_in_dim3A_2261 = vector.broadcast %broadcast_in_dim3A_2260 : i32 to vector<16xi32>
      %gather3A_2262 = tpu.vector_load_idx %arg13[%broadcast_in_dim3A_2261, %get3A_37] : memref<32x1000xf32, #tpu.memory_space<vmem>>[vector<16xi32>, vector<16xi32>], vector<16xf32>,
      %broadcast_in_dim3A_2263 = arith.constant 5 : i32
      %broadcast_in_dim3A_2264 = vector.broadcast %broadcast_in_dim3A_2263 : i32 to vector<16xi32>
      %lt3A_2265 = arith.constant 0 : i32
      %lt3A_2266 = vector.broadcast %lt3A_2265 : i32 to vector<16xi32>
      %lt3A_2267 = arith.cmpi slt, %broadcast_in_dim3A_2264, %lt3A_2266 : vector<16xi32>
      %add3A_2268 = arith.constant 16 : i32
      %add3A_2269 = vector.broadcast %add3A_2268 : i32 to vector<16xi32>
      %add3A_2270 = arith.addi %broadcast_in_dim3A_2264, %add3A_2269 : vector<16xi32>
      %select_n3A_2271 = arith.select %lt3A_2267, %add3A_2270, %broadcast_in_dim3A_2264 : vector<16xi1>, vector<16xi32>
      %broadcast_in_dim3A_2272 = vector.shape_cast %select_n3A_2271 : vector<16xi32> to vector<16x1xi32>
      %gather3A_2273 = vector.shape_cast %broadcast_in_dim3A_2272 : vector<16x1xi32> to vector<16xi32>
      %gather3A_2274 = tpu.dynamic_gather %get3A_11[%gather3A_2273] in [0] : vector<16xf32>, vector<16xi32> -> vector<16xf32>
      %mul3A_2275 = arith.mulf %gather3A_2262, %gather3A_2274 : vector<16xf32>
      %add3A_2276 = arith.addf %add3A_2259, %mul3A_2275 : vector<16xf32>
      %broadcast_in_dim3A_2277 = arith.constant 6 : i32
      %broadcast_in_dim3A_2278 = vector.broadcast %broadcast_in_dim3A_2277 : i32 to vector<16xi32>
      %gather3A_2279 = tpu.vector_load_idx %arg13[%broadcast_in_dim3A_2278, %get3A_37] : memref<32x1000xf32, #tpu.memory_space<vmem>>[vector<16xi32>, vector<16xi32>], vector<16xf32>,
      %broadcast_in_dim3A_2280 = arith.constant 6 : i32
      %broadcast_in_dim3A_2281 = vector.broadcast %broadcast_in_dim3A_2280 : i32 to vector<16xi32>
      %lt3A_2282 = arith.constant 0 : i32
      %lt3A_2283 = vector.broadcast %lt3A_2282 : i32 to vector<16xi32>
      %lt3A_2284 = arith.cmpi slt, %broadcast_in_dim3A_2281, %lt3A_2283 : vector<16xi32>
      %add3A_2285 = arith.constant 16 : i32
      %add3A_2286 = vector.broadcast %add3A_2285 : i32 to vector<16xi32>
      %add3A_2287 = arith.addi %broadcast_in_dim3A_2281, %add3A_2286 : vector<16xi32>
      %select_n3A_2288 = arith.select %lt3A_2284, %add3A_2287, %broadcast_in_dim3A_2281 : vector<16xi1>, vector<16xi32>
      %broadcast_in_dim3A_2289 = vector.shape_cast %select_n3A_2288 : vector<16xi32> to vector<16x1xi32>
      %gather3A_2290 = vector.shape_cast %broadcast_in_dim3A_2289 : vector<16x1xi32> to vector<16xi32>
      %gather3A_2291 = tpu.dynamic_gather %get3A_11[%gather3A_2290] in [0] : vector<16xf32>, vector<16xi32> -> vector<16xf32>
      %mul3A_2292 = arith.mulf %gather3A_2279, %gather3A_2291 : vector<16xf32>
      %add3A_2293 = arith.addf %add3A_2276, %mul3A_2292 : vector<16xf32>
      %broadcast_in_dim3A_2294 = arith.constant 7 : i32
      %broadcast_in_dim3A_2295 = vector.broadcast %broadcast_in_dim3A_2294 : i32 to vector<16xi32>
      %gather3A_2296 = tpu.vector_load_idx %arg13[%broadcast_in_dim3A_2295, %get3A_37] : memref<32x1000xf32, #tpu.memory_space<vmem>>[vector<16xi32>, vector<16xi32>], vector<16xf32>,
      %broadcast_in_dim3A_2297 = arith.constant 7 : i32
      %broadcast_in_dim3A_2298 = vector.broadcast %broadcast_in_dim3A_2297 : i32 to vector<16xi32>
      %lt3A_2299 = arith.constant 0 : i32
      %lt3A_2300 = vector.broadcast %lt3A_2299 : i32 to vector<16xi32>
      %lt3A_2301 = arith.cmpi slt, %broadcast_in_dim3A_2298, %lt3A_2300 : vector<16xi32>
      %add3A_2302 = arith.constant 16 : i32
      %add3A_2303 = vector.broadcast %add3A_2302 : i32 to vector<16xi32>
      %add3A_2304 = arith.addi %broadcast_in_dim3A_2298, %add3A_2303 : vector<16xi32>
      %select_n3A_2305 = arith.select %lt3A_2301, %add3A_2304, %broadcast_in_dim3A_2298 : vector<16xi1>, vector<16xi32>
      %broadcast_in_dim3A_2306 = vector.shape_cast %select_n3A_2305 : vector<16xi32> to vector<16x1xi32>
      %gather3A_2307 = vector.shape_cast %broadcast_in_dim3A_2306 : vector<16x1xi32> to vector<16xi32>
      %gather3A_2308 = tpu.dynamic_gather %get3A_11[%gather3A_2307] in [0] : vector<16xf32>, vector<16xi32> -> vector<16xf32>
      %mul3A_2309 = arith.mulf %gather3A_2296, %gather3A_2308 : vector<16xf32>
      %add3A_2310 = arith.addf %add3A_2293, %mul3A_2309 : vector<16xf32>
      %broadcast_in_dim3A_2311 = arith.constant 8 : i32
      %broadcast_in_dim3A_2312 = vector.broadcast %broadcast_in_dim3A_2311 : i32 to vector<16xi32>
      %gather3A_2313 = tpu.vector_load_idx %arg13[%broadcast_in_dim3A_2312, %get3A_37] : memref<32x1000xf32, #tpu.memory_space<vmem>>[vector<16xi32>, vector<16xi32>], vector<16xf32>,
      %broadcast_in_dim3A_2314 = arith.constant 8 : i32
      %broadcast_in_dim3A_2315 = vector.broadcast %broadcast_in_dim3A_2314 : i32 to vector<16xi32>
      %lt3A_2316 = arith.constant 0 : i32
      %lt3A_2317 = vector.broadcast %lt3A_2316 : i32 to vector<16xi32>
      %lt3A_2318 = arith.cmpi slt, %broadcast_in_dim3A_2315, %lt3A_2317 : vector<16xi32>
      %add3A_2319 = arith.constant 16 : i32
      %add3A_2320 = vector.broadcast %add3A_2319 : i32 to vector<16xi32>
      %add3A_2321 = arith.addi %broadcast_in_dim3A_2315, %add3A_2320 : vector<16xi32>
      %select_n3A_2322 = arith.select %lt3A_2318, %add3A_2321, %broadcast_in_dim3A_2315 : vector<16xi1>, vector<16xi32>
      %broadcast_in_dim3A_2323 = vector.shape_cast %select_n3A_2322 : vector<16xi32> to vector<16x1xi32>
      %gather3A_2324 = vector.shape_cast %broadcast_in_dim3A_2323 : vector<16x1xi32> to vector<16xi32>
      %gather3A_2325 = tpu.dynamic_gather %get3A_11[%gather3A_2324] in [0] : vector<16xf32>, vector<16xi32> -> vector<16xf32>
      %mul3A_2326 = arith.mulf %gather3A_2313, %gather3A_2325 : vector<16xf32>
      %add3A_2327 = arith.addf %add3A_2310, %mul3A_2326 : vector<16xf32>
      %broadcast_in_dim3A_2328 = arith.constant 9 : i32
      %broadcast_in_dim3A_2329 = vector.broadcast %broadcast_in_dim3A_2328 : i32 to vector<16xi32>
      %gather3A_2330 = tpu.vector_load_idx %arg13[%broadcast_in_dim3A_2329, %get3A_37] : memref<32x1000xf32, #tpu.memory_space<vmem>>[vector<16xi32>, vector<16xi32>], vector<16xf32>,
      %broadcast_in_dim3A_2331 = arith.constant 9 : i32
      %broadcast_in_dim3A_2332 = vector.broadcast %broadcast_in_dim3A_2331 : i32 to vector<16xi32>
      %lt3A_2333 = arith.constant 0 : i32
      %lt3A_2334 = vector.broadcast %lt3A_2333 : i32 to vector<16xi32>
      %lt3A_2335 = arith.cmpi slt, %broadcast_in_dim3A_2332, %lt3A_2334 : vector<16xi32>
      %add3A_2336 = arith.constant 16 : i32
      %add3A_2337 = vector.broadcast %add3A_2336 : i32 to vector<16xi32>
      %add3A_2338 = arith.addi %broadcast_in_dim3A_2332, %add3A_2337 : vector<16xi32>
      %select_n3A_2339 = arith.select %lt3A_2335, %add3A_2338, %broadcast_in_dim3A_2332 : vector<16xi1>, vector<16xi32>
      %broadcast_in_dim3A_2340 = vector.shape_cast %select_n3A_2339 : vector<16xi32> to vector<16x1xi32>
      %gather3A_2341 = vector.shape_cast %broadcast_in_dim3A_2340 : vector<16x1xi32> to vector<16xi32>
      %gather3A_2342 = tpu.dynamic_gather %get3A_11[%gather3A_2341] in [0] : vector<16xf32>, vector<16xi32> -> vector<16xf32>
      %mul3A_2343 = arith.mulf %gather3A_2330, %gather3A_2342 : vector<16xf32>
      %add3A_2344 = arith.addf %add3A_2327, %mul3A_2343 : vector<16xf32>
      %broadcast_in_dim3A_2345 = arith.constant 10 : i32
      %broadcast_in_dim3A_2346 = vector.broadcast %broadcast_in_dim3A_2345 : i32 to vector<16xi32>
      %gather3A_2347 = tpu.vector_load_idx %arg13[%broadcast_in_dim3A_2346, %get3A_37] : memref<32x1000xf32, #tpu.memory_space<vmem>>[vector<16xi32>, vector<16xi32>], vector<16xf32>,
      %broadcast_in_dim3A_2348 = arith.constant 10 : i32
      %broadcast_in_dim3A_2349 = vector.broadcast %broadcast_in_dim3A_2348 : i32 to vector<16xi32>
      %lt3A_2350 = arith.constant 0 : i32
      %lt3A_2351 = vector.broadcast %lt3A_2350 : i32 to vector<16xi32>
      %lt3A_2352 = arith.cmpi slt, %broadcast_in_dim3A_2349, %lt3A_2351 : vector<16xi32>
      %add3A_2353 = arith.constant 16 : i32
      %add3A_2354 = vector.broadcast %add3A_2353 : i32 to vector<16xi32>
      %add3A_2355 = arith.addi %broadcast_in_dim3A_2349, %add3A_2354 : vector<16xi32>
      %select_n3A_2356 = arith.select %lt3A_2352, %add3A_2355, %broadcast_in_dim3A_2349 : vector<16xi1>, vector<16xi32>
      %broadcast_in_dim3A_2357 = vector.shape_cast %select_n3A_2356 : vector<16xi32> to vector<16x1xi32>
      %gather3A_2358 = vector.shape_cast %broadcast_in_dim3A_2357 : vector<16x1xi32> to vector<16xi32>
      %gather3A_2359 = tpu.dynamic_gather %get3A_11[%gather3A_2358] in [0] : vector<16xf32>, vector<16xi32> -> vector<16xf32>
      %mul3A_2360 = arith.mulf %gather3A_2347, %gather3A_2359 : vector<16xf32>
      %add3A_2361 = arith.addf %add3A_2344, %mul3A_2360 : vector<16xf32>
      %broadcast_in_dim3A_2362 = arith.constant 11 : i32
      %broadcast_in_dim3A_2363 = vector.broadcast %broadcast_in_dim3A_2362 : i32 to vector<16xi32>
      %gather3A_2364 = tpu.vector_load_idx %arg13[%broadcast_in_dim3A_2363, %get3A_37] : memref<32x1000xf32, #tpu.memory_space<vmem>>[vector<16xi32>, vector<16xi32>], vector<16xf32>,
      %broadcast_in_dim3A_2365 = arith.constant 11 : i32
      %broadcast_in_dim3A_2366 = vector.broadcast %broadcast_in_dim3A_2365 : i32 to vector<16xi32>
      %lt3A_2367 = arith.constant 0 : i32
      %lt3A_2368 = vector.broadcast %lt3A_2367 : i32 to vector<16xi32>
      %lt3A_2369 = arith.cmpi slt, %broadcast_in_dim3A_2366, %lt3A_2368 : vector<16xi32>
      %add3A_2370 = arith.constant 16 : i32
      %add3A_2371 = vector.broadcast %add3A_2370 : i32 to vector<16xi32>
      %add3A_2372 = arith.addi %broadcast_in_dim3A_2366, %add3A_2371 : vector<16xi32>
      %select_n3A_2373 = arith.select %lt3A_2369, %add3A_2372, %broadcast_in_dim3A_2366 : vector<16xi1>, vector<16xi32>
      %broadcast_in_dim3A_2374 = vector.shape_cast %select_n3A_2373 : vector<16xi32> to vector<16x1xi32>
      %gather3A_2375 = vector.shape_cast %broadcast_in_dim3A_2374 : vector<16x1xi32> to vector<16xi32>
      %gather3A_2376 = tpu.dynamic_gather %get3A_11[%gather3A_2375] in [0] : vector<16xf32>, vector<16xi32> -> vector<16xf32>
      %mul3A_2377 = arith.mulf %gather3A_2364, %gather3A_2376 : vector<16xf32>
      %add3A_2378 = arith.addf %add3A_2361, %mul3A_2377 : vector<16xf32>
      %broadcast_in_dim3A_2379 = arith.constant 12 : i32
      %broadcast_in_dim3A_2380 = vector.broadcast %broadcast_in_dim3A_2379 : i32 to vector<16xi32>
      %gather3A_2381 = tpu.vector_load_idx %arg13[%broadcast_in_dim3A_2380, %get3A_37] : memref<32x1000xf32, #tpu.memory_space<vmem>>[vector<16xi32>, vector<16xi32>], vector<16xf32>,
      %broadcast_in_dim3A_2382 = arith.constant 12 : i32
      %broadcast_in_dim3A_2383 = vector.broadcast %broadcast_in_dim3A_2382 : i32 to vector<16xi32>
      %lt3A_2384 = arith.constant 0 : i32
      %lt3A_2385 = vector.broadcast %lt3A_2384 : i32 to vector<16xi32>
      %lt3A_2386 = arith.cmpi slt, %broadcast_in_dim3A_2383, %lt3A_2385 : vector<16xi32>
      %add3A_2387 = arith.constant 16 : i32
      %add3A_2388 = vector.broadcast %add3A_2387 : i32 to vector<16xi32>
      %add3A_2389 = arith.addi %broadcast_in_dim3A_2383, %add3A_2388 : vector<16xi32>
      %select_n3A_2390 = arith.select %lt3A_2386, %add3A_2389, %broadcast_in_dim3A_2383 : vector<16xi1>, vector<16xi32>
      %broadcast_in_dim3A_2391 = vector.shape_cast %select_n3A_2390 : vector<16xi32> to vector<16x1xi32>
      %gather3A_2392 = vector.shape_cast %broadcast_in_dim3A_2391 : vector<16x1xi32> to vector<16xi32>
      %gather3A_2393 = tpu.dynamic_gather %get3A_11[%gather3A_2392] in [0] : vector<16xf32>, vector<16xi32> -> vector<16xf32>
      %mul3A_2394 = arith.mulf %gather3A_2381, %gather3A_2393 : vector<16xf32>
      %add3A_2395 = arith.addf %add3A_2378, %mul3A_2394 : vector<16xf32>
      %broadcast_in_dim3A_2396 = arith.constant 13 : i32
      %broadcast_in_dim3A_2397 = vector.broadcast %broadcast_in_dim3A_2396 : i32 to vector<16xi32>
      %gather3A_2398 = tpu.vector_load_idx %arg13[%broadcast_in_dim3A_2397, %get3A_37] : memref<32x1000xf32, #tpu.memory_space<vmem>>[vector<16xi32>, vector<16xi32>], vector<16xf32>,
      %broadcast_in_dim3A_2399 = arith.constant 13 : i32
      %broadcast_in_dim3A_2400 = vector.broadcast %broadcast_in_dim3A_2399 : i32 to vector<16xi32>
      %lt3A_2401 = arith.constant 0 : i32
      %lt3A_2402 = vector.broadcast %lt3A_2401 : i32 to vector<16xi32>
      %lt3A_2403 = arith.cmpi slt, %broadcast_in_dim3A_2400, %lt3A_2402 : vector<16xi32>
      %add3A_2404 = arith.constant 16 : i32
      %add3A_2405 = vector.broadcast %add3A_2404 : i32 to vector<16xi32>
      %add3A_2406 = arith.addi %broadcast_in_dim3A_2400, %add3A_2405 : vector<16xi32>
      %select_n3A_2407 = arith.select %lt3A_2403, %add3A_2406, %broadcast_in_dim3A_2400 : vector<16xi1>, vector<16xi32>
      %broadcast_in_dim3A_2408 = vector.shape_cast %select_n3A_2407 : vector<16xi32> to vector<16x1xi32>
      %gather3A_2409 = vector.shape_cast %broadcast_in_dim3A_2408 : vector<16x1xi32> to vector<16xi32>
      %gather3A_2410 = tpu.dynamic_gather %get3A_11[%gather3A_2409] in [0] : vector<16xf32>, vector<16xi32> -> vector<16xf32>
      %mul3A_2411 = arith.mulf %gather3A_2398, %gather3A_2410 : vector<16xf32>
      %add3A_2412 = arith.addf %add3A_2395, %mul3A_2411 : vector<16xf32>
      %broadcast_in_dim3A_2413 = arith.constant 14 : i32
      %broadcast_in_dim3A_2414 = vector.broadcast %broadcast_in_dim3A_2413 : i32 to vector<16xi32>
      %gather3A_2415 = tpu.vector_load_idx %arg13[%broadcast_in_dim3A_2414, %get3A_37] : memref<32x1000xf32, #tpu.memory_space<vmem>>[vector<16xi32>, vector<16xi32>], vector<16xf32>,
      %broadcast_in_dim3A_2416 = arith.constant 14 : i32
      %broadcast_in_dim3A_2417 = vector.broadcast %broadcast_in_dim3A_2416 : i32 to vector<16xi32>
      %lt3A_2418 = arith.constant 0 : i32
      %lt3A_2419 = vector.broadcast %lt3A_2418 : i32 to vector<16xi32>
      %lt3A_2420 = arith.cmpi slt, %broadcast_in_dim3A_2417, %lt3A_2419 : vector<16xi32>
      %add3A_2421 = arith.constant 16 : i32
      %add3A_2422 = vector.broadcast %add3A_2421 : i32 to vector<16xi32>
      %add3A_2423 = arith.addi %broadcast_in_dim3A_2417, %add3A_2422 : vector<16xi32>
      %select_n3A_2424 = arith.select %lt3A_2420, %add3A_2423, %broadcast_in_dim3A_2417 : vector<16xi1>, vector<16xi32>
      %broadcast_in_dim3A_2425 = vector.shape_cast %select_n3A_2424 : vector<16xi32> to vector<16x1xi32>
      %gather3A_2426 = vector.shape_cast %broadcast_in_dim3A_2425 : vector<16x1xi32> to vector<16xi32>
      %gather3A_2427 = tpu.dynamic_gather %get3A_11[%gather3A_2426] in [0] : vector<16xf32>, vector<16xi32> -> vector<16xf32>
      %mul3A_2428 = arith.mulf %gather3A_2415, %gather3A_2427 : vector<16xf32>
      %add3A_2429 = arith.addf %add3A_2412, %mul3A_2428 : vector<16xf32>
      %broadcast_in_dim3A_2430 = arith.constant 15 : i32
      %broadcast_in_dim3A_2431 = vector.broadcast %broadcast_in_dim3A_2430 : i32 to vector<16xi32>
      %gather3A_2432 = tpu.vector_load_idx %arg13[%broadcast_in_dim3A_2431, %get3A_37] : memref<32x1000xf32, #tpu.memory_space<vmem>>[vector<16xi32>, vector<16xi32>], vector<16xf32>,
      %broadcast_in_dim3A_2433 = arith.constant 15 : i32
      %broadcast_in_dim3A_2434 = vector.broadcast %broadcast_in_dim3A_2433 : i32 to vector<16xi32>
      %lt3A_2435 = arith.constant 0 : i32
      %lt3A_2436 = vector.broadcast %lt3A_2435 : i32 to vector<16xi32>
      %lt3A_2437 = arith.cmpi slt, %broadcast_in_dim3A_2434, %lt3A_2436 : vector<16xi32>
      %add3A_2438 = arith.constant 16 : i32
      %add3A_2439 = vector.broadcast %add3A_2438 : i32 to vector<16xi32>
      %add3A_2440 = arith.addi %broadcast_in_dim3A_2434, %add3A_2439 : vector<16xi32>
      %select_n3A_2441 = arith.select %lt3A_2437, %add3A_2440, %broadcast_in_dim3A_2434 : vector<16xi1>, vector<16xi32>
      %broadcast_in_dim3A_2442 = vector.shape_cast %select_n3A_2441 : vector<16xi32> to vector<16x1xi32>
      %gather3A_2443 = vector.shape_cast %broadcast_in_dim3A_2442 : vector<16x1xi32> to vector<16xi32>
      %gather3A_2444 = tpu.dynamic_gather %get3A_11[%gather3A_2443] in [0] : vector<16xf32>, vector<16xi32> -> vector<16xf32>
      %mul3A_2445 = arith.mulf %gather3A_2432, %gather3A_2444 : vector<16xf32>
      %add3A_2446 = arith.addf %add3A_2429, %mul3A_2445 : vector<16xf32>
      %broadcast_in_dim3A_2447 = arith.constant 16 : i32
      %broadcast_in_dim3A_2448 = vector.broadcast %broadcast_in_dim3A_2447 : i32 to vector<16xi32>
      %gather3A_2449 = tpu.vector_load_idx %arg13[%broadcast_in_dim3A_2448, %get3A_37] : memref<32x1000xf32, #tpu.memory_space<vmem>>[vector<16xi32>, vector<16xi32>], vector<16xf32>,
      %broadcast_in_dim3A_2450 = arith.constant 0 : i32
      %broadcast_in_dim3A_2451 = vector.broadcast %broadcast_in_dim3A_2450 : i32 to vector<16xi32>
      %lt3A_2452 = arith.constant 0 : i32
      %lt3A_2453 = vector.broadcast %lt3A_2452 : i32 to vector<16xi32>
      %lt3A_2454 = arith.cmpi slt, %broadcast_in_dim3A_2451, %lt3A_2453 : vector<16xi32>
      %add3A_2455 = arith.constant 16 : i32
      %add3A_2456 = vector.broadcast %add3A_2455 : i32 to vector<16xi32>
      %add3A_2457 = arith.addi %broadcast_in_dim3A_2451, %add3A_2456 : vector<16xi32>
      %select_n3A_2458 = arith.select %lt3A_2454, %add3A_2457, %broadcast_in_dim3A_2451 : vector<16xi1>, vector<16xi32>
      %broadcast_in_dim3A_2459 = vector.shape_cast %select_n3A_2458 : vector<16xi32> to vector<16x1xi32>
      %gather3A_2460 = vector.shape_cast %broadcast_in_dim3A_2459 : vector<16x1xi32> to vector<16xi32>
      %gather3A_2461 = tpu.dynamic_gather %get3A_13[%gather3A_2460] in [0] : vector<16xf32>, vector<16xi32> -> vector<16xf32>
      %mul3A_2462 = arith.mulf %gather3A_2449, %gather3A_2461 : vector<16xf32>
      %add3A_2463 = arith.addf %add3A_2446, %mul3A_2462 : vector<16xf32>
      %broadcast_in_dim3A_2464 = arith.constant 17 : i32
      %broadcast_in_dim3A_2465 = vector.broadcast %broadcast_in_dim3A_2464 : i32 to vector<16xi32>
      %gather3A_2466 = tpu.vector_load_idx %arg13[%broadcast_in_dim3A_2465, %get3A_37] : memref<32x1000xf32, #tpu.memory_space<vmem>>[vector<16xi32>, vector<16xi32>], vector<16xf32>,
      %broadcast_in_dim3A_2467 = arith.constant 1 : i32
      %broadcast_in_dim3A_2468 = vector.broadcast %broadcast_in_dim3A_2467 : i32 to vector<16xi32>
      %lt3A_2469 = arith.constant 0 : i32
      %lt3A_2470 = vector.broadcast %lt3A_2469 : i32 to vector<16xi32>
      %lt3A_2471 = arith.cmpi slt, %broadcast_in_dim3A_2468, %lt3A_2470 : vector<16xi32>
      %add3A_2472 = arith.constant 16 : i32
      %add3A_2473 = vector.broadcast %add3A_2472 : i32 to vector<16xi32>
      %add3A_2474 = arith.addi %broadcast_in_dim3A_2468, %add3A_2473 : vector<16xi32>
      %select_n3A_2475 = arith.select %lt3A_2471, %add3A_2474, %broadcast_in_dim3A_2468 : vector<16xi1>, vector<16xi32>
      %broadcast_in_dim3A_2476 = vector.shape_cast %select_n3A_2475 : vector<16xi32> to vector<16x1xi32>
      %gather3A_2477 = vector.shape_cast %broadcast_in_dim3A_2476 : vector<16x1xi32> to vector<16xi32>
      %gather3A_2478 = tpu.dynamic_gather %get3A_13[%gather3A_2477] in [0] : vector<16xf32>, vector<16xi32> -> vector<16xf32>
      %mul3A_2479 = arith.mulf %gather3A_2466, %gather3A_2478 : vector<16xf32>
      %add3A_2480 = arith.addf %add3A_2463, %mul3A_2479 : vector<16xf32>
      %broadcast_in_dim3A_2481 = arith.constant 18 : i32
      %broadcast_in_dim3A_2482 = vector.broadcast %broadcast_in_dim3A_2481 : i32 to vector<16xi32>
      %gather3A_2483 = tpu.vector_load_idx %arg13[%broadcast_in_dim3A_2482, %get3A_37] : memref<32x1000xf32, #tpu.memory_space<vmem>>[vector<16xi32>, vector<16xi32>], vector<16xf32>,
      %broadcast_in_dim3A_2484 = arith.constant 2 : i32
      %broadcast_in_dim3A_2485 = vector.broadcast %broadcast_in_dim3A_2484 : i32 to vector<16xi32>
      %lt3A_2486 = arith.constant 0 : i32
      %lt3A_2487 = vector.broadcast %lt3A_2486 : i32 to vector<16xi32>
      %lt3A_2488 = arith.cmpi slt, %broadcast_in_dim3A_2485, %lt3A_2487 : vector<16xi32>
      %add3A_2489 = arith.constant 16 : i32
      %add3A_2490 = vector.broadcast %add3A_2489 : i32 to vector<16xi32>
      %add3A_2491 = arith.addi %broadcast_in_dim3A_2485, %add3A_2490 : vector<16xi32>
      %select_n3A_2492 = arith.select %lt3A_2488, %add3A_2491, %broadcast_in_dim3A_2485 : vector<16xi1>, vector<16xi32>
      %broadcast_in_dim3A_2493 = vector.shape_cast %select_n3A_2492 : vector<16xi32> to vector<16x1xi32>
      %gather3A_2494 = vector.shape_cast %broadcast_in_dim3A_2493 : vector<16x1xi32> to vector<16xi32>
      %gather3A_2495 = tpu.dynamic_gather %get3A_13[%gather3A_2494] in [0] : vector<16xf32>, vector<16xi32> -> vector<16xf32>
      %mul3A_2496 = arith.mulf %gather3A_2483, %gather3A_2495 : vector<16xf32>
      %add3A_2497 = arith.addf %add3A_2480, %mul3A_2496 : vector<16xf32>
      %broadcast_in_dim3A_2498 = arith.constant 19 : i32
      %broadcast_in_dim3A_2499 = vector.broadcast %broadcast_in_dim3A_2498 : i32 to vector<16xi32>
      %gather3A_2500 = tpu.vector_load_idx %arg13[%broadcast_in_dim3A_2499, %get3A_37] : memref<32x1000xf32, #tpu.memory_space<vmem>>[vector<16xi32>, vector<16xi32>], vector<16xf32>,
      %broadcast_in_dim3A_2501 = arith.constant 3 : i32
      %broadcast_in_dim3A_2502 = vector.broadcast %broadcast_in_dim3A_2501 : i32 to vector<16xi32>
      %lt3A_2503 = arith.constant 0 : i32
      %lt3A_2504 = vector.broadcast %lt3A_2503 : i32 to vector<16xi32>
      %lt3A_2505 = arith.cmpi slt, %broadcast_in_dim3A_2502, %lt3A_2504 : vector<16xi32>
      %add3A_2506 = arith.constant 16 : i32
      %add3A_2507 = vector.broadcast %add3A_2506 : i32 to vector<16xi32>
      %add3A_2508 = arith.addi %broadcast_in_dim3A_2502, %add3A_2507 : vector<16xi32>
      %select_n3A_2509 = arith.select %lt3A_2505, %add3A_2508, %broadcast_in_dim3A_2502 : vector<16xi1>, vector<16xi32>
      %broadcast_in_dim3A_2510 = vector.shape_cast %select_n3A_2509 : vector<16xi32> to vector<16x1xi32>
      %gather3A_2511 = vector.shape_cast %broadcast_in_dim3A_2510 : vector<16x1xi32> to vector<16xi32>
      %gather3A_2512 = tpu.dynamic_gather %get3A_13[%gather3A_2511] in [0] : vector<16xf32>, vector<16xi32> -> vector<16xf32>
      %mul3A_2513 = arith.mulf %gather3A_2500, %gather3A_2512 : vector<16xf32>
      %add3A_2514 = arith.addf %add3A_2497, %mul3A_2513 : vector<16xf32>
      %broadcast_in_dim3A_2515 = arith.constant 20 : i32
      %broadcast_in_dim3A_2516 = vector.broadcast %broadcast_in_dim3A_2515 : i32 to vector<16xi32>
      %gather3A_2517 = tpu.vector_load_idx %arg13[%broadcast_in_dim3A_2516, %get3A_37] : memref<32x1000xf32, #tpu.memory_space<vmem>>[vector<16xi32>, vector<16xi32>], vector<16xf32>,
      %broadcast_in_dim3A_2518 = arith.constant 4 : i32
      %broadcast_in_dim3A_2519 = vector.broadcast %broadcast_in_dim3A_2518 : i32 to vector<16xi32>
      %lt3A_2520 = arith.constant 0 : i32
      %lt3A_2521 = vector.broadcast %lt3A_2520 : i32 to vector<16xi32>
      %lt3A_2522 = arith.cmpi slt, %broadcast_in_dim3A_2519, %lt3A_2521 : vector<16xi32>
      %add3A_2523 = arith.constant 16 : i32
      %add3A_2524 = vector.broadcast %add3A_2523 : i32 to vector<16xi32>
      %add3A_2525 = arith.addi %broadcast_in_dim3A_2519, %add3A_2524 : vector<16xi32>
      %select_n3A_2526 = arith.select %lt3A_2522, %add3A_2525, %broadcast_in_dim3A_2519 : vector<16xi1>, vector<16xi32>
      %broadcast_in_dim3A_2527 = vector.shape_cast %select_n3A_2526 : vector<16xi32> to vector<16x1xi32>
      %gather3A_2528 = vector.shape_cast %broadcast_in_dim3A_2527 : vector<16x1xi32> to vector<16xi32>
      %gather3A_2529 = tpu.dynamic_gather %get3A_13[%gather3A_2528] in [0] : vector<16xf32>, vector<16xi32> -> vector<16xf32>
      %mul3A_2530 = arith.mulf %gather3A_2517, %gather3A_2529 : vector<16xf32>
      %add3A_2531 = arith.addf %add3A_2514, %mul3A_2530 : vector<16xf32>
      %broadcast_in_dim3A_2532 = arith.constant 21 : i32
      %broadcast_in_dim3A_2533 = vector.broadcast %broadcast_in_dim3A_2532 : i32 to vector<16xi32>
      %gather3A_2534 = tpu.vector_load_idx %arg13[%broadcast_in_dim3A_2533, %get3A_37] : memref<32x1000xf32, #tpu.memory_space<vmem>>[vector<16xi32>, vector<16xi32>], vector<16xf32>,
      %broadcast_in_dim3A_2535 = arith.constant 5 : i32
      %broadcast_in_dim3A_2536 = vector.broadcast %broadcast_in_dim3A_2535 : i32 to vector<16xi32>
      %lt3A_2537 = arith.constant 0 : i32
      %lt3A_2538 = vector.broadcast %lt3A_2537 : i32 to vector<16xi32>
      %lt3A_2539 = arith.cmpi slt, %broadcast_in_dim3A_2536, %lt3A_2538 : vector<16xi32>
      %add3A_2540 = arith.constant 16 : i32
      %add3A_2541 = vector.broadcast %add3A_2540 : i32 to vector<16xi32>
      %add3A_2542 = arith.addi %broadcast_in_dim3A_2536, %add3A_2541 : vector<16xi32>
      %select_n3A_2543 = arith.select %lt3A_2539, %add3A_2542, %broadcast_in_dim3A_2536 : vector<16xi1>, vector<16xi32>
      %broadcast_in_dim3A_2544 = vector.shape_cast %select_n3A_2543 : vector<16xi32> to vector<16x1xi32>
      %gather3A_2545 = vector.shape_cast %broadcast_in_dim3A_2544 : vector<16x1xi32> to vector<16xi32>
      %gather3A_2546 = tpu.dynamic_gather %get3A_13[%gather3A_2545] in [0] : vector<16xf32>, vector<16xi32> -> vector<16xf32>
      %mul3A_2547 = arith.mulf %gather3A_2534, %gather3A_2546 : vector<16xf32>
      %add3A_2548 = arith.addf %add3A_2531, %mul3A_2547 : vector<16xf32>
      %broadcast_in_dim3A_2549 = arith.constant 22 : i32
      %broadcast_in_dim3A_2550 = vector.broadcast %broadcast_in_dim3A_2549 : i32 to vector<16xi32>
      %gather3A_2551 = tpu.vector_load_idx %arg13[%broadcast_in_dim3A_2550, %get3A_37] : memref<32x1000xf32, #tpu.memory_space<vmem>>[vector<16xi32>, vector<16xi32>], vector<16xf32>,
      %broadcast_in_dim3A_2552 = arith.constant 6 : i32
      %broadcast_in_dim3A_2553 = vector.broadcast %broadcast_in_dim3A_2552 : i32 to vector<16xi32>
      %lt3A_2554 = arith.constant 0 : i32
      %lt3A_2555 = vector.broadcast %lt3A_2554 : i32 to vector<16xi32>
      %lt3A_2556 = arith.cmpi slt, %broadcast_in_dim3A_2553, %lt3A_2555 : vector<16xi32>
      %add3A_2557 = arith.constant 16 : i32
      %add3A_2558 = vector.broadcast %add3A_2557 : i32 to vector<16xi32>
      %add3A_2559 = arith.addi %broadcast_in_dim3A_2553, %add3A_2558 : vector<16xi32>
      %select_n3A_2560 = arith.select %lt3A_2556, %add3A_2559, %broadcast_in_dim3A_2553 : vector<16xi1>, vector<16xi32>
      %broadcast_in_dim3A_2561 = vector.shape_cast %select_n3A_2560 : vector<16xi32> to vector<16x1xi32>
      %gather3A_2562 = vector.shape_cast %broadcast_in_dim3A_2561 : vector<16x1xi32> to vector<16xi32>
      %gather3A_2563 = tpu.dynamic_gather %get3A_13[%gather3A_2562] in [0] : vector<16xf32>, vector<16xi32> -> vector<16xf32>
      %mul3A_2564 = arith.mulf %gather3A_2551, %gather3A_2563 : vector<16xf32>
      %add3A_2565 = arith.addf %add3A_2548, %mul3A_2564 : vector<16xf32>
      %broadcast_in_dim3A_2566 = arith.constant 23 : i32
      %broadcast_in_dim3A_2567 = vector.broadcast %broadcast_in_dim3A_2566 : i32 to vector<16xi32>
      %gather3A_2568 = tpu.vector_load_idx %arg13[%broadcast_in_dim3A_2567, %get3A_37] : memref<32x1000xf32, #tpu.memory_space<vmem>>[vector<16xi32>, vector<16xi32>], vector<16xf32>,
      %broadcast_in_dim3A_2569 = arith.constant 7 : i32
      %broadcast_in_dim3A_2570 = vector.broadcast %broadcast_in_dim3A_2569 : i32 to vector<16xi32>
      %lt3A_2571 = arith.constant 0 : i32
      %lt3A_2572 = vector.broadcast %lt3A_2571 : i32 to vector<16xi32>
      %lt3A_2573 = arith.cmpi slt, %broadcast_in_dim3A_2570, %lt3A_2572 : vector<16xi32>
      %add3A_2574 = arith.constant 16 : i32
      %add3A_2575 = vector.broadcast %add3A_2574 : i32 to vector<16xi32>
      %add3A_2576 = arith.addi %broadcast_in_dim3A_2570, %add3A_2575 : vector<16xi32>
      %select_n3A_2577 = arith.select %lt3A_2573, %add3A_2576, %broadcast_in_dim3A_2570 : vector<16xi1>, vector<16xi32>
      %broadcast_in_dim3A_2578 = vector.shape_cast %select_n3A_2577 : vector<16xi32> to vector<16x1xi32>
      %gather3A_2579 = vector.shape_cast %broadcast_in_dim3A_2578 : vector<16x1xi32> to vector<16xi32>
      %gather3A_2580 = tpu.dynamic_gather %get3A_13[%gather3A_2579] in [0] : vector<16xf32>, vector<16xi32> -> vector<16xf32>
      %mul3A_2581 = arith.mulf %gather3A_2568, %gather3A_2580 : vector<16xf32>
      %add3A_2582 = arith.addf %add3A_2565, %mul3A_2581 : vector<16xf32>
      %broadcast_in_dim3A_2583 = arith.constant 24 : i32
      %broadcast_in_dim3A_2584 = vector.broadcast %broadcast_in_dim3A_2583 : i32 to vector<16xi32>
      %gather3A_2585 = tpu.vector_load_idx %arg13[%broadcast_in_dim3A_2584, %get3A_37] : memref<32x1000xf32, #tpu.memory_space<vmem>>[vector<16xi32>, vector<16xi32>], vector<16xf32>,
      %broadcast_in_dim3A_2586 = arith.constant 8 : i32
      %broadcast_in_dim3A_2587 = vector.broadcast %broadcast_in_dim3A_2586 : i32 to vector<16xi32>
      %lt3A_2588 = arith.constant 0 : i32
      %lt3A_2589 = vector.broadcast %lt3A_2588 : i32 to vector<16xi32>
      %lt3A_2590 = arith.cmpi slt, %broadcast_in_dim3A_2587, %lt3A_2589 : vector<16xi32>
      %add3A_2591 = arith.constant 16 : i32
      %add3A_2592 = vector.broadcast %add3A_2591 : i32 to vector<16xi32>
      %add3A_2593 = arith.addi %broadcast_in_dim3A_2587, %add3A_2592 : vector<16xi32>
      %select_n3A_2594 = arith.select %lt3A_2590, %add3A_2593, %broadcast_in_dim3A_2587 : vector<16xi1>, vector<16xi32>
      %broadcast_in_dim3A_2595 = vector.shape_cast %select_n3A_2594 : vector<16xi32> to vector<16x1xi32>
      %gather3A_2596 = vector.shape_cast %broadcast_in_dim3A_2595 : vector<16x1xi32> to vector<16xi32>
      %gather3A_2597 = tpu.dynamic_gather %get3A_13[%gather3A_2596] in [0] : vector<16xf32>, vector<16xi32> -> vector<16xf32>
      %mul3A_2598 = arith.mulf %gather3A_2585, %gather3A_2597 : vector<16xf32>
      %add3A_2599 = arith.addf %add3A_2582, %mul3A_2598 : vector<16xf32>
      %broadcast_in_dim3A_2600 = arith.constant 25 : i32
      %broadcast_in_dim3A_2601 = vector.broadcast %broadcast_in_dim3A_2600 : i32 to vector<16xi32>
      %gather3A_2602 = tpu.vector_load_idx %arg13[%broadcast_in_dim3A_2601, %get3A_37] : memref<32x1000xf32, #tpu.memory_space<vmem>>[vector<16xi32>, vector<16xi32>], vector<16xf32>,
      %broadcast_in_dim3A_2603 = arith.constant 9 : i32
      %broadcast_in_dim3A_2604 = vector.broadcast %broadcast_in_dim3A_2603 : i32 to vector<16xi32>
      %lt3A_2605 = arith.constant 0 : i32
      %lt3A_2606 = vector.broadcast %lt3A_2605 : i32 to vector<16xi32>
      %lt3A_2607 = arith.cmpi slt, %broadcast_in_dim3A_2604, %lt3A_2606 : vector<16xi32>
      %add3A_2608 = arith.constant 16 : i32
      %add3A_2609 = vector.broadcast %add3A_2608 : i32 to vector<16xi32>
      %add3A_2610 = arith.addi %broadcast_in_dim3A_2604, %add3A_2609 : vector<16xi32>
      %select_n3A_2611 = arith.select %lt3A_2607, %add3A_2610, %broadcast_in_dim3A_2604 : vector<16xi1>, vector<16xi32>
      %broadcast_in_dim3A_2612 = vector.shape_cast %select_n3A_2611 : vector<16xi32> to vector<16x1xi32>
      %gather3A_2613 = vector.shape_cast %broadcast_in_dim3A_2612 : vector<16x1xi32> to vector<16xi32>
      %gather3A_2614 = tpu.dynamic_gather %get3A_13[%gather3A_2613] in [0] : vector<16xf32>, vector<16xi32> -> vector<16xf32>
      %mul3A_2615 = arith.mulf %gather3A_2602, %gather3A_2614 : vector<16xf32>
      %add3A_2616 = arith.addf %add3A_2599, %mul3A_2615 : vector<16xf32>
      %broadcast_in_dim3A_2617 = arith.constant 26 : i32
      %broadcast_in_dim3A_2618 = vector.broadcast %broadcast_in_dim3A_2617 : i32 to vector<16xi32>
      %gather3A_2619 = tpu.vector_load_idx %arg13[%broadcast_in_dim3A_2618, %get3A_37] : memref<32x1000xf32, #tpu.memory_space<vmem>>[vector<16xi32>, vector<16xi32>], vector<16xf32>,
      %broadcast_in_dim3A_2620 = arith.constant 10 : i32
      %broadcast_in_dim3A_2621 = vector.broadcast %broadcast_in_dim3A_2620 : i32 to vector<16xi32>
      %lt3A_2622 = arith.constant 0 : i32
      %lt3A_2623 = vector.broadcast %lt3A_2622 : i32 to vector<16xi32>
      %lt3A_2624 = arith.cmpi slt, %broadcast_in_dim3A_2621, %lt3A_2623 : vector<16xi32>
      %add3A_2625 = arith.constant 16 : i32
      %add3A_2626 = vector.broadcast %add3A_2625 : i32 to vector<16xi32>
      %add3A_2627 = arith.addi %broadcast_in_dim3A_2621, %add3A_2626 : vector<16xi32>
      %select_n3A_2628 = arith.select %lt3A_2624, %add3A_2627, %broadcast_in_dim3A_2621 : vector<16xi1>, vector<16xi32>
      %broadcast_in_dim3A_2629 = vector.shape_cast %select_n3A_2628 : vector<16xi32> to vector<16x1xi32>
      %gather3A_2630 = vector.shape_cast %broadcast_in_dim3A_2629 : vector<16x1xi32> to vector<16xi32>
      %gather3A_2631 = tpu.dynamic_gather %get3A_13[%gather3A_2630] in [0] : vector<16xf32>, vector<16xi32> -> vector<16xf32>
      %mul3A_2632 = arith.mulf %gather3A_2619, %gather3A_2631 : vector<16xf32>
      %add3A_2633 = arith.addf %add3A_2616, %mul3A_2632 : vector<16xf32>
      %broadcast_in_dim3A_2634 = arith.constant 27 : i32
      %broadcast_in_dim3A_2635 = vector.broadcast %broadcast_in_dim3A_2634 : i32 to vector<16xi32>
      %gather3A_2636 = tpu.vector_load_idx %arg13[%broadcast_in_dim3A_2635, %get3A_37] : memref<32x1000xf32, #tpu.memory_space<vmem>>[vector<16xi32>, vector<16xi32>], vector<16xf32>,
      %broadcast_in_dim3A_2637 = arith.constant 11 : i32
      %broadcast_in_dim3A_2638 = vector.broadcast %broadcast_in_dim3A_2637 : i32 to vector<16xi32>
      %lt3A_2639 = arith.constant 0 : i32
      %lt3A_2640 = vector.broadcast %lt3A_2639 : i32 to vector<16xi32>
      %lt3A_2641 = arith.cmpi slt, %broadcast_in_dim3A_2638, %lt3A_2640 : vector<16xi32>
      %add3A_2642 = arith.constant 16 : i32
      %add3A_2643 = vector.broadcast %add3A_2642 : i32 to vector<16xi32>
      %add3A_2644 = arith.addi %broadcast_in_dim3A_2638, %add3A_2643 : vector<16xi32>
      %select_n3A_2645 = arith.select %lt3A_2641, %add3A_2644, %broadcast_in_dim3A_2638 : vector<16xi1>, vector<16xi32>
      %broadcast_in_dim3A_2646 = vector.shape_cast %select_n3A_2645 : vector<16xi32> to vector<16x1xi32>
      %gather3A_2647 = vector.shape_cast %broadcast_in_dim3A_2646 : vector<16x1xi32> to vector<16xi32>
      %gather3A_2648 = tpu.dynamic_gather %get3A_13[%gather3A_2647] in [0] : vector<16xf32>, vector<16xi32> -> vector<16xf32>
      %mul3A_2649 = arith.mulf %gather3A_2636, %gather3A_2648 : vector<16xf32>
      %add3A_2650 = arith.addf %add3A_2633, %mul3A_2649 : vector<16xf32>
      %broadcast_in_dim3A_2651 = arith.constant 28 : i32
      %broadcast_in_dim3A_2652 = vector.broadcast %broadcast_in_dim3A_2651 : i32 to vector<16xi32>
      %gather3A_2653 = tpu.vector_load_idx %arg13[%broadcast_in_dim3A_2652, %get3A_37] : memref<32x1000xf32, #tpu.memory_space<vmem>>[vector<16xi32>, vector<16xi32>], vector<16xf32>,
      %broadcast_in_dim3A_2654 = arith.constant 12 : i32
      %broadcast_in_dim3A_2655 = vector.broadcast %broadcast_in_dim3A_2654 : i32 to vector<16xi32>
      %lt3A_2656 = arith.constant 0 : i32
      %lt3A_2657 = vector.broadcast %lt3A_2656 : i32 to vector<16xi32>
      %lt3A_2658 = arith.cmpi slt, %broadcast_in_dim3A_2655, %lt3A_2657 : vector<16xi32>
      %add3A_2659 = arith.constant 16 : i32
      %add3A_2660 = vector.broadcast %add3A_2659 : i32 to vector<16xi32>
      %add3A_2661 = arith.addi %broadcast_in_dim3A_2655, %add3A_2660 : vector<16xi32>
      %select_n3A_2662 = arith.select %lt3A_2658, %add3A_2661, %broadcast_in_dim3A_2655 : vector<16xi1>, vector<16xi32>
      %broadcast_in_dim3A_2663 = vector.shape_cast %select_n3A_2662 : vector<16xi32> to vector<16x1xi32>
      %gather3A_2664 = vector.shape_cast %broadcast_in_dim3A_2663 : vector<16x1xi32> to vector<16xi32>
      %gather3A_2665 = tpu.dynamic_gather %get3A_13[%gather3A_2664] in [0] : vector<16xf32>, vector<16xi32> -> vector<16xf32>
      %mul3A_2666 = arith.mulf %gather3A_2653, %gather3A_2665 : vector<16xf32>
      %add3A_2667 = arith.addf %add3A_2650, %mul3A_2666 : vector<16xf32>
      %broadcast_in_dim3A_2668 = arith.constant 29 : i32
      %broadcast_in_dim3A_2669 = vector.broadcast %broadcast_in_dim3A_2668 : i32 to vector<16xi32>
      %gather3A_2670 = tpu.vector_load_idx %arg13[%broadcast_in_dim3A_2669, %get3A_37] : memref<32x1000xf32, #tpu.memory_space<vmem>>[vector<16xi32>, vector<16xi32>], vector<16xf32>,
      %broadcast_in_dim3A_2671 = arith.constant 13 : i32
      %broadcast_in_dim3A_2672 = vector.broadcast %broadcast_in_dim3A_2671 : i32 to vector<16xi32>
      %lt3A_2673 = arith.constant 0 : i32
      %lt3A_2674 = vector.broadcast %lt3A_2673 : i32 to vector<16xi32>
      %lt3A_2675 = arith.cmpi slt, %broadcast_in_dim3A_2672, %lt3A_2674 : vector<16xi32>
      %add3A_2676 = arith.constant 16 : i32
      %add3A_2677 = vector.broadcast %add3A_2676 : i32 to vector<16xi32>
      %add3A_2678 = arith.addi %broadcast_in_dim3A_2672, %add3A_2677 : vector<16xi32>
      %select_n3A_2679 = arith.select %lt3A_2675, %add3A_2678, %broadcast_in_dim3A_2672 : vector<16xi1>, vector<16xi32>
      %broadcast_in_dim3A_2680 = vector.shape_cast %select_n3A_2679 : vector<16xi32> to vector<16x1xi32>
      %gather3A_2681 = vector.shape_cast %broadcast_in_dim3A_2680 : vector<16x1xi32> to vector<16xi32>
      %gather3A_2682 = tpu.dynamic_gather %get3A_13[%gather3A_2681] in [0] : vector<16xf32>, vector<16xi32> -> vector<16xf32>
      %mul3A_2683 = arith.mulf %gather3A_2670, %gather3A_2682 : vector<16xf32>
      %add3A_2684 = arith.addf %add3A_2667, %mul3A_2683 : vector<16xf32>
      %broadcast_in_dim3A_2685 = arith.constant 30 : i32
      %broadcast_in_dim3A_2686 = vector.broadcast %broadcast_in_dim3A_2685 : i32 to vector<16xi32>
      %gather3A_2687 = tpu.vector_load_idx %arg13[%broadcast_in_dim3A_2686, %get3A_37] : memref<32x1000xf32, #tpu.memory_space<vmem>>[vector<16xi32>, vector<16xi32>], vector<16xf32>,
      %broadcast_in_dim3A_2688 = arith.constant 14 : i32
      %broadcast_in_dim3A_2689 = vector.broadcast %broadcast_in_dim3A_2688 : i32 to vector<16xi32>
      %lt3A_2690 = arith.constant 0 : i32
      %lt3A_2691 = vector.broadcast %lt3A_2690 : i32 to vector<16xi32>
      %lt3A_2692 = arith.cmpi slt, %broadcast_in_dim3A_2689, %lt3A_2691 : vector<16xi32>
      %add3A_2693 = arith.constant 16 : i32
      %add3A_2694 = vector.broadcast %add3A_2693 : i32 to vector<16xi32>
      %add3A_2695 = arith.addi %broadcast_in_dim3A_2689, %add3A_2694 : vector<16xi32>
      %select_n3A_2696 = arith.select %lt3A_2692, %add3A_2695, %broadcast_in_dim3A_2689 : vector<16xi1>, vector<16xi32>
      %broadcast_in_dim3A_2697 = vector.shape_cast %select_n3A_2696 : vector<16xi32> to vector<16x1xi32>
      %gather3A_2698 = vector.shape_cast %broadcast_in_dim3A_2697 : vector<16x1xi32> to vector<16xi32>
      %gather3A_2699 = tpu.dynamic_gather %get3A_13[%gather3A_2698] in [0] : vector<16xf32>, vector<16xi32> -> vector<16xf32>
      %mul3A_2700 = arith.mulf %gather3A_2687, %gather3A_2699 : vector<16xf32>
      %add3A_2701 = arith.addf %add3A_2684, %mul3A_2700 : vector<16xf32>
      %broadcast_in_dim3A_2702 = arith.constant 31 : i32
      %broadcast_in_dim3A_2703 = vector.broadcast %broadcast_in_dim3A_2702 : i32 to vector<16xi32>
      %gather3A_2704 = tpu.vector_load_idx %arg13[%broadcast_in_dim3A_2703, %get3A_37] : memref<32x1000xf32, #tpu.memory_space<vmem>>[vector<16xi32>, vector<16xi32>], vector<16xf32>,
      %broadcast_in_dim3A_2705 = arith.constant 15 : i32
      %broadcast_in_dim3A_2706 = vector.broadcast %broadcast_in_dim3A_2705 : i32 to vector<16xi32>
      %lt3A_2707 = arith.constant 0 : i32
      %lt3A_2708 = vector.broadcast %lt3A_2707 : i32 to vector<16xi32>
      %lt3A_2709 = arith.cmpi slt, %broadcast_in_dim3A_2706, %lt3A_2708 : vector<16xi32>
      %add3A_2710 = arith.constant 16 : i32
      %add3A_2711 = vector.broadcast %add3A_2710 : i32 to vector<16xi32>
      %add3A_2712 = arith.addi %broadcast_in_dim3A_2706, %add3A_2711 : vector<16xi32>
      %select_n3A_2713 = arith.select %lt3A_2709, %add3A_2712, %broadcast_in_dim3A_2706 : vector<16xi1>, vector<16xi32>
      %broadcast_in_dim3A_2714 = vector.shape_cast %select_n3A_2713 : vector<16xi32> to vector<16x1xi32>
      %gather3A_2715 = vector.shape_cast %broadcast_in_dim3A_2714 : vector<16x1xi32> to vector<16xi32>
      %gather3A_2716 = tpu.dynamic_gather %get3A_13[%gather3A_2715] in [0] : vector<16xf32>, vector<16xi32> -> vector<16xf32>
      %mul3A_2717 = arith.mulf %gather3A_2704, %gather3A_2716 : vector<16xf32>
      %add3A_2718 = arith.addf %add3A_2701, %mul3A_2717 : vector<16xf32>
      %neg3A = arith.constant 0.000000e+00 : f32
      %neg3A_2719 = vector.broadcast %neg3A : f32 to vector<16xf32>
      %neg3A_2720 = arith.subf %neg3A_2719, %add3A_2718 : vector<16xf32>
      %exp3A = math.exp %neg3A_2720 : vector<16xf32>
      %add3A_2721 = arith.constant 1.000000e+00 : f32
      %add3A_2722 = vector.broadcast %add3A_2721 : f32 to vector<16xf32>
      %add3A_2723 = arith.addf %add3A_2722, %exp3A : vector<16xf32>
      %div3A = arith.constant 1.000000e+00 : f32
      %div3A_2724 = vector.broadcast %div3A : f32 to vector<16xf32>
      %div3A_2725 = arith.divf %div3A_2724, %add3A_2723 : vector<16xf32>
      %swap3A_2726 = arith.index_cast %mul3A_31 : i32 to index
      %swap3A_2727 = tpu.vector_load %arg17[%swap3A_2726] {strides = array<i32>} : memref<512xf32, #tpu.memory_space<vmem>>, vector<16xf32>,
      tpu.vector_store %arg17[%swap3A_2726], %div3A_2725 {strides = array<i32>} : memref<512xf32, #tpu.memory_space<vmem>>, vector<16xf32>,
    }
    %scan3A_28 = arith.constant 32 : i32
    "tpu.region"() ({
      %run_scoped3A = tpu.sem_alloc : memref<!tpu.dma_semaphore, #tpu.memory_space<semaphore_mem>>
      %dma_start3A = tpu.memref_slice %arg9[%mul3A_2] : memref<16384xf32, #tpu.memory_space<hbm>> -> memref<512xf32, #tpu.memory_space<hbm>>
      %dma_start3A_29 = tpu.memref_slice %arg9[%mul3A_2] : memref<16384xf32, #tpu.memory_space<hbm>> -> memref<512xf32, #tpu.memory_space<hbm>>
      tpu.enqueue_dma source(%arg17 : memref<512xf32, #tpu.memory_space<vmem>>) target(%dma_start3A_29 : memref<512xf32, #tpu.memory_space<hbm>>) target_semaphore(%run_scoped3A : memref<!tpu.dma_semaphore, #tpu.memory_space<semaphore_mem>>)
      %dma_wait3A = tpu.memref_slice %arg9[%mul3A_2] : memref<16384xf32, #tpu.memory_space<hbm>> -> memref<512xf32, #tpu.memory_space<hbm>>
      %dma_wait3A_30 = tpu.memref_slice %arg9[%mul3A_2] : memref<16384xf32, #tpu.memory_space<hbm>> -> memref<512xf32, #tpu.memory_space<hbm>>
      tpu.wait_dma2 semaphore(%run_scoped3A : memref<!tpu.dma_semaphore, #tpu.memory_space<semaphore_mem>>) src(%arg17 : memref<512xf32, #tpu.memory_space<vmem>>) dst(%dma_wait3A_30 : memref<512xf32, #tpu.memory_space<hbm>>)
      tpu.yield
    }) : () -> ()
    return
  }
}

</mosaic_0001>

<sc_bundles>
// kernel: _run.3.cloned.1.call-start
scs
__scs_entry_jumppad:
0x0: {  	(pc) =	sbr.rel $0x88, $3  }
0x1: {  	(tag) =	ssettag $0x0;
	lr =	simm.s32 $0x1  }
0x2: {  	[smem:$0x3F9A] =	sst lr;
	_ =	strace $0xD0000000  }
0x3: {  	_ = 	snop  }
0x4: {  	_ = 	snop  }
0x5: {  	_ = 	snop  }
0x6: {  	_ = 	snop  }
0x7: {  	_ = 	snop  }
__scs_overlays_trampoline_lowered:
0x8: {  	[smem:$0x3FA9] =	sst s0  }
0x9: {  	[smem:$0x3FAA] =	sst s1  }
0xa: {  	[smem:$0x3FAB] =	sst s2  }
0xb: {  	[smem:$0x3FAC] =	sst s3  }
0xc: {  	[smem:$0x3FAD] =	sst s4  }
0xd: {  	[smem:$0x3FAE] =	sst s5  }
0xe: {  	[smem:$0x3FAF] =	sst s6  }
0xf: {  	[smem:$0x3FB0] =	sst s7  }
0x10: {  	[smem:$0x3FB1] =	sst s8  }
0x11: {  	[smem:$0x3FB2] =	sst s9;
	s0 =	simm.s32 @!p0 $0x0  }
0x12: {  	s1 =	sld [smem:$0x3F98];
	s0 =	simm.s32 @p0 $0x1  }
0x13: {  	[smem:$0x3FB3] =	sst s0;
	s0 =	simm.s32 @!p1 $0x0  }
0x14: {  	s2 =	sld [smem:$0x3F97];
	s0 =	simm.s32 @p1 $0x1  }
0x15: {  	[smem:$0x3FB4] =	sst s0;
	s0 =	simm.s32 @!p2 $0x0  }
0x16: {  	s3 =	sld [smem:$0x3FDB];
	s0 =	simm.s32 @p2 $0x1  }
0x17: {  	s4 =	simm.s32 $0x1BF5;
	[smem:$0x3FB6] =	sst s0  }
0x18: {  	s0 =	sld [smem:$0x3F99];
	_ =	swait.ge [sflag:s4], $0x0  }
0x19: {  	s7 =	sld [smem:$0x3F9A]  }
0x1a: {  	s8 =	sadd.s32 $0xFFFFE003, lr  }
0x1b: {  	s9 =	sadd.s32 $0xFFFFFEF7, lr;
	s5 =	simm.s32 $0xFFFFFFFF;
	p2 =	slt.u32 s8, $0xFFFFF086  }
0x1c: {  	p1 =	slt.u32 s9, $0xF7A;
	s5 =	simm.s32 @!p2 $0x0  }
0x1d: {  	s5 =	simm.s32 @p1 $0x1;
	p0 =	seq.s32 s7, s2  }
0x1e: {  	s7 =	smul.u32 @!p0 $0xF7A, s2;
	p2 =	seq.s32 @!p0 s5, $0x0  }
0x1f: {  	s9 =	smul.u32 $0xF7A, s1;
	s8 =	simm.s32 @!p0 $0x1BF5;
	p2 =	por !p2, p0  }
0x20: {  	[sflag:s8] =	ssyncset.s32 @!p0 $0xFFFFF086;
	s6 =	sadd.s32 @!p0 s3, s7;
	s7 =	simm.s32 @!p0 $0x108  }
0x21: {  	s3 =	sadd.s32 s3, s9;
	s6 =	sadd.s32 @!p0 $0x88, s6;
	s7 =	simm.s32 @p2 $0x1082  }
0x22: {  	[simem:s7], [sflag:s8] =	dma.local @!p0 [hbm:s6], $0xF7A  }
0x23: {  	s9 =	sor.u32 $0xD0000000, s2;
	s6 =	simm.s32 $0x108;
	_ =	swait.ge @!p0 [sflag:s8], $0x0  }
0x24: {  	s3 =	sadd.s32 $0x88, s3;
	s6 =	simm.s32 @!p1 $0x1082;
	[sflag:s4] =	ssyncset.s32 $0xFFFFF086  }
0x25: {  	[simem:s6], [sflag:s4] =	dma.local [hbm:s3], $0xF7A  }
0x26: {  	[smem:$0x3F9A] =	sst s1;
	(tag) =	ssettag s2;
	_ =	strace s9  }
0x27: {  	s1 =	sld [smem:$0x3FAA]  }
0x28: {  	s2 =	sld [smem:$0x3FAB]  }
0x29: {  	s4 =	sld [smem:$0x3FAD]  }
0x2a: {  	p0 =	seq.s32 s5, $0x0;
	s5 =	sld [smem:$0x3FAE]  }
0x2b: {  	s6 =	sld [smem:$0x3FAF]  }
0x2c: {  	s7 =	sld [smem:$0x3FB0]  }
0x2d: {  	s3 =	simm.s32 $0x108;
	s8 =	sld [smem:$0x3FB1]  }
0x2e: {  	s3 =	simm.s32 @!p0 $0x1082;
	s9 =	sld [smem:$0x3FB2]  }
0x2f: {  	lr =	sadd.s32 s0, s3;
	s0 =	sld [smem:$0x3FA9]  }
0x30: {  	s3 =	sld [smem:$0x3FAC]  }
0x31: {  	[smem:$0x3FB5] =	sst s10  }
0x32: {  	s10 =	sld [smem:$0x3FB3];
	_ =	sdelay $0x3  }
0x33: {  	p0 =	seq.s32 s10, $0x1;
	s10 =	sld [smem:$0x3FB5];
	_ =	sdelay $0x3  }
0x34: {  	[smem:$0x3FB5] =	sst s10  }
0x35: {  	s10 =	sld [smem:$0x3FB4];
	_ =	sdelay $0x3  }
0x36: {  	p1 =	seq.s32 s10, $0x1;
	s10 =	sld [smem:$0x3FB5];
	_ =	sdelay $0x3  }
0x37: {  	[smem:$0x3FB5] =	sst s10  }
0x38: {  	s10 =	sld [smem:$0x3FB6]  }
0x39: {  	_ = 	snop;
	(pc) =	sbr.ind lr, $3  }
0x3a: {  	_ = 	snop  }
0x3b: {  	_ = 	snop  }
0x3c: {  	p2 =	seq.s32 s10, $0x1;
	s10 =	sld [smem:$0x3FB5]  }
0x3d: {  	_ =	shalt  }
0x3e: {  	_ =	shalt  }
0x3f: {  	_ =	shalt  }
0x40: {  	_ =	shalt  }
0x41: {  	_ =	shalt  }
0x42: {  	_ =	shalt  }
0x43: {  	_ =	shalt  }
0x44: {  	_ =	shalt  }
0x45: {  	_ =	shalt  }
0x46: {  	_ =	shalt  }
0x47: {  	_ =	shalt  }
0x48: {  	_ =	shalt  }
0x49: {  	_ =	shalt  }
0x4a: {  	_ =	shalt  }
0x4b: {  	_ =	shalt  }
0x4c: {  	_ =	shalt  }
0x4d: {  	_ =	shalt  }
0x4e: {  	_ =	shalt  }
0x4f: {  	_ =	shalt  }
0x50: {  	_ =	shalt  }
0x51: {  	_ =	shalt  }
0x52: {  	_ =	shalt  }
0x53: {  	_ =	shalt  }
0x54: {  	_ =	shalt  }
0x55: {  	_ =	shalt  }
0x56: {  	_ =	shalt  }
0x57: {  	_ =	shalt  }
0x58: {  	_ =	shalt  }
0x59: {  	_ =	shalt  }
0x5a: {  	_ =	shalt  }
0x5b: {  	_ =	shalt  }
0x5c: {  	_ =	shalt  }
0x5d: {  	_ =	shalt  }
0x5e: {  	_ =	shalt  }
0x5f: {  	_ =	shalt  }
0x60: {  	_ =	shalt  }
0x61: {  	_ =	shalt  }
0x62: {  	_ =	shalt  }
0x63: {  	_ =	shalt  }
0x64: {  	_ =	shalt  }
0x65: {  	_ =	shalt  }
0x66: {  	_ =	shalt  }
0x67: {  	_ =	shalt  }
0x68: {  	_ =	shalt  }
0x69: {  	_ =	shalt  }
0x6a: {  	_ =	shalt  }
0x6b: {  	_ =	shalt  }
0x6c: {  	_ =	shalt  }
0x6d: {  	_ =	shalt  }
0x6e: {  	_ =	shalt  }
0x6f: {  	_ =	shalt  }
0x70: {  	_ =	shalt  }
0x71: {  	_ =	shalt  }
0x72: {  	_ =	shalt  }
0x73: {  	_ =	shalt  }
0x74: {  	_ =	shalt  }
0x75: {  	_ =	shalt  }
0x76: {  	_ =	shalt  }
0x77: {  	_ =	shalt  }
0x78: {  	_ =	shalt  }
0x79: {  	_ =	shalt  }
0x7a: {  	_ =	shalt  }
0x7b: {  	_ =	shalt  }
0x7c: {  	_ =	shalt  }
0x7d: {  	_ =	shalt  }
0x7e: {  	_ =	shalt  }
0x7f: {  	_ =	shalt  }
0x80: {  	_ =	shalt  }
0x81: {  	_ =	shalt  }
0x82: {  	_ =	shalt  }
0x83: {  	_ =	shalt  }
0x84: {  	_ =	shalt  }
0x85: {  	_ =	shalt  }
0x86: {  	_ =	shalt  }
0x87: {  	_ =	shalt  }
.Lfunc_end0:
.L_simem_size_0:
called_computation_lowered:
.L_overlay_start_0:
0x88: {  	s2 =	sld [smem:$0x3FD9]  }
0x89: {  	s3 =	sld [smem:$0x3FFE];
	_ =	sdelay $0x1  }
0x8a: {  	s1 =	srdreg.scid  }
0x8b: {  	s0 =	sand.u32 $0x1, s1  }
0x8c: {  	s18 =	sshll.u32 s0, $0xA;
	s2 =	sadd.s32 s3, s2  }
0x8d: {  	s2 =	sadd.s32 s2, s18  }
0x8e: {  	[smem:$0x3FC1] =	sst s2  }
0x8f: {  	_ = 	snop  }
0x90: {  	s2 =	sld [smem:$0x3FC9]  }
0x91: {  	s19 =	sld [smem:$0x3FC8]  }
0x92: {  	s4 =	sld [smem:$0x3FC7]  }
0x93: {  	s5 =	sld [smem:$0x3FC6]  }
0x94: {  	s6 =	sld [smem:$0x3FC5]  }
0x95: {  	s7 =	sld [smem:$0x3FC4]  }
0x96: {  	s8 =	sld [smem:$0x3FC3]  }
0x97: {  	s9 =	sld [smem:$0x3FD0];
	(tm) =	ssettm $0x1  }
0x98: {  	s10 =	sld [smem:$0x3FFB];
	_ =	sdelay $0x3  }
0x99: {  	_ =	strace s10  }
0x9a: {  	s10 =	sld [smem:$0x3FFC];
	_ =	sdelay $0x3  }
0x9b: {  	_ =	strace s10  }
0x9c: {  	s10 =	sld [smem:$0x3FFD];
	_ =	sdelay $0x3  }
0x9d: {  	_ =	strace s10  }
0x9e: {  	_ =	strace $0x8FFFFFFF  }
0x9f: {  	s20 =	sld [smem:$0x3FDB];
	_ =	sdelay $0x1  }
0xa0: {  	s11 =	simm.s32 $_scs_section_size  }
0xa1: {  	s12 =	simm.s32 $_size__tile_overlayer_lowered;
	s13 =	simm.s32 $_tile_overlayer_lowered  }
0xa2: {  	s23 =	simm.s32 $0x1BFF;
	s22 =	sshll.u32 s13, $0x1;
	s10 =	sadd.s32 s11, s20  }
0xa3: {  	s14 =	simm.s32 $0x0;
	s21 =	sshll.u32 s12, $0x1;
	s12 =	sadd.s32 s22, s10  }
0xa4: {  	[timem:s14], [sflag:s23] =	dma.local [hbm:s12], s21  }
0xa5: {  	_ =	swait.ge [sflag:s23], s21  }
0xa6: {  	s11 =	ssub.s32 $0x0, s21;
	[sflag:s23] =	ssyncset.done $0x0  }
0xa7: {  	[sflag:s23] =	ssyncadd.s32 s11;
	_ =	sdelay $0x1  }
0xa8: {  	s24 =	simm.s32 $0x1B8B  }
0xa9: {  	_ =	swait.ge [sflag:s24], $0x1  }
0xaa: {  	[sflag:s24] =	ssyncset.done $0x0  }
0xab: {  	s25 =	simm.s32 $0x1B8E;
	[sflag:s24] =	ssyncadd.s32 $0xFFFFFFFF  }
0xac: {  	s26 =	simm.s32 $execute0_lowered;
	[smem:$0x3FD2] =	sst s25  }
0xad: {  	s11 =	sshll.u32 s26, $0x1;
	_ =	strace $0x80000046;
	[dreg:$0x1] =	wrdreg $0xFFFFFFFF  }
0xae: {  	s28 =	simm.s32 $_size_execute0_lowered;
	s10 =	sadd.s32 s10, s11;
	[dreg:$0x0] =	wrdreg $0x0  }
0xaf: {  	s11 =	sshll.u32 s28, $0x1;
	[dreg:$0x2] =	wrdreg s10  }
0xb0: {  	[dreg:$0x3] =	wrdreg s11  }
0xb1: {  	[dreg:$0x4] =	wrdreg $0xC0  }
0xb2: {  	_ =	task [dreg:s14], $0x5FFFF  }
0xb3: {  	[dreg:$0x1] =	wrdreg $0xFFFFFFFF  }
0xb4: {  	[dreg:$0x0] =	wrdreg $0x60  }
0xb5: {  	[dreg:$0x2] =	wrdreg s2  }
0xb6: {  	[dreg:$0x3] =	wrdreg s19  }
0xb7: {  	[dreg:$0x4] =	wrdreg s4  }
0xb8: {  	[dreg:$0x5] =	wrdreg s5  }
0xb9: {  	[dreg:$0x6] =	wrdreg s6  }
0xba: {  	[dreg:$0x7] =	wrdreg s7  }
0xbb: {  	[dreg:$0x8] =	wrdreg s8  }
0xbc: {  	[dreg:$0x9] =	wrdreg s9  }
0xbd: {  	[dreg:$0xa] =	wrdreg $0x9  }
0xbe: {  	_ =	task.clear_ibuf [dreg:s14], $0xBFFFF;
	_ =	strace $0x90000046  }
0xbf: {  	s29 =	simm.s32 $0x9;
	_ =	strace $0x80000048  }
0xc0: {  	_ =	swait.ge [sflag:s29], $0x1  }
0xc1: {  	[sflag:s29] =	ssyncadd.s32 $0xFFFFFFFF  }
0xc2: {  	_ =	strace $0x90000048  }
0xc3: {  	_ =	sfence  }
0xc4: {  	s30 =	sld [smem:$0x0];
	_ =	sdelay $0x2  }
0xc5: {  	s31 =	sshll.u32 s1, $0xD;
	s1 =	sshrl.u32 s1, $0x2  }
0xc6: {  	s3 =	sand.u32 $0x4000, s31;
	s1 =	sadd.s32 s1, s30  }
0xc7: {  	s0 =	sor.u32 s3, s0;
	s1 =	sshll.u32 s1, $0x11  }
0xc8: {  	s0 =	sor.u32 s1, s0  }
0xc9: {  	s0 =	sadd.s32 $0x8F2B, s0  }
0xca: {  	[sflag:s0] =	ssyncadd.remote.s32 $0x1  }
0xcb: {  	_ =	sfence.sel $0xFFFF  }
0xcc: {  	[dreg:$0x0] =	wrdreg $0xFFFFFFFF;
	(pc) =	sbr.abs _section_cstart, $3  }
0xcd: {  	[dreg:$0x1] =	wrdreg $0xFFFFFFFF  }
0xce: {  	_ =	task.clear_ibuf [dreg:s14], $0x2FFFF;
	_ =	strace $0x9FFFFFFF  }
0xcf: {  	(tm) =	ssettm $0x7FFFFFFF  }
tec
execute0_lowered:
.L_overlay_start_1:
0x0: {  	(tag) =	ssettag $0x1  }
0x1: {  	s0 =	rddreg [dreg:$0x0]  }
0x2: {  	s1 =	rddreg [dreg:$0x1]  }
0x3: {  	s4 =	rddreg [dreg:$0x2]  }
0x4: {  	s2 =	rddreg [dreg:$0x4]  }
0x5: {  	s3 =	rddreg [dreg:$0x5]  }
0x6: {  	s5 =	rddreg [dreg:$0x7]  }
0x7: {  	s6 =	srdreg.scid;
	s10 =	simm.s32 $0x0;
	s8 =	stileid.u32  }
0x8: {  	v0 =	vlaneseq.u32;
	v1 =	vimm.s32 $0x0;
	v4 =	vimm.s32 $0x1;
	s14 =	simm.s32 $0x600;
	s16 =	simm.s32 $0x400;
	s17 =	simm.s32 $0x7A1400  }
0x9: {  	v6 =	vimm.s32 $0x2;
	v8 =	vimm.s32 $0x3;
	v10 =	vimm.s32 $0x4;
	s15 =	simm.s32 $0x9880;
	s20 =	simm.s32 $0xD880;
	s21 =	simm.s32 $0xA880  }
0xa: {  	v12 =	vimm.s32 $0x5;
	v14 =	vimm.s32 $0x6;
	v16 =	vimm.s32 $0x7;
	s22 =	simm.s32 $0xE880;
	s12 =	simm.s32 $0x8E00;
	s30 =	simm.s32 $0x2  }
0xb: {  	v18 =	vimm.s32 $0x8;
	v20 =	vimm.s32 $0x9;
	v22 =	vimm.s32 $0xA;
	s31 =	simm.s32 $0x6;
	s28 =	simm.s32 $0x1;
	s6 =	sand.u32 $0x1, s6  }
0xc: {  	v24 =	vimm.s32 $0xB;
	v26 =	vimm.s32 $0xC;
	v0 =	vmul.u32 $0x80, v0;
	s8 =	sshll.u32 s8, $0x7;
	s7 =	ssub.s32 $0x2, s6;
	s6 =	sshll.u32 s6, $0x6  }
0xd: {  	v28 =	vimm.s32 $0xD;
	v30 =	vimm.s32 $0xE;
	v32 =	vimm.s32 $0xF;
	s29 =	simm.s32 $0x5;
	[smem:$0x7FF] =	sst s10;
	s6 =	sor.u32 s6, s8  }
0xe: {  	_ =	strace $0x80000047;
	s9 =	sshrl.u32 s7, $0x1;
	v2 =	vor.u32 $0x800, v0;
	v3 =	vor.u32 $0x1, v0;
	v5 =	vor.u32 $0x2, v0;
	s0 =	sadd.s32 s0, s6  }
0xf: {  	v7 =	vor.u32 $0x3, v0;
	v9 =	vor.u32 $0x4, v0;
	s8 =	simm.s32 $0x9;
	v11 =	vor.u32 $0x5, v0;
	s23 =	sadd.s32 s1, s6;
	[dreg:$0x9] =	wrdreg s0  }
0x10: {  	v13 =	vor.u32 $0x6, v0;
	v15 =	vor.u32 $0x7, v0;
	v17 =	vor.u32 $0x8, v0;
	s7 =	ssub.s32 s7, s9;
	s24 =	sadd.s32 s4, s6;
	[dreg:$0xa] =	wrdreg s23  }
0x11: {  	v19 =	vor.u32 $0x9, v0;
	v21 =	vor.u32 $0xA, v0;
	v23 =	vor.u32 $0xB, v0;
	s25 =	sadd.s32 s5, s6;
	s4 =	simm.s32 $0x8600;
	[dreg:$0xb] =	wrdreg s24  }
0x12: {  	v25 =	vor.u32 $0xC, v0;
	v27 =	vor.u32 $0xD, v0;
	v29 =	vor.u32 $0xE, v0;
	s5 =	simm.s32 $0x7;
	[dreg:$0xc] =	wrdreg s25;
	s26 =	smax.u32 s7, $0x1  }
0x13: {  	v31 =	vor.u32 $0xF, v0;
	v33 =	vor.u32 $0x10, v0;
	v34 =	vor.u32 $0x11, v0;
	s23 =	simm.s32 $0xB880;
	s24 =	simm.s32 $0xF880;
	s25 =	simm.s32 $0xC880  }
0x14: {  	v35 =	vor.u32 $0x12, v0;
	v36 =	vor.u32 $0x13, v0;
	v37 =	vor.u32 $0x14, v0;
	s0 =	simm.s32 $0x0;
	[dreg:$0xd] =	wrdreg s26;
	s26 =	simm.s32 $0x10880  }
.LBB2_1:
0x15: {  	[dreg:$0xe] =	wrdreg s0  }
0x16: {  	s6 =	rddreg [dreg:$0x3];
	s7 =	simm.s32 $0x9600  }
0x17: {  	[tilespmem:s7], [sflag:$0x9] =	stream.linear.gather [hbm4b:s6+s10], $0x80, $0x38;
	[tilespmem:$0x11880] =	vst v63  }
0x18: {  	_ =	swait.ge [sflag:s8], $0x80  }
0x19: {  	[sflag:s8] =	ssyncset.done $0x0  }
0x1a: {  	[sflag:s8] =	ssyncadd.s32 $0xFFFFFF80  }
0x1b: {  	s9 =	rddreg [dreg:$0x6]  }
0x1c: {  	[tilespmem:s14], [sflag:$0x9] =	stream.linear.gather [hbm4b:s9+s10], $0x8000, $0x38;
	[tilespmem:$0x11880] =	vst v63  }
0x1d: {  	_ =	swait.ge [sflag:s8], $0x8000  }
0x1e: {  	[sflag:s8] =	ssyncset.done $0x0  }
0x1f: {  	s11 =	rddreg [dreg:$0x9];
	[sflag:s8] =	ssyncadd.s32 $0xFFFF8000  }
0x20: {  	[tilespmem:s10], [sflag:$0x9] =	stream.linear.gather [hbm4b:s11+s10], $0x200, $0x38;
	[tilespmem:$0x11880] =	vst v63  }
0x21: {  	_ =	swait.ge [sflag:s8], $0x200  }
0x22: {  	[sflag:s8] =	ssyncset.done $0x0  }
0x23: {  	s18 =	simm.s32 $0x200;
	s13 =	rddreg [dreg:$0xa];
	[sflag:s8] =	ssyncadd.s32 $0xFFFFFE00  }
0x24: {  	[tilespmem:s18], [sflag:$0x9] =	stream.linear.gather [hbm4b:s13+s10], $0x200, $0x38;
	[tilespmem:$0x11880] =	vst v63  }
0x25: {  	_ =	swait.ge [sflag:s8], $0x200  }
0x26: {  	[sflag:s8] =	ssyncset.done $0x0  }
0x27: {  	s19 =	rddreg [dreg:$0xb];
	[sflag:s8] =	ssyncadd.s32 $0xFFFFFE00  }
0x28: {  	[tilespmem:s16], [sflag:$0x9] =	stream.linear.gather [hbm4b:s19+s10], $0x200, $0x38;
	[tilespmem:$0x11880] =	vst v63  }
0x29: {  	_ =	swait.ge [sflag:s8], $0x200  }
0x2a: {  	[sflag:s8] =	ssyncset.done $0x0  }
0x2b: {  	[sflag:s8] =	ssyncadd.s32 $0xFFFFFE00  }
0x2c: {  	v38 =	vld [tilespmem:$0x9660]  }
0x2d: {  	v39 =	vld [tilespmem:$0x9600];
	_ =	sdelay $0x3  }
0x2e: {  	v38 =	vperm.xlane v38, v1  }
0x2f: {  	v47 =	vperm.xlane v39, v1  }
0x30: {  	v48 =	vperm.xlane v39, v4;
	[tilespmem:$0x1FEE0] =	vst v38  }
0x31: {  	v49 =	vperm.xlane v39, v6;
	[tilespmem:$0x1FEF0] =	vst v47  }
0x32: {  	v50 =	vperm.xlane v39, v8;
	[tilespmem:$0x1FF00] =	vst v48  }
0x33: {  	v51 =	vperm.xlane v39, v10;
	[tilespmem:$0x1FF10] =	vst v49  }
0x34: {  	v52 =	vperm.xlane v39, v12;
	[tilespmem:$0x1FF20] =	vst v50  }
0x35: {  	v53 =	vperm.xlane v39, v14;
	[tilespmem:$0x1FF30] =	vst v51  }
0x36: {  	v54 =	vperm.xlane v39, v16;
	[tilespmem:$0x1FF40] =	vst v52  }
0x37: {  	v55 =	vperm.xlane v39, v18;
	[tilespmem:$0x1FF50] =	vst v53  }
0x38: {  	v56 =	vperm.xlane v39, v20;
	[tilespmem:$0x1FF60] =	vst v54  }
0x39: {  	v57 =	vperm.xlane v39, v22;
	[tilespmem:$0x1FF70] =	vst v55  }
0x3a: {  	v45 =	vld [tilespmem:$0x9610];
	v58 =	vperm.xlane v39, v24;
	[tilespmem:$0x1FF80] =	vst v56  }
0x3b: {  	v59 =	vperm.xlane v39, v26;
	[tilespmem:$0x1FF90] =	vst v57  }
0x3c: {  	v60 =	vperm.xlane v39, v28;
	[tilespmem:$0x1FFA0] =	vst v58  }
0x3d: {  	v61 =	vperm.xlane v39, v30;
	[tilespmem:$0x1FFB0] =	vst v59  }
0x3e: {  	v62 =	vperm.xlane v39, v32;
	v52 =	vld [tilespmem:$0x9620];
	[tilespmem:$0x1FFC0] =	vst v60  }
0x3f: {  	v63 =	vperm.xlane v45, v1;
	v55 =	vld [tilespmem:$0x9630];
	[tilespmem:$0x1FFD0] =	vst v61  }
0x40: {  	[tilespmem:$0x1FFE0] =	vst v62;
	v58 =	vld [tilespmem:$0x9640];
	v60 =	vperm.xlane v45, v4  }
0x41: {  	s0 =	simm.s32 $0x0;
	[tilespmem:$0x1FFF0] =	vst v63;
	v61 =	vld [tilespmem:$0x9650];
	v62 =	vperm.xlane v45, v6;
	v63 =	vperm.xlane v45, v8  }
.LBB2_2:
0x42: {  	s19 =	sshra.s32 s0, $0x2  }
0x43: {  	v40 =	vld [tilespmem:s19+$0x0];
	_ =	sdelay $0x3  }
0x44: {  	v39 =	vld [tilespmem:s19+$0x200]  }
0x45: {  	(v2sf) =	vpush v40, $0x0;
	_ =	sdelay $0x3  }
0x46: {  	(v2sf) =	vpush v39, $0x0  }
0x47: {  	(v2sf) =	vpush v40, $0x1;
	_ =	sdelay $0x1  }
0x48: {  	(v2sf) =	vpush v39, $0x1;
	_ =	sdelay $0x1  }
0x49: {  	(v2sf) =	vpush v40, $0x2;
	_ =	sdelay $0x5  }
0x4a: {  	s10 =	spop (v2sf);
	(v2sf) =	vpush v39, $0x2;
	_ =	sdelay $0x3  }
0x4b: {  	[dreg:$0x10] =	wrdreg s19;
	s6 =	sand.u32 $0xFFFFF80, s10;
	s13 =	spop (v2sf);
	(v2sf) =	vpush v40, $0x3  }
0x4c: {  	v38 =	vld [tilespmem:s19+$0x400];
	s6 =	sadd.s32 s2, s6;
	s1 =	sand.u32 $0xFFFFF80, s13;
	s19 =	spop (v2sf)  }
0x4d: {  	[tilespmem:s15], [sflag:$0x1] =	stream.strided.gather [hbm4b:s6+s16], $0x1000, s17, s16, $0x38;
	[tilespmem:$0x11880] =	vst v63  }
0x4e: {  	s6 =	sadd.s32 s3, s1;
	s7 =	sand.u32 $0xFFFFF80, s19;
	s11 =	spop (v2sf)  }
0x4f: {  	(v2sf) =	vpush v39, $0x3;
	[tilespmem:s20], [sflag:$0x5] =	stream.strided.gather [hbm4b:s6+s16], $0x1000, s17, s16, $0x38;
	[tilespmem:$0x11880] =	vst v63  }
0x50: {  	s8 =	sand.u32 $0xFFFFF80, s11;
	s18 =	spop (v2sf);
	s6 =	sadd.s32 s2, s7  }
0x51: {  	[tilespmem:s21], [sflag:$0x2] =	stream.strided.gather [hbm4b:s6+s16], $0x1000, s17, s16, $0x38;
	[tilespmem:$0x11880] =	vst v63  }
0x52: {  	s6 =	sadd.s32 s3, s8;
	s8 =	sand.u32 $0xFFFFF80, s18  }
0x53: {  	[tilespmem:s22], [sflag:$0x6] =	stream.strided.gather [hbm4b:s6+s16], $0x1000, s17, s16, $0x38;
	[tilespmem:$0x11880] =	vst v63  }
0x54: {  	s8 =	sadd.s32 s2, s8  }
0x55: {  	[tilespmem:s23], [sflag:$0x3] =	stream.strided.gather [hbm4b:s8+s16], $0x1000, s17, s16, $0x38;
	[tilespmem:$0x11880] =	vst v63  }
0x56: {  	s6 =	spop (v2sf)  }
0x57: {  	s9 =	sand.u32 $0xFFFFF80, s6  }
0x58: {  	s8 =	sadd.s32 s3, s9  }
0x59: {  	[tilespmem:s24], [sflag:$0x7] =	stream.strided.gather [hbm4b:s8+s16], $0x1000, s17, s16, $0x38;
	[tilespmem:$0x11880] =	vst v63  }
0x5a: {  	s8 =	spop (v2sf)  }
0x5b: {  	s9 =	sand.u32 $0xFFFFF80, s8  }
0x5c: {  	s9 =	sadd.s32 s2, s9  }
0x5d: {  	[tilespmem:s25], [sflag:$0x4] =	stream.strided.gather [hbm4b:s9+s16], $0x1000, s17, s16, $0x38;
	[tilespmem:$0x11880] =	vst v63  }
0x5e: {  	s9 =	spop (v2sf)  }
0x5f: {  	s15 =	sand.u32 $0xFFFFF80, s9  }
0x60: {  	[dreg:$0xf] =	wrdreg s0;
	s15 =	sadd.s32 s3, s15  }
0x61: {  	[tilespmem:s26], [sflag:$0x8] =	stream.strided.gather [hbm4b:s15+s16], $0x1000, s17, s16, $0x38;
	[tilespmem:$0x11880] =	vst v63  }
0x62: {  	s10 =	sand.u32 $0x7F, s10;
	_ =	swait.ge [sflag:s28], $0x1000  }
0x63: {  	v41 =	vor.u32 s10, v0;
	[sflag:s28] =	ssyncset.done $0x0  }
0x64: {  	[sflag:s28] =	ssyncadd.s32 $0xFFFFF000  }
0x65: {  	_ =	swait.ge [sflag:s29], $0x1000  }
0x66: {  	[sflag:s29] =	ssyncset.done $0x0  }
0x67: {  	s20 =	simm.s32 $0x9880;
	[sflag:s29] =	ssyncadd.s32 $0xFFFFF000  }
0x68: {  	v41 =	vld.idx.msk [tilespmem:v41+s20+$0x0], $0xffff  }
0x69: {  	v42 =	vor.u32 s10, v2;
	_ =	sdelay $0x3  }
0x6a: {  	[tilespmem:$0x8600] =	vst v41  }
0x6b: {  	s15 =	sand.u32 $0x7F, s13;
	(v2sf) =	vpush v40, $0x4;
	v41 =	vld.idx.msk [tilespmem:v42+s20+$0x0], $0xffff  }
0x6c: {  	v47 =	vor.u32 s15, v0;
	_ =	sdelay $0x2  }
0x6d: {  	(v2sf) =	vpush v39, $0x4  }
0x6e: {  	s21 =	simm.s32 $0xD880;
	[tilespmem:$0x8610] =	vst v41  }
0x6f: {  	v41 =	vld.idx.msk [tilespmem:v47+s21+$0x0], $0xffff  }
0x70: {  	v48 =	vor.u32 s15, v2;
	_ =	sdelay $0x3  }
0x71: {  	[tilespmem:$0x8E00] =	vst v41  }
0x72: {  	v41 =	vld.idx.msk [tilespmem:v48+s21+$0x0], $0xffff;
	_ =	sdelay $0x2  }
0x73: {  	s15 =	spop (v2sf)  }
0x74: {  	s13 =	sand.u32 $0xFFFFF80, s15  }
0x75: {  	s10 =	sadd.s32 s2, s13;
	[tilespmem:$0x8E10] =	vst v41  }
0x76: {  	[tilespmem:s20], [sflag:$0x1] =	stream.strided.gather [hbm4b:s10+s16], $0x1000, s17, s16, $0x38;
	[tilespmem:$0x11880] =	vst v63  }
0x77: {  	s10 =	spop (v2sf)  }
0x78: {  	s13 =	sand.u32 $0xFFFFF80, s10  }
0x79: {  	s13 =	sadd.s32 s3, s13  }
0x7a: {  	[tilespmem:s21], [sflag:$0x5] =	stream.strided.gather [hbm4b:s13+s16], $0x1000, s17, s16, $0x38;
	[tilespmem:$0x11880] =	vst v63  }
0x7b: {  	s19 =	sand.u32 $0x7F, s19;
	_ =	swait.ge [sflag:s30], $0x1000  }
0x7c: {  	v49 =	vor.u32 s19, v0;
	[sflag:s30] =	ssyncset.done $0x0  }
0x7d: {  	[sflag:s30] =	ssyncadd.s32 $0xFFFFF000  }
0x7e: {  	_ =	swait.ge [sflag:s31], $0x1000  }
0x7f: {  	[sflag:s31] =	ssyncset.done $0x0  }
0x80: {  	s22 =	simm.s32 $0xA880;
	[sflag:s31] =	ssyncadd.s32 $0xFFFFF000  }
0x81: {  	v41 =	vld.idx.msk [tilespmem:v49+s22+$0x0], $0xffff  }
0x82: {  	v50 =	vor.u32 s19, v2;
	_ =	sdelay $0x3  }
0x83: {  	[tilespmem:$0x8680] =	vst v41  }
0x84: {  	s11 =	sand.u32 $0x7F, s11;
	(v2sf) =	vpush v40, $0x5;
	v41 =	vld.idx.msk [tilespmem:v50+s22+$0x0], $0xffff  }
0x85: {  	v51 =	vor.u32 s11, v0;
	_ =	sdelay $0x2  }
0x86: {  	(v2sf) =	vpush v39, $0x5  }
0x87: {  	s23 =	simm.s32 $0xE880;
	[tilespmem:$0x8690] =	vst v41  }
0x88: {  	v41 =	vld.idx.msk [tilespmem:v51+s23+$0x0], $0xffff  }
0x89: {  	v53 =	vor.u32 s11, v2;
	_ =	sdelay $0x3  }
0x8a: {  	[tilespmem:$0x8E80] =	vst v41  }
0x8b: {  	v41 =	vld.idx.msk [tilespmem:v53+s23+$0x0], $0xffff;
	_ =	sdelay $0x2  }
0x8c: {  	s13 =	spop (v2sf)  }
0x8d: {  	s19 =	sand.u32 $0xFFFFF80, s13  }
0x8e: {  	s11 =	sadd.s32 s2, s19;
	[tilespmem:$0x8E90] =	vst v41  }
0x8f: {  	[tilespmem:s22], [sflag:$0x2] =	stream.strided.gather [hbm4b:s11+s16], $0x1000, s17, s16, $0x38;
	[tilespmem:$0x11880] =	vst v63  }
0x90: {  	s11 =	spop (v2sf)  }
0x91: {  	s19 =	sand.u32 $0xFFFFF80, s11  }
0x92: {  	s0 =	simm.s32 $0x3;
	s19 =	sadd.s32 s3, s19  }
0x93: {  	[tilespmem:s23], [sflag:$0x6] =	stream.strided.gather [hbm4b:s19+s16], $0x1000, s17, s16, $0x38;
	[tilespmem:$0x11880] =	vst v63  }
0x94: {  	s18 =	sand.u32 $0x7F, s18;
	_ =	swait.ge [sflag:s0], $0x1000  }
0x95: {  	v54 =	vor.u32 s18, v0;
	[sflag:s0] =	ssyncset.done $0x0  }
0x96: {  	[sflag:s0] =	ssyncadd.s32 $0xFFFFF000  }
0x97: {  	_ =	swait.ge [sflag:s5], $0x1000  }
0x98: {  	[sflag:s5] =	ssyncset.done $0x0  }
0x99: {  	s24 =	simm.s32 $0xB880;
	[sflag:s5] =	ssyncadd.s32 $0xFFFFF000  }
0x9a: {  	v41 =	vld.idx.msk [tilespmem:v54+s24+$0x0], $0xffff  }
0x9b: {  	v56 =	vor.u32 s18, v2;
	_ =	sdelay $0x3  }
0x9c: {  	[tilespmem:$0x8700] =	vst v41  }
0x9d: {  	s6 =	sand.u32 $0x7F, s6;
	(v2sf) =	vpush v40, $0x6;
	v41 =	vld.idx.msk [tilespmem:v56+s24+$0x0], $0xffff  }
0x9e: {  	v57 =	vor.u32 s6, v0;
	_ =	sdelay $0x2  }
0x9f: {  	(v2sf) =	vpush v39, $0x6  }
0xa0: {  	s25 =	simm.s32 $0xF880;
	[tilespmem:$0x8710] =	vst v41  }
0xa1: {  	v41 =	vld.idx.msk [tilespmem:v57+s25+$0x0], $0xffff  }
0xa2: {  	v59 =	vor.u32 s6, v2;
	_ =	sdelay $0x3  }
0xa3: {  	[tilespmem:$0x8F00] =	vst v41  }
0xa4: {  	v41 =	vld.idx.msk [tilespmem:v59+s25+$0x0], $0xffff;
	_ =	sdelay $0x2  }
0xa5: {  	s18 =	spop (v2sf)  }
0xa6: {  	s19 =	sand.u32 $0xFFFFF80, s18  }
0xa7: {  	s6 =	sadd.s32 s2, s19;
	[tilespmem:$0x8F10] =	vst v41  }
0xa8: {  	[tilespmem:s24], [sflag:$0x3] =	stream.strided.gather [hbm4b:s6+s16], $0x1000, s17, s16, $0x38;
	[tilespmem:$0x11880] =	vst v63  }
0xa9: {  	s6 =	spop (v2sf)  }
0xaa: {  	s19 =	sand.u32 $0xFFFFF80, s6  }
0xab: {  	s1 =	simm.s32 $0x4;
	s24 =	simm.s32 $0xF880;
	s19 =	sadd.s32 s3, s19  }
0xac: {  	[tilespmem:s24], [sflag:$0x7] =	stream.strided.gather [hbm4b:s19+s16], $0x1000, s17, s16, $0x38;
	[tilespmem:$0x11880] =	vst v63  }
0xad: {  	s8 =	sand.u32 $0x7F, s8;
	_ =	swait.ge [sflag:s1], $0x1000  }
0xae: {  	v44 =	vor.u32 s8, v0;
	[sflag:s1] =	ssyncset.done $0x0  }
0xaf: {  	s7 =	simm.s32 $0x8;
	[sflag:s1] =	ssyncadd.s32 $0xFFFFF000  }
0xb0: {  	_ =	swait.ge [sflag:s7], $0x1000  }
0xb1: {  	[sflag:s7] =	ssyncset.done $0x0  }
0xb2: {  	s25 =	simm.s32 $0xC880;
	[sflag:s7] =	ssyncadd.s32 $0xFFFFF000  }
0xb3: {  	v41 =	vld.idx.msk [tilespmem:v44+s25+$0x0], $0xffff  }
0xb4: {  	v46 =	vor.u32 s8, v2;
	_ =	sdelay $0x3  }
0xb5: {  	[tilespmem:$0x8780] =	vst v41  }
0xb6: {  	s9 =	sand.u32 $0x7F, s9;
	(v2sf) =	vpush v40, $0x7;
	v41 =	vld.idx.msk [tilespmem:v46+s25+$0x0], $0xffff  }
0xb7: {  	v47 =	vor.u32 s9, v0;
	_ =	sdelay $0x2  }
0xb8: {  	(v2sf) =	vpush v39, $0x7  }
0xb9: {  	[tilespmem:$0x8790] =	vst v41  }
0xba: {  	v41 =	vld.idx.msk [tilespmem:v47+s26+$0x0], $0xffff  }
0xbb: {  	v48 =	vor.u32 s9, v2;
	_ =	sdelay $0x3  }
0xbc: {  	[tilespmem:$0x8F80] =	vst v41  }
0xbd: {  	v41 =	vld.idx.msk [tilespmem:v48+s26+$0x0], $0xffff;
	_ =	sdelay $0x2  }
0xbe: {  	s8 =	spop (v2sf)  }
0xbf: {  	s19 =	sand.u32 $0xFFFFF80, s8  }
0xc0: {  	s9 =	sadd.s32 s2, s19;
	[tilespmem:$0x8F90] =	vst v41  }
0xc1: {  	[tilespmem:s25], [sflag:$0x4] =	stream.strided.gather [hbm4b:s9+s16], $0x1000, s17, s16, $0x38;
	[tilespmem:$0x11880] =	vst v63  }
0xc2: {  	s9 =	spop (v2sf)  }
0xc3: {  	s19 =	sand.u32 $0xFFFFF80, s9  }
0xc4: {  	s19 =	sadd.s32 s3, s19  }
0xc5: {  	[tilespmem:s26], [sflag:$0x8] =	stream.strided.gather [hbm4b:s19+s16], $0x1000, s17, s16, $0x38;
	[tilespmem:$0x11880] =	vst v63  }
0xc6: {  	s15 =	sand.u32 $0x7F, s15;
	_ =	swait.ge [sflag:s28], $0x1000  }
0xc7: {  	v49 =	vor.u32 s15, v0;
	[sflag:s28] =	ssyncset.done $0x0  }
0xc8: {  	[sflag:s28] =	ssyncadd.s32 $0xFFFFF000  }
0xc9: {  	_ =	swait.ge [sflag:s29], $0x1000  }
0xca: {  	[sflag:s29] =	ssyncset.done $0x0  }
0xcb: {  	[sflag:s29] =	ssyncadd.s32 $0xFFFFF000  }
0xcc: {  	v41 =	vld.idx.msk [tilespmem:v49+s20+$0x0], $0xffff  }
0xcd: {  	v50 =	vor.u32 s15, v2;
	_ =	sdelay $0x3  }
0xce: {  	[tilespmem:$0x8800] =	vst v41  }
0xcf: {  	s10 =	sand.u32 $0x7F, s10;
	(v2sf) =	vpush v40, $0x8;
	v41 =	vld.idx.msk [tilespmem:v50+s20+$0x0], $0xffff  }
0xd0: {  	v51 =	vor.u32 s10, v0;
	_ =	sdelay $0x2  }
0xd1: {  	(v2sf) =	vpush v39, $0x8  }
0xd2: {  	[tilespmem:$0x8810] =	vst v41  }
0xd3: {  	v41 =	vld.idx.msk [tilespmem:v51+s21+$0x0], $0xffff  }
0xd4: {  	v53 =	vor.u32 s10, v2;
	_ =	sdelay $0x3  }
0xd5: {  	[tilespmem:$0x9000] =	vst v41  }
0xd6: {  	v41 =	vld.idx.msk [tilespmem:v53+s21+$0x0], $0xffff;
	_ =	sdelay $0x2  }
0xd7: {  	s15 =	spop (v2sf)  }
0xd8: {  	s19 =	sand.u32 $0xFFFFF80, s15  }
0xd9: {  	s10 =	sadd.s32 s2, s19;
	[tilespmem:$0x9010] =	vst v41  }
0xda: {  	[tilespmem:s20], [sflag:$0x1] =	stream.strided.gather [hbm4b:s10+s16], $0x1000, s17, s16, $0x38;
	[tilespmem:$0x11880] =	vst v63  }
0xdb: {  	s10 =	spop (v2sf)  }
0xdc: {  	s19 =	sand.u32 $0xFFFFF80, s10  }
0xdd: {  	s19 =	sadd.s32 s3, s19  }
0xde: {  	[tilespmem:s21], [sflag:$0x5] =	stream.strided.gather [hbm4b:s19+s16], $0x1000, s17, s16, $0x38;
	[tilespmem:$0x11880] =	vst v63  }
0xdf: {  	s13 =	sand.u32 $0x7F, s13;
	_ =	swait.ge [sflag:s30], $0x1000  }
0xe0: {  	v54 =	vor.u32 s13, v0;
	[sflag:s30] =	ssyncset.done $0x0  }
0xe1: {  	[sflag:s30] =	ssyncadd.s32 $0xFFFFF000  }
0xe2: {  	_ =	swait.ge [sflag:s31], $0x1000  }
0xe3: {  	[sflag:s31] =	ssyncset.done $0x0  }
0xe4: {  	[sflag:s31] =	ssyncadd.s32 $0xFFFFF000  }
0xe5: {  	v41 =	vld.idx.msk [tilespmem:v54+s22+$0x0], $0xffff  }
0xe6: {  	v56 =	vor.u32 s13, v2;
	_ =	sdelay $0x3  }
0xe7: {  	[tilespmem:$0x8880] =	vst v41  }
0xe8: {  	s11 =	sand.u32 $0x7F, s11;
	(v2sf) =	vpush v40, $0x9;
	v41 =	vld.idx.msk [tilespmem:v56+s22+$0x0], $0xffff  }
0xe9: {  	v57 =	vor.u32 s11, v0;
	_ =	sdelay $0x2  }
0xea: {  	(v2sf) =	vpush v39, $0x9  }
0xeb: {  	[tilespmem:$0x8890] =	vst v41  }
0xec: {  	v41 =	vld.idx.msk [tilespmem:v57+s23+$0x0], $0xffff  }
0xed: {  	v59 =	vor.u32 s11, v2;
	_ =	sdelay $0x3  }
0xee: {  	[tilespmem:$0x9080] =	vst v41  }
0xef: {  	v41 =	vld.idx.msk [tilespmem:v59+s23+$0x0], $0xffff;
	_ =	sdelay $0x2  }
0xf0: {  	s13 =	spop (v2sf)  }
0xf1: {  	s19 =	sand.u32 $0xFFFFF80, s13  }
0xf2: {  	s11 =	sadd.s32 s2, s19;
	[tilespmem:$0x9090] =	vst v41  }
0xf3: {  	[tilespmem:s22], [sflag:$0x2] =	stream.strided.gather [hbm4b:s11+s16], $0x1000, s17, s16, $0x38;
	[tilespmem:$0x11880] =	vst v63  }
0xf4: {  	s11 =	spop (v2sf)  }
0xf5: {  	s19 =	sand.u32 $0xFFFFF80, s11  }
0xf6: {  	s22 =	simm.s32 $0xE880;
	s19 =	sadd.s32 s3, s19  }
0xf7: {  	[tilespmem:s22], [sflag:$0x6] =	stream.strided.gather [hbm4b:s19+s16], $0x1000, s17, s16, $0x38;
	[tilespmem:$0x11880] =	vst v63  }
0xf8: {  	s18 =	sand.u32 $0x7F, s18;
	_ =	swait.ge [sflag:s0], $0x1000  }
0xf9: {  	v44 =	vor.u32 s18, v0;
	[sflag:s0] =	ssyncset.done $0x0  }
0xfa: {  	[sflag:s0] =	ssyncadd.s32 $0xFFFFF000  }
0xfb: {  	_ =	swait.ge [sflag:s5], $0x1000  }
0xfc: {  	[sflag:s5] =	ssyncset.done $0x0  }
0xfd: {  	s23 =	simm.s32 $0xB880;
	[sflag:s5] =	ssyncadd.s32 $0xFFFFF000  }
0xfe: {  	v41 =	vld.idx.msk [tilespmem:v44+s23+$0x0], $0xffff  }
0xff: {  	v46 =	vor.u32 s18, v2;
	_ =	sdelay $0x3  }
0x100: {  	[tilespmem:$0x8900] =	vst v41  }
0x101: {  	s6 =	sand.u32 $0x7F, s6;
	(v2sf) =	vpush v40, $0xA;
	v41 =	vld.idx.msk [tilespmem:v46+s23+$0x0], $0xffff  }
0x102: {  	v47 =	vor.u32 s6, v0;
	_ =	sdelay $0x2  }
0x103: {  	(v2sf) =	vpush v39, $0xA  }
0x104: {  	[tilespmem:$0x8910] =	vst v41  }
0x105: {  	v41 =	vld.idx.msk [tilespmem:v47+s24+$0x0], $0xffff  }
0x106: {  	v48 =	vor.u32 s6, v2;
	_ =	sdelay $0x3  }
0x107: {  	[tilespmem:$0x9100] =	vst v41  }
0x108: {  	v41 =	vld.idx.msk [tilespmem:v48+s24+$0x0], $0xffff;
	_ =	sdelay $0x2  }
0x109: {  	s18 =	spop (v2sf)  }
0x10a: {  	s19 =	sand.u32 $0xFFFFF80, s18  }
0x10b: {  	s6 =	sadd.s32 s2, s19;
	[tilespmem:$0x9110] =	vst v41  }
0x10c: {  	[tilespmem:s23], [sflag:$0x3] =	stream.strided.gather [hbm4b:s6+s16], $0x1000, s17, s16, $0x38;
	[tilespmem:$0x11880] =	vst v63  }
0x10d: {  	s6 =	spop (v2sf)  }
0x10e: {  	s19 =	sand.u32 $0xFFFFF80, s6  }
0x10f: {  	s19 =	sadd.s32 s3, s19  }
0x110: {  	[tilespmem:s24], [sflag:$0x7] =	stream.strided.gather [hbm4b:s19+s16], $0x1000, s17, s16, $0x38;
	[tilespmem:$0x11880] =	vst v63  }
0x111: {  	s8 =	sand.u32 $0x7F, s8;
	_ =	swait.ge [sflag:s1], $0x1000  }
0x112: {  	v49 =	vor.u32 s8, v0;
	[sflag:s1] =	ssyncset.done $0x0  }
0x113: {  	[sflag:s1] =	ssyncadd.s32 $0xFFFFF000  }
0x114: {  	_ =	swait.ge [sflag:s7], $0x1000  }
0x115: {  	[sflag:s7] =	ssyncset.done $0x0  }
0x116: {  	[sflag:s7] =	ssyncadd.s32 $0xFFFFF000  }
0x117: {  	v41 =	vld.idx.msk [tilespmem:v49+s25+$0x0], $0xffff  }
0x118: {  	v50 =	vor.u32 s8, v2;
	_ =	sdelay $0x3  }
0x119: {  	[tilespmem:$0x8980] =	vst v41  }
0x11a: {  	s9 =	sand.u32 $0x7F, s9;
	(v2sf) =	vpush v40, $0xB;
	v41 =	vld.idx.msk [tilespmem:v50+s25+$0x0], $0xffff  }
0x11b: {  	v51 =	vor.u32 s9, v0;
	_ =	sdelay $0x2  }
0x11c: {  	(v2sf) =	vpush v39, $0xB  }
0x11d: {  	[tilespmem:$0x8990] =	vst v41  }
0x11e: {  	v41 =	vld.idx.msk [tilespmem:v51+s26+$0x0], $0xffff  }
0x11f: {  	v53 =	vor.u32 s9, v2;
	_ =	sdelay $0x3  }
0x120: {  	[tilespmem:$0x9180] =	vst v41  }
0x121: {  	v41 =	vld.idx.msk [tilespmem:v53+s26+$0x0], $0xffff;
	_ =	sdelay $0x2  }
0x122: {  	s8 =	spop (v2sf)  }
0x123: {  	s19 =	sand.u32 $0xFFFFF80, s8  }
0x124: {  	s9 =	sadd.s32 s2, s19;
	[tilespmem:$0x9190] =	vst v41  }
0x125: {  	[tilespmem:s25], [sflag:$0x4] =	stream.strided.gather [hbm4b:s9+s16], $0x1000, s17, s16, $0x38;
	[tilespmem:$0x11880] =	vst v63  }
0x126: {  	s9 =	spop (v2sf)  }
0x127: {  	s19 =	sand.u32 $0xFFFFF80, s9  }
0x128: {  	s19 =	sadd.s32 s3, s19  }
0x129: {  	[tilespmem:s26], [sflag:$0x8] =	stream.strided.gather [hbm4b:s19+s16], $0x1000, s17, s16, $0x38;
	[tilespmem:$0x11880] =	vst v63  }
0x12a: {  	s15 =	sand.u32 $0x7F, s15;
	_ =	swait.ge [sflag:s28], $0x1000  }
0x12b: {  	v54 =	vor.u32 s15, v0;
	[sflag:s28] =	ssyncset.done $0x0  }
0x12c: {  	[sflag:s28] =	ssyncadd.s32 $0xFFFFF000  }
0x12d: {  	_ =	swait.ge [sflag:s29], $0x1000  }
0x12e: {  	[sflag:s29] =	ssyncset.done $0x0  }
0x12f: {  	[sflag:s29] =	ssyncadd.s32 $0xFFFFF000  }
0x130: {  	v41 =	vld.idx.msk [tilespmem:v54+s20+$0x0], $0xffff  }
0x131: {  	v56 =	vor.u32 s15, v2;
	_ =	sdelay $0x3  }
0x132: {  	[tilespmem:$0x8A00] =	vst v41  }
0x133: {  	s10 =	sand.u32 $0x7F, s10;
	(v2sf) =	vpush v40, $0xC;
	v41 =	vld.idx.msk [tilespmem:v56+s20+$0x0], $0xffff  }
0x134: {  	v57 =	vor.u32 s10, v0;
	_ =	sdelay $0x2  }
0x135: {  	(v2sf) =	vpush v39, $0xC  }
0x136: {  	[tilespmem:$0x8A10] =	vst v41  }
0x137: {  	v41 =	vld.idx.msk [tilespmem:v57+s21+$0x0], $0xffff  }
0x138: {  	v59 =	vor.u32 s10, v2;
	_ =	sdelay $0x3  }
0x139: {  	[tilespmem:$0x9200] =	vst v41  }
0x13a: {  	v41 =	vld.idx.msk [tilespmem:v59+s21+$0x0], $0xffff;
	_ =	sdelay $0x2  }
0x13b: {  	s15 =	spop (v2sf)  }
0x13c: {  	s19 =	sand.u32 $0xFFFFF80, s15  }
0x13d: {  	s10 =	sadd.s32 s2, s19;
	[tilespmem:$0x9210] =	vst v41  }
0x13e: {  	[tilespmem:s20], [sflag:$0x1] =	stream.strided.gather [hbm4b:s10+s16], $0x1000, s17, s16, $0x38;
	[tilespmem:$0x11880] =	vst v63  }
0x13f: {  	s10 =	spop (v2sf)  }
0x140: {  	s19 =	sand.u32 $0xFFFFF80, s10  }
0x141: {  	s19 =	sadd.s32 s3, s19  }
0x142: {  	[tilespmem:s21], [sflag:$0x5] =	stream.strided.gather [hbm4b:s19+s16], $0x1000, s17, s16, $0x38;
	[tilespmem:$0x11880] =	vst v63  }
0x143: {  	s13 =	sand.u32 $0x7F, s13;
	_ =	swait.ge [sflag:s30], $0x1000  }
0x144: {  	v46 =	vor.u32 s13, v0;
	[sflag:s30] =	ssyncset.done $0x0  }
0x145: {  	[sflag:s30] =	ssyncadd.s32 $0xFFFFF000  }
0x146: {  	_ =	swait.ge [sflag:s31], $0x1000  }
0x147: {  	[sflag:s31] =	ssyncset.done $0x0  }
0x148: {  	s21 =	simm.s32 $0xA880;
	[sflag:s31] =	ssyncadd.s32 $0xFFFFF000  }
0x149: {  	v41 =	vld.idx.msk [tilespmem:v46+s21+$0x0], $0xffff  }
0x14a: {  	v47 =	vor.u32 s13, v2;
	_ =	sdelay $0x3  }
0x14b: {  	[tilespmem:$0x8A80] =	vst v41  }
0x14c: {  	s11 =	sand.u32 $0x7F, s11;
	(v2sf) =	vpush v40, $0xD;
	v41 =	vld.idx.msk [tilespmem:v47+s21+$0x0], $0xffff  }
0x14d: {  	v48 =	vor.u32 s11, v0;
	_ =	sdelay $0x2  }
0x14e: {  	(v2sf) =	vpush v39, $0xD  }
0x14f: {  	[tilespmem:$0x8A90] =	vst v41  }
0x150: {  	v41 =	vld.idx.msk [tilespmem:v48+s22+$0x0], $0xffff  }
0x151: {  	v49 =	vor.u32 s11, v2;
	_ =	sdelay $0x3  }
0x152: {  	[tilespmem:$0x9280] =	vst v41  }
0x153: {  	v41 =	vld.idx.msk [tilespmem:v49+s22+$0x0], $0xffff;
	_ =	sdelay $0x2  }
0x154: {  	s13 =	spop (v2sf)  }
0x155: {  	s19 =	sand.u32 $0xFFFFF80, s13  }
0x156: {  	s11 =	sadd.s32 s2, s19;
	[tilespmem:$0x9290] =	vst v41  }
0x157: {  	[tilespmem:s21], [sflag:$0x2] =	stream.strided.gather [hbm4b:s11+s16], $0x1000, s17, s16, $0x38;
	[tilespmem:$0x11880] =	vst v63  }
0x158: {  	s11 =	spop (v2sf)  }
0x159: {  	s19 =	sand.u32 $0xFFFFF80, s11  }
0x15a: {  	s19 =	sadd.s32 s3, s19  }
0x15b: {  	[tilespmem:s22], [sflag:$0x6] =	stream.strided.gather [hbm4b:s19+s16], $0x1000, s17, s16, $0x38;
	[tilespmem:$0x11880] =	vst v63  }
0x15c: {  	s18 =	sand.u32 $0x7F, s18;
	_ =	swait.ge [sflag:s0], $0x1000  }
0x15d: {  	v50 =	vor.u32 s18, v0;
	[sflag:s0] =	ssyncset.done $0x0  }
0x15e: {  	[sflag:s0] =	ssyncadd.s32 $0xFFFFF000  }
0x15f: {  	_ =	swait.ge [sflag:s5], $0x1000  }
0x160: {  	[sflag:s5] =	ssyncset.done $0x0  }
0x161: {  	[sflag:s5] =	ssyncadd.s32 $0xFFFFF000  }
0x162: {  	v41 =	vld.idx.msk [tilespmem:v50+s23+$0x0], $0xffff  }
0x163: {  	v51 =	vor.u32 s18, v2;
	_ =	sdelay $0x3  }
0x164: {  	[tilespmem:$0x8B00] =	vst v41  }
0x165: {  	s6 =	sand.u32 $0x7F, s6;
	(v2sf) =	vpush v40, $0xE;
	v41 =	vld.idx.msk [tilespmem:v51+s23+$0x0], $0xffff  }
0x166: {  	v53 =	vor.u32 s6, v0;
	_ =	sdelay $0x2  }
0x167: {  	(v2sf) =	vpush v39, $0xE  }
0x168: {  	[tilespmem:$0x8B10] =	vst v41  }
0x169: {  	v41 =	vld.idx.msk [tilespmem:v53+s24+$0x0], $0xffff  }
0x16a: {  	v54 =	vor.u32 s6, v2;
	_ =	sdelay $0x3  }
0x16b: {  	[tilespmem:$0x9300] =	vst v41  }
0x16c: {  	v41 =	vld.idx.msk [tilespmem:v54+s24+$0x0], $0xffff;
	_ =	sdelay $0x2  }
0x16d: {  	s18 =	spop (v2sf)  }
0x16e: {  	s19 =	sand.u32 $0xFFFFF80, s18  }
0x16f: {  	s6 =	sadd.s32 s2, s19;
	[tilespmem:$0x9310] =	vst v41  }
0x170: {  	[tilespmem:s23], [sflag:$0x3] =	stream.strided.gather [hbm4b:s6+s16], $0x1000, s17, s16, $0x38;
	[tilespmem:$0x11880] =	vst v63  }
0x171: {  	s6 =	spop (v2sf)  }
0x172: {  	s0 =	sand.u32 $0xFFFFF80, s6  }
0x173: {  	s19 =	sadd.s32 s3, s0  }
0x174: {  	[tilespmem:s24], [sflag:$0x7] =	stream.strided.gather [hbm4b:s19+s16], $0x1000, s17, s16, $0x38;
	[tilespmem:$0x11880] =	vst v63  }
0x175: {  	s8 =	sand.u32 $0x7F, s8;
	_ =	swait.ge [sflag:s1], $0x1000  }
0x176: {  	v56 =	vor.u32 s8, v0;
	[sflag:s1] =	ssyncset.done $0x0  }
0x177: {  	[sflag:s1] =	ssyncadd.s32 $0xFFFFF000  }
0x178: {  	_ =	swait.ge [sflag:s7], $0x1000  }
0x179: {  	[sflag:s7] =	ssyncset.done $0x0  }
0x17a: {  	[sflag:s7] =	ssyncadd.s32 $0xFFFFF000  }
0x17b: {  	v41 =	vld.idx.msk [tilespmem:v56+s25+$0x0], $0xffff  }
0x17c: {  	v57 =	vor.u32 s8, v2;
	_ =	sdelay $0x3  }
0x17d: {  	[tilespmem:$0x8B80] =	vst v41  }
0x17e: {  	s9 =	sand.u32 $0x7F, s9;
	(v2sf) =	vpush v40, $0xF;
	v41 =	vld.idx.msk [tilespmem:v57+s25+$0x0], $0xffff  }
0x17f: {  	v59 =	vor.u32 s9, v0;
	_ =	sdelay $0x2  }
0x180: {  	(v2sf) =	vpush v39, $0xF  }
0x181: {  	[tilespmem:$0x8B90] =	vst v41  }
0x182: {  	v44 =	vld.idx.msk [tilespmem:v59+s26+$0x0], $0xffff  }
0x183: {  	v46 =	vor.u32 s9, v2;
	_ =	sdelay $0x3  }
0x184: {  	[tilespmem:$0x9380] =	vst v44  }
0x185: {  	v39 =	vld.idx.msk [tilespmem:v46+s26+$0x0], $0xffff;
	_ =	sdelay $0x2  }
0x186: {  	s9 =	spop (v2sf)  }
0x187: {  	s19 =	sand.u32 $0xFFFFF80, s9  }
0x188: {  	s8 =	sadd.s32 s2, s19;
	[tilespmem:$0x9390] =	vst v39  }
0x189: {  	[tilespmem:s25], [sflag:$0x4] =	stream.strided.gather [hbm4b:s8+s16], $0x1000, s17, s16, $0x38;
	[tilespmem:$0x11880] =	vst v63  }
0x18a: {  	s8 =	spop (v2sf)  }
0x18b: {  	s0 =	sand.u32 $0xFFFFF80, s8  }
0x18c: {  	s1 =	simm.s32 $0x1;
	s19 =	sadd.s32 s3, s0  }
0x18d: {  	[tilespmem:s26], [sflag:$0x8] =	stream.strided.gather [hbm4b:s19+s16], $0x1000, s17, s16, $0x38;
	[tilespmem:$0x11880] =	vst v63  }
0x18e: {  	s15 =	sand.u32 $0x7F, s15;
	_ =	swait.ge [sflag:s1], $0x1000  }
0x18f: {  	v47 =	vor.u32 s15, v0;
	[sflag:s1] =	ssyncset.done $0x0  }
0x190: {  	s7 =	simm.s32 $0x5;
	[sflag:s1] =	ssyncadd.s32 $0xFFFFF000  }
0x191: {  	_ =	swait.ge [sflag:s7], $0x1000  }
0x192: {  	[sflag:s7] =	ssyncset.done $0x0  }
0x193: {  	[sflag:s7] =	ssyncadd.s32 $0xFFFFF000  }
0x194: {  	v39 =	vld.idx.msk [tilespmem:v47+s20+$0x0], $0xffff  }
0x195: {  	v48 =	vor.u32 s15, v2;
	_ =	sdelay $0x3  }
0x196: {  	s15 =	simm.s32 $0x9880;
	[tilespmem:$0x8C00] =	vst v39  }
0x197: {  	s10 =	sand.u32 $0x7F, s10;
	v39 =	vld.idx.msk [tilespmem:v48+s15+$0x0], $0xffff  }
0x198: {  	v49 =	vor.u32 s10, v0;
	_ =	sdelay $0x3  }
0x199: {  	s20 =	simm.s32 $0xD880;
	[tilespmem:$0x8C10] =	vst v39  }
0x19a: {  	v39 =	vld.idx.msk [tilespmem:v49+s20+$0x0], $0xffff  }
0x19b: {  	v50 =	vor.u32 s10, v2;
	_ =	sdelay $0x3  }
0x19c: {  	[tilespmem:$0x9400] =	vst v39  }
0x19d: {  	v39 =	vld.idx.msk [tilespmem:v50+s20+$0x0], $0xffff;
	_ =	sdelay $0x4  }
0x19e: {  	[tilespmem:$0x9410] =	vst v39  }
0x19f: {  	s0 =	sand.u32 $0x7F, s13;
	s1 =	simm.s32 $0x2;
	_ =	swait.ge [sflag:s30], $0x1000  }
0x1a0: {  	v51 =	vor.u32 s0, v0;
	[sflag:s1] =	ssyncset.done $0x0  }
0x1a1: {  	s7 =	simm.s32 $0x6;
	[sflag:s1] =	ssyncadd.s32 $0xFFFFF000  }
0x1a2: {  	_ =	swait.ge [sflag:s7], $0x1000  }
0x1a3: {  	[sflag:s7] =	ssyncset.done $0x0  }
0x1a4: {  	[sflag:s7] =	ssyncadd.s32 $0xFFFFF000  }
0x1a5: {  	v39 =	vld.idx.msk [tilespmem:v51+s21+$0x0], $0xffff  }
0x1a6: {  	v53 =	vor.u32 s0, v2;
	_ =	sdelay $0x3  }
0x1a7: {  	[tilespmem:$0x8C80] =	vst v39  }
0x1a8: {  	s11 =	sand.u32 $0x7F, s11;
	v39 =	vld.idx.msk [tilespmem:v53+s21+$0x0], $0xffff  }
0x1a9: {  	v54 =	vor.u32 s11, v0;
	_ =	sdelay $0x3  }
0x1aa: {  	[tilespmem:$0x8C90] =	vst v39  }
0x1ab: {  	v39 =	vld.idx.msk [tilespmem:v54+s22+$0x0], $0xffff  }
0x1ac: {  	v56 =	vor.u32 s11, v2;
	_ =	sdelay $0x3  }
0x1ad: {  	[tilespmem:$0x9480] =	vst v39  }
0x1ae: {  	v39 =	vld.idx.msk [tilespmem:v56+s22+$0x0], $0xffff;
	_ =	sdelay $0x4  }
0x1af: {  	s13 =	simm.s32 $0x3;
	[tilespmem:$0x9490] =	vst v39  }
0x1b0: {  	s19 =	sand.u32 $0x7F, s18;
	_ =	swait.ge [sflag:s13], $0x1000  }
0x1b1: {  	v57 =	vor.u32 s19, v0;
	[sflag:s13] =	ssyncset.done $0x0  }
0x1b2: {  	s1 =	simm.s32 $0x7;
	[sflag:s13] =	ssyncadd.s32 $0xFFFFF000  }
0x1b3: {  	_ =	swait.ge [sflag:s1], $0x1000  }
0x1b4: {  	[sflag:s1] =	ssyncset.done $0x0  }
0x1b5: {  	[sflag:s1] =	ssyncadd.s32 $0xFFFFF000  }
0x1b6: {  	v39 =	vld.idx.msk [tilespmem:v57+s23+$0x0], $0xffff  }
0x1b7: {  	v59 =	vor.u32 s19, v2;
	_ =	sdelay $0x3  }
0x1b8: {  	[tilespmem:$0x8D00] =	vst v39  }
0x1b9: {  	s6 =	sand.u32 $0x7F, s6;
	v39 =	vld.idx.msk [tilespmem:v59+s23+$0x0], $0xffff  }
0x1ba: {  	v44 =	vor.u32 s6, v0;
	_ =	sdelay $0x3  }
0x1bb: {  	[tilespmem:$0x8D10] =	vst v39  }
0x1bc: {  	v39 =	vld.idx.msk [tilespmem:v44+s24+$0x0], $0xffff  }
0x1bd: {  	v46 =	vor.u32 s6, v2;
	_ =	sdelay $0x3  }
0x1be: {  	[tilespmem:$0x9500] =	vst v39  }
0x1bf: {  	v39 =	vld.idx.msk [tilespmem:v46+s24+$0x0], $0xffff;
	_ =	sdelay $0x4  }
0x1c0: {  	s7 =	simm.s32 $0x4;
	[tilespmem:$0x9510] =	vst v39  }
0x1c1: {  	s9 =	sand.u32 $0x7F, s9;
	_ =	swait.ge [sflag:s7], $0x1000  }
0x1c2: {  	v47 =	vor.u32 s9, v0;
	[sflag:s7] =	ssyncset.done $0x0  }
0x1c3: {  	s11 =	simm.s32 $0x8;
	[sflag:s7] =	ssyncadd.s32 $0xFFFFF000  }
0x1c4: {  	_ =	swait.ge [sflag:s11], $0x1000  }
0x1c5: {  	[sflag:s11] =	ssyncset.done $0x0  }
0x1c6: {  	[sflag:s11] =	ssyncadd.s32 $0xFFFFF000  }
0x1c7: {  	v39 =	vld.idx.msk [tilespmem:v47+s25+$0x0], $0xffff  }
0x1c8: {  	v48 =	vor.u32 s9, v2;
	_ =	sdelay $0x3  }
0x1c9: {  	[tilespmem:$0x8D80] =	vst v39  }
0x1ca: {  	s18 =	sand.u32 $0x7F, s8;
	v39 =	vld.idx.msk [tilespmem:v48+s25+$0x0], $0xffff  }
0x1cb: {  	v49 =	vor.u32 s18, v0;
	_ =	sdelay $0x3  }
0x1cc: {  	s10 =	simm.s32 $0x10880;
	[tilespmem:$0x8D90] =	vst v39  }
0x1cd: {  	v39 =	vld.idx.msk [tilespmem:v49+s10+$0x0], $0xffff  }
0x1ce: {  	v50 =	vor.u32 s18, v2;
	_ =	sdelay $0x3  }
0x1cf: {  	[tilespmem:$0x9580] =	vst v39  }
0x1d0: {  	v39 =	vld.idx.msk [tilespmem:v50+s10+$0x0], $0xffff;
	_ =	sdelay $0x3  }
0x1d1: {  	v54 =	vld [tilespmem:$0x1FEF0]  }
0x1d2: {  	v43 =	vld [tilespmem:$0x1FEE0];
	[tilespmem:$0x9590] =	vst v39  }
0x1d3: {  	v39 =	vld.idx.msk [tilespmem:v0+s4+$0x0], $0xffff  }
0x1d4: {  	v57 =	vld [tilespmem:$0x1FF00]  }
0x1d5: {  	v51 =	vld.idx.msk [tilespmem:v3+s4+$0x0], $0xffff  }
0x1d6: {  	v44 =	vld [tilespmem:$0x1FF10]  }
0x1d7: {  	v53 =	vld.idx.msk [tilespmem:v5+s4+$0x0], $0xffff  }
0x1d8: {  	v47 =	vld [tilespmem:$0x1FF20];
	v39 =	vmul.f32 v54, v39  }
0x1d9: {  	v56 =	vld.idx.msk [tilespmem:v7+s4+$0x0], $0xffff  }
0x1da: {  	v49 =	vld [tilespmem:$0x1FF30];
	v40 =	vmul.f32 v57, v51;
	v39 =	vadd.f32 v39, v43  }
0x1db: {  	v59 =	vld.idx.msk [tilespmem:v9+s4+$0x0], $0xffff  }
0x1dc: {  	v46 =	vld.idx.msk [tilespmem:v11+s4+$0x0], $0xffff;
	v39 =	vadd.f32 v40, v39;
	v40 =	vmul.f32 v44, v53  }
0x1dd: {  	v51 =	vld [tilespmem:$0x1FF40]  }
0x1de: {  	v48 =	vld.idx.msk [tilespmem:v13+s4+$0x0], $0xffff;
	v39 =	vadd.f32 v40, v39;
	v40 =	vmul.f32 v47, v56  }
0x1df: {  	v54 =	vld [tilespmem:$0x1FF50]  }
0x1e0: {  	v50 =	vld.idx.msk [tilespmem:v15+s4+$0x0], $0xffff;
	v39 =	vadd.f32 v40, v39;
	v40 =	vmul.f32 v49, v59  }
0x1e1: {  	v57 =	vld [tilespmem:$0x1FF60]  }
0x1e2: {  	v53 =	vld.idx.msk [tilespmem:v17+s4+$0x0], $0xffff;
	v39 =	vadd.f32 v40, v39;
	v40 =	vmul.f32 v51, v46  }
0x1e3: {  	v44 =	vld [tilespmem:$0x1FF70]  }
0x1e4: {  	v56 =	vld.idx.msk [tilespmem:v19+s4+$0x0], $0xffff;
	v39 =	vadd.f32 v40, v39;
	v40 =	vmul.f32 v54, v48  }
0x1e5: {  	v47 =	vld [tilespmem:$0x1FF80]  }
0x1e6: {  	v59 =	vld.idx.msk [tilespmem:v21+s4+$0x0], $0xffff;
	v39 =	vadd.f32 v40, v39;
	v40 =	vmul.f32 v57, v50  }
0x1e7: {  	v49 =	vld [tilespmem:$0x1FF90]  }
0x1e8: {  	v46 =	vld.idx.msk [tilespmem:v23+s4+$0x0], $0xffff;
	v39 =	vadd.f32 v40, v39;
	v40 =	vmul.f32 v44, v53  }
0x1e9: {  	v51 =	vld [tilespmem:$0x1FFA0]  }
0x1ea: {  	v48 =	vld.idx.msk [tilespmem:v25+s4+$0x0], $0xffff;
	v39 =	vadd.f32 v40, v39;
	v40 =	vmul.f32 v47, v56  }
0x1eb: {  	v54 =	vld [tilespmem:$0x1FFB0]  }
0x1ec: {  	v39 =	vadd.f32 v40, v39;
	v40 =	vmul.f32 v49, v59  }
0x1ed: {  	v50 =	vld.idx.msk [tilespmem:v27+s4+$0x0], $0xffff  }
0x1ee: {  	v57 =	vld [tilespmem:$0x1FFC0];
	v39 =	vadd.f32 v40, v39;
	v40 =	vmul.f32 v51, v46  }
0x1ef: {  	v53 =	vld.idx.msk [tilespmem:v29+s4+$0x0], $0xffff  }
0x1f0: {  	v39 =	vadd.f32 v40, v39;
	v40 =	vmul.f32 v54, v48;
	v48 =	vld [tilespmem:$0x1FFD0]  }
0x1f1: {  	v56 =	vld.idx.msk [tilespmem:v31+s4+$0x0], $0xffff  }
0x1f2: {  	v49 =	vld [tilespmem:$0x1FFE0]  }
0x1f3: {  	v59 =	vld.idx.msk [tilespmem:v33+s4+$0x0], $0xffff;
	v39 =	vadd.f32 v40, v39;
	v40 =	vmul.f32 v57, v50  }
0x1f4: {  	v51 =	vld [tilespmem:$0x1FFF0]  }
0x1f5: {  	v39 =	vadd.f32 v40, v39;
	v40 =	vmul.f32 v48, v53  }
0x1f6: {  	v44 =	vld.idx.msk [tilespmem:v34+s4+$0x0], $0xffff  }
0x1f7: {  	v39 =	vadd.f32 v40, v39;
	v40 =	vmul.f32 v49, v56  }
0x1f8: {  	v50 =	vld.idx.msk [tilespmem:v35+s4+$0x0], $0xffff  }
0x1f9: {  	v41 =	vor.u32 $0x15, v0;
	v39 =	vadd.f32 v40, v39;
	v40 =	vmul.f32 v51, v59  }
0x1fa: {  	v53 =	vld.idx.msk [tilespmem:v36+s4+$0x0], $0xffff  }
0x1fb: {  	v44 =	vmul.f32 v60, v44;
	v40 =	vadd.f32 v40, v39  }
0x1fc: {  	v46 =	vld.idx.msk [tilespmem:v37+s4+$0x0], $0xffff;
	v39 =	vor.u32 $0x16, v0  }
0x1fd: {  	v42 =	vmul.f32 v62, v50;
	v44 =	vadd.f32 v44, v40  }
0x1fe: {  	v47 =	vld.idx.msk [tilespmem:v41+s4+$0x0], $0xffff;
	v48 =	vperm.xlane v45, v10;
	v40 =	vor.u32 $0x17, v0  }
0x1ff: {  	v43 =	vmul.f32 v63, v53;
	v44 =	vadd.f32 v42, v44;
	v42 =	vor.u32 $0x18, v0  }
0x200: {  	v54 =	vperm.xlane v45, v12  }
0x201: {  	v46 =	vmul.f32 v48, v46;
	v49 =	vld.idx.msk [tilespmem:v39+s4+$0x0], $0xffff;
	v44 =	vadd.f32 v43, v44;
	v43 =	vor.u32 $0x19, v0;
	_ =	sdelay $0x1  }
0x202: {  	v56 =	vmul.f32 v54, v47;
	v50 =	vor.u32 $0x1A, v0;
	v51 =	vld.idx.msk [tilespmem:v40+s4+$0x0], $0xffff;
	v44 =	vadd.f32 v46, v44  }
0x203: {  	v57 =	vperm.xlane v45, v14;
	v59 =	vld.idx.msk [tilespmem:v42+s4+$0x0], $0xffff  }
0x204: {  	v46 =	vadd.f32 v56, v44  }
0x205: {  	v47 =	vmul.f32 v57, v49;
	v56 =	vperm.xlane v45, v16;
	v44 =	vor.u32 $0x1B, v0;
	v53 =	vld.idx.msk [tilespmem:v43+s4+$0x0], $0xffff  }
0x206: {  	v57 =	vperm.xlane v45, v18  }
0x207: {  	v54 =	vld.idx.msk [tilespmem:v50+s4+$0x0], $0xffff;
	v47 =	vadd.f32 v47, v46;
	v49 =	vmul.f32 v56, v51;
	v46 =	vor.u32 $0x1C, v0  }
0x208: {  	v59 =	vmul.f32 v57, v59;
	v57 =	vperm.xlane v45, v20  }
0x209: {  	v48 =	vor.u32 $0x1D, v0;
	v47 =	vadd.f32 v49, v47  }
0x20a: {  	v56 =	vperm.xlane v45, v22;
	v51 =	vmul.f32 v57, v53;
	v53 =	vld.idx.msk [tilespmem:v44+s4+$0x0], $0xffff  }
0x20b: {  	v49 =	vadd.f32 v59, v47;
	v47 =	vor.u32 $0x1E, v0  }
0x20c: {  	v54 =	vmul.f32 v56, v54;
	v57 =	vld.idx.msk [tilespmem:v46+s4+$0x0], $0xffff  }
0x20d: {  	v56 =	vperm.xlane v45, v24;
	v51 =	vadd.f32 v51, v49;
	v49 =	vor.u32 $0x1F, v0  }
0x20e: {  	v59 =	vld.idx.msk [tilespmem:v48+s4+$0x0], $0xffff  }
0x20f: {  	v51 =	vadd.f32 v54, v51;
	v54 =	vperm.xlane v45, v26;
	v53 =	vmul.f32 v56, v53  }
0x210: {  	v56 =	vld.idx.msk [tilespmem:v47+s4+$0x0], $0xffff  }
0x211: {  	v51 =	vadd.f32 v53, v51;
	v53 =	vmul.f32 v54, v57;
	v54 =	vperm.xlane v45, v28  }
0x212: {  	v57 =	vld.idx.msk [tilespmem:v49+s4+$0x0], $0xffff  }
0x213: {  	v51 =	vadd.f32 v53, v51;
	v53 =	vmul.f32 v54, v59;
	v54 =	vperm.xlane v45, v30  }
0x214: {  	v59 =	vld.idx.msk [tilespmem:v0+s12+$0x0], $0xffff  }
0x215: {  	v51 =	vadd.f32 v53, v51;
	v53 =	vmul.f32 v54, v56;
	v54 =	vperm.xlane v45, v32  }
0x216: {  	v56 =	vld.idx.msk [tilespmem:v3+s12+$0x0], $0xffff  }
0x217: {  	v51 =	vadd.f32 v53, v51;
	v53 =	vmul.f32 v54, v57;
	v54 =	vperm.xlane v52, v1  }
0x218: {  	v57 =	vld.idx.msk [tilespmem:v5+s12+$0x0], $0xffff  }
0x219: {  	v51 =	vadd.f32 v53, v51;
	v53 =	vmul.f32 v54, v59;
	v54 =	vperm.xlane v52, v4  }
0x21a: {  	v59 =	vld.idx.msk [tilespmem:v7+s12+$0x0], $0xffff  }
0x21b: {  	v51 =	vadd.f32 v53, v51;
	v53 =	vmul.f32 v54, v56;
	v54 =	vperm.xlane v52, v6  }
0x21c: {  	v56 =	vld.idx.msk [tilespmem:v9+s12+$0x0], $0xffff  }
0x21d: {  	v51 =	vadd.f32 v53, v51;
	v53 =	vmul.f32 v54, v57;
	v54 =	vperm.xlane v52, v8  }
0x21e: {  	v57 =	vld.idx.msk [tilespmem:v11+s12+$0x0], $0xffff  }
0x21f: {  	v51 =	vadd.f32 v53, v51;
	v53 =	vmul.f32 v54, v59;
	v54 =	vperm.xlane v52, v10  }
0x220: {  	v59 =	vld.idx.msk [tilespmem:v13+s12+$0x0], $0xffff  }
0x221: {  	v51 =	vadd.f32 v53, v51;
	v53 =	vmul.f32 v54, v56;
	v54 =	vperm.xlane v52, v12  }
0x222: {  	v56 =	vld.idx.msk [tilespmem:v15+s12+$0x0], $0xffff  }
0x223: {  	v51 =	vadd.f32 v53, v51;
	v53 =	vmul.f32 v54, v57;
	v54 =	vperm.xlane v52, v14  }
0x224: {  	v57 =	vld.idx.msk [tilespmem:v17+s12+$0x0], $0xffff  }
0x225: {  	v51 =	vadd.f32 v53, v51;
	v53 =	vmul.f32 v54, v59;
	v54 =	vperm.xlane v52, v16  }
0x226: {  	v59 =	vld.idx.msk [tilespmem:v19+s12+$0x0], $0xffff  }
0x227: {  	v51 =	vadd.f32 v53, v51;
	v53 =	vmul.f32 v54, v56;
	v54 =	vperm.xlane v52, v18  }
0x228: {  	v56 =	vld.idx.msk [tilespmem:v21+s12+$0x0], $0xffff  }
0x229: {  	v51 =	vadd.f32 v53, v51;
	v53 =	vmul.f32 v54, v57;
	v54 =	vperm.xlane v52, v20  }
0x22a: {  	v57 =	vld.idx.msk [tilespmem:v23+s12+$0x0], $0xffff  }
0x22b: {  	v51 =	vadd.f32 v53, v51;
	v53 =	vmul.f32 v54, v59;
	v54 =	vperm.xlane v52, v22  }
0x22c: {  	v59 =	vld.idx.msk [tilespmem:v25+s12+$0x0], $0xffff  }
0x22d: {  	v51 =	vadd.f32 v53, v51;
	v53 =	vmul.f32 v54, v56;
	v54 =	vperm.xlane v52, v24  }
0x22e: {  	v56 =	vld.idx.msk [tilespmem:v27+s12+$0x0], $0xffff  }
0x22f: {  	v51 =	vadd.f32 v53, v51;
	v53 =	vmul.f32 v54, v57;
	v54 =	vperm.xlane v52, v26  }
0x230: {  	v57 =	vld.idx.msk [tilespmem:v29+s12+$0x0], $0xffff  }
0x231: {  	v51 =	vadd.f32 v53, v51;
	v53 =	vmul.f32 v54, v59;
	v54 =	vperm.xlane v52, v28  }
0x232: {  	v59 =	vld.idx.msk [tilespmem:v31+s12+$0x0], $0xffff  }
0x233: {  	v51 =	vadd.f32 v53, v51;
	v53 =	vmul.f32 v54, v56;
	v54 =	vperm.xlane v52, v30  }
0x234: {  	v56 =	vld.idx.msk [tilespmem:v33+s12+$0x0], $0xffff  }
0x235: {  	v51 =	vadd.f32 v53, v51;
	v53 =	vmul.f32 v54, v57;
	v54 =	vperm.xlane v52, v32  }
0x236: {  	v57 =	vld.idx.msk [tilespmem:v34+s12+$0x0], $0xffff  }
0x237: {  	v51 =	vadd.f32 v53, v51;
	v53 =	vmul.f32 v54, v59;
	v54 =	vperm.xlane v55, v1  }
0x238: {  	v59 =	vld.idx.msk [tilespmem:v35+s12+$0x0], $0xffff  }
0x239: {  	v51 =	vadd.f32 v53, v51;
	v53 =	vmul.f32 v54, v56;
	v54 =	vperm.xlane v55, v4  }
0x23a: {  	v56 =	vld.idx.msk [tilespmem:v36+s12+$0x0], $0xffff  }
0x23b: {  	v51 =	vadd.f32 v53, v51;
	v53 =	vmul.f32 v54, v57;
	v54 =	vperm.xlane v55, v6  }
0x23c: {  	v57 =	vld.idx.msk [tilespmem:v37+s12+$0x0], $0xffff  }
0x23d: {  	v51 =	vadd.f32 v53, v51;
	v53 =	vmul.f32 v54, v59;
	v59 =	vperm.xlane v55, v8  }
0x23e: {  	v41 =	vld.idx.msk [tilespmem:v41+s12+$0x0], $0xffff  }
0x23f: {  	v51 =	vadd.f32 v53, v51;
	v53 =	vmul.f32 v59, v56;
	v59 =	vperm.xlane v55, v10  }
0x240: {  	v39 =	vld.idx.msk [tilespmem:v39+s12+$0x0], $0xffff  }
0x241: {  	v51 =	vadd.f32 v53, v51;
	v59 =	vmul.f32 v59, v57;
	v57 =	vperm.xlane v55, v12  }
0x242: {  	v40 =	vld.idx.msk [tilespmem:v40+s12+$0x0], $0xffff  }
0x243: {  	v51 =	vadd.f32 v59, v51;
	v41 =	vmul.f32 v57, v41;
	v59 =	vperm.xlane v55, v14  }
0x244: {  	v42 =	vld.idx.msk [tilespmem:v42+s12+$0x0], $0xffff  }
0x245: {  	v54 =	vperm.xlane v55, v16;
	v41 =	vadd.f32 v41, v51;
	v39 =	vmul.f32 v59, v39  }
0x246: {  	v43 =	vld.idx.msk [tilespmem:v43+s12+$0x0], $0xffff  }
0x247: {  	v50 =	vld.idx.msk [tilespmem:v50+s12+$0x0], $0xffff;
	v40 =	vmul.f32 v54, v40;
	v56 =	vperm.xlane v55, v18;
	v39 =	vadd.f32 v39, v41;
	_ =	sdelay $0x1  }
0x248: {  	v57 =	vmul.f32 v56, v42;
	v59 =	vperm.xlane v55, v20;
	v39 =	vadd.f32 v40, v39  }
0x249: {  	v54 =	vld.idx.msk [tilespmem:v44+s12+$0x0], $0xffff;
	v53 =	vperm.xlane v55, v22  }
0x24a: {  	v51 =	vmul.f32 v59, v43;
	v39 =	vadd.f32 v57, v39  }
0x24b: {  	v56 =	vmul.f32 v53, v50;
	v59 =	vld.idx.msk [tilespmem:v46+s12+$0x0], $0xffff  }
0x24c: {  	v50 =	vshll.u32 v38, $0x3;
	v57 =	vperm.xlane v55, v24;
	v39 =	vadd.f32 v51, v39  }
0x24d: {  	v38 =	vand.u32 $0x7F, v38;
	v53 =	vperm.xlane v55, v26;
	v40 =	vand.u32 $0xFFFFFC00, v50;
	v51 =	vld.idx.msk [tilespmem:v48+s12+$0x0], $0xffff  }
0x24e: {  	v38 =	vor.u32 v38, v40;
	v41 =	vmul.f32 v57, v54;
	v54 =	vld.idx.msk [tilespmem:v47+s12+$0x0], $0xffff;
	v39 =	vadd.f32 v56, v39  }
0x24f: {  	v57 =	vperm.xlane v55, v28  }
0x250: {  	v48 =	vld.idx.msk [tilespmem:v49+s12+$0x0], $0xffff;
	v56 =	vmul.f32 v53, v59;
	v59 =	vor.u32 $0x80, v38;
	v39 =	vadd.f32 v41, v39  }
0x251: {  	v50 =	vperm.xlane v55, v30  }
0x252: {  	v53 =	vor.u32 $0x100, v38;
	v49 =	vmul.f32 v57, v51;
	v39 =	vadd.f32 v56, v39  }
0x253: {  	v51 =	vld.idx.msk [tilespmem:v38+s14+$0x0], $0xffff;
	v40 =	vmul.f32 v50, v54;
	v54 =	vperm.xlane v55, v32  }
0x254: {  	v57 =	vor.u32 $0x180, v38;
	v39 =	vadd.f32 v49, v39  }
0x255: {  	v56 =	vld.idx.msk [tilespmem:v59+s14+$0x0], $0xffff;
	v59 =	vmul.f32 v54, v48  }
0x256: {  	v48 =	vperm.xlane v58, v1;
	v49 =	vor.u32 $0x200, v38;
	v39 =	vadd.f32 v40, v39  }
0x257: {  	v53 =	vld.idx.msk [tilespmem:v53+s14+$0x0], $0xffff;
	v54 =	vor.u32 $0x280, v38  }
0x258: {  	v50 =	vmul.f32 v48, v51;
	v51 =	vperm.xlane v58, v4;
	v39 =	vadd.f32 v59, v39  }
0x259: {  	v57 =	vld.idx.msk [tilespmem:v57+s14+$0x0], $0xffff;
	v48 =	vor.u32 $0x300, v38  }
0x25a: {  	v56 =	vmul.f32 v51, v56;
	v59 =	vperm.xlane v58, v6;
	v39 =	vadd.f32 v50, v39  }
0x25b: {  	v51 =	vor.u32 $0x380, v38;
	v49 =	vld.idx.msk [tilespmem:v49+s14+$0x0], $0xffff  }
0x25c: {  	v42 =	vmul.f32 v59, v53;
	v50 =	vperm.xlane v58, v8;
	v39 =	vadd.f32 v56, v39  }
0x25d: {  	v47 =	vld.idx.msk [tilespmem:v54+s14+$0x0], $0xffff;
	v53 =	vperm.xlane v58, v10  }
0x25e: {  	v41 =	vmul.f32 v50, v57;
	v56 =	vadd.s32 $0x2000, v38;
	v39 =	vadd.f32 v42, v39  }
0x25f: {  	v54 =	vld.idx.msk [tilespmem:v48+s14+$0x0], $0xffff;
	v48 =	vadd.s32 $0x2080, v38  }
0x260: {  	v57 =	vperm.xlane v58, v12;
	v40 =	vmul.f32 v53, v49;
	v39 =	vadd.f32 v41, v39  }
0x261: {  	v50 =	vperm.xlane v58, v14;
	v59 =	vld.idx.msk [tilespmem:v51+s14+$0x0], $0xffff  }
0x262: {  	v51 =	vadd.s32 $0x2100, v38;
	v49 =	vmul.f32 v57, v47;
	v39 =	vadd.f32 v40, v39  }
0x263: {  	v57 =	vadd.s32 $0x2180, v38;
	v56 =	vld.idx.msk [tilespmem:v56+s14+$0x0], $0xffff  }
0x264: {  	v53 =	vmul.f32 v50, v54;
	v54 =	vperm.xlane v58, v16;
	v39 =	vadd.f32 v49, v39  }
0x265: {  	v48 =	vld.idx.msk [tilespmem:v48+s14+$0x0], $0xffff;
	v50 =	vadd.s32 $0x2200, v38  }
0x266: {  	v59 =	vmul.f32 v54, v59;
	v49 =	vperm.xlane v58, v18;
	v39 =	vadd.f32 v53, v39  }
0x267: {  	v51 =	vld.idx.msk [tilespmem:v51+s14+$0x0], $0xffff;
	v54 =	vadd.s32 $0x2280, v38  }
0x268: {  	v42 =	vmul.f32 v49, v56;
	v53 =	vperm.xlane v58, v20;
	v39 =	vadd.f32 v59, v39  }
0x269: {  	v44 =	vld.idx.msk [tilespmem:v57+s14+$0x0], $0xffff;
	v56 =	vperm.xlane v58, v22  }
0x26a: {  	v57 =	vld.idx.msk [tilespmem:v50+s14+$0x0], $0xffff;
	v41 =	vmul.f32 v53, v48;
	v59 =	vadd.s32 $0x2300, v38;
	v39 =	vadd.f32 v42, v39  }
0x26b: {  	v50 =	vadd.s32 $0x2380, v38  }
0x26c: {  	v40 =	vmul.f32 v56, v51;
	v48 =	vperm.xlane v58, v24;
	v39 =	vadd.f32 v41, v39  }
0x26d: {  	v49 =	vld.idx.msk [tilespmem:v54+s14+$0x0], $0xffff;
	v53 =	vperm.xlane v58, v26  }
0x26e: {  	v54 =	vadd.s32 $0x4000, v38;
	v51 =	vmul.f32 v48, v44;
	v39 =	vadd.f32 v40, v39  }
0x26f: {  	v56 =	vmul.f32 v53, v57;
	v59 =	vld.idx.msk [tilespmem:v59+s14+$0x0], $0xffff  }
0x270: {  	v57 =	vperm.xlane v58, v28;
	v48 =	vadd.s32 $0x4080, v38;
	v39 =	vadd.f32 v51, v39  }
0x271: {  	v50 =	vld.idx.msk [tilespmem:v50+s14+$0x0], $0xffff;
	v53 =	vadd.s32 $0x4100, v38  }
0x272: {  	v49 =	vmul.f32 v57, v49;
	v51 =	vperm.xlane v58, v30;
	v39 =	vadd.f32 v56, v39  }
0x273: {  	v54 =	vld.idx.msk [tilespmem:v54+s14+$0x0], $0xffff;
	v57 =	vadd.s32 $0x4180, v38  }
0x274: {  	v42 =	vmul.f32 v51, v59;
	v56 =	vperm.xlane v58, v32;
	v39 =	vadd.f32 v49, v39  }
0x275: {  	v46 =	vld.idx.msk [tilespmem:v48+s14+$0x0], $0xffff;
	v59 =	vperm.xlane v61, v1  }
0x276: {  	v48 =	vld.idx.msk [tilespmem:v53+s14+$0x0], $0xffff;
	v41 =	vmul.f32 v56, v50;
	v49 =	vadd.s32 $0x4200, v38;
	v39 =	vadd.f32 v42, v39  }
0x277: {  	v53 =	vadd.s32 $0x4280, v38  }
0x278: {  	v40 =	vmul.f32 v59, v54;
	v50 =	vperm.xlane v61, v4;
	v39 =	vadd.f32 v41, v39  }
0x279: {  	v51 =	vld.idx.msk [tilespmem:v57+s14+$0x0], $0xffff;
	v56 =	vperm.xlane v61, v6  }
0x27a: {  	v57 =	vadd.s32 $0x4300, v38;
	v54 =	vmul.f32 v50, v46;
	v39 =	vadd.f32 v40, v39  }
0x27b: {  	v59 =	vmul.f32 v56, v48;
	v49 =	vld.idx.msk [tilespmem:v49+s14+$0x0], $0xffff  }
0x27c: {  	v48 =	vperm.xlane v61, v8;
	v50 =	vadd.s32 $0x4380, v38;
	v39 =	vadd.f32 v54, v39  }
0x27d: {  	v53 =	vld.idx.msk [tilespmem:v53+s14+$0x0], $0xffff;
	v56 =	vadd.s32 $0x6000, v38  }
0x27e: {  	v51 =	vmul.f32 v48, v51;
	v54 =	vperm.xlane v61, v10;
	v39 =	vadd.f32 v59, v39  }
0x27f: {  	v57 =	vld.idx.msk [tilespmem:v57+s14+$0x0], $0xffff;
	v48 =	vadd.s32 $0x6080, v38  }
0x280: {  	v42 =	vmul.f32 v54, v49;
	v59 =	vperm.xlane v61, v12;
	v39 =	vadd.f32 v51, v39  }
0x281: {  	v47 =	vld.idx.msk [tilespmem:v50+s14+$0x0], $0xffff;
	v49 =	vperm.xlane v61, v14  }
0x282: {  	v50 =	vld.idx.msk [tilespmem:v56+s14+$0x0], $0xffff;
	v41 =	vmul.f32 v59, v53;
	v51 =	vadd.s32 $0x6100, v38;
	v39 =	vadd.f32 v42, v39  }
0x283: {  	v56 =	vadd.s32 $0x6180, v38  }
0x284: {  	v40 =	vmul.f32 v49, v57;
	v53 =	vperm.xlane v61, v16;
	v39 =	vadd.f32 v41, v39  }
0x285: {  	v54 =	vld.idx.msk [tilespmem:v48+s14+$0x0], $0xffff;
	v59 =	vperm.xlane v61, v18  }
0x286: {  	v48 =	vadd.s32 $0x6200, v38;
	v57 =	vmul.f32 v53, v47;
	v39 =	vadd.f32 v40, v39  }
0x287: {  	v49 =	vmul.f32 v59, v50;
	v51 =	vld.idx.msk [tilespmem:v51+s14+$0x0], $0xffff  }
0x288: {  	v50 =	vperm.xlane v61, v20;
	v53 =	vadd.s32 $0x6280, v38;
	v39 =	vadd.f32 v57, v39  }
0x289: {  	v56 =	vld.idx.msk [tilespmem:v56+s14+$0x0], $0xffff;
	v59 =	vadd.s32 $0x6300, v38  }
0x28a: {  	v54 =	vmul.f32 v50, v54;
	v57 =	vperm.xlane v61, v22;
	v39 =	vadd.f32 v49, v39  }
0x28b: {  	v38 =	vadd.s32 $0x6380, v38;
	v48 =	vld.idx.msk [tilespmem:v48+s14+$0x0], $0xffff  }
0x28c: {  	v42 =	vmul.f32 v57, v51;
	v49 =	vperm.xlane v61, v24;
	v39 =	vadd.f32 v54, v39  }
0x28d: {  	v44 =	vld.idx.msk [tilespmem:v53+s14+$0x0], $0xffff  }
0x28e: {  	v50 =	vperm.xlane v61, v26;
	v41 =	vmul.f32 v49, v56;
	v39 =	vadd.f32 v42, v39  }
0x28f: {  	v51 =	vld.idx.msk [tilespmem:v59+s14+$0x0], $0xffff  }
0x290: {  	v53 =	vperm.xlane v61, v28;
	v40 =	vmul.f32 v50, v48;
	v39 =	vadd.f32 v41, v39  }
0x291: {  	v38 =	vld.idx.msk [tilespmem:v38+s14+$0x0], $0xffff  }
0x292: {  	v54 =	vmul.f32 v53, v44;
	v56 =	vperm.xlane v61, v30;
	v39 =	vadd.f32 v40, v39;
	_ =	sdelay $0x1  }
0x293: {  	v59 =	vperm.xlane v61, v32;
	v57 =	vmul.f32 v56, v51;
	v39 =	vadd.f32 v54, v39;
	_ =	sdelay $0x1  }
0x294: {  	v38 =	vmul.f32 v59, v38;
	v39 =	vadd.f32 v57, v39;
	_ =	sdelay $0x1  }
0x295: {  	v38 =	vadd.f32 v38, v39;
	_ =	sdelay $0x1  }
0x296: {  	v38 =	vsub.f32 $0.0e+00, v38;
	_ =	sdelay $0x1  }
0x297: {  	v38 =	vmul.f32 $1.442695020e+00, v38;
	_ =	sdelay $0x1  }
0x298: {  	(erf) = vpow2.f32 v38;
	_ =	sdelay $0x8  }
0x299: {  	v38 =	vpop (erf)  }
0x29a: {  	v38 =	vadd.f32 $1.000000000e+00, v38;
	_ =	sdelay $0x1  }
0x29b: {  	(erf) = vrcp.f32 v38;
	_ =	sdelay $0x3  }
0x29c: {  	s13 =	rddreg [dreg:$0xf]  }
0x29d: {  	p0 =	sne.s32 s13, $0x7C0  }
.Ltmp0:
0x29e: {  	_ = 	snop;
	(pc) =	sbr.rel @p0 .LBB2_2-.Ltmp0, $3  }
0x29f: {  	_ =	sdelay $0x1  }
0x2a0: {  	s19 =	rddreg [dreg:$0x10];
	v38 =	vpop (erf)  }
0x2a1: {  	s0 =	sadd.s32 $0x40, s13;
	[tilespmem:s19+$0x9680] =	vst v38  }
0x2a2: {  	s10 =	simm.s32 $0x0  }
0x2a3: {  	s6 =	rddreg [dreg:$0xc];
	s0 =	simm.s32 $0x9680;
	s8 =	simm.s32 $0x9  }
0x2a4: {  	[hbm4b:s6+s10] =	stream.linear.scatter [tilespmem:s0], [sflag:$0x9], $0x200, $0x38;
	[tilespmem:$0x11880] =	vst v63  }
0x2a5: {  	_ =	swait.ge [sflag:s8], $0x200  }
0x2a6: {  	s18 =	rddreg [dreg:$0xe]  }
0x2a7: {  	s19 =	rddreg [dreg:$0xd];
	s0 =	sadd.s32 $0x1, s18  }
0x2a8: {  	p0 =	sne.s32 s0, s19  }
.Ltmp1:
0x2a9: {  	_ = 	snop;
	(pc) =	sbr.rel @p0 .LBB2_1-.Ltmp1, $3  }
0x2aa: {  	_ =	sdelay $0x1  }
0x2ab: {  	[sflag:s8] =	ssyncset.done $0x0  }
0x2ac: {  	[sflag:s8] =	ssyncadd.s32 $0xFFFFFE00  }
0x2ad: {  	_ =	sfence.sel $0x180000  }
0x2ae: {  	[bflag:$0x0] =	sbarrier.arrive $0xFFFF  }
0x2af: {  	_ =	strace $0x90000047  }
0x2b0: {  	s0 =	stileid.u32;
	[bflag:$0x2] =	sbarrier.arrive $0xFFFF  }
0x2b1: {  	p0 =	sne.s32 s0, $0x0;
	s0 =	rddreg [dreg:$0x8]  }
0x2b2: {  	s0 =	sadd.s32 @!p0 $0x100000, s0  }
0x2b3: {  	[sflag:s0] =	ssyncadd.tile.s32 @!p0 $0x1;
	_ =	shalt  }
.Lfunc_end2:
_tile_overlayer_lowered:
.L_overlay_start_2:
0x2b4: {  	(tag) =	ssettag $0x2  }
0x2b5: {  	s0 =	rddreg [dreg:$0x0];
	s2 =	stileid.u32  }
0x2b6: {  	s1 =	rddreg [dreg:$0x1];
	p0 =	sne.s32 s2, $0x0  }
0x2b7: {  	s3 =	rddreg [dreg:$0x2];
	[bflag:$0x3] =	sbarrier.arrive $0xFFFF;
	s2 =	simm.s32 @!p0 $0x1C09  }
0x2b8: {  	[timem:s3], [sflag:s2] =	dma.local @!p0 [hbm:s0], s1  }
0x2b9: {  	s0 =	simm.s32 @!p0 $0x9  }
0x2ba: {  	_ =	swait.ge @!p0 [sflag:s0], s1  }
0x2bb: {  	s1 =	ssub.s32 @!p0 $0x0, s1;
	[sflag:s0] =	ssyncset.done @!p0 $0x0  }
0x2bc: {  	[sflag:s0] =	ssyncadd.s32 @!p0 s1  }
0x2bd: {  	[bflag:$0x3] =	sbarrier.arrive $0xFFFF  }
0x2be: {  	_ =	shalt  }

</sc_bundles>
